<compile_context>
chip_gen: v7x
topology: tpu7x:2x2x1
jax: 0.10.2.dev20260603
libtpu: 0.0.44.dev20260713+nightly
codegen_flags: <defaults>
</compile_context>

<pallas_src>
import functools

import jax
import jax.numpy as jnp
from jax import lax
from jax.experimental import pallas as pl
from jax.experimental.pallas import tpu as pltpu
from jax.experimental.pallas import tpu_sc as plsc

EMB = 128
BATCH = 16384
NUM_TABLES = 5
TOTAL_ROWS = BATCH * NUM_TABLES

_info = plsc.get_sparse_core_info()
NC, NS = _info.num_cores, _info.num_subcores
NW = NC * NS
ROWS_PER_W = TOTAL_ROWS // NW
G = 64
STEPS = ROWS_PER_W // G
NBUF = 6
NBLK = BATCH // G

BASES = (0, 6048, 6056, 6064, 6088)
TAB_ROWS = 9528

_STAGE = (
    (0, 0, 1512, 0),
    (0, 1512, 1512, 1512),
    (0, 3024, 1512, 3024),
    (0, 4536, 1505, 4536),
    (1, 0, 2, 6048),
    (2, 0, 7, 6056),
    (3, 0, 21, 6064),
    (4, 0, 1144, 6088),
    (4, 1144, 1144, 7232),
    (4, 2288, 1151, 8376),
)


@functools.partial(
    pl.kernel,
    mesh=plsc.VectorSubcoreMesh(core_axis_name="c", subcore_axis_name="s"),
    out_type=jax.ShapeDtypeStruct((BATCH, NUM_TABLES * EMB), jnp.float32),
    scratch_types=[
        pltpu.VMEM((1, STEPS, G), jnp.int32),
        pltpu.VMEM((NBUF, G, EMB), jnp.float32),
        pltpu.VMEM_SHARED((TAB_ROWS, EMB), jnp.float32),
    ]
    + [pltpu.SemaphoreType.DMA] * (2 * NBUF),
)
def _gather_kernel(idx_hbm, user_hbm, gender_hbm, age_hbm, occup_hbm,
                   zip_hbm, out_hbm, idx_v, bufs_v, shared_v, *sems):
    tabs = (user_hbm, gender_hbm, age_hbm, occup_hbm, zip_hbm)
    sem_g = sems[:NBUF]
    sem_w = sems[NBUF:]
    sid = lax.axis_index("s")
    wid = sid * NC + lax.axis_index("c")

    h_idx = pltpu.async_copy(idx_hbm.at[pl.ds(wid, 1)], idx_v, sems[0])
    for t, (arg, soff, n, doff) in enumerate(_STAGE):
        @pl.when(sid == t)
        def _stage(arg=arg, soff=soff, n=n, doff=doff):
            pltpu.sync_copy(tabs[arg].at[pl.ds(soff, n)],
                            shared_v.at[pl.ds(doff, n)])

    h_idx.wait()
    plsc.subcore_barrier()

    hg = {}
    hw = {}

    def fire_write(w):
        u = wid * STEPS + w
        j = lax.shift_right_logical(u, NBLK.bit_length() - 1)
        k = jnp.bitwise_and(u, NBLK - 1)
        row = pl.multiple_of(k * G, G)
        col = pl.multiple_of(j * EMB, EMB)
        hg[w].wait()
        hw[w] = pltpu.async_copy(
            bufs_v.at[w % NBUF],
            out_hbm.at[pl.ds(row, G), pl.ds(col, EMB)],
            sem_w[w % NBUF])

    for s in range(STEPS):
        b = s % NBUF
        if s >= NBUF:
            hw[s - NBUF].wait()
        hg[s] = pltpu.async_copy(shared_v.at[idx_v.at[0, s]], bufs_v.at[b],
                                 sem_g[b])
        if s >= NBUF - 1:
            fire_write(s - (NBUF - 1))
    for w in range(STEPS - (NBUF - 1), STEPS):
        fire_write(w)
    for w in range(STEPS - NBUF, STEPS):
        hw[w].wait()


def kernel(categorical_feats, user_table, gender_table, age_table,
           occup_table, zip_table):
    offs = jnp.array([BASES[0] - 1] + list(BASES[1:]), dtype=jnp.int32)
    idx = (categorical_feats.astype(jnp.int32) + offs[None, :]).T.reshape(
        NW, STEPS, G)
    return _gather_kernel(idx, user_table, gender_table, age_table,
                          occup_table, zip_table)

# --- scband reference (transcript-rebuilt; emitter-appended) ---
"""Pipeline reference for scband-user-rep-54099408060563 (READ-ONLY COPY).

The authoritative reference and input builder live on the scoring server;
editing this copy changes nothing except your own understanding.
"""

import jax, jax.numpy as jnp
import numpy as np

NUM_AGES = 7
NUM_OCCUPS = 21
NUM_USERS = 6040
NUM_ZIPS = 3439
EMB = 128
BATCH = 16384

def setup_inputs(seed: int = 0) -> dict:
    key = jax.random.key(seed)
    k1, k2, k3, k4, k5 = jax.random.split(key, 5)
    # fill=ones keeps every column in-range for all five tables
    # (col0 user id >=1 so that col0-1 >= 0; col1 gender < 2; etc.)
    categorical_feats = jnp.ones((BATCH, 5), dtype=jnp.int64)
    user_table = jax.random.normal(k1, (NUM_USERS + 1, EMB), dtype=jnp.float32)
    gender_table = jax.random.normal(k2, (2, EMB), dtype=jnp.float32)
    age_table = jax.random.normal(k3, (NUM_AGES, EMB), dtype=jnp.float32)
    occup_table = jax.random.normal(k4, (NUM_OCCUPS, EMB), dtype=jnp.float32)
    zip_table = jax.random.normal(k5, (NUM_ZIPS, EMB), dtype=jnp.float32)
    return {
        "categorical_feats": categorical_feats,
        "user_table": user_table,
        "gender_table": gender_table,
        "age_table": age_table,
        "occup_table": occup_table,
        "zip_table": zip_table,
    }

def reference(categorical_feats, user_table, gender_table, age_table, occup_table, zip_table):
    reps = [
        jnp.take(user_table, categorical_feats[:, 0] - 1, axis=0),
        jnp.take(gender_table, categorical_feats[:, 1], axis=0),
        jnp.take(age_table, categorical_feats[:, 2], axis=0),
        jnp.take(occup_table, categorical_feats[:, 3], axis=0),
        jnp.take(zip_table, categorical_feats[:, 4], axis=0),
    ]
    out = jnp.concatenate(reps, axis=1)
    return out

if __name__ == "__main__":
    import jax
    _d = setup_inputs()
    print(jax.jit(kernel)(*tuple(_d.values())))

</pallas_src>

<mosaic_0001>
#map = affine_map<(d0, d1) -> (0, 0, 0)>
#map1 = affine_map<(d0, d1) -> (0, 0)>
module attributes {stable_mosaic.version = 14 : i64} {
  func.func @_gather_kernel(%arg0: i32, %arg1: i32, %arg2: memref<32x40x64xi32, #tpu.memory_space<hbm>>, %arg3: memref<6041x128xf32, #tpu.memory_space<hbm>>, %arg4: memref<2x128xf32, #tpu.memory_space<hbm>>, %arg5: memref<7x128xf32, #tpu.memory_space<hbm>>, %arg6: memref<21x128xf32, #tpu.memory_space<hbm>>, %arg7: memref<3439x128xf32, #tpu.memory_space<hbm>>, %arg8: memref<16384x640xf32, #tpu.memory_space<hbm>>, %arg9: memref<1x40x64xi32, #tpu.memory_space<vmem>>, %arg10: memref<6x64x128xf32, #tpu.memory_space<vmem>>, %arg11: memref<9528x128xf32, #tpu.memory_space<vmem_shared>>, %arg12: memref<!tpu.dma_semaphore, #tpu.memory_space<semaphore_mem>>, %arg13: memref<!tpu.dma_semaphore, #tpu.memory_space<semaphore_mem>>, %arg14: memref<!tpu.dma_semaphore, #tpu.memory_space<semaphore_mem>>, %arg15: memref<!tpu.dma_semaphore, #tpu.memory_space<semaphore_mem>>, %arg16: memref<!tpu.dma_semaphore, #tpu.memory_space<semaphore_mem>>, %arg17: memref<!tpu.dma_semaphore, #tpu.memory_space<semaphore_mem>>, %arg18: memref<!tpu.dma_semaphore, #tpu.memory_space<semaphore_mem>>, %arg19: memref<!tpu.dma_semaphore, #tpu.memory_space<semaphore_mem>>, %arg20: memref<!tpu.dma_semaphore, #tpu.memory_space<semaphore_mem>>, %arg21: memref<!tpu.dma_semaphore, #tpu.memory_space<semaphore_mem>>, %arg22: memref<!tpu.dma_semaphore, #tpu.memory_space<semaphore_mem>>, %arg23: memref<!tpu.dma_semaphore, #tpu.memory_space<semaphore_mem>>) attributes {dimension_semantics = [#tpu.dimension_semantics<core_parallel>, #tpu.dimension_semantics<subcore_parallel>], iteration_bounds = array<i64: 2, 16>, scalar_prefetch = 0 : i64, scratch_operands = 15 : i64, tpu.core_type = #tpu.core_type<sc_vector_subcore>, window_params = [{transform_indices = #map}, {transform_indices = #map1}, {transform_indices = #map1}, {transform_indices = #map1}, {transform_indices = #map1}, {transform_indices = #map1}, {transform_indices = #map1}]} {
    %mul3A = arith.constant 2 : i32
    %mul3A_0 = arith.muli %arg1, %mul3A : i32
    %add3A = arith.addi %mul3A_0, %arg0 : i32
    %dma_start3A = arith.constant 0 : i32
    %dma_start3A_1 = arith.constant 0 : i32
    %dma_start3A_2 = tpu.memref_slice %arg2[%add3A, %dma_start3A, %dma_start3A_1] : memref<32x40x64xi32, #tpu.memory_space<hbm>> -> memref<1x40x64xi32, #tpu.memory_space<hbm>>
    %dma_start3A_3 = arith.constant 0 : i32
    %dma_start3A_4 = arith.constant 0 : i32
    %dma_start3A_5 = tpu.memref_slice %arg2[%add3A, %dma_start3A_3, %dma_start3A_4] : memref<32x40x64xi32, #tpu.memory_space<hbm>> -> memref<1x40x64xi32, #tpu.memory_space<hbm>>
    tpu.enqueue_dma source(%dma_start3A_5 : memref<1x40x64xi32, #tpu.memory_space<hbm>>) target(%arg9 : memref<1x40x64xi32, #tpu.memory_space<vmem>>) target_semaphore(%arg12 : memref<!tpu.dma_semaphore, #tpu.memory_space<semaphore_mem>>)
    %eq3A = arith.constant 0 : i32
    %eq3A_6 = arith.cmpi eq, %arg1, %eq3A : i32
    %convert_element_type3A = arith.extui %eq3A_6 : i1 to i32
    %cond3A = arith.constant 0 : i32
    %cond3A_7 = arith.cmpi ne, %convert_element_type3A, %cond3A : i32
    scf.if %cond3A_7 {
      "tpu.region"() ({
        %run_scoped3A = tpu.sem_alloc : memref<!tpu.dma_semaphore, #tpu.memory_space<semaphore_mem>>
        %dma_start3A_2535 = arith.constant 0 : i32
        %dma_start3A_2536 = arith.constant 0 : i32
        %dma_start3A_2537 = tpu.memref_slice %arg11[%dma_start3A_2535, %dma_start3A_2536] : memref<9528x128xf32, #tpu.memory_space<vmem_shared>> -> memref<1512x128xf32, #tpu.memory_space<vmem_shared>>
        %dma_start3A_2538 = arith.constant 0 : i32
        %dma_start3A_2539 = arith.constant 0 : i32
        %dma_start3A_2540 = tpu.memref_slice %arg3[%dma_start3A_2538, %dma_start3A_2539] : memref<6041x128xf32, #tpu.memory_space<hbm>> -> memref<1512x128xf32, #tpu.memory_space<hbm>>
        tpu.enqueue_dma source(%dma_start3A_2540 : memref<1512x128xf32, #tpu.memory_space<hbm>>) target(%dma_start3A_2537 : memref<1512x128xf32, #tpu.memory_space<vmem_shared>>) target_semaphore(%run_scoped3A : memref<!tpu.dma_semaphore, #tpu.memory_space<semaphore_mem>>)
        %dma_wait3A_2541 = arith.constant 0 : i32
        %dma_wait3A_2542 = arith.constant 0 : i32
        %dma_wait3A_2543 = tpu.memref_slice %arg11[%dma_wait3A_2541, %dma_wait3A_2542] : memref<9528x128xf32, #tpu.memory_space<vmem_shared>> -> memref<1512x128xf32, #tpu.memory_space<vmem_shared>>
        %dma_wait3A_2544 = arith.constant 0 : i32
        %dma_wait3A_2545 = arith.constant 0 : i32
        %dma_wait3A_2546 = tpu.memref_slice %arg3[%dma_wait3A_2544, %dma_wait3A_2545] : memref<6041x128xf32, #tpu.memory_space<hbm>> -> memref<1512x128xf32, #tpu.memory_space<hbm>>
        tpu.wait_dma2 semaphore(%run_scoped3A : memref<!tpu.dma_semaphore, #tpu.memory_space<semaphore_mem>>) src(%dma_wait3A_2546 : memref<1512x128xf32, #tpu.memory_space<hbm>>) dst(%dma_wait3A_2543 : memref<1512x128xf32, #tpu.memory_space<vmem_shared>>)
        tpu.yield
      }) : () -> ()
    } else {
    }
    %eq3A_8 = arith.constant 1 : i32
    %eq3A_9 = arith.cmpi eq, %arg1, %eq3A_8 : i32
    %convert_element_type3A_10 = arith.extui %eq3A_9 : i1 to i32
    %cond3A_11 = arith.constant 0 : i32
    %cond3A_12 = arith.cmpi ne, %convert_element_type3A_10, %cond3A_11 : i32
    scf.if %cond3A_12 {
      "tpu.region"() ({
        %run_scoped3A = tpu.sem_alloc : memref<!tpu.dma_semaphore, #tpu.memory_space<semaphore_mem>>
        %dma_start3A_2535 = arith.constant 1512 : i32
        %dma_start3A_2536 = arith.constant 0 : i32
        %dma_start3A_2537 = tpu.memref_slice %arg11[%dma_start3A_2535, %dma_start3A_2536] : memref<9528x128xf32, #tpu.memory_space<vmem_shared>> -> memref<1512x128xf32, #tpu.memory_space<vmem_shared>>
        %dma_start3A_2538 = arith.constant 1512 : i32
        %dma_start3A_2539 = arith.constant 0 : i32
        %dma_start3A_2540 = tpu.memref_slice %arg3[%dma_start3A_2538, %dma_start3A_2539] : memref<6041x128xf32, #tpu.memory_space<hbm>> -> memref<1512x128xf32, #tpu.memory_space<hbm>>
        tpu.enqueue_dma source(%dma_start3A_2540 : memref<1512x128xf32, #tpu.memory_space<hbm>>) target(%dma_start3A_2537 : memref<1512x128xf32, #tpu.memory_space<vmem_shared>>) target_semaphore(%run_scoped3A : memref<!tpu.dma_semaphore, #tpu.memory_space<semaphore_mem>>)
        %dma_wait3A_2541 = arith.constant 1512 : i32
        %dma_wait3A_2542 = arith.constant 0 : i32
        %dma_wait3A_2543 = tpu.memref_slice %arg11[%dma_wait3A_2541, %dma_wait3A_2542] : memref<9528x128xf32, #tpu.memory_space<vmem_shared>> -> memref<1512x128xf32, #tpu.memory_space<vmem_shared>>
        %dma_wait3A_2544 = arith.constant 1512 : i32
        %dma_wait3A_2545 = arith.constant 0 : i32
        %dma_wait3A_2546 = tpu.memref_slice %arg3[%dma_wait3A_2544, %dma_wait3A_2545] : memref<6041x128xf32, #tpu.memory_space<hbm>> -> memref<1512x128xf32, #tpu.memory_space<hbm>>
        tpu.wait_dma2 semaphore(%run_scoped3A : memref<!tpu.dma_semaphore, #tpu.memory_space<semaphore_mem>>) src(%dma_wait3A_2546 : memref<1512x128xf32, #tpu.memory_space<hbm>>) dst(%dma_wait3A_2543 : memref<1512x128xf32, #tpu.memory_space<vmem_shared>>)
        tpu.yield
      }) : () -> ()
    } else {
    }
    %eq3A_13 = arith.constant 2 : i32
    %eq3A_14 = arith.cmpi eq, %arg1, %eq3A_13 : i32
    %convert_element_type3A_15 = arith.extui %eq3A_14 : i1 to i32
    %cond3A_16 = arith.constant 0 : i32
    %cond3A_17 = arith.cmpi ne, %convert_element_type3A_15, %cond3A_16 : i32
    scf.if %cond3A_17 {
      "tpu.region"() ({
        %run_scoped3A = tpu.sem_alloc : memref<!tpu.dma_semaphore, #tpu.memory_space<semaphore_mem>>
        %dma_start3A_2535 = arith.constant 3024 : i32
        %dma_start3A_2536 = arith.constant 0 : i32
        %dma_start3A_2537 = tpu.memref_slice %arg11[%dma_start3A_2535, %dma_start3A_2536] : memref<9528x128xf32, #tpu.memory_space<vmem_shared>> -> memref<1512x128xf32, #tpu.memory_space<vmem_shared>>
        %dma_start3A_2538 = arith.constant 3024 : i32
        %dma_start3A_2539 = arith.constant 0 : i32
        %dma_start3A_2540 = tpu.memref_slice %arg3[%dma_start3A_2538, %dma_start3A_2539] : memref<6041x128xf32, #tpu.memory_space<hbm>> -> memref<1512x128xf32, #tpu.memory_space<hbm>>
        tpu.enqueue_dma source(%dma_start3A_2540 : memref<1512x128xf32, #tpu.memory_space<hbm>>) target(%dma_start3A_2537 : memref<1512x128xf32, #tpu.memory_space<vmem_shared>>) target_semaphore(%run_scoped3A : memref<!tpu.dma_semaphore, #tpu.memory_space<semaphore_mem>>)
        %dma_wait3A_2541 = arith.constant 3024 : i32
        %dma_wait3A_2542 = arith.constant 0 : i32
        %dma_wait3A_2543 = tpu.memref_slice %arg11[%dma_wait3A_2541, %dma_wait3A_2542] : memref<9528x128xf32, #tpu.memory_space<vmem_shared>> -> memref<1512x128xf32, #tpu.memory_space<vmem_shared>>
        %dma_wait3A_2544 = arith.constant 3024 : i32
        %dma_wait3A_2545 = arith.constant 0 : i32
        %dma_wait3A_2546 = tpu.memref_slice %arg3[%dma_wait3A_2544, %dma_wait3A_2545] : memref<6041x128xf32, #tpu.memory_space<hbm>> -> memref<1512x128xf32, #tpu.memory_space<hbm>>
        tpu.wait_dma2 semaphore(%run_scoped3A : memref<!tpu.dma_semaphore, #tpu.memory_space<semaphore_mem>>) src(%dma_wait3A_2546 : memref<1512x128xf32, #tpu.memory_space<hbm>>) dst(%dma_wait3A_2543 : memref<1512x128xf32, #tpu.memory_space<vmem_shared>>)
        tpu.yield
      }) : () -> ()
    } else {
    }
    %eq3A_18 = arith.constant 3 : i32
    %eq3A_19 = arith.cmpi eq, %arg1, %eq3A_18 : i32
    %convert_element_type3A_20 = arith.extui %eq3A_19 : i1 to i32
    %cond3A_21 = arith.constant 0 : i32
    %cond3A_22 = arith.cmpi ne, %convert_element_type3A_20, %cond3A_21 : i32
    scf.if %cond3A_22 {
      "tpu.region"() ({
        %run_scoped3A = tpu.sem_alloc : memref<!tpu.dma_semaphore, #tpu.memory_space<semaphore_mem>>
        %dma_start3A_2535 = arith.constant 4536 : i32
        %dma_start3A_2536 = arith.constant 0 : i32
        %dma_start3A_2537 = tpu.memref_slice %arg11[%dma_start3A_2535, %dma_start3A_2536] : memref<9528x128xf32, #tpu.memory_space<vmem_shared>> -> memref<1505x128xf32, #tpu.memory_space<vmem_shared>>
        %dma_start3A_2538 = arith.constant 4536 : i32
        %dma_start3A_2539 = arith.constant 0 : i32
        %dma_start3A_2540 = tpu.memref_slice %arg3[%dma_start3A_2538, %dma_start3A_2539] : memref<6041x128xf32, #tpu.memory_space<hbm>> -> memref<1505x128xf32, #tpu.memory_space<hbm>>
        tpu.enqueue_dma source(%dma_start3A_2540 : memref<1505x128xf32, #tpu.memory_space<hbm>>) target(%dma_start3A_2537 : memref<1505x128xf32, #tpu.memory_space<vmem_shared>>) target_semaphore(%run_scoped3A : memref<!tpu.dma_semaphore, #tpu.memory_space<semaphore_mem>>)
        %dma_wait3A_2541 = arith.constant 4536 : i32
        %dma_wait3A_2542 = arith.constant 0 : i32
        %dma_wait3A_2543 = tpu.memref_slice %arg11[%dma_wait3A_2541, %dma_wait3A_2542] : memref<9528x128xf32, #tpu.memory_space<vmem_shared>> -> memref<1505x128xf32, #tpu.memory_space<vmem_shared>>
        %dma_wait3A_2544 = arith.constant 4536 : i32
        %dma_wait3A_2545 = arith.constant 0 : i32
        %dma_wait3A_2546 = tpu.memref_slice %arg3[%dma_wait3A_2544, %dma_wait3A_2545] : memref<6041x128xf32, #tpu.memory_space<hbm>> -> memref<1505x128xf32, #tpu.memory_space<hbm>>
        tpu.wait_dma2 semaphore(%run_scoped3A : memref<!tpu.dma_semaphore, #tpu.memory_space<semaphore_mem>>) src(%dma_wait3A_2546 : memref<1505x128xf32, #tpu.memory_space<hbm>>) dst(%dma_wait3A_2543 : memref<1505x128xf32, #tpu.memory_space<vmem_shared>>)
        tpu.yield
      }) : () -> ()
    } else {
    }
    %eq3A_23 = arith.constant 4 : i32
    %eq3A_24 = arith.cmpi eq, %arg1, %eq3A_23 : i32
    %convert_element_type3A_25 = arith.extui %eq3A_24 : i1 to i32
    %cond3A_26 = arith.constant 0 : i32
    %cond3A_27 = arith.cmpi ne, %convert_element_type3A_25, %cond3A_26 : i32
    scf.if %cond3A_27 {
      "tpu.region"() ({
        %run_scoped3A = tpu.sem_alloc : memref<!tpu.dma_semaphore, #tpu.memory_space<semaphore_mem>>
        %dma_start3A_2535 = arith.constant 6048 : i32
        %dma_start3A_2536 = arith.constant 0 : i32
        %dma_start3A_2537 = tpu.memref_slice %arg11[%dma_start3A_2535, %dma_start3A_2536] : memref<9528x128xf32, #tpu.memory_space<vmem_shared>> -> memref<2x128xf32, #tpu.memory_space<vmem_shared>>
        %dma_start3A_2538 = arith.constant 0 : i32
        %dma_start3A_2539 = arith.constant 0 : i32
        %dma_start3A_2540 = tpu.memref_slice %arg4[%dma_start3A_2538, %dma_start3A_2539] : memref<2x128xf32, #tpu.memory_space<hbm>> -> memref<2x128xf32, #tpu.memory_space<hbm>>
        tpu.enqueue_dma source(%dma_start3A_2540 : memref<2x128xf32, #tpu.memory_space<hbm>>) target(%dma_start3A_2537 : memref<2x128xf32, #tpu.memory_space<vmem_shared>>) target_semaphore(%run_scoped3A : memref<!tpu.dma_semaphore, #tpu.memory_space<semaphore_mem>>)
        %dma_wait3A_2541 = arith.constant 6048 : i32
        %dma_wait3A_2542 = arith.constant 0 : i32
        %dma_wait3A_2543 = tpu.memref_slice %arg11[%dma_wait3A_2541, %dma_wait3A_2542] : memref<9528x128xf32, #tpu.memory_space<vmem_shared>> -> memref<2x128xf32, #tpu.memory_space<vmem_shared>>
        %dma_wait3A_2544 = arith.constant 0 : i32
        %dma_wait3A_2545 = arith.constant 0 : i32
        %dma_wait3A_2546 = tpu.memref_slice %arg4[%dma_wait3A_2544, %dma_wait3A_2545] : memref<2x128xf32, #tpu.memory_space<hbm>> -> memref<2x128xf32, #tpu.memory_space<hbm>>
        tpu.wait_dma2 semaphore(%run_scoped3A : memref<!tpu.dma_semaphore, #tpu.memory_space<semaphore_mem>>) src(%dma_wait3A_2546 : memref<2x128xf32, #tpu.memory_space<hbm>>) dst(%dma_wait3A_2543 : memref<2x128xf32, #tpu.memory_space<vmem_shared>>)
        tpu.yield
      }) : () -> ()
    } else {
    }
    %eq3A_28 = arith.constant 5 : i32
    %eq3A_29 = arith.cmpi eq, %arg1, %eq3A_28 : i32
    %convert_element_type3A_30 = arith.extui %eq3A_29 : i1 to i32
    %cond3A_31 = arith.constant 0 : i32
    %cond3A_32 = arith.cmpi ne, %convert_element_type3A_30, %cond3A_31 : i32
    scf.if %cond3A_32 {
      "tpu.region"() ({
        %run_scoped3A = tpu.sem_alloc : memref<!tpu.dma_semaphore, #tpu.memory_space<semaphore_mem>>
        %dma_start3A_2535 = arith.constant 6056 : i32
        %dma_start3A_2536 = arith.constant 0 : i32
        %dma_start3A_2537 = tpu.memref_slice %arg11[%dma_start3A_2535, %dma_start3A_2536] : memref<9528x128xf32, #tpu.memory_space<vmem_shared>> -> memref<7x128xf32, #tpu.memory_space<vmem_shared>>
        %dma_start3A_2538 = arith.constant 0 : i32
        %dma_start3A_2539 = arith.constant 0 : i32
        %dma_start3A_2540 = tpu.memref_slice %arg5[%dma_start3A_2538, %dma_start3A_2539] : memref<7x128xf32, #tpu.memory_space<hbm>> -> memref<7x128xf32, #tpu.memory_space<hbm>>
        tpu.enqueue_dma source(%dma_start3A_2540 : memref<7x128xf32, #tpu.memory_space<hbm>>) target(%dma_start3A_2537 : memref<7x128xf32, #tpu.memory_space<vmem_shared>>) target_semaphore(%run_scoped3A : memref<!tpu.dma_semaphore, #tpu.memory_space<semaphore_mem>>)
        %dma_wait3A_2541 = arith.constant 6056 : i32
        %dma_wait3A_2542 = arith.constant 0 : i32
        %dma_wait3A_2543 = tpu.memref_slice %arg11[%dma_wait3A_2541, %dma_wait3A_2542] : memref<9528x128xf32, #tpu.memory_space<vmem_shared>> -> memref<7x128xf32, #tpu.memory_space<vmem_shared>>
        %dma_wait3A_2544 = arith.constant 0 : i32
        %dma_wait3A_2545 = arith.constant 0 : i32
        %dma_wait3A_2546 = tpu.memref_slice %arg5[%dma_wait3A_2544, %dma_wait3A_2545] : memref<7x128xf32, #tpu.memory_space<hbm>> -> memref<7x128xf32, #tpu.memory_space<hbm>>
        tpu.wait_dma2 semaphore(%run_scoped3A : memref<!tpu.dma_semaphore, #tpu.memory_space<semaphore_mem>>) src(%dma_wait3A_2546 : memref<7x128xf32, #tpu.memory_space<hbm>>) dst(%dma_wait3A_2543 : memref<7x128xf32, #tpu.memory_space<vmem_shared>>)
        tpu.yield
      }) : () -> ()
    } else {
    }
    %eq3A_33 = arith.constant 6 : i32
    %eq3A_34 = arith.cmpi eq, %arg1, %eq3A_33 : i32
    %convert_element_type3A_35 = arith.extui %eq3A_34 : i1 to i32
    %cond3A_36 = arith.constant 0 : i32
    %cond3A_37 = arith.cmpi ne, %convert_element_type3A_35, %cond3A_36 : i32
    scf.if %cond3A_37 {
      "tpu.region"() ({
        %run_scoped3A = tpu.sem_alloc : memref<!tpu.dma_semaphore, #tpu.memory_space<semaphore_mem>>
        %dma_start3A_2535 = arith.constant 6064 : i32
        %dma_start3A_2536 = arith.constant 0 : i32
        %dma_start3A_2537 = tpu.memref_slice %arg11[%dma_start3A_2535, %dma_start3A_2536] : memref<9528x128xf32, #tpu.memory_space<vmem_shared>> -> memref<21x128xf32, #tpu.memory_space<vmem_shared>>
        %dma_start3A_2538 = arith.constant 0 : i32
        %dma_start3A_2539 = arith.constant 0 : i32
        %dma_start3A_2540 = tpu.memref_slice %arg6[%dma_start3A_2538, %dma_start3A_2539] : memref<21x128xf32, #tpu.memory_space<hbm>> -> memref<21x128xf32, #tpu.memory_space<hbm>>
        tpu.enqueue_dma source(%dma_start3A_2540 : memref<21x128xf32, #tpu.memory_space<hbm>>) target(%dma_start3A_2537 : memref<21x128xf32, #tpu.memory_space<vmem_shared>>) target_semaphore(%run_scoped3A : memref<!tpu.dma_semaphore, #tpu.memory_space<semaphore_mem>>)
        %dma_wait3A_2541 = arith.constant 6064 : i32
        %dma_wait3A_2542 = arith.constant 0 : i32
        %dma_wait3A_2543 = tpu.memref_slice %arg11[%dma_wait3A_2541, %dma_wait3A_2542] : memref<9528x128xf32, #tpu.memory_space<vmem_shared>> -> memref<21x128xf32, #tpu.memory_space<vmem_shared>>
        %dma_wait3A_2544 = arith.constant 0 : i32
        %dma_wait3A_2545 = arith.constant 0 : i32
        %dma_wait3A_2546 = tpu.memref_slice %arg6[%dma_wait3A_2544, %dma_wait3A_2545] : memref<21x128xf32, #tpu.memory_space<hbm>> -> memref<21x128xf32, #tpu.memory_space<hbm>>
        tpu.wait_dma2 semaphore(%run_scoped3A : memref<!tpu.dma_semaphore, #tpu.memory_space<semaphore_mem>>) src(%dma_wait3A_2546 : memref<21x128xf32, #tpu.memory_space<hbm>>) dst(%dma_wait3A_2543 : memref<21x128xf32, #tpu.memory_space<vmem_shared>>)
        tpu.yield
      }) : () -> ()
    } else {
    }
    %eq3A_38 = arith.constant 7 : i32
    %eq3A_39 = arith.cmpi eq, %arg1, %eq3A_38 : i32
    %convert_element_type3A_40 = arith.extui %eq3A_39 : i1 to i32
    %cond3A_41 = arith.constant 0 : i32
    %cond3A_42 = arith.cmpi ne, %convert_element_type3A_40, %cond3A_41 : i32
    scf.if %cond3A_42 {
      "tpu.region"() ({
        %run_scoped3A = tpu.sem_alloc : memref<!tpu.dma_semaphore, #tpu.memory_space<semaphore_mem>>
        %dma_start3A_2535 = arith.constant 6088 : i32
        %dma_start3A_2536 = arith.constant 0 : i32
        %dma_start3A_2537 = tpu.memref_slice %arg11[%dma_start3A_2535, %dma_start3A_2536] : memref<9528x128xf32, #tpu.memory_space<vmem_shared>> -> memref<1144x128xf32, #tpu.memory_space<vmem_shared>>
        %dma_start3A_2538 = arith.constant 0 : i32
        %dma_start3A_2539 = arith.constant 0 : i32
        %dma_start3A_2540 = tpu.memref_slice %arg7[%dma_start3A_2538, %dma_start3A_2539] : memref<3439x128xf32, #tpu.memory_space<hbm>> -> memref<1144x128xf32, #tpu.memory_space<hbm>>
        tpu.enqueue_dma source(%dma_start3A_2540 : memref<1144x128xf32, #tpu.memory_space<hbm>>) target(%dma_start3A_2537 : memref<1144x128xf32, #tpu.memory_space<vmem_shared>>) target_semaphore(%run_scoped3A : memref<!tpu.dma_semaphore, #tpu.memory_space<semaphore_mem>>)
        %dma_wait3A_2541 = arith.constant 6088 : i32
        %dma_wait3A_2542 = arith.constant 0 : i32
        %dma_wait3A_2543 = tpu.memref_slice %arg11[%dma_wait3A_2541, %dma_wait3A_2542] : memref<9528x128xf32, #tpu.memory_space<vmem_shared>> -> memref<1144x128xf32, #tpu.memory_space<vmem_shared>>
        %dma_wait3A_2544 = arith.constant 0 : i32
        %dma_wait3A_2545 = arith.constant 0 : i32
        %dma_wait3A_2546 = tpu.memref_slice %arg7[%dma_wait3A_2544, %dma_wait3A_2545] : memref<3439x128xf32, #tpu.memory_space<hbm>> -> memref<1144x128xf32, #tpu.memory_space<hbm>>
        tpu.wait_dma2 semaphore(%run_scoped3A : memref<!tpu.dma_semaphore, #tpu.memory_space<semaphore_mem>>) src(%dma_wait3A_2546 : memref<1144x128xf32, #tpu.memory_space<hbm>>) dst(%dma_wait3A_2543 : memref<1144x128xf32, #tpu.memory_space<vmem_shared>>)
        tpu.yield
      }) : () -> ()
    } else {
    }
    %eq3A_43 = arith.constant 8 : i32
    %eq3A_44 = arith.cmpi eq, %arg1, %eq3A_43 : i32
    %convert_element_type3A_45 = arith.extui %eq3A_44 : i1 to i32
    %cond3A_46 = arith.constant 0 : i32
    %cond3A_47 = arith.cmpi ne, %convert_element_type3A_45, %cond3A_46 : i32
    scf.if %cond3A_47 {
      "tpu.region"() ({
        %run_scoped3A = tpu.sem_alloc : memref<!tpu.dma_semaphore, #tpu.memory_space<semaphore_mem>>
        %dma_start3A_2535 = arith.constant 7232 : i32
        %dma_start3A_2536 = arith.constant 0 : i32
        %dma_start3A_2537 = tpu.memref_slice %arg11[%dma_start3A_2535, %dma_start3A_2536] : memref<9528x128xf32, #tpu.memory_space<vmem_shared>> -> memref<1144x128xf32, #tpu.memory_space<vmem_shared>>
        %dma_start3A_2538 = arith.constant 1144 : i32
        %dma_start3A_2539 = arith.constant 0 : i32
        %dma_start3A_2540 = tpu.memref_slice %arg7[%dma_start3A_2538, %dma_start3A_2539] : memref<3439x128xf32, #tpu.memory_space<hbm>> -> memref<1144x128xf32, #tpu.memory_space<hbm>>
        tpu.enqueue_dma source(%dma_start3A_2540 : memref<1144x128xf32, #tpu.memory_space<hbm>>) target(%dma_start3A_2537 : memref<1144x128xf32, #tpu.memory_space<vmem_shared>>) target_semaphore(%run_scoped3A : memref<!tpu.dma_semaphore, #tpu.memory_space<semaphore_mem>>)
        %dma_wait3A_2541 = arith.constant 7232 : i32
        %dma_wait3A_2542 = arith.constant 0 : i32
        %dma_wait3A_2543 = tpu.memref_slice %arg11[%dma_wait3A_2541, %dma_wait3A_2542] : memref<9528x128xf32, #tpu.memory_space<vmem_shared>> -> memref<1144x128xf32, #tpu.memory_space<vmem_shared>>
        %dma_wait3A_2544 = arith.constant 1144 : i32
        %dma_wait3A_2545 = arith.constant 0 : i32
        %dma_wait3A_2546 = tpu.memref_slice %arg7[%dma_wait3A_2544, %dma_wait3A_2545] : memref<3439x128xf32, #tpu.memory_space<hbm>> -> memref<1144x128xf32, #tpu.memory_space<hbm>>
        tpu.wait_dma2 semaphore(%run_scoped3A : memref<!tpu.dma_semaphore, #tpu.memory_space<semaphore_mem>>) src(%dma_wait3A_2546 : memref<1144x128xf32, #tpu.memory_space<hbm>>) dst(%dma_wait3A_2543 : memref<1144x128xf32, #tpu.memory_space<vmem_shared>>)
        tpu.yield
      }) : () -> ()
    } else {
    }
    %eq3A_48 = arith.constant 9 : i32
    %eq3A_49 = arith.cmpi eq, %arg1, %eq3A_48 : i32
    %convert_element_type3A_50 = arith.extui %eq3A_49 : i1 to i32
    %cond3A_51 = arith.constant 0 : i32
    %cond3A_52 = arith.cmpi ne, %convert_element_type3A_50, %cond3A_51 : i32
    scf.if %cond3A_52 {
      "tpu.region"() ({
        %run_scoped3A = tpu.sem_alloc : memref<!tpu.dma_semaphore, #tpu.memory_space<semaphore_mem>>
        %dma_start3A_2535 = arith.constant 8376 : i32
        %dma_start3A_2536 = arith.constant 0 : i32
        %dma_start3A_2537 = tpu.memref_slice %arg11[%dma_start3A_2535, %dma_start3A_2536] : memref<9528x128xf32, #tpu.memory_space<vmem_shared>> -> memref<1151x128xf32, #tpu.memory_space<vmem_shared>>
        %dma_start3A_2538 = arith.constant 2288 : i32
        %dma_start3A_2539 = arith.constant 0 : i32
        %dma_start3A_2540 = tpu.memref_slice %arg7[%dma_start3A_2538, %dma_start3A_2539] : memref<3439x128xf32, #tpu.memory_space<hbm>> -> memref<1151x128xf32, #tpu.memory_space<hbm>>
        tpu.enqueue_dma source(%dma_start3A_2540 : memref<1151x128xf32, #tpu.memory_space<hbm>>) target(%dma_start3A_2537 : memref<1151x128xf32, #tpu.memory_space<vmem_shared>>) target_semaphore(%run_scoped3A : memref<!tpu.dma_semaphore, #tpu.memory_space<semaphore_mem>>)
        %dma_wait3A_2541 = arith.constant 8376 : i32
        %dma_wait3A_2542 = arith.constant 0 : i32
        %dma_wait3A_2543 = tpu.memref_slice %arg11[%dma_wait3A_2541, %dma_wait3A_2542] : memref<9528x128xf32, #tpu.memory_space<vmem_shared>> -> memref<1151x128xf32, #tpu.memory_space<vmem_shared>>
        %dma_wait3A_2544 = arith.constant 2288 : i32
        %dma_wait3A_2545 = arith.constant 0 : i32
        %dma_wait3A_2546 = tpu.memref_slice %arg7[%dma_wait3A_2544, %dma_wait3A_2545] : memref<3439x128xf32, #tpu.memory_space<hbm>> -> memref<1151x128xf32, #tpu.memory_space<hbm>>
        tpu.wait_dma2 semaphore(%run_scoped3A : memref<!tpu.dma_semaphore, #tpu.memory_space<semaphore_mem>>) src(%dma_wait3A_2546 : memref<1151x128xf32, #tpu.memory_space<hbm>>) dst(%dma_wait3A_2543 : memref<1151x128xf32, #tpu.memory_space<vmem_shared>>)
        tpu.yield
      }) : () -> ()
    } else {
    }
    %dma_wait3A = arith.constant 0 : i32
    %dma_wait3A_53 = arith.constant 0 : i32
    %dma_wait3A_54 = tpu.memref_slice %arg2[%add3A, %dma_wait3A, %dma_wait3A_53] : memref<32x40x64xi32, #tpu.memory_space<hbm>> -> memref<1x40x64xi32, #tpu.memory_space<hbm>>
    %dma_wait3A_55 = arith.constant 0 : i32
    %dma_wait3A_56 = arith.constant 0 : i32
    %dma_wait3A_57 = tpu.memref_slice %arg2[%add3A, %dma_wait3A_55, %dma_wait3A_56] : memref<32x40x64xi32, #tpu.memory_space<hbm>> -> memref<1x40x64xi32, #tpu.memory_space<hbm>>
    tpu.wait_dma2 semaphore(%arg12 : memref<!tpu.dma_semaphore, #tpu.memory_space<semaphore_mem>>) src(%dma_wait3A_57 : memref<1x40x64xi32, #tpu.memory_space<hbm>>) dst(%arg9 : memref<1x40x64xi32, #tpu.memory_space<vmem>>)
    %barrier3A = arith.constant 0 : index
    tpu.barrier barrier_id(%barrier3A)
    %dma_start3A_58 = arith.constant 0 : i32
    %dma_start3A_59 = arith.constant 0 : i32
    %dma_start3A_60 = arith.constant 0 : i32
    %dma_start3A_61 = arith.constant 0 : i32
    %dma_start3A_62 = arith.constant 0 : i32
    %dma_start3A_63 = tpu.memref_slice %arg10[%dma_start3A_60, %dma_start3A_61, %dma_start3A_62] : memref<6x64x128xf32, #tpu.memory_space<vmem>> -> memref<1x64x128xf32, #tpu.memory_space<vmem>>
    %dma_start3A_64 = tpu.memref_squeeze %dma_start3A_63 : memref<1x64x128xf32, #tpu.memory_space<vmem>> -> memref<64x128xf32, #tpu.memory_space<vmem>>
    %dma_start3A_65 = arith.constant 0 : i32
    %dma_start3A_66 = tpu.memref_slice %arg9[%dma_start3A_58, %dma_start3A_59, %dma_start3A_65] : memref<1x40x64xi32, #tpu.memory_space<vmem>> -> memref<1x1x64xi32, #tpu.memory_space<vmem>>
    %dma_start3A_67 = tpu.memref_squeeze %dma_start3A_66 : memref<1x1x64xi32, #tpu.memory_space<vmem>> -> memref<64xi32, #tpu.memory_space<vmem>>
    %dma_start3A_68 = arith.constant 0 : i32
    %dma_start3A_69 = arith.constant 0 : i32
    %dma_start3A_70 = tpu.memref_slice %arg11[%dma_start3A_68, %dma_start3A_69] : memref<9528x128xf32, #tpu.memory_space<vmem_shared>> -> memref<9528x128xf32, #tpu.memory_space<vmem_shared>>
    tpu.enqueue_indirect_dma source(%dma_start3A_70 : memref<9528x128xf32, #tpu.memory_space<vmem_shared>>) target(%dma_start3A_64 : memref<64x128xf32, #tpu.memory_space<vmem>>) offsets(%dma_start3A_67 : memref<64xi32, #tpu.memory_space<vmem>>) semaphore(%arg12 : memref<!tpu.dma_semaphore, #tpu.memory_space<semaphore_mem>>)
    %dma_start3A_71 = arith.constant 0 : i32
    %dma_start3A_72 = arith.constant 1 : i32
    %dma_start3A_73 = arith.constant 1 : i32
    %dma_start3A_74 = arith.constant 0 : i32
    %dma_start3A_75 = arith.constant 0 : i32
    %dma_start3A_76 = tpu.memref_slice %arg10[%dma_start3A_73, %dma_start3A_74, %dma_start3A_75] : memref<6x64x128xf32, #tpu.memory_space<vmem>> -> memref<1x64x128xf32, #tpu.memory_space<vmem>>
    %dma_start3A_77 = tpu.memref_squeeze %dma_start3A_76 : memref<1x64x128xf32, #tpu.memory_space<vmem>> -> memref<64x128xf32, #tpu.memory_space<vmem>>
    %dma_start3A_78 = arith.constant 0 : i32
    %dma_start3A_79 = tpu.memref_slice %arg9[%dma_start3A_71, %dma_start3A_72, %dma_start3A_78] : memref<1x40x64xi32, #tpu.memory_space<vmem>> -> memref<1x1x64xi32, #tpu.memory_space<vmem>>
    %dma_start3A_80 = tpu.memref_squeeze %dma_start3A_79 : memref<1x1x64xi32, #tpu.memory_space<vmem>> -> memref<64xi32, #tpu.memory_space<vmem>>
    %dma_start3A_81 = arith.constant 0 : i32
    %dma_start3A_82 = arith.constant 0 : i32
    %dma_start3A_83 = tpu.memref_slice %arg11[%dma_start3A_81, %dma_start3A_82] : memref<9528x128xf32, #tpu.memory_space<vmem_shared>> -> memref<9528x128xf32, #tpu.memory_space<vmem_shared>>
    tpu.enqueue_indirect_dma source(%dma_start3A_83 : memref<9528x128xf32, #tpu.memory_space<vmem_shared>>) target(%dma_start3A_77 : memref<64x128xf32, #tpu.memory_space<vmem>>) offsets(%dma_start3A_80 : memref<64xi32, #tpu.memory_space<vmem>>) semaphore(%arg13 : memref<!tpu.dma_semaphore, #tpu.memory_space<semaphore_mem>>)
    %dma_start3A_84 = arith.constant 0 : i32
    %dma_start3A_85 = arith.constant 2 : i32
    %dma_start3A_86 = arith.constant 2 : i32
    %dma_start3A_87 = arith.constant 0 : i32
    %dma_start3A_88 = arith.constant 0 : i32
    %dma_start3A_89 = tpu.memref_slice %arg10[%dma_start3A_86, %dma_start3A_87, %dma_start3A_88] : memref<6x64x128xf32, #tpu.memory_space<vmem>> -> memref<1x64x128xf32, #tpu.memory_space<vmem>>
    %dma_start3A_90 = tpu.memref_squeeze %dma_start3A_89 : memref<1x64x128xf32, #tpu.memory_space<vmem>> -> memref<64x128xf32, #tpu.memory_space<vmem>>
    %dma_start3A_91 = arith.constant 0 : i32
    %dma_start3A_92 = tpu.memref_slice %arg9[%dma_start3A_84, %dma_start3A_85, %dma_start3A_91] : memref<1x40x64xi32, #tpu.memory_space<vmem>> -> memref<1x1x64xi32, #tpu.memory_space<vmem>>
    %dma_start3A_93 = tpu.memref_squeeze %dma_start3A_92 : memref<1x1x64xi32, #tpu.memory_space<vmem>> -> memref<64xi32, #tpu.memory_space<vmem>>
    %dma_start3A_94 = arith.constant 0 : i32
    %dma_start3A_95 = arith.constant 0 : i32
    %dma_start3A_96 = tpu.memref_slice %arg11[%dma_start3A_94, %dma_start3A_95] : memref<9528x128xf32, #tpu.memory_space<vmem_shared>> -> memref<9528x128xf32, #tpu.memory_space<vmem_shared>>
    tpu.enqueue_indirect_dma source(%dma_start3A_96 : memref<9528x128xf32, #tpu.memory_space<vmem_shared>>) target(%dma_start3A_90 : memref<64x128xf32, #tpu.memory_space<vmem>>) offsets(%dma_start3A_93 : memref<64xi32, #tpu.memory_space<vmem>>) semaphore(%arg14 : memref<!tpu.dma_semaphore, #tpu.memory_space<semaphore_mem>>)
    %dma_start3A_97 = arith.constant 0 : i32
    %dma_start3A_98 = arith.constant 3 : i32
    %dma_start3A_99 = arith.constant 3 : i32
    %dma_start3A_100 = arith.constant 0 : i32
    %dma_start3A_101 = arith.constant 0 : i32
    %dma_start3A_102 = tpu.memref_slice %arg10[%dma_start3A_99, %dma_start3A_100, %dma_start3A_101] : memref<6x64x128xf32, #tpu.memory_space<vmem>> -> memref<1x64x128xf32, #tpu.memory_space<vmem>>
    %dma_start3A_103 = tpu.memref_squeeze %dma_start3A_102 : memref<1x64x128xf32, #tpu.memory_space<vmem>> -> memref<64x128xf32, #tpu.memory_space<vmem>>
    %dma_start3A_104 = arith.constant 0 : i32
    %dma_start3A_105 = tpu.memref_slice %arg9[%dma_start3A_97, %dma_start3A_98, %dma_start3A_104] : memref<1x40x64xi32, #tpu.memory_space<vmem>> -> memref<1x1x64xi32, #tpu.memory_space<vmem>>
    %dma_start3A_106 = tpu.memref_squeeze %dma_start3A_105 : memref<1x1x64xi32, #tpu.memory_space<vmem>> -> memref<64xi32, #tpu.memory_space<vmem>>
    %dma_start3A_107 = arith.constant 0 : i32
    %dma_start3A_108 = arith.constant 0 : i32
    %dma_start3A_109 = tpu.memref_slice %arg11[%dma_start3A_107, %dma_start3A_108] : memref<9528x128xf32, #tpu.memory_space<vmem_shared>> -> memref<9528x128xf32, #tpu.memory_space<vmem_shared>>
    tpu.enqueue_indirect_dma source(%dma_start3A_109 : memref<9528x128xf32, #tpu.memory_space<vmem_shared>>) target(%dma_start3A_103 : memref<64x128xf32, #tpu.memory_space<vmem>>) offsets(%dma_start3A_106 : memref<64xi32, #tpu.memory_space<vmem>>) semaphore(%arg15 : memref<!tpu.dma_semaphore, #tpu.memory_space<semaphore_mem>>)
    %dma_start3A_110 = arith.constant 0 : i32
    %dma_start3A_111 = arith.constant 4 : i32
    %dma_start3A_112 = arith.constant 4 : i32
    %dma_start3A_113 = arith.constant 0 : i32
    %dma_start3A_114 = arith.constant 0 : i32
    %dma_start3A_115 = tpu.memref_slice %arg10[%dma_start3A_112, %dma_start3A_113, %dma_start3A_114] : memref<6x64x128xf32, #tpu.memory_space<vmem>> -> memref<1x64x128xf32, #tpu.memory_space<vmem>>
    %dma_start3A_116 = tpu.memref_squeeze %dma_start3A_115 : memref<1x64x128xf32, #tpu.memory_space<vmem>> -> memref<64x128xf32, #tpu.memory_space<vmem>>
    %dma_start3A_117 = arith.constant 0 : i32
    %dma_start3A_118 = tpu.memref_slice %arg9[%dma_start3A_110, %dma_start3A_111, %dma_start3A_117] : memref<1x40x64xi32, #tpu.memory_space<vmem>> -> memref<1x1x64xi32, #tpu.memory_space<vmem>>
    %dma_start3A_119 = tpu.memref_squeeze %dma_start3A_118 : memref<1x1x64xi32, #tpu.memory_space<vmem>> -> memref<64xi32, #tpu.memory_space<vmem>>
    %dma_start3A_120 = arith.constant 0 : i32
    %dma_start3A_121 = arith.constant 0 : i32
    %dma_start3A_122 = tpu.memref_slice %arg11[%dma_start3A_120, %dma_start3A_121] : memref<9528x128xf32, #tpu.memory_space<vmem_shared>> -> memref<9528x128xf32, #tpu.memory_space<vmem_shared>>
    tpu.enqueue_indirect_dma source(%dma_start3A_122 : memref<9528x128xf32, #tpu.memory_space<vmem_shared>>) target(%dma_start3A_116 : memref<64x128xf32, #tpu.memory_space<vmem>>) offsets(%dma_start3A_119 : memref<64xi32, #tpu.memory_space<vmem>>) semaphore(%arg16 : memref<!tpu.dma_semaphore, #tpu.memory_space<semaphore_mem>>)
    %dma_start3A_123 = arith.constant 0 : i32
    %dma_start3A_124 = arith.constant 5 : i32
    %dma_start3A_125 = arith.constant 5 : i32
    %dma_start3A_126 = arith.constant 0 : i32
    %dma_start3A_127 = arith.constant 0 : i32
    %dma_start3A_128 = tpu.memref_slice %arg10[%dma_start3A_125, %dma_start3A_126, %dma_start3A_127] : memref<6x64x128xf32, #tpu.memory_space<vmem>> -> memref<1x64x128xf32, #tpu.memory_space<vmem>>
    %dma_start3A_129 = tpu.memref_squeeze %dma_start3A_128 : memref<1x64x128xf32, #tpu.memory_space<vmem>> -> memref<64x128xf32, #tpu.memory_space<vmem>>
    %dma_start3A_130 = arith.constant 0 : i32
    %dma_start3A_131 = tpu.memref_slice %arg9[%dma_start3A_123, %dma_start3A_124, %dma_start3A_130] : memref<1x40x64xi32, #tpu.memory_space<vmem>> -> memref<1x1x64xi32, #tpu.memory_space<vmem>>
    %dma_start3A_132 = tpu.memref_squeeze %dma_start3A_131 : memref<1x1x64xi32, #tpu.memory_space<vmem>> -> memref<64xi32, #tpu.memory_space<vmem>>
    %dma_start3A_133 = arith.constant 0 : i32
    %dma_start3A_134 = arith.constant 0 : i32
    %dma_start3A_135 = tpu.memref_slice %arg11[%dma_start3A_133, %dma_start3A_134] : memref<9528x128xf32, #tpu.memory_space<vmem_shared>> -> memref<9528x128xf32, #tpu.memory_space<vmem_shared>>
    tpu.enqueue_indirect_dma source(%dma_start3A_135 : memref<9528x128xf32, #tpu.memory_space<vmem_shared>>) target(%dma_start3A_129 : memref<64x128xf32, #tpu.memory_space<vmem>>) offsets(%dma_start3A_132 : memref<64xi32, #tpu.memory_space<vmem>>) semaphore(%arg17 : memref<!tpu.dma_semaphore, #tpu.memory_space<semaphore_mem>>)
    %mul3A_136 = arith.constant 40 : i32
    %mul3A_137 = arith.muli %add3A, %mul3A_136 : i32
    %add3A_138 = arith.constant 0 : i32
    %add3A_139 = arith.addi %mul3A_137, %add3A_138 : i32
    %shift_right_logical3A = arith.constant 8 : i32
    %shift_right_logical3A_140 = arith.shrui %add3A_139, %shift_right_logical3A : i32
    %and3A = arith.constant 255 : i32
    %and3A_141 = arith.andi %add3A_139, %and3A : i32
    %mul3A_142 = arith.constant 64 : i32
    %mul3A_143 = arith.muli %and3A_141, %mul3A_142 : i32
    %multiple_of3A = tpu.assume_multiple %mul3A_143, 64 : i32
    %mul3A_144 = arith.constant 128 : i32
    %mul3A_145 = arith.muli %shift_right_logical3A_140, %mul3A_144 : i32
    %multiple_of3A_146 = tpu.assume_multiple %mul3A_145, 128 : i32
    %dma_wait3A_147 = arith.constant 0 : i32
    %dma_wait3A_148 = arith.constant 0 : i32
    %dma_wait3A_149 = arith.constant 0 : i32
    %dma_wait3A_150 = arith.constant 0 : i32
    %dma_wait3A_151 = arith.constant 0 : i32
    %dma_wait3A_152 = tpu.memref_slice %arg10[%dma_wait3A_149, %dma_wait3A_150, %dma_wait3A_151] : memref<6x64x128xf32, #tpu.memory_space<vmem>> -> memref<1x64x128xf32, #tpu.memory_space<vmem>>
    %dma_wait3A_153 = tpu.memref_squeeze %dma_wait3A_152 : memref<1x64x128xf32, #tpu.memory_space<vmem>> -> memref<64x128xf32, #tpu.memory_space<vmem>>
    %dma_wait3A_154 = arith.constant 0 : i32
    %dma_wait3A_155 = tpu.memref_slice %arg9[%dma_wait3A_147, %dma_wait3A_148, %dma_wait3A_154] : memref<1x40x64xi32, #tpu.memory_space<vmem>> -> memref<1x1x64xi32, #tpu.memory_space<vmem>>
    %dma_wait3A_156 = tpu.memref_squeeze %dma_wait3A_155 : memref<1x1x64xi32, #tpu.memory_space<vmem>> -> memref<64xi32, #tpu.memory_space<vmem>>
    %dma_wait3A_157 = arith.constant 0 : i32
    %dma_wait3A_158 = arith.constant 0 : i32
    %dma_wait3A_159 = tpu.memref_slice %arg11[%dma_wait3A_157, %dma_wait3A_158] : memref<9528x128xf32, #tpu.memory_space<vmem_shared>> -> memref<9528x128xf32, #tpu.memory_space<vmem_shared>>
    tpu.wait_indirect_dma semaphore(%arg12 : memref<!tpu.dma_semaphore, #tpu.memory_space<semaphore_mem>>) src(%dma_wait3A_159 : memref<9528x128xf32, #tpu.memory_space<vmem_shared>>) dst(%dma_wait3A_153 : memref<64x128xf32, #tpu.memory_space<vmem>>)
    %dma_start3A_160 = arith.constant 0 : i32
    %dma_start3A_161 = arith.constant 0 : i32
    %dma_start3A_162 = arith.constant 0 : i32
    %dma_start3A_163 = tpu.memref_slice %arg10[%dma_start3A_160, %dma_start3A_161, %dma_start3A_162] : memref<6x64x128xf32, #tpu.memory_space<vmem>> -> memref<1x64x128xf32, #tpu.memory_space<vmem>>
    %dma_start3A_164 = tpu.memref_squeeze %dma_start3A_163 : memref<1x64x128xf32, #tpu.memory_space<vmem>> -> memref<64x128xf32, #tpu.memory_space<vmem>>
    %dma_start3A_165 = tpu.memref_slice %arg8[%multiple_of3A, %multiple_of3A_146] : memref<16384x640xf32, #tpu.memory_space<hbm>> -> memref<64x128xf32, #tpu.memory_space<hbm>>
    %dma_start3A_166 = tpu.memref_slice %arg8[%multiple_of3A, %multiple_of3A_146] : memref<16384x640xf32, #tpu.memory_space<hbm>> -> memref<64x128xf32, #tpu.memory_space<hbm>>
    %dma_start3A_167 = arith.constant 0 : i32
    %dma_start3A_168 = arith.constant 0 : i32
    %dma_start3A_169 = tpu.memref_slice %arg10[%dma_start3A_160, %dma_start3A_167, %dma_start3A_168] : memref<6x64x128xf32, #tpu.memory_space<vmem>> -> memref<1x64x128xf32, #tpu.memory_space<vmem>>
    %dma_start3A_170 = tpu.memref_squeeze %dma_start3A_169 : memref<1x64x128xf32, #tpu.memory_space<vmem>> -> memref<64x128xf32, #tpu.memory_space<vmem>>
    tpu.enqueue_dma source(%dma_start3A_170 : memref<64x128xf32, #tpu.memory_space<vmem>>) target(%dma_start3A_166 : memref<64x128xf32, #tpu.memory_space<hbm>>) target_semaphore(%arg18 : memref<!tpu.dma_semaphore, #tpu.memory_space<semaphore_mem>>)
    %dma_wait3A_171 = arith.constant 0 : i32
    %dma_wait3A_172 = arith.constant 0 : i32
    %dma_wait3A_173 = arith.constant 0 : i32
    %dma_wait3A_174 = tpu.memref_slice %arg10[%dma_wait3A_171, %dma_wait3A_172, %dma_wait3A_173] : memref<6x64x128xf32, #tpu.memory_space<vmem>> -> memref<1x64x128xf32, #tpu.memory_space<vmem>>
    %dma_wait3A_175 = tpu.memref_squeeze %dma_wait3A_174 : memref<1x64x128xf32, #tpu.memory_space<vmem>> -> memref<64x128xf32, #tpu.memory_space<vmem>>
    %dma_wait3A_176 = tpu.memref_slice %arg8[%multiple_of3A, %multiple_of3A_146] : memref<16384x640xf32, #tpu.memory_space<hbm>> -> memref<64x128xf32, #tpu.memory_space<hbm>>
    %dma_wait3A_177 = tpu.memref_slice %arg8[%multiple_of3A, %multiple_of3A_146] : memref<16384x640xf32, #tpu.memory_space<hbm>> -> memref<64x128xf32, #tpu.memory_space<hbm>>
    %dma_wait3A_178 = arith.constant 0 : i32
    %dma_wait3A_179 = arith.constant 0 : i32
    %dma_wait3A_180 = tpu.memref_slice %arg10[%dma_wait3A_171, %dma_wait3A_178, %dma_wait3A_179] : memref<6x64x128xf32, #tpu.memory_space<vmem>> -> memref<1x64x128xf32, #tpu.memory_space<vmem>>
    %dma_wait3A_181 = tpu.memref_squeeze %dma_wait3A_180 : memref<1x64x128xf32, #tpu.memory_space<vmem>> -> memref<64x128xf32, #tpu.memory_space<vmem>>
    tpu.wait_dma2 semaphore(%arg18 : memref<!tpu.dma_semaphore, #tpu.memory_space<semaphore_mem>>) src(%dma_wait3A_181 : memref<64x128xf32, #tpu.memory_space<vmem>>) dst(%dma_wait3A_177 : memref<64x128xf32, #tpu.memory_space<hbm>>)
    %dma_start3A_182 = arith.constant 0 : i32
    %dma_start3A_183 = arith.constant 6 : i32
    %dma_start3A_184 = arith.constant 0 : i32
    %dma_start3A_185 = arith.constant 0 : i32
    %dma_start3A_186 = arith.constant 0 : i32
    %dma_start3A_187 = tpu.memref_slice %arg10[%dma_start3A_184, %dma_start3A_185, %dma_start3A_186] : memref<6x64x128xf32, #tpu.memory_space<vmem>> -> memref<1x64x128xf32, #tpu.memory_space<vmem>>
    %dma_start3A_188 = tpu.memref_squeeze %dma_start3A_187 : memref<1x64x128xf32, #tpu.memory_space<vmem>> -> memref<64x128xf32, #tpu.memory_space<vmem>>
    %dma_start3A_189 = arith.constant 0 : i32
    %dma_start3A_190 = tpu.memref_slice %arg9[%dma_start3A_182, %dma_start3A_183, %dma_start3A_189] : memref<1x40x64xi32, #tpu.memory_space<vmem>> -> memref<1x1x64xi32, #tpu.memory_space<vmem>>
    %dma_start3A_191 = tpu.memref_squeeze %dma_start3A_190 : memref<1x1x64xi32, #tpu.memory_space<vmem>> -> memref<64xi32, #tpu.memory_space<vmem>>
    %dma_start3A_192 = arith.constant 0 : i32
    %dma_start3A_193 = arith.constant 0 : i32
    %dma_start3A_194 = tpu.memref_slice %arg11[%dma_start3A_192, %dma_start3A_193] : memref<9528x128xf32, #tpu.memory_space<vmem_shared>> -> memref<9528x128xf32, #tpu.memory_space<vmem_shared>>
    tpu.enqueue_indirect_dma source(%dma_start3A_194 : memref<9528x128xf32, #tpu.memory_space<vmem_shared>>) target(%dma_start3A_188 : memref<64x128xf32, #tpu.memory_space<vmem>>) offsets(%dma_start3A_191 : memref<64xi32, #tpu.memory_space<vmem>>) semaphore(%arg12 : memref<!tpu.dma_semaphore, #tpu.memory_space<semaphore_mem>>)
    %mul3A_195 = arith.constant 40 : i32
    %mul3A_196 = arith.muli %add3A, %mul3A_195 : i32
    %add3A_197 = arith.constant 1 : i32
    %add3A_198 = arith.addi %mul3A_196, %add3A_197 : i32
    %shift_right_logical3A_199 = arith.constant 8 : i32
    %shift_right_logical3A_200 = arith.shrui %add3A_198, %shift_right_logical3A_199 : i32
    %and3A_201 = arith.constant 255 : i32
    %and3A_202 = arith.andi %add3A_198, %and3A_201 : i32
    %mul3A_203 = arith.constant 64 : i32
    %mul3A_204 = arith.muli %and3A_202, %mul3A_203 : i32
    %multiple_of3A_205 = tpu.assume_multiple %mul3A_204, 64 : i32
    %mul3A_206 = arith.constant 128 : i32
    %mul3A_207 = arith.muli %shift_right_logical3A_200, %mul3A_206 : i32
    %multiple_of3A_208 = tpu.assume_multiple %mul3A_207, 128 : i32
    %dma_wait3A_209 = arith.constant 0 : i32
    %dma_wait3A_210 = arith.constant 1 : i32
    %dma_wait3A_211 = arith.constant 1 : i32
    %dma_wait3A_212 = arith.constant 0 : i32
    %dma_wait3A_213 = arith.constant 0 : i32
    %dma_wait3A_214 = tpu.memref_slice %arg10[%dma_wait3A_211, %dma_wait3A_212, %dma_wait3A_213] : memref<6x64x128xf32, #tpu.memory_space<vmem>> -> memref<1x64x128xf32, #tpu.memory_space<vmem>>
    %dma_wait3A_215 = tpu.memref_squeeze %dma_wait3A_214 : memref<1x64x128xf32, #tpu.memory_space<vmem>> -> memref<64x128xf32, #tpu.memory_space<vmem>>
    %dma_wait3A_216 = arith.constant 0 : i32
    %dma_wait3A_217 = tpu.memref_slice %arg9[%dma_wait3A_209, %dma_wait3A_210, %dma_wait3A_216] : memref<1x40x64xi32, #tpu.memory_space<vmem>> -> memref<1x1x64xi32, #tpu.memory_space<vmem>>
    %dma_wait3A_218 = tpu.memref_squeeze %dma_wait3A_217 : memref<1x1x64xi32, #tpu.memory_space<vmem>> -> memref<64xi32, #tpu.memory_space<vmem>>
    %dma_wait3A_219 = arith.constant 0 : i32
    %dma_wait3A_220 = arith.constant 0 : i32
    %dma_wait3A_221 = tpu.memref_slice %arg11[%dma_wait3A_219, %dma_wait3A_220] : memref<9528x128xf32, #tpu.memory_space<vmem_shared>> -> memref<9528x128xf32, #tpu.memory_space<vmem_shared>>
    tpu.wait_indirect_dma semaphore(%arg13 : memref<!tpu.dma_semaphore, #tpu.memory_space<semaphore_mem>>) src(%dma_wait3A_221 : memref<9528x128xf32, #tpu.memory_space<vmem_shared>>) dst(%dma_wait3A_215 : memref<64x128xf32, #tpu.memory_space<vmem>>)
    %dma_start3A_222 = arith.constant 1 : i32
    %dma_start3A_223 = arith.constant 0 : i32
    %dma_start3A_224 = arith.constant 0 : i32
    %dma_start3A_225 = tpu.memref_slice %arg10[%dma_start3A_222, %dma_start3A_223, %dma_start3A_224] : memref<6x64x128xf32, #tpu.memory_space<vmem>> -> memref<1x64x128xf32, #tpu.memory_space<vmem>>
    %dma_start3A_226 = tpu.memref_squeeze %dma_start3A_225 : memref<1x64x128xf32, #tpu.memory_space<vmem>> -> memref<64x128xf32, #tpu.memory_space<vmem>>
    %dma_start3A_227 = tpu.memref_slice %arg8[%multiple_of3A_205, %multiple_of3A_208] : memref<16384x640xf32, #tpu.memory_space<hbm>> -> memref<64x128xf32, #tpu.memory_space<hbm>>
    %dma_start3A_228 = tpu.memref_slice %arg8[%multiple_of3A_205, %multiple_of3A_208] : memref<16384x640xf32, #tpu.memory_space<hbm>> -> memref<64x128xf32, #tpu.memory_space<hbm>>
    %dma_start3A_229 = arith.constant 0 : i32
    %dma_start3A_230 = arith.constant 0 : i32
    %dma_start3A_231 = tpu.memref_slice %arg10[%dma_start3A_222, %dma_start3A_229, %dma_start3A_230] : memref<6x64x128xf32, #tpu.memory_space<vmem>> -> memref<1x64x128xf32, #tpu.memory_space<vmem>>
    %dma_start3A_232 = tpu.memref_squeeze %dma_start3A_231 : memref<1x64x128xf32, #tpu.memory_space<vmem>> -> memref<64x128xf32, #tpu.memory_space<vmem>>
    tpu.enqueue_dma source(%dma_start3A_232 : memref<64x128xf32, #tpu.memory_space<vmem>>) target(%dma_start3A_228 : memref<64x128xf32, #tpu.memory_space<hbm>>) target_semaphore(%arg19 : memref<!tpu.dma_semaphore, #tpu.memory_space<semaphore_mem>>)
    %dma_wait3A_233 = arith.constant 1 : i32
    %dma_wait3A_234 = arith.constant 0 : i32
    %dma_wait3A_235 = arith.constant 0 : i32
    %dma_wait3A_236 = tpu.memref_slice %arg10[%dma_wait3A_233, %dma_wait3A_234, %dma_wait3A_235] : memref<6x64x128xf32, #tpu.memory_space<vmem>> -> memref<1x64x128xf32, #tpu.memory_space<vmem>>
    %dma_wait3A_237 = tpu.memref_squeeze %dma_wait3A_236 : memref<1x64x128xf32, #tpu.memory_space<vmem>> -> memref<64x128xf32, #tpu.memory_space<vmem>>
    %dma_wait3A_238 = tpu.memref_slice %arg8[%multiple_of3A_205, %multiple_of3A_208] : memref<16384x640xf32, #tpu.memory_space<hbm>> -> memref<64x128xf32, #tpu.memory_space<hbm>>
    %dma_wait3A_239 = tpu.memref_slice %arg8[%multiple_of3A_205, %multiple_of3A_208] : memref<16384x640xf32, #tpu.memory_space<hbm>> -> memref<64x128xf32, #tpu.memory_space<hbm>>
    %dma_wait3A_240 = arith.constant 0 : i32
    %dma_wait3A_241 = arith.constant 0 : i32
    %dma_wait3A_242 = tpu.memref_slice %arg10[%dma_wait3A_233, %dma_wait3A_240, %dma_wait3A_241] : memref<6x64x128xf32, #tpu.memory_space<vmem>> -> memref<1x64x128xf32, #tpu.memory_space<vmem>>
    %dma_wait3A_243 = tpu.memref_squeeze %dma_wait3A_242 : memref<1x64x128xf32, #tpu.memory_space<vmem>> -> memref<64x128xf32, #tpu.memory_space<vmem>>
    tpu.wait_dma2 semaphore(%arg19 : memref<!tpu.dma_semaphore, #tpu.memory_space<semaphore_mem>>) src(%dma_wait3A_243 : memref<64x128xf32, #tpu.memory_space<vmem>>) dst(%dma_wait3A_239 : memref<64x128xf32, #tpu.memory_space<hbm>>)
    %dma_start3A_244 = arith.constant 0 : i32
    %dma_start3A_245 = arith.constant 7 : i32
    %dma_start3A_246 = arith.constant 1 : i32
    %dma_start3A_247 = arith.constant 0 : i32
    %dma_start3A_248 = arith.constant 0 : i32
    %dma_start3A_249 = tpu.memref_slice %arg10[%dma_start3A_246, %dma_start3A_247, %dma_start3A_248] : memref<6x64x128xf32, #tpu.memory_space<vmem>> -> memref<1x64x128xf32, #tpu.memory_space<vmem>>
    %dma_start3A_250 = tpu.memref_squeeze %dma_start3A_249 : memref<1x64x128xf32, #tpu.memory_space<vmem>> -> memref<64x128xf32, #tpu.memory_space<vmem>>
    %dma_start3A_251 = arith.constant 0 : i32
    %dma_start3A_252 = tpu.memref_slice %arg9[%dma_start3A_244, %dma_start3A_245, %dma_start3A_251] : memref<1x40x64xi32, #tpu.memory_space<vmem>> -> memref<1x1x64xi32, #tpu.memory_space<vmem>>
    %dma_start3A_253 = tpu.memref_squeeze %dma_start3A_252 : memref<1x1x64xi32, #tpu.memory_space<vmem>> -> memref<64xi32, #tpu.memory_space<vmem>>
    %dma_start3A_254 = arith.constant 0 : i32
    %dma_start3A_255 = arith.constant 0 : i32
    %dma_start3A_256 = tpu.memref_slice %arg11[%dma_start3A_254, %dma_start3A_255] : memref<9528x128xf32, #tpu.memory_space<vmem_shared>> -> memref<9528x128xf32, #tpu.memory_space<vmem_shared>>
    tpu.enqueue_indirect_dma source(%dma_start3A_256 : memref<9528x128xf32, #tpu.memory_space<vmem_shared>>) target(%dma_start3A_250 : memref<64x128xf32, #tpu.memory_space<vmem>>) offsets(%dma_start3A_253 : memref<64xi32, #tpu.memory_space<vmem>>) semaphore(%arg13 : memref<!tpu.dma_semaphore, #tpu.memory_space<semaphore_mem>>)
    %mul3A_257 = arith.constant 40 : i32
    %mul3A_258 = arith.muli %add3A, %mul3A_257 : i32
    %add3A_259 = arith.constant 2 : i32
    %add3A_260 = arith.addi %mul3A_258, %add3A_259 : i32
    %shift_right_logical3A_261 = arith.constant 8 : i32
    %shift_right_logical3A_262 = arith.shrui %add3A_260, %shift_right_logical3A_261 : i32
    %and3A_263 = arith.constant 255 : i32
    %and3A_264 = arith.andi %add3A_260, %and3A_263 : i32
    %mul3A_265 = arith.constant 64 : i32
    %mul3A_266 = arith.muli %and3A_264, %mul3A_265 : i32
    %multiple_of3A_267 = tpu.assume_multiple %mul3A_266, 64 : i32
    %mul3A_268 = arith.constant 128 : i32
    %mul3A_269 = arith.muli %shift_right_logical3A_262, %mul3A_268 : i32
    %multiple_of3A_270 = tpu.assume_multiple %mul3A_269, 128 : i32
    %dma_wait3A_271 = arith.constant 0 : i32
    %dma_wait3A_272 = arith.constant 2 : i32
    %dma_wait3A_273 = arith.constant 2 : i32
    %dma_wait3A_274 = arith.constant 0 : i32
    %dma_wait3A_275 = arith.constant 0 : i32
    %dma_wait3A_276 = tpu.memref_slice %arg10[%dma_wait3A_273, %dma_wait3A_274, %dma_wait3A_275] : memref<6x64x128xf32, #tpu.memory_space<vmem>> -> memref<1x64x128xf32, #tpu.memory_space<vmem>>
    %dma_wait3A_277 = tpu.memref_squeeze %dma_wait3A_276 : memref<1x64x128xf32, #tpu.memory_space<vmem>> -> memref<64x128xf32, #tpu.memory_space<vmem>>
    %dma_wait3A_278 = arith.constant 0 : i32
    %dma_wait3A_279 = tpu.memref_slice %arg9[%dma_wait3A_271, %dma_wait3A_272, %dma_wait3A_278] : memref<1x40x64xi32, #tpu.memory_space<vmem>> -> memref<1x1x64xi32, #tpu.memory_space<vmem>>
    %dma_wait3A_280 = tpu.memref_squeeze %dma_wait3A_279 : memref<1x1x64xi32, #tpu.memory_space<vmem>> -> memref<64xi32, #tpu.memory_space<vmem>>
    %dma_wait3A_281 = arith.constant 0 : i32
    %dma_wait3A_282 = arith.constant 0 : i32
    %dma_wait3A_283 = tpu.memref_slice %arg11[%dma_wait3A_281, %dma_wait3A_282] : memref<9528x128xf32, #tpu.memory_space<vmem_shared>> -> memref<9528x128xf32, #tpu.memory_space<vmem_shared>>
    tpu.wait_indirect_dma semaphore(%arg14 : memref<!tpu.dma_semaphore, #tpu.memory_space<semaphore_mem>>) src(%dma_wait3A_283 : memref<9528x128xf32, #tpu.memory_space<vmem_shared>>) dst(%dma_wait3A_277 : memref<64x128xf32, #tpu.memory_space<vmem>>)
    %dma_start3A_284 = arith.constant 2 : i32
    %dma_start3A_285 = arith.constant 0 : i32
    %dma_start3A_286 = arith.constant 0 : i32
    %dma_start3A_287 = tpu.memref_slice %arg10[%dma_start3A_284, %dma_start3A_285, %dma_start3A_286] : memref<6x64x128xf32, #tpu.memory_space<vmem>> -> memref<1x64x128xf32, #tpu.memory_space<vmem>>
    %dma_start3A_288 = tpu.memref_squeeze %dma_start3A_287 : memref<1x64x128xf32, #tpu.memory_space<vmem>> -> memref<64x128xf32, #tpu.memory_space<vmem>>
    %dma_start3A_289 = tpu.memref_slice %arg8[%multiple_of3A_267, %multiple_of3A_270] : memref<16384x640xf32, #tpu.memory_space<hbm>> -> memref<64x128xf32, #tpu.memory_space<hbm>>
    %dma_start3A_290 = tpu.memref_slice %arg8[%multiple_of3A_267, %multiple_of3A_270] : memref<16384x640xf32, #tpu.memory_space<hbm>> -> memref<64x128xf32, #tpu.memory_space<hbm>>
    %dma_start3A_291 = arith.constant 0 : i32
    %dma_start3A_292 = arith.constant 0 : i32
    %dma_start3A_293 = tpu.memref_slice %arg10[%dma_start3A_284, %dma_start3A_291, %dma_start3A_292] : memref<6x64x128xf32, #tpu.memory_space<vmem>> -> memref<1x64x128xf32, #tpu.memory_space<vmem>>
    %dma_start3A_294 = tpu.memref_squeeze %dma_start3A_293 : memref<1x64x128xf32, #tpu.memory_space<vmem>> -> memref<64x128xf32, #tpu.memory_space<vmem>>
    tpu.enqueue_dma source(%dma_start3A_294 : memref<64x128xf32, #tpu.memory_space<vmem>>) target(%dma_start3A_290 : memref<64x128xf32, #tpu.memory_space<hbm>>) target_semaphore(%arg20 : memref<!tpu.dma_semaphore, #tpu.memory_space<semaphore_mem>>)
    %dma_wait3A_295 = arith.constant 2 : i32
    %dma_wait3A_296 = arith.constant 0 : i32
    %dma_wait3A_297 = arith.constant 0 : i32
    %dma_wait3A_298 = tpu.memref_slice %arg10[%dma_wait3A_295, %dma_wait3A_296, %dma_wait3A_297] : memref<6x64x128xf32, #tpu.memory_space<vmem>> -> memref<1x64x128xf32, #tpu.memory_space<vmem>>
    %dma_wait3A_299 = tpu.memref_squeeze %dma_wait3A_298 : memref<1x64x128xf32, #tpu.memory_space<vmem>> -> memref<64x128xf32, #tpu.memory_space<vmem>>
    %dma_wait3A_300 = tpu.memref_slice %arg8[%multiple_of3A_267, %multiple_of3A_270] : memref<16384x640xf32, #tpu.memory_space<hbm>> -> memref<64x128xf32, #tpu.memory_space<hbm>>
    %dma_wait3A_301 = tpu.memref_slice %arg8[%multiple_of3A_267, %multiple_of3A_270] : memref<16384x640xf32, #tpu.memory_space<hbm>> -> memref<64x128xf32, #tpu.memory_space<hbm>>
    %dma_wait3A_302 = arith.constant 0 : i32
    %dma_wait3A_303 = arith.constant 0 : i32
    %dma_wait3A_304 = tpu.memref_slice %arg10[%dma_wait3A_295, %dma_wait3A_302, %dma_wait3A_303] : memref<6x64x128xf32, #tpu.memory_space<vmem>> -> memref<1x64x128xf32, #tpu.memory_space<vmem>>
    %dma_wait3A_305 = tpu.memref_squeeze %dma_wait3A_304 : memref<1x64x128xf32, #tpu.memory_space<vmem>> -> memref<64x128xf32, #tpu.memory_space<vmem>>
    tpu.wait_dma2 semaphore(%arg20 : memref<!tpu.dma_semaphore, #tpu.memory_space<semaphore_mem>>) src(%dma_wait3A_305 : memref<64x128xf32, #tpu.memory_space<vmem>>) dst(%dma_wait3A_301 : memref<64x128xf32, #tpu.memory_space<hbm>>)
    %dma_start3A_306 = arith.constant 0 : i32
    %dma_start3A_307 = arith.constant 8 : i32
    %dma_start3A_308 = arith.constant 2 : i32
    %dma_start3A_309 = arith.constant 0 : i32
    %dma_start3A_310 = arith.constant 0 : i32
    %dma_start3A_311 = tpu.memref_slice %arg10[%dma_start3A_308, %dma_start3A_309, %dma_start3A_310] : memref<6x64x128xf32, #tpu.memory_space<vmem>> -> memref<1x64x128xf32, #tpu.memory_space<vmem>>
    %dma_start3A_312 = tpu.memref_squeeze %dma_start3A_311 : memref<1x64x128xf32, #tpu.memory_space<vmem>> -> memref<64x128xf32, #tpu.memory_space<vmem>>
    %dma_start3A_313 = arith.constant 0 : i32
    %dma_start3A_314 = tpu.memref_slice %arg9[%dma_start3A_306, %dma_start3A_307, %dma_start3A_313] : memref<1x40x64xi32, #tpu.memory_space<vmem>> -> memref<1x1x64xi32, #tpu.memory_space<vmem>>
    %dma_start3A_315 = tpu.memref_squeeze %dma_start3A_314 : memref<1x1x64xi32, #tpu.memory_space<vmem>> -> memref<64xi32, #tpu.memory_space<vmem>>
    %dma_start3A_316 = arith.constant 0 : i32
    %dma_start3A_317 = arith.constant 0 : i32
    %dma_start3A_318 = tpu.memref_slice %arg11[%dma_start3A_316, %dma_start3A_317] : memref<9528x128xf32, #tpu.memory_space<vmem_shared>> -> memref<9528x128xf32, #tpu.memory_space<vmem_shared>>
    tpu.enqueue_indirect_dma source(%dma_start3A_318 : memref<9528x128xf32, #tpu.memory_space<vmem_shared>>) target(%dma_start3A_312 : memref<64x128xf32, #tpu.memory_space<vmem>>) offsets(%dma_start3A_315 : memref<64xi32, #tpu.memory_space<vmem>>) semaphore(%arg14 : memref<!tpu.dma_semaphore, #tpu.memory_space<semaphore_mem>>)
    %mul3A_319 = arith.constant 40 : i32
    %mul3A_320 = arith.muli %add3A, %mul3A_319 : i32
    %add3A_321 = arith.constant 3 : i32
    %add3A_322 = arith.addi %mul3A_320, %add3A_321 : i32
    %shift_right_logical3A_323 = arith.constant 8 : i32
    %shift_right_logical3A_324 = arith.shrui %add3A_322, %shift_right_logical3A_323 : i32
    %and3A_325 = arith.constant 255 : i32
    %and3A_326 = arith.andi %add3A_322, %and3A_325 : i32
    %mul3A_327 = arith.constant 64 : i32
    %mul3A_328 = arith.muli %and3A_326, %mul3A_327 : i32
    %multiple_of3A_329 = tpu.assume_multiple %mul3A_328, 64 : i32
    %mul3A_330 = arith.constant 128 : i32
    %mul3A_331 = arith.muli %shift_right_logical3A_324, %mul3A_330 : i32
    %multiple_of3A_332 = tpu.assume_multiple %mul3A_331, 128 : i32
    %dma_wait3A_333 = arith.constant 0 : i32
    %dma_wait3A_334 = arith.constant 3 : i32
    %dma_wait3A_335 = arith.constant 3 : i32
    %dma_wait3A_336 = arith.constant 0 : i32
    %dma_wait3A_337 = arith.constant 0 : i32
    %dma_wait3A_338 = tpu.memref_slice %arg10[%dma_wait3A_335, %dma_wait3A_336, %dma_wait3A_337] : memref<6x64x128xf32, #tpu.memory_space<vmem>> -> memref<1x64x128xf32, #tpu.memory_space<vmem>>
    %dma_wait3A_339 = tpu.memref_squeeze %dma_wait3A_338 : memref<1x64x128xf32, #tpu.memory_space<vmem>> -> memref<64x128xf32, #tpu.memory_space<vmem>>
    %dma_wait3A_340 = arith.constant 0 : i32
    %dma_wait3A_341 = tpu.memref_slice %arg9[%dma_wait3A_333, %dma_wait3A_334, %dma_wait3A_340] : memref<1x40x64xi32, #tpu.memory_space<vmem>> -> memref<1x1x64xi32, #tpu.memory_space<vmem>>
    %dma_wait3A_342 = tpu.memref_squeeze %dma_wait3A_341 : memref<1x1x64xi32, #tpu.memory_space<vmem>> -> memref<64xi32, #tpu.memory_space<vmem>>
    %dma_wait3A_343 = arith.constant 0 : i32
    %dma_wait3A_344 = arith.constant 0 : i32
    %dma_wait3A_345 = tpu.memref_slice %arg11[%dma_wait3A_343, %dma_wait3A_344] : memref<9528x128xf32, #tpu.memory_space<vmem_shared>> -> memref<9528x128xf32, #tpu.memory_space<vmem_shared>>
    tpu.wait_indirect_dma semaphore(%arg15 : memref<!tpu.dma_semaphore, #tpu.memory_space<semaphore_mem>>) src(%dma_wait3A_345 : memref<9528x128xf32, #tpu.memory_space<vmem_shared>>) dst(%dma_wait3A_339 : memref<64x128xf32, #tpu.memory_space<vmem>>)
    %dma_start3A_346 = arith.constant 3 : i32
    %dma_start3A_347 = arith.constant 0 : i32
    %dma_start3A_348 = arith.constant 0 : i32
    %dma_start3A_349 = tpu.memref_slice %arg10[%dma_start3A_346, %dma_start3A_347, %dma_start3A_348] : memref<6x64x128xf32, #tpu.memory_space<vmem>> -> memref<1x64x128xf32, #tpu.memory_space<vmem>>
    %dma_start3A_350 = tpu.memref_squeeze %dma_start3A_349 : memref<1x64x128xf32, #tpu.memory_space<vmem>> -> memref<64x128xf32, #tpu.memory_space<vmem>>
    %dma_start3A_351 = tpu.memref_slice %arg8[%multiple_of3A_329, %multiple_of3A_332] : memref<16384x640xf32, #tpu.memory_space<hbm>> -> memref<64x128xf32, #tpu.memory_space<hbm>>
    %dma_start3A_352 = tpu.memref_slice %arg8[%multiple_of3A_329, %multiple_of3A_332] : memref<16384x640xf32, #tpu.memory_space<hbm>> -> memref<64x128xf32, #tpu.memory_space<hbm>>
    %dma_start3A_353 = arith.constant 0 : i32
    %dma_start3A_354 = arith.constant 0 : i32
    %dma_start3A_355 = tpu.memref_slice %arg10[%dma_start3A_346, %dma_start3A_353, %dma_start3A_354] : memref<6x64x128xf32, #tpu.memory_space<vmem>> -> memref<1x64x128xf32, #tpu.memory_space<vmem>>
    %dma_start3A_356 = tpu.memref_squeeze %dma_start3A_355 : memref<1x64x128xf32, #tpu.memory_space<vmem>> -> memref<64x128xf32, #tpu.memory_space<vmem>>
    tpu.enqueue_dma source(%dma_start3A_356 : memref<64x128xf32, #tpu.memory_space<vmem>>) target(%dma_start3A_352 : memref<64x128xf32, #tpu.memory_space<hbm>>) target_semaphore(%arg21 : memref<!tpu.dma_semaphore, #tpu.memory_space<semaphore_mem>>)
    %dma_wait3A_357 = arith.constant 3 : i32
    %dma_wait3A_358 = arith.constant 0 : i32
    %dma_wait3A_359 = arith.constant 0 : i32
    %dma_wait3A_360 = tpu.memref_slice %arg10[%dma_wait3A_357, %dma_wait3A_358, %dma_wait3A_359] : memref<6x64x128xf32, #tpu.memory_space<vmem>> -> memref<1x64x128xf32, #tpu.memory_space<vmem>>
    %dma_wait3A_361 = tpu.memref_squeeze %dma_wait3A_360 : memref<1x64x128xf32, #tpu.memory_space<vmem>> -> memref<64x128xf32, #tpu.memory_space<vmem>>
    %dma_wait3A_362 = tpu.memref_slice %arg8[%multiple_of3A_329, %multiple_of3A_332] : memref<16384x640xf32, #tpu.memory_space<hbm>> -> memref<64x128xf32, #tpu.memory_space<hbm>>
    %dma_wait3A_363 = tpu.memref_slice %arg8[%multiple_of3A_329, %multiple_of3A_332] : memref<16384x640xf32, #tpu.memory_space<hbm>> -> memref<64x128xf32, #tpu.memory_space<hbm>>
    %dma_wait3A_364 = arith.constant 0 : i32
    %dma_wait3A_365 = arith.constant 0 : i32
    %dma_wait3A_366 = tpu.memref_slice %arg10[%dma_wait3A_357, %dma_wait3A_364, %dma_wait3A_365] : memref<6x64x128xf32, #tpu.memory_space<vmem>> -> memref<1x64x128xf32, #tpu.memory_space<vmem>>
    %dma_wait3A_367 = tpu.memref_squeeze %dma_wait3A_366 : memref<1x64x128xf32, #tpu.memory_space<vmem>> -> memref<64x128xf32, #tpu.memory_space<vmem>>
    tpu.wait_dma2 semaphore(%arg21 : memref<!tpu.dma_semaphore, #tpu.memory_space<semaphore_mem>>) src(%dma_wait3A_367 : memref<64x128xf32, #tpu.memory_space<vmem>>) dst(%dma_wait3A_363 : memref<64x128xf32, #tpu.memory_space<hbm>>)
    %dma_start3A_368 = arith.constant 0 : i32
    %dma_start3A_369 = arith.constant 9 : i32
    %dma_start3A_370 = arith.constant 3 : i32
    %dma_start3A_371 = arith.constant 0 : i32
    %dma_start3A_372 = arith.constant 0 : i32
    %dma_start3A_373 = tpu.memref_slice %arg10[%dma_start3A_370, %dma_start3A_371, %dma_start3A_372] : memref<6x64x128xf32, #tpu.memory_space<vmem>> -> memref<1x64x128xf32, #tpu.memory_space<vmem>>
    %dma_start3A_374 = tpu.memref_squeeze %dma_start3A_373 : memref<1x64x128xf32, #tpu.memory_space<vmem>> -> memref<64x128xf32, #tpu.memory_space<vmem>>
    %dma_start3A_375 = arith.constant 0 : i32
    %dma_start3A_376 = tpu.memref_slice %arg9[%dma_start3A_368, %dma_start3A_369, %dma_start3A_375] : memref<1x40x64xi32, #tpu.memory_space<vmem>> -> memref<1x1x64xi32, #tpu.memory_space<vmem>>
    %dma_start3A_377 = tpu.memref_squeeze %dma_start3A_376 : memref<1x1x64xi32, #tpu.memory_space<vmem>> -> memref<64xi32, #tpu.memory_space<vmem>>
    %dma_start3A_378 = arith.constant 0 : i32
    %dma_start3A_379 = arith.constant 0 : i32
    %dma_start3A_380 = tpu.memref_slice %arg11[%dma_start3A_378, %dma_start3A_379] : memref<9528x128xf32, #tpu.memory_space<vmem_shared>> -> memref<9528x128xf32, #tpu.memory_space<vmem_shared>>
    tpu.enqueue_indirect_dma source(%dma_start3A_380 : memref<9528x128xf32, #tpu.memory_space<vmem_shared>>) target(%dma_start3A_374 : memref<64x128xf32, #tpu.memory_space<vmem>>) offsets(%dma_start3A_377 : memref<64xi32, #tpu.memory_space<vmem>>) semaphore(%arg15 : memref<!tpu.dma_semaphore, #tpu.memory_space<semaphore_mem>>)
    %mul3A_381 = arith.constant 40 : i32
    %mul3A_382 = arith.muli %add3A, %mul3A_381 : i32
    %add3A_383 = arith.constant 4 : i32
    %add3A_384 = arith.addi %mul3A_382, %add3A_383 : i32
    %shift_right_logical3A_385 = arith.constant 8 : i32
    %shift_right_logical3A_386 = arith.shrui %add3A_384, %shift_right_logical3A_385 : i32
    %and3A_387 = arith.constant 255 : i32
    %and3A_388 = arith.andi %add3A_384, %and3A_387 : i32
    %mul3A_389 = arith.constant 64 : i32
    %mul3A_390 = arith.muli %and3A_388, %mul3A_389 : i32
    %multiple_of3A_391 = tpu.assume_multiple %mul3A_390, 64 : i32
    %mul3A_392 = arith.constant 128 : i32
    %mul3A_393 = arith.muli %shift_right_logical3A_386, %mul3A_392 : i32
    %multiple_of3A_394 = tpu.assume_multiple %mul3A_393, 128 : i32
    %dma_wait3A_395 = arith.constant 0 : i32
    %dma_wait3A_396 = arith.constant 4 : i32
    %dma_wait3A_397 = arith.constant 4 : i32
    %dma_wait3A_398 = arith.constant 0 : i32
    %dma_wait3A_399 = arith.constant 0 : i32
    %dma_wait3A_400 = tpu.memref_slice %arg10[%dma_wait3A_397, %dma_wait3A_398, %dma_wait3A_399] : memref<6x64x128xf32, #tpu.memory_space<vmem>> -> memref<1x64x128xf32, #tpu.memory_space<vmem>>
    %dma_wait3A_401 = tpu.memref_squeeze %dma_wait3A_400 : memref<1x64x128xf32, #tpu.memory_space<vmem>> -> memref<64x128xf32, #tpu.memory_space<vmem>>
    %dma_wait3A_402 = arith.constant 0 : i32
    %dma_wait3A_403 = tpu.memref_slice %arg9[%dma_wait3A_395, %dma_wait3A_396, %dma_wait3A_402] : memref<1x40x64xi32, #tpu.memory_space<vmem>> -> memref<1x1x64xi32, #tpu.memory_space<vmem>>
    %dma_wait3A_404 = tpu.memref_squeeze %dma_wait3A_403 : memref<1x1x64xi32, #tpu.memory_space<vmem>> -> memref<64xi32, #tpu.memory_space<vmem>>
    %dma_wait3A_405 = arith.constant 0 : i32
    %dma_wait3A_406 = arith.constant 0 : i32
    %dma_wait3A_407 = tpu.memref_slice %arg11[%dma_wait3A_405, %dma_wait3A_406] : memref<9528x128xf32, #tpu.memory_space<vmem_shared>> -> memref<9528x128xf32, #tpu.memory_space<vmem_shared>>
    tpu.wait_indirect_dma semaphore(%arg16 : memref<!tpu.dma_semaphore, #tpu.memory_space<semaphore_mem>>) src(%dma_wait3A_407 : memref<9528x128xf32, #tpu.memory_space<vmem_shared>>) dst(%dma_wait3A_401 : memref<64x128xf32, #tpu.memory_space<vmem>>)
    %dma_start3A_408 = arith.constant 4 : i32
    %dma_start3A_409 = arith.constant 0 : i32
    %dma_start3A_410 = arith.constant 0 : i32
    %dma_start3A_411 = tpu.memref_slice %arg10[%dma_start3A_408, %dma_start3A_409, %dma_start3A_410] : memref<6x64x128xf32, #tpu.memory_space<vmem>> -> memref<1x64x128xf32, #tpu.memory_space<vmem>>
    %dma_start3A_412 = tpu.memref_squeeze %dma_start3A_411 : memref<1x64x128xf32, #tpu.memory_space<vmem>> -> memref<64x128xf32, #tpu.memory_space<vmem>>
    %dma_start3A_413 = tpu.memref_slice %arg8[%multiple_of3A_391, %multiple_of3A_394] : memref<16384x640xf32, #tpu.memory_space<hbm>> -> memref<64x128xf32, #tpu.memory_space<hbm>>
    %dma_start3A_414 = tpu.memref_slice %arg8[%multiple_of3A_391, %multiple_of3A_394] : memref<16384x640xf32, #tpu.memory_space<hbm>> -> memref<64x128xf32, #tpu.memory_space<hbm>>
    %dma_start3A_415 = arith.constant 0 : i32
    %dma_start3A_416 = arith.constant 0 : i32
    %dma_start3A_417 = tpu.memref_slice %arg10[%dma_start3A_408, %dma_start3A_415, %dma_start3A_416] : memref<6x64x128xf32, #tpu.memory_space<vmem>> -> memref<1x64x128xf32, #tpu.memory_space<vmem>>
    %dma_start3A_418 = tpu.memref_squeeze %dma_start3A_417 : memref<1x64x128xf32, #tpu.memory_space<vmem>> -> memref<64x128xf32, #tpu.memory_space<vmem>>
    tpu.enqueue_dma source(%dma_start3A_418 : memref<64x128xf32, #tpu.memory_space<vmem>>) target(%dma_start3A_414 : memref<64x128xf32, #tpu.memory_space<hbm>>) target_semaphore(%arg22 : memref<!tpu.dma_semaphore, #tpu.memory_space<semaphore_mem>>)
    %dma_wait3A_419 = arith.constant 4 : i32
    %dma_wait3A_420 = arith.constant 0 : i32
    %dma_wait3A_421 = arith.constant 0 : i32
    %dma_wait3A_422 = tpu.memref_slice %arg10[%dma_wait3A_419, %dma_wait3A_420, %dma_wait3A_421] : memref<6x64x128xf32, #tpu.memory_space<vmem>> -> memref<1x64x128xf32, #tpu.memory_space<vmem>>
    %dma_wait3A_423 = tpu.memref_squeeze %dma_wait3A_422 : memref<1x64x128xf32, #tpu.memory_space<vmem>> -> memref<64x128xf32, #tpu.memory_space<vmem>>
    %dma_wait3A_424 = tpu.memref_slice %arg8[%multiple_of3A_391, %multiple_of3A_394] : memref<16384x640xf32, #tpu.memory_space<hbm>> -> memref<64x128xf32, #tpu.memory_space<hbm>>
    %dma_wait3A_425 = tpu.memref_slice %arg8[%multiple_of3A_391, %multiple_of3A_394] : memref<16384x640xf32, #tpu.memory_space<hbm>> -> memref<64x128xf32, #tpu.memory_space<hbm>>
    %dma_wait3A_426 = arith.constant 0 : i32
    %dma_wait3A_427 = arith.constant 0 : i32
    %dma_wait3A_428 = tpu.memref_slice %arg10[%dma_wait3A_419, %dma_wait3A_426, %dma_wait3A_427] : memref<6x64x128xf32, #tpu.memory_space<vmem>> -> memref<1x64x128xf32, #tpu.memory_space<vmem>>
    %dma_wait3A_429 = tpu.memref_squeeze %dma_wait3A_428 : memref<1x64x128xf32, #tpu.memory_space<vmem>> -> memref<64x128xf32, #tpu.memory_space<vmem>>
    tpu.wait_dma2 semaphore(%arg22 : memref<!tpu.dma_semaphore, #tpu.memory_space<semaphore_mem>>) src(%dma_wait3A_429 : memref<64x128xf32, #tpu.memory_space<vmem>>) dst(%dma_wait3A_425 : memref<64x128xf32, #tpu.memory_space<hbm>>)
    %dma_start3A_430 = arith.constant 0 : i32
    %dma_start3A_431 = arith.constant 10 : i32
    %dma_start3A_432 = arith.constant 4 : i32
    %dma_start3A_433 = arith.constant 0 : i32
    %dma_start3A_434 = arith.constant 0 : i32
    %dma_start3A_435 = tpu.memref_slice %arg10[%dma_start3A_432, %dma_start3A_433, %dma_start3A_434] : memref<6x64x128xf32, #tpu.memory_space<vmem>> -> memref<1x64x128xf32, #tpu.memory_space<vmem>>
    %dma_start3A_436 = tpu.memref_squeeze %dma_start3A_435 : memref<1x64x128xf32, #tpu.memory_space<vmem>> -> memref<64x128xf32, #tpu.memory_space<vmem>>
    %dma_start3A_437 = arith.constant 0 : i32
    %dma_start3A_438 = tpu.memref_slice %arg9[%dma_start3A_430, %dma_start3A_431, %dma_start3A_437] : memref<1x40x64xi32, #tpu.memory_space<vmem>> -> memref<1x1x64xi32, #tpu.memory_space<vmem>>
    %dma_start3A_439 = tpu.memref_squeeze %dma_start3A_438 : memref<1x1x64xi32, #tpu.memory_space<vmem>> -> memref<64xi32, #tpu.memory_space<vmem>>
    %dma_start3A_440 = arith.constant 0 : i32
    %dma_start3A_441 = arith.constant 0 : i32
    %dma_start3A_442 = tpu.memref_slice %arg11[%dma_start3A_440, %dma_start3A_441] : memref<9528x128xf32, #tpu.memory_space<vmem_shared>> -> memref<9528x128xf32, #tpu.memory_space<vmem_shared>>
    tpu.enqueue_indirect_dma source(%dma_start3A_442 : memref<9528x128xf32, #tpu.memory_space<vmem_shared>>) target(%dma_start3A_436 : memref<64x128xf32, #tpu.memory_space<vmem>>) offsets(%dma_start3A_439 : memref<64xi32, #tpu.memory_space<vmem>>) semaphore(%arg16 : memref<!tpu.dma_semaphore, #tpu.memory_space<semaphore_mem>>)
    %mul3A_443 = arith.constant 40 : i32
    %mul3A_444 = arith.muli %add3A, %mul3A_443 : i32
    %add3A_445 = arith.constant 5 : i32
    %add3A_446 = arith.addi %mul3A_444, %add3A_445 : i32
    %shift_right_logical3A_447 = arith.constant 8 : i32
    %shift_right_logical3A_448 = arith.shrui %add3A_446, %shift_right_logical3A_447 : i32
    %and3A_449 = arith.constant 255 : i32
    %and3A_450 = arith.andi %add3A_446, %and3A_449 : i32
    %mul3A_451 = arith.constant 64 : i32
    %mul3A_452 = arith.muli %and3A_450, %mul3A_451 : i32
    %multiple_of3A_453 = tpu.assume_multiple %mul3A_452, 64 : i32
    %mul3A_454 = arith.constant 128 : i32
    %mul3A_455 = arith.muli %shift_right_logical3A_448, %mul3A_454 : i32
    %multiple_of3A_456 = tpu.assume_multiple %mul3A_455, 128 : i32
    %dma_wait3A_457 = arith.constant 0 : i32
    %dma_wait3A_458 = arith.constant 5 : i32
    %dma_wait3A_459 = arith.constant 5 : i32
    %dma_wait3A_460 = arith.constant 0 : i32
    %dma_wait3A_461 = arith.constant 0 : i32
    %dma_wait3A_462 = tpu.memref_slice %arg10[%dma_wait3A_459, %dma_wait3A_460, %dma_wait3A_461] : memref<6x64x128xf32, #tpu.memory_space<vmem>> -> memref<1x64x128xf32, #tpu.memory_space<vmem>>
    %dma_wait3A_463 = tpu.memref_squeeze %dma_wait3A_462 : memref<1x64x128xf32, #tpu.memory_space<vmem>> -> memref<64x128xf32, #tpu.memory_space<vmem>>
    %dma_wait3A_464 = arith.constant 0 : i32
    %dma_wait3A_465 = tpu.memref_slice %arg9[%dma_wait3A_457, %dma_wait3A_458, %dma_wait3A_464] : memref<1x40x64xi32, #tpu.memory_space<vmem>> -> memref<1x1x64xi32, #tpu.memory_space<vmem>>
    %dma_wait3A_466 = tpu.memref_squeeze %dma_wait3A_465 : memref<1x1x64xi32, #tpu.memory_space<vmem>> -> memref<64xi32, #tpu.memory_space<vmem>>
    %dma_wait3A_467 = arith.constant 0 : i32
    %dma_wait3A_468 = arith.constant 0 : i32
    %dma_wait3A_469 = tpu.memref_slice %arg11[%dma_wait3A_467, %dma_wait3A_468] : memref<9528x128xf32, #tpu.memory_space<vmem_shared>> -> memref<9528x128xf32, #tpu.memory_space<vmem_shared>>
    tpu.wait_indirect_dma semaphore(%arg17 : memref<!tpu.dma_semaphore, #tpu.memory_space<semaphore_mem>>) src(%dma_wait3A_469 : memref<9528x128xf32, #tpu.memory_space<vmem_shared>>) dst(%dma_wait3A_463 : memref<64x128xf32, #tpu.memory_space<vmem>>)
    %dma_start3A_470 = arith.constant 5 : i32
    %dma_start3A_471 = arith.constant 0 : i32
    %dma_start3A_472 = arith.constant 0 : i32
    %dma_start3A_473 = tpu.memref_slice %arg10[%dma_start3A_470, %dma_start3A_471, %dma_start3A_472] : memref<6x64x128xf32, #tpu.memory_space<vmem>> -> memref<1x64x128xf32, #tpu.memory_space<vmem>>
    %dma_start3A_474 = tpu.memref_squeeze %dma_start3A_473 : memref<1x64x128xf32, #tpu.memory_space<vmem>> -> memref<64x128xf32, #tpu.memory_space<vmem>>
    %dma_start3A_475 = tpu.memref_slice %arg8[%multiple_of3A_453, %multiple_of3A_456] : memref<16384x640xf32, #tpu.memory_space<hbm>> -> memref<64x128xf32, #tpu.memory_space<hbm>>
    %dma_start3A_476 = tpu.memref_slice %arg8[%multiple_of3A_453, %multiple_of3A_456] : memref<16384x640xf32, #tpu.memory_space<hbm>> -> memref<64x128xf32, #tpu.memory_space<hbm>>
    %dma_start3A_477 = arith.constant 0 : i32
    %dma_start3A_478 = arith.constant 0 : i32
    %dma_start3A_479 = tpu.memref_slice %arg10[%dma_start3A_470, %dma_start3A_477, %dma_start3A_478] : memref<6x64x128xf32, #tpu.memory_space<vmem>> -> memref<1x64x128xf32, #tpu.memory_space<vmem>>
    %dma_start3A_480 = tpu.memref_squeeze %dma_start3A_479 : memref<1x64x128xf32, #tpu.memory_space<vmem>> -> memref<64x128xf32, #tpu.memory_space<vmem>>
    tpu.enqueue_dma source(%dma_start3A_480 : memref<64x128xf32, #tpu.memory_space<vmem>>) target(%dma_start3A_476 : memref<64x128xf32, #tpu.memory_space<hbm>>) target_semaphore(%arg23 : memref<!tpu.dma_semaphore, #tpu.memory_space<semaphore_mem>>)
    %dma_wait3A_481 = arith.constant 5 : i32
    %dma_wait3A_482 = arith.constant 0 : i32
    %dma_wait3A_483 = arith.constant 0 : i32
    %dma_wait3A_484 = tpu.memref_slice %arg10[%dma_wait3A_481, %dma_wait3A_482, %dma_wait3A_483] : memref<6x64x128xf32, #tpu.memory_space<vmem>> -> memref<1x64x128xf32, #tpu.memory_space<vmem>>
    %dma_wait3A_485 = tpu.memref_squeeze %dma_wait3A_484 : memref<1x64x128xf32, #tpu.memory_space<vmem>> -> memref<64x128xf32, #tpu.memory_space<vmem>>
    %dma_wait3A_486 = tpu.memref_slice %arg8[%multiple_of3A_453, %multiple_of3A_456] : memref<16384x640xf32, #tpu.memory_space<hbm>> -> memref<64x128xf32, #tpu.memory_space<hbm>>
    %dma_wait3A_487 = tpu.memref_slice %arg8[%multiple_of3A_453, %multiple_of3A_456] : memref<16384x640xf32, #tpu.memory_space<hbm>> -> memref<64x128xf32, #tpu.memory_space<hbm>>
    %dma_wait3A_488 = arith.constant 0 : i32
    %dma_wait3A_489 = arith.constant 0 : i32
    %dma_wait3A_490 = tpu.memref_slice %arg10[%dma_wait3A_481, %dma_wait3A_488, %dma_wait3A_489] : memref<6x64x128xf32, #tpu.memory_space<vmem>> -> memref<1x64x128xf32, #tpu.memory_space<vmem>>
    %dma_wait3A_491 = tpu.memref_squeeze %dma_wait3A_490 : memref<1x64x128xf32, #tpu.memory_space<vmem>> -> memref<64x128xf32, #tpu.memory_space<vmem>>
    tpu.wait_dma2 semaphore(%arg23 : memref<!tpu.dma_semaphore, #tpu.memory_space<semaphore_mem>>) src(%dma_wait3A_491 : memref<64x128xf32, #tpu.memory_space<vmem>>) dst(%dma_wait3A_487 : memref<64x128xf32, #tpu.memory_space<hbm>>)
    %dma_start3A_492 = arith.constant 0 : i32
    %dma_start3A_493 = arith.constant 11 : i32
    %dma_start3A_494 = arith.constant 5 : i32
    %dma_start3A_495 = arith.constant 0 : i32
    %dma_start3A_496 = arith.constant 0 : i32
    %dma_start3A_497 = tpu.memref_slice %arg10[%dma_start3A_494, %dma_start3A_495, %dma_start3A_496] : memref<6x64x128xf32, #tpu.memory_space<vmem>> -> memref<1x64x128xf32, #tpu.memory_space<vmem>>
    %dma_start3A_498 = tpu.memref_squeeze %dma_start3A_497 : memref<1x64x128xf32, #tpu.memory_space<vmem>> -> memref<64x128xf32, #tpu.memory_space<vmem>>
    %dma_start3A_499 = arith.constant 0 : i32
    %dma_start3A_500 = tpu.memref_slice %arg9[%dma_start3A_492, %dma_start3A_493, %dma_start3A_499] : memref<1x40x64xi32, #tpu.memory_space<vmem>> -> memref<1x1x64xi32, #tpu.memory_space<vmem>>
    %dma_start3A_501 = tpu.memref_squeeze %dma_start3A_500 : memref<1x1x64xi32, #tpu.memory_space<vmem>> -> memref<64xi32, #tpu.memory_space<vmem>>
    %dma_start3A_502 = arith.constant 0 : i32
    %dma_start3A_503 = arith.constant 0 : i32
    %dma_start3A_504 = tpu.memref_slice %arg11[%dma_start3A_502, %dma_start3A_503] : memref<9528x128xf32, #tpu.memory_space<vmem_shared>> -> memref<9528x128xf32, #tpu.memory_space<vmem_shared>>
    tpu.enqueue_indirect_dma source(%dma_start3A_504 : memref<9528x128xf32, #tpu.memory_space<vmem_shared>>) target(%dma_start3A_498 : memref<64x128xf32, #tpu.memory_space<vmem>>) offsets(%dma_start3A_501 : memref<64xi32, #tpu.memory_space<vmem>>) semaphore(%arg17 : memref<!tpu.dma_semaphore, #tpu.memory_space<semaphore_mem>>)
    %mul3A_505 = arith.constant 40 : i32
    %mul3A_506 = arith.muli %add3A, %mul3A_505 : i32
    %add3A_507 = arith.constant 6 : i32
    %add3A_508 = arith.addi %mul3A_506, %add3A_507 : i32
    %shift_right_logical3A_509 = arith.constant 8 : i32
    %shift_right_logical3A_510 = arith.shrui %add3A_508, %shift_right_logical3A_509 : i32
    %and3A_511 = arith.constant 255 : i32
    %and3A_512 = arith.andi %add3A_508, %and3A_511 : i32
    %mul3A_513 = arith.constant 64 : i32
    %mul3A_514 = arith.muli %and3A_512, %mul3A_513 : i32
    %multiple_of3A_515 = tpu.assume_multiple %mul3A_514, 64 : i32
    %mul3A_516 = arith.constant 128 : i32
    %mul3A_517 = arith.muli %shift_right_logical3A_510, %mul3A_516 : i32
    %multiple_of3A_518 = tpu.assume_multiple %mul3A_517, 128 : i32
    %dma_wait3A_519 = arith.constant 0 : i32
    %dma_wait3A_520 = arith.constant 6 : i32
    %dma_wait3A_521 = arith.constant 0 : i32
    %dma_wait3A_522 = arith.constant 0 : i32
    %dma_wait3A_523 = arith.constant 0 : i32
    %dma_wait3A_524 = tpu.memref_slice %arg10[%dma_wait3A_521, %dma_wait3A_522, %dma_wait3A_523] : memref<6x64x128xf32, #tpu.memory_space<vmem>> -> memref<1x64x128xf32, #tpu.memory_space<vmem>>
    %dma_wait3A_525 = tpu.memref_squeeze %dma_wait3A_524 : memref<1x64x128xf32, #tpu.memory_space<vmem>> -> memref<64x128xf32, #tpu.memory_space<vmem>>
    %dma_wait3A_526 = arith.constant 0 : i32
    %dma_wait3A_527 = tpu.memref_slice %arg9[%dma_wait3A_519, %dma_wait3A_520, %dma_wait3A_526] : memref<1x40x64xi32, #tpu.memory_space<vmem>> -> memref<1x1x64xi32, #tpu.memory_space<vmem>>
    %dma_wait3A_528 = tpu.memref_squeeze %dma_wait3A_527 : memref<1x1x64xi32, #tpu.memory_space<vmem>> -> memref<64xi32, #tpu.memory_space<vmem>>
    %dma_wait3A_529 = arith.constant 0 : i32
    %dma_wait3A_530 = arith.constant 0 : i32
    %dma_wait3A_531 = tpu.memref_slice %arg11[%dma_wait3A_529, %dma_wait3A_530] : memref<9528x128xf32, #tpu.memory_space<vmem_shared>> -> memref<9528x128xf32, #tpu.memory_space<vmem_shared>>
    tpu.wait_indirect_dma semaphore(%arg12 : memref<!tpu.dma_semaphore, #tpu.memory_space<semaphore_mem>>) src(%dma_wait3A_531 : memref<9528x128xf32, #tpu.memory_space<vmem_shared>>) dst(%dma_wait3A_525 : memref<64x128xf32, #tpu.memory_space<vmem>>)
    %dma_start3A_532 = arith.constant 0 : i32
    %dma_start3A_533 = arith.constant 0 : i32
    %dma_start3A_534 = arith.constant 0 : i32
    %dma_start3A_535 = tpu.memref_slice %arg10[%dma_start3A_532, %dma_start3A_533, %dma_start3A_534] : memref<6x64x128xf32, #tpu.memory_space<vmem>> -> memref<1x64x128xf32, #tpu.memory_space<vmem>>
    %dma_start3A_536 = tpu.memref_squeeze %dma_start3A_535 : memref<1x64x128xf32, #tpu.memory_space<vmem>> -> memref<64x128xf32, #tpu.memory_space<vmem>>
    %dma_start3A_537 = tpu.memref_slice %arg8[%multiple_of3A_515, %multiple_of3A_518] : memref<16384x640xf32, #tpu.memory_space<hbm>> -> memref<64x128xf32, #tpu.memory_space<hbm>>
    %dma_start3A_538 = tpu.memref_slice %arg8[%multiple_of3A_515, %multiple_of3A_518] : memref<16384x640xf32, #tpu.memory_space<hbm>> -> memref<64x128xf32, #tpu.memory_space<hbm>>
    %dma_start3A_539 = arith.constant 0 : i32
    %dma_start3A_540 = arith.constant 0 : i32
    %dma_start3A_541 = tpu.memref_slice %arg10[%dma_start3A_532, %dma_start3A_539, %dma_start3A_540] : memref<6x64x128xf32, #tpu.memory_space<vmem>> -> memref<1x64x128xf32, #tpu.memory_space<vmem>>
    %dma_start3A_542 = tpu.memref_squeeze %dma_start3A_541 : memref<1x64x128xf32, #tpu.memory_space<vmem>> -> memref<64x128xf32, #tpu.memory_space<vmem>>
    tpu.enqueue_dma source(%dma_start3A_542 : memref<64x128xf32, #tpu.memory_space<vmem>>) target(%dma_start3A_538 : memref<64x128xf32, #tpu.memory_space<hbm>>) target_semaphore(%arg18 : memref<!tpu.dma_semaphore, #tpu.memory_space<semaphore_mem>>)
    %dma_wait3A_543 = arith.constant 0 : i32
    %dma_wait3A_544 = arith.constant 0 : i32
    %dma_wait3A_545 = arith.constant 0 : i32
    %dma_wait3A_546 = tpu.memref_slice %arg10[%dma_wait3A_543, %dma_wait3A_544, %dma_wait3A_545] : memref<6x64x128xf32, #tpu.memory_space<vmem>> -> memref<1x64x128xf32, #tpu.memory_space<vmem>>
    %dma_wait3A_547 = tpu.memref_squeeze %dma_wait3A_546 : memref<1x64x128xf32, #tpu.memory_space<vmem>> -> memref<64x128xf32, #tpu.memory_space<vmem>>
    %dma_wait3A_548 = tpu.memref_slice %arg8[%multiple_of3A_515, %multiple_of3A_518] : memref<16384x640xf32, #tpu.memory_space<hbm>> -> memref<64x128xf32, #tpu.memory_space<hbm>>
    %dma_wait3A_549 = tpu.memref_slice %arg8[%multiple_of3A_515, %multiple_of3A_518] : memref<16384x640xf32, #tpu.memory_space<hbm>> -> memref<64x128xf32, #tpu.memory_space<hbm>>
    %dma_wait3A_550 = arith.constant 0 : i32
    %dma_wait3A_551 = arith.constant 0 : i32
    %dma_wait3A_552 = tpu.memref_slice %arg10[%dma_wait3A_543, %dma_wait3A_550, %dma_wait3A_551] : memref<6x64x128xf32, #tpu.memory_space<vmem>> -> memref<1x64x128xf32, #tpu.memory_space<vmem>>
    %dma_wait3A_553 = tpu.memref_squeeze %dma_wait3A_552 : memref<1x64x128xf32, #tpu.memory_space<vmem>> -> memref<64x128xf32, #tpu.memory_space<vmem>>
    tpu.wait_dma2 semaphore(%arg18 : memref<!tpu.dma_semaphore, #tpu.memory_space<semaphore_mem>>) src(%dma_wait3A_553 : memref<64x128xf32, #tpu.memory_space<vmem>>) dst(%dma_wait3A_549 : memref<64x128xf32, #tpu.memory_space<hbm>>)
    %dma_start3A_554 = arith.constant 0 : i32
    %dma_start3A_555 = arith.constant 12 : i32
    %dma_start3A_556 = arith.constant 0 : i32
    %dma_start3A_557 = arith.constant 0 : i32
    %dma_start3A_558 = arith.constant 0 : i32
    %dma_start3A_559 = tpu.memref_slice %arg10[%dma_start3A_556, %dma_start3A_557, %dma_start3A_558] : memref<6x64x128xf32, #tpu.memory_space<vmem>> -> memref<1x64x128xf32, #tpu.memory_space<vmem>>
    %dma_start3A_560 = tpu.memref_squeeze %dma_start3A_559 : memref<1x64x128xf32, #tpu.memory_space<vmem>> -> memref<64x128xf32, #tpu.memory_space<vmem>>
    %dma_start3A_561 = arith.constant 0 : i32
    %dma_start3A_562 = tpu.memref_slice %arg9[%dma_start3A_554, %dma_start3A_555, %dma_start3A_561] : memref<1x40x64xi32, #tpu.memory_space<vmem>> -> memref<1x1x64xi32, #tpu.memory_space<vmem>>
    %dma_start3A_563 = tpu.memref_squeeze %dma_start3A_562 : memref<1x1x64xi32, #tpu.memory_space<vmem>> -> memref<64xi32, #tpu.memory_space<vmem>>
    %dma_start3A_564 = arith.constant 0 : i32
    %dma_start3A_565 = arith.constant 0 : i32
    %dma_start3A_566 = tpu.memref_slice %arg11[%dma_start3A_564, %dma_start3A_565] : memref<9528x128xf32, #tpu.memory_space<vmem_shared>> -> memref<9528x128xf32, #tpu.memory_space<vmem_shared>>
    tpu.enqueue_indirect_dma source(%dma_start3A_566 : memref<9528x128xf32, #tpu.memory_space<vmem_shared>>) target(%dma_start3A_560 : memref<64x128xf32, #tpu.memory_space<vmem>>) offsets(%dma_start3A_563 : memref<64xi32, #tpu.memory_space<vmem>>) semaphore(%arg12 : memref<!tpu.dma_semaphore, #tpu.memory_space<semaphore_mem>>)
    %mul3A_567 = arith.constant 40 : i32
    %mul3A_568 = arith.muli %add3A, %mul3A_567 : i32
    %add3A_569 = arith.constant 7 : i32
    %add3A_570 = arith.addi %mul3A_568, %add3A_569 : i32
    %shift_right_logical3A_571 = arith.constant 8 : i32
    %shift_right_logical3A_572 = arith.shrui %add3A_570, %shift_right_logical3A_571 : i32
    %and3A_573 = arith.constant 255 : i32
    %and3A_574 = arith.andi %add3A_570, %and3A_573 : i32
    %mul3A_575 = arith.constant 64 : i32
    %mul3A_576 = arith.muli %and3A_574, %mul3A_575 : i32
    %multiple_of3A_577 = tpu.assume_multiple %mul3A_576, 64 : i32
    %mul3A_578 = arith.constant 128 : i32
    %mul3A_579 = arith.muli %shift_right_logical3A_572, %mul3A_578 : i32
    %multiple_of3A_580 = tpu.assume_multiple %mul3A_579, 128 : i32
    %dma_wait3A_581 = arith.constant 0 : i32
    %dma_wait3A_582 = arith.constant 7 : i32
    %dma_wait3A_583 = arith.constant 1 : i32
    %dma_wait3A_584 = arith.constant 0 : i32
    %dma_wait3A_585 = arith.constant 0 : i32
    %dma_wait3A_586 = tpu.memref_slice %arg10[%dma_wait3A_583, %dma_wait3A_584, %dma_wait3A_585] : memref<6x64x128xf32, #tpu.memory_space<vmem>> -> memref<1x64x128xf32, #tpu.memory_space<vmem>>
    %dma_wait3A_587 = tpu.memref_squeeze %dma_wait3A_586 : memref<1x64x128xf32, #tpu.memory_space<vmem>> -> memref<64x128xf32, #tpu.memory_space<vmem>>
    %dma_wait3A_588 = arith.constant 0 : i32
    %dma_wait3A_589 = tpu.memref_slice %arg9[%dma_wait3A_581, %dma_wait3A_582, %dma_wait3A_588] : memref<1x40x64xi32, #tpu.memory_space<vmem>> -> memref<1x1x64xi32, #tpu.memory_space<vmem>>
    %dma_wait3A_590 = tpu.memref_squeeze %dma_wait3A_589 : memref<1x1x64xi32, #tpu.memory_space<vmem>> -> memref<64xi32, #tpu.memory_space<vmem>>
    %dma_wait3A_591 = arith.constant 0 : i32
    %dma_wait3A_592 = arith.constant 0 : i32
    %dma_wait3A_593 = tpu.memref_slice %arg11[%dma_wait3A_591, %dma_wait3A_592] : memref<9528x128xf32, #tpu.memory_space<vmem_shared>> -> memref<9528x128xf32, #tpu.memory_space<vmem_shared>>
    tpu.wait_indirect_dma semaphore(%arg13 : memref<!tpu.dma_semaphore, #tpu.memory_space<semaphore_mem>>) src(%dma_wait3A_593 : memref<9528x128xf32, #tpu.memory_space<vmem_shared>>) dst(%dma_wait3A_587 : memref<64x128xf32, #tpu.memory_space<vmem>>)
    %dma_start3A_594 = arith.constant 1 : i32
    %dma_start3A_595 = arith.constant 0 : i32
    %dma_start3A_596 = arith.constant 0 : i32
    %dma_start3A_597 = tpu.memref_slice %arg10[%dma_start3A_594, %dma_start3A_595, %dma_start3A_596] : memref<6x64x128xf32, #tpu.memory_space<vmem>> -> memref<1x64x128xf32, #tpu.memory_space<vmem>>
    %dma_start3A_598 = tpu.memref_squeeze %dma_start3A_597 : memref<1x64x128xf32, #tpu.memory_space<vmem>> -> memref<64x128xf32, #tpu.memory_space<vmem>>
    %dma_start3A_599 = tpu.memref_slice %arg8[%multiple_of3A_577, %multiple_of3A_580] : memref<16384x640xf32, #tpu.memory_space<hbm>> -> memref<64x128xf32, #tpu.memory_space<hbm>>
    %dma_start3A_600 = tpu.memref_slice %arg8[%multiple_of3A_577, %multiple_of3A_580] : memref<16384x640xf32, #tpu.memory_space<hbm>> -> memref<64x128xf32, #tpu.memory_space<hbm>>
    %dma_start3A_601 = arith.constant 0 : i32
    %dma_start3A_602 = arith.constant 0 : i32
    %dma_start3A_603 = tpu.memref_slice %arg10[%dma_start3A_594, %dma_start3A_601, %dma_start3A_602] : memref<6x64x128xf32, #tpu.memory_space<vmem>> -> memref<1x64x128xf32, #tpu.memory_space<vmem>>
    %dma_start3A_604 = tpu.memref_squeeze %dma_start3A_603 : memref<1x64x128xf32, #tpu.memory_space<vmem>> -> memref<64x128xf32, #tpu.memory_space<vmem>>
    tpu.enqueue_dma source(%dma_start3A_604 : memref<64x128xf32, #tpu.memory_space<vmem>>) target(%dma_start3A_600 : memref<64x128xf32, #tpu.memory_space<hbm>>) target_semaphore(%arg19 : memref<!tpu.dma_semaphore, #tpu.memory_space<semaphore_mem>>)
    %dma_wait3A_605 = arith.constant 1 : i32
    %dma_wait3A_606 = arith.constant 0 : i32
    %dma_wait3A_607 = arith.constant 0 : i32
    %dma_wait3A_608 = tpu.memref_slice %arg10[%dma_wait3A_605, %dma_wait3A_606, %dma_wait3A_607] : memref<6x64x128xf32, #tpu.memory_space<vmem>> -> memref<1x64x128xf32, #tpu.memory_space<vmem>>
    %dma_wait3A_609 = tpu.memref_squeeze %dma_wait3A_608 : memref<1x64x128xf32, #tpu.memory_space<vmem>> -> memref<64x128xf32, #tpu.memory_space<vmem>>
    %dma_wait3A_610 = tpu.memref_slice %arg8[%multiple_of3A_577, %multiple_of3A_580] : memref<16384x640xf32, #tpu.memory_space<hbm>> -> memref<64x128xf32, #tpu.memory_space<hbm>>
    %dma_wait3A_611 = tpu.memref_slice %arg8[%multiple_of3A_577, %multiple_of3A_580] : memref<16384x640xf32, #tpu.memory_space<hbm>> -> memref<64x128xf32, #tpu.memory_space<hbm>>
    %dma_wait3A_612 = arith.constant 0 : i32
    %dma_wait3A_613 = arith.constant 0 : i32
    %dma_wait3A_614 = tpu.memref_slice %arg10[%dma_wait3A_605, %dma_wait3A_612, %dma_wait3A_613] : memref<6x64x128xf32, #tpu.memory_space<vmem>> -> memref<1x64x128xf32, #tpu.memory_space<vmem>>
    %dma_wait3A_615 = tpu.memref_squeeze %dma_wait3A_614 : memref<1x64x128xf32, #tpu.memory_space<vmem>> -> memref<64x128xf32, #tpu.memory_space<vmem>>
    tpu.wait_dma2 semaphore(%arg19 : memref<!tpu.dma_semaphore, #tpu.memory_space<semaphore_mem>>) src(%dma_wait3A_615 : memref<64x128xf32, #tpu.memory_space<vmem>>) dst(%dma_wait3A_611 : memref<64x128xf32, #tpu.memory_space<hbm>>)
    %dma_start3A_616 = arith.constant 0 : i32
    %dma_start3A_617 = arith.constant 13 : i32
    %dma_start3A_618 = arith.constant 1 : i32
    %dma_start3A_619 = arith.constant 0 : i32
    %dma_start3A_620 = arith.constant 0 : i32
    %dma_start3A_621 = tpu.memref_slice %arg10[%dma_start3A_618, %dma_start3A_619, %dma_start3A_620] : memref<6x64x128xf32, #tpu.memory_space<vmem>> -> memref<1x64x128xf32, #tpu.memory_space<vmem>>
    %dma_start3A_622 = tpu.memref_squeeze %dma_start3A_621 : memref<1x64x128xf32, #tpu.memory_space<vmem>> -> memref<64x128xf32, #tpu.memory_space<vmem>>
    %dma_start3A_623 = arith.constant 0 : i32
    %dma_start3A_624 = tpu.memref_slice %arg9[%dma_start3A_616, %dma_start3A_617, %dma_start3A_623] : memref<1x40x64xi32, #tpu.memory_space<vmem>> -> memref<1x1x64xi32, #tpu.memory_space<vmem>>
    %dma_start3A_625 = tpu.memref_squeeze %dma_start3A_624 : memref<1x1x64xi32, #tpu.memory_space<vmem>> -> memref<64xi32, #tpu.memory_space<vmem>>
    %dma_start3A_626 = arith.constant 0 : i32
    %dma_start3A_627 = arith.constant 0 : i32
    %dma_start3A_628 = tpu.memref_slice %arg11[%dma_start3A_626, %dma_start3A_627] : memref<9528x128xf32, #tpu.memory_space<vmem_shared>> -> memref<9528x128xf32, #tpu.memory_space<vmem_shared>>
    tpu.enqueue_indirect_dma source(%dma_start3A_628 : memref<9528x128xf32, #tpu.memory_space<vmem_shared>>) target(%dma_start3A_622 : memref<64x128xf32, #tpu.memory_space<vmem>>) offsets(%dma_start3A_625 : memref<64xi32, #tpu.memory_space<vmem>>) semaphore(%arg13 : memref<!tpu.dma_semaphore, #tpu.memory_space<semaphore_mem>>)
    %mul3A_629 = arith.constant 40 : i32
    %mul3A_630 = arith.muli %add3A, %mul3A_629 : i32
    %add3A_631 = arith.constant 8 : i32
    %add3A_632 = arith.addi %mul3A_630, %add3A_631 : i32
    %shift_right_logical3A_633 = arith.constant 8 : i32
    %shift_right_logical3A_634 = arith.shrui %add3A_632, %shift_right_logical3A_633 : i32
    %and3A_635 = arith.constant 255 : i32
    %and3A_636 = arith.andi %add3A_632, %and3A_635 : i32
    %mul3A_637 = arith.constant 64 : i32
    %mul3A_638 = arith.muli %and3A_636, %mul3A_637 : i32
    %multiple_of3A_639 = tpu.assume_multiple %mul3A_638, 64 : i32
    %mul3A_640 = arith.constant 128 : i32
    %mul3A_641 = arith.muli %shift_right_logical3A_634, %mul3A_640 : i32
    %multiple_of3A_642 = tpu.assume_multiple %mul3A_641, 128 : i32
    %dma_wait3A_643 = arith.constant 0 : i32
    %dma_wait3A_644 = arith.constant 8 : i32
    %dma_wait3A_645 = arith.constant 2 : i32
    %dma_wait3A_646 = arith.constant 0 : i32
    %dma_wait3A_647 = arith.constant 0 : i32
    %dma_wait3A_648 = tpu.memref_slice %arg10[%dma_wait3A_645, %dma_wait3A_646, %dma_wait3A_647] : memref<6x64x128xf32, #tpu.memory_space<vmem>> -> memref<1x64x128xf32, #tpu.memory_space<vmem>>
    %dma_wait3A_649 = tpu.memref_squeeze %dma_wait3A_648 : memref<1x64x128xf32, #tpu.memory_space<vmem>> -> memref<64x128xf32, #tpu.memory_space<vmem>>
    %dma_wait3A_650 = arith.constant 0 : i32
    %dma_wait3A_651 = tpu.memref_slice %arg9[%dma_wait3A_643, %dma_wait3A_644, %dma_wait3A_650] : memref<1x40x64xi32, #tpu.memory_space<vmem>> -> memref<1x1x64xi32, #tpu.memory_space<vmem>>
    %dma_wait3A_652 = tpu.memref_squeeze %dma_wait3A_651 : memref<1x1x64xi32, #tpu.memory_space<vmem>> -> memref<64xi32, #tpu.memory_space<vmem>>
    %dma_wait3A_653 = arith.constant 0 : i32
    %dma_wait3A_654 = arith.constant 0 : i32
    %dma_wait3A_655 = tpu.memref_slice %arg11[%dma_wait3A_653, %dma_wait3A_654] : memref<9528x128xf32, #tpu.memory_space<vmem_shared>> -> memref<9528x128xf32, #tpu.memory_space<vmem_shared>>
    tpu.wait_indirect_dma semaphore(%arg14 : memref<!tpu.dma_semaphore, #tpu.memory_space<semaphore_mem>>) src(%dma_wait3A_655 : memref<9528x128xf32, #tpu.memory_space<vmem_shared>>) dst(%dma_wait3A_649 : memref<64x128xf32, #tpu.memory_space<vmem>>)
    %dma_start3A_656 = arith.constant 2 : i32
    %dma_start3A_657 = arith.constant 0 : i32
    %dma_start3A_658 = arith.constant 0 : i32
    %dma_start3A_659 = tpu.memref_slice %arg10[%dma_start3A_656, %dma_start3A_657, %dma_start3A_658] : memref<6x64x128xf32, #tpu.memory_space<vmem>> -> memref<1x64x128xf32, #tpu.memory_space<vmem>>
    %dma_start3A_660 = tpu.memref_squeeze %dma_start3A_659 : memref<1x64x128xf32, #tpu.memory_space<vmem>> -> memref<64x128xf32, #tpu.memory_space<vmem>>
    %dma_start3A_661 = tpu.memref_slice %arg8[%multiple_of3A_639, %multiple_of3A_642] : memref<16384x640xf32, #tpu.memory_space<hbm>> -> memref<64x128xf32, #tpu.memory_space<hbm>>
    %dma_start3A_662 = tpu.memref_slice %arg8[%multiple_of3A_639, %multiple_of3A_642] : memref<16384x640xf32, #tpu.memory_space<hbm>> -> memref<64x128xf32, #tpu.memory_space<hbm>>
    %dma_start3A_663 = arith.constant 0 : i32
    %dma_start3A_664 = arith.constant 0 : i32
    %dma_start3A_665 = tpu.memref_slice %arg10[%dma_start3A_656, %dma_start3A_663, %dma_start3A_664] : memref<6x64x128xf32, #tpu.memory_space<vmem>> -> memref<1x64x128xf32, #tpu.memory_space<vmem>>
    %dma_start3A_666 = tpu.memref_squeeze %dma_start3A_665 : memref<1x64x128xf32, #tpu.memory_space<vmem>> -> memref<64x128xf32, #tpu.memory_space<vmem>>
    tpu.enqueue_dma source(%dma_start3A_666 : memref<64x128xf32, #tpu.memory_space<vmem>>) target(%dma_start3A_662 : memref<64x128xf32, #tpu.memory_space<hbm>>) target_semaphore(%arg20 : memref<!tpu.dma_semaphore, #tpu.memory_space<semaphore_mem>>)
    %dma_wait3A_667 = arith.constant 2 : i32
    %dma_wait3A_668 = arith.constant 0 : i32
    %dma_wait3A_669 = arith.constant 0 : i32
    %dma_wait3A_670 = tpu.memref_slice %arg10[%dma_wait3A_667, %dma_wait3A_668, %dma_wait3A_669] : memref<6x64x128xf32, #tpu.memory_space<vmem>> -> memref<1x64x128xf32, #tpu.memory_space<vmem>>
    %dma_wait3A_671 = tpu.memref_squeeze %dma_wait3A_670 : memref<1x64x128xf32, #tpu.memory_space<vmem>> -> memref<64x128xf32, #tpu.memory_space<vmem>>
    %dma_wait3A_672 = tpu.memref_slice %arg8[%multiple_of3A_639, %multiple_of3A_642] : memref<16384x640xf32, #tpu.memory_space<hbm>> -> memref<64x128xf32, #tpu.memory_space<hbm>>
    %dma_wait3A_673 = tpu.memref_slice %arg8[%multiple_of3A_639, %multiple_of3A_642] : memref<16384x640xf32, #tpu.memory_space<hbm>> -> memref<64x128xf32, #tpu.memory_space<hbm>>
    %dma_wait3A_674 = arith.constant 0 : i32
    %dma_wait3A_675 = arith.constant 0 : i32
    %dma_wait3A_676 = tpu.memref_slice %arg10[%dma_wait3A_667, %dma_wait3A_674, %dma_wait3A_675] : memref<6x64x128xf32, #tpu.memory_space<vmem>> -> memref<1x64x128xf32, #tpu.memory_space<vmem>>
    %dma_wait3A_677 = tpu.memref_squeeze %dma_wait3A_676 : memref<1x64x128xf32, #tpu.memory_space<vmem>> -> memref<64x128xf32, #tpu.memory_space<vmem>>
    tpu.wait_dma2 semaphore(%arg20 : memref<!tpu.dma_semaphore, #tpu.memory_space<semaphore_mem>>) src(%dma_wait3A_677 : memref<64x128xf32, #tpu.memory_space<vmem>>) dst(%dma_wait3A_673 : memref<64x128xf32, #tpu.memory_space<hbm>>)
    %dma_start3A_678 = arith.constant 0 : i32
    %dma_start3A_679 = arith.constant 14 : i32
    %dma_start3A_680 = arith.constant 2 : i32
    %dma_start3A_681 = arith.constant 0 : i32
    %dma_start3A_682 = arith.constant 0 : i32
    %dma_start3A_683 = tpu.memref_slice %arg10[%dma_start3A_680, %dma_start3A_681, %dma_start3A_682] : memref<6x64x128xf32, #tpu.memory_space<vmem>> -> memref<1x64x128xf32, #tpu.memory_space<vmem>>
    %dma_start3A_684 = tpu.memref_squeeze %dma_start3A_683 : memref<1x64x128xf32, #tpu.memory_space<vmem>> -> memref<64x128xf32, #tpu.memory_space<vmem>>
    %dma_start3A_685 = arith.constant 0 : i32
    %dma_start3A_686 = tpu.memref_slice %arg9[%dma_start3A_678, %dma_start3A_679, %dma_start3A_685] : memref<1x40x64xi32, #tpu.memory_space<vmem>> -> memref<1x1x64xi32, #tpu.memory_space<vmem>>
    %dma_start3A_687 = tpu.memref_squeeze %dma_start3A_686 : memref<1x1x64xi32, #tpu.memory_space<vmem>> -> memref<64xi32, #tpu.memory_space<vmem>>
    %dma_start3A_688 = arith.constant 0 : i32
    %dma_start3A_689 = arith.constant 0 : i32
    %dma_start3A_690 = tpu.memref_slice %arg11[%dma_start3A_688, %dma_start3A_689] : memref<9528x128xf32, #tpu.memory_space<vmem_shared>> -> memref<9528x128xf32, #tpu.memory_space<vmem_shared>>
    tpu.enqueue_indirect_dma source(%dma_start3A_690 : memref<9528x128xf32, #tpu.memory_space<vmem_shared>>) target(%dma_start3A_684 : memref<64x128xf32, #tpu.memory_space<vmem>>) offsets(%dma_start3A_687 : memref<64xi32, #tpu.memory_space<vmem>>) semaphore(%arg14 : memref<!tpu.dma_semaphore, #tpu.memory_space<semaphore_mem>>)
    %mul3A_691 = arith.constant 40 : i32
    %mul3A_692 = arith.muli %add3A, %mul3A_691 : i32
    %add3A_693 = arith.constant 9 : i32
    %add3A_694 = arith.addi %mul3A_692, %add3A_693 : i32
    %shift_right_logical3A_695 = arith.constant 8 : i32
    %shift_right_logical3A_696 = arith.shrui %add3A_694, %shift_right_logical3A_695 : i32
    %and3A_697 = arith.constant 255 : i32
    %and3A_698 = arith.andi %add3A_694, %and3A_697 : i32
    %mul3A_699 = arith.constant 64 : i32
    %mul3A_700 = arith.muli %and3A_698, %mul3A_699 : i32
    %multiple_of3A_701 = tpu.assume_multiple %mul3A_700, 64 : i32
    %mul3A_702 = arith.constant 128 : i32
    %mul3A_703 = arith.muli %shift_right_logical3A_696, %mul3A_702 : i32
    %multiple_of3A_704 = tpu.assume_multiple %mul3A_703, 128 : i32
    %dma_wait3A_705 = arith.constant 0 : i32
    %dma_wait3A_706 = arith.constant 9 : i32
    %dma_wait3A_707 = arith.constant 3 : i32
    %dma_wait3A_708 = arith.constant 0 : i32
    %dma_wait3A_709 = arith.constant 0 : i32
    %dma_wait3A_710 = tpu.memref_slice %arg10[%dma_wait3A_707, %dma_wait3A_708, %dma_wait3A_709] : memref<6x64x128xf32, #tpu.memory_space<vmem>> -> memref<1x64x128xf32, #tpu.memory_space<vmem>>
    %dma_wait3A_711 = tpu.memref_squeeze %dma_wait3A_710 : memref<1x64x128xf32, #tpu.memory_space<vmem>> -> memref<64x128xf32, #tpu.memory_space<vmem>>
    %dma_wait3A_712 = arith.constant 0 : i32
    %dma_wait3A_713 = tpu.memref_slice %arg9[%dma_wait3A_705, %dma_wait3A_706, %dma_wait3A_712] : memref<1x40x64xi32, #tpu.memory_space<vmem>> -> memref<1x1x64xi32, #tpu.memory_space<vmem>>
    %dma_wait3A_714 = tpu.memref_squeeze %dma_wait3A_713 : memref<1x1x64xi32, #tpu.memory_space<vmem>> -> memref<64xi32, #tpu.memory_space<vmem>>
    %dma_wait3A_715 = arith.constant 0 : i32
    %dma_wait3A_716 = arith.constant 0 : i32
    %dma_wait3A_717 = tpu.memref_slice %arg11[%dma_wait3A_715, %dma_wait3A_716] : memref<9528x128xf32, #tpu.memory_space<vmem_shared>> -> memref<9528x128xf32, #tpu.memory_space<vmem_shared>>
    tpu.wait_indirect_dma semaphore(%arg15 : memref<!tpu.dma_semaphore, #tpu.memory_space<semaphore_mem>>) src(%dma_wait3A_717 : memref<9528x128xf32, #tpu.memory_space<vmem_shared>>) dst(%dma_wait3A_711 : memref<64x128xf32, #tpu.memory_space<vmem>>)
    %dma_start3A_718 = arith.constant 3 : i32
    %dma_start3A_719 = arith.constant 0 : i32
    %dma_start3A_720 = arith.constant 0 : i32
    %dma_start3A_721 = tpu.memref_slice %arg10[%dma_start3A_718, %dma_start3A_719, %dma_start3A_720] : memref<6x64x128xf32, #tpu.memory_space<vmem>> -> memref<1x64x128xf32, #tpu.memory_space<vmem>>
    %dma_start3A_722 = tpu.memref_squeeze %dma_start3A_721 : memref<1x64x128xf32, #tpu.memory_space<vmem>> -> memref<64x128xf32, #tpu.memory_space<vmem>>
    %dma_start3A_723 = tpu.memref_slice %arg8[%multiple_of3A_701, %multiple_of3A_704] : memref<16384x640xf32, #tpu.memory_space<hbm>> -> memref<64x128xf32, #tpu.memory_space<hbm>>
    %dma_start3A_724 = tpu.memref_slice %arg8[%multiple_of3A_701, %multiple_of3A_704] : memref<16384x640xf32, #tpu.memory_space<hbm>> -> memref<64x128xf32, #tpu.memory_space<hbm>>
    %dma_start3A_725 = arith.constant 0 : i32
    %dma_start3A_726 = arith.constant 0 : i32
    %dma_start3A_727 = tpu.memref_slice %arg10[%dma_start3A_718, %dma_start3A_725, %dma_start3A_726] : memref<6x64x128xf32, #tpu.memory_space<vmem>> -> memref<1x64x128xf32, #tpu.memory_space<vmem>>
    %dma_start3A_728 = tpu.memref_squeeze %dma_start3A_727 : memref<1x64x128xf32, #tpu.memory_space<vmem>> -> memref<64x128xf32, #tpu.memory_space<vmem>>
    tpu.enqueue_dma source(%dma_start3A_728 : memref<64x128xf32, #tpu.memory_space<vmem>>) target(%dma_start3A_724 : memref<64x128xf32, #tpu.memory_space<hbm>>) target_semaphore(%arg21 : memref<!tpu.dma_semaphore, #tpu.memory_space<semaphore_mem>>)
    %dma_wait3A_729 = arith.constant 3 : i32
    %dma_wait3A_730 = arith.constant 0 : i32
    %dma_wait3A_731 = arith.constant 0 : i32
    %dma_wait3A_732 = tpu.memref_slice %arg10[%dma_wait3A_729, %dma_wait3A_730, %dma_wait3A_731] : memref<6x64x128xf32, #tpu.memory_space<vmem>> -> memref<1x64x128xf32, #tpu.memory_space<vmem>>
    %dma_wait3A_733 = tpu.memref_squeeze %dma_wait3A_732 : memref<1x64x128xf32, #tpu.memory_space<vmem>> -> memref<64x128xf32, #tpu.memory_space<vmem>>
    %dma_wait3A_734 = tpu.memref_slice %arg8[%multiple_of3A_701, %multiple_of3A_704] : memref<16384x640xf32, #tpu.memory_space<hbm>> -> memref<64x128xf32, #tpu.memory_space<hbm>>
    %dma_wait3A_735 = tpu.memref_slice %arg8[%multiple_of3A_701, %multiple_of3A_704] : memref<16384x640xf32, #tpu.memory_space<hbm>> -> memref<64x128xf32, #tpu.memory_space<hbm>>
    %dma_wait3A_736 = arith.constant 0 : i32
    %dma_wait3A_737 = arith.constant 0 : i32
    %dma_wait3A_738 = tpu.memref_slice %arg10[%dma_wait3A_729, %dma_wait3A_736, %dma_wait3A_737] : memref<6x64x128xf32, #tpu.memory_space<vmem>> -> memref<1x64x128xf32, #tpu.memory_space<vmem>>
    %dma_wait3A_739 = tpu.memref_squeeze %dma_wait3A_738 : memref<1x64x128xf32, #tpu.memory_space<vmem>> -> memref<64x128xf32, #tpu.memory_space<vmem>>
    tpu.wait_dma2 semaphore(%arg21 : memref<!tpu.dma_semaphore, #tpu.memory_space<semaphore_mem>>) src(%dma_wait3A_739 : memref<64x128xf32, #tpu.memory_space<vmem>>) dst(%dma_wait3A_735 : memref<64x128xf32, #tpu.memory_space<hbm>>)
    %dma_start3A_740 = arith.constant 0 : i32
    %dma_start3A_741 = arith.constant 15 : i32
    %dma_start3A_742 = arith.constant 3 : i32
    %dma_start3A_743 = arith.constant 0 : i32
    %dma_start3A_744 = arith.constant 0 : i32
    %dma_start3A_745 = tpu.memref_slice %arg10[%dma_start3A_742, %dma_start3A_743, %dma_start3A_744] : memref<6x64x128xf32, #tpu.memory_space<vmem>> -> memref<1x64x128xf32, #tpu.memory_space<vmem>>
    %dma_start3A_746 = tpu.memref_squeeze %dma_start3A_745 : memref<1x64x128xf32, #tpu.memory_space<vmem>> -> memref<64x128xf32, #tpu.memory_space<vmem>>
    %dma_start3A_747 = arith.constant 0 : i32
    %dma_start3A_748 = tpu.memref_slice %arg9[%dma_start3A_740, %dma_start3A_741, %dma_start3A_747] : memref<1x40x64xi32, #tpu.memory_space<vmem>> -> memref<1x1x64xi32, #tpu.memory_space<vmem>>
    %dma_start3A_749 = tpu.memref_squeeze %dma_start3A_748 : memref<1x1x64xi32, #tpu.memory_space<vmem>> -> memref<64xi32, #tpu.memory_space<vmem>>
    %dma_start3A_750 = arith.constant 0 : i32
    %dma_start3A_751 = arith.constant 0 : i32
    %dma_start3A_752 = tpu.memref_slice %arg11[%dma_start3A_750, %dma_start3A_751] : memref<9528x128xf32, #tpu.memory_space<vmem_shared>> -> memref<9528x128xf32, #tpu.memory_space<vmem_shared>>
    tpu.enqueue_indirect_dma source(%dma_start3A_752 : memref<9528x128xf32, #tpu.memory_space<vmem_shared>>) target(%dma_start3A_746 : memref<64x128xf32, #tpu.memory_space<vmem>>) offsets(%dma_start3A_749 : memref<64xi32, #tpu.memory_space<vmem>>) semaphore(%arg15 : memref<!tpu.dma_semaphore, #tpu.memory_space<semaphore_mem>>)
    %mul3A_753 = arith.constant 40 : i32
    %mul3A_754 = arith.muli %add3A, %mul3A_753 : i32
    %add3A_755 = arith.constant 10 : i32
    %add3A_756 = arith.addi %mul3A_754, %add3A_755 : i32
    %shift_right_logical3A_757 = arith.constant 8 : i32
    %shift_right_logical3A_758 = arith.shrui %add3A_756, %shift_right_logical3A_757 : i32
    %and3A_759 = arith.constant 255 : i32
    %and3A_760 = arith.andi %add3A_756, %and3A_759 : i32
    %mul3A_761 = arith.constant 64 : i32
    %mul3A_762 = arith.muli %and3A_760, %mul3A_761 : i32
    %multiple_of3A_763 = tpu.assume_multiple %mul3A_762, 64 : i32
    %mul3A_764 = arith.constant 128 : i32
    %mul3A_765 = arith.muli %shift_right_logical3A_758, %mul3A_764 : i32
    %multiple_of3A_766 = tpu.assume_multiple %mul3A_765, 128 : i32
    %dma_wait3A_767 = arith.constant 0 : i32
    %dma_wait3A_768 = arith.constant 10 : i32
    %dma_wait3A_769 = arith.constant 4 : i32
    %dma_wait3A_770 = arith.constant 0 : i32
    %dma_wait3A_771 = arith.constant 0 : i32
    %dma_wait3A_772 = tpu.memref_slice %arg10[%dma_wait3A_769, %dma_wait3A_770, %dma_wait3A_771] : memref<6x64x128xf32, #tpu.memory_space<vmem>> -> memref<1x64x128xf32, #tpu.memory_space<vmem>>
    %dma_wait3A_773 = tpu.memref_squeeze %dma_wait3A_772 : memref<1x64x128xf32, #tpu.memory_space<vmem>> -> memref<64x128xf32, #tpu.memory_space<vmem>>
    %dma_wait3A_774 = arith.constant 0 : i32
    %dma_wait3A_775 = tpu.memref_slice %arg9[%dma_wait3A_767, %dma_wait3A_768, %dma_wait3A_774] : memref<1x40x64xi32, #tpu.memory_space<vmem>> -> memref<1x1x64xi32, #tpu.memory_space<vmem>>
    %dma_wait3A_776 = tpu.memref_squeeze %dma_wait3A_775 : memref<1x1x64xi32, #tpu.memory_space<vmem>> -> memref<64xi32, #tpu.memory_space<vmem>>
    %dma_wait3A_777 = arith.constant 0 : i32
    %dma_wait3A_778 = arith.constant 0 : i32
    %dma_wait3A_779 = tpu.memref_slice %arg11[%dma_wait3A_777, %dma_wait3A_778] : memref<9528x128xf32, #tpu.memory_space<vmem_shared>> -> memref<9528x128xf32, #tpu.memory_space<vmem_shared>>
    tpu.wait_indirect_dma semaphore(%arg16 : memref<!tpu.dma_semaphore, #tpu.memory_space<semaphore_mem>>) src(%dma_wait3A_779 : memref<9528x128xf32, #tpu.memory_space<vmem_shared>>) dst(%dma_wait3A_773 : memref<64x128xf32, #tpu.memory_space<vmem>>)
    %dma_start3A_780 = arith.constant 4 : i32
    %dma_start3A_781 = arith.constant 0 : i32
    %dma_start3A_782 = arith.constant 0 : i32
    %dma_start3A_783 = tpu.memref_slice %arg10[%dma_start3A_780, %dma_start3A_781, %dma_start3A_782] : memref<6x64x128xf32, #tpu.memory_space<vmem>> -> memref<1x64x128xf32, #tpu.memory_space<vmem>>
    %dma_start3A_784 = tpu.memref_squeeze %dma_start3A_783 : memref<1x64x128xf32, #tpu.memory_space<vmem>> -> memref<64x128xf32, #tpu.memory_space<vmem>>
    %dma_start3A_785 = tpu.memref_slice %arg8[%multiple_of3A_763, %multiple_of3A_766] : memref<16384x640xf32, #tpu.memory_space<hbm>> -> memref<64x128xf32, #tpu.memory_space<hbm>>
    %dma_start3A_786 = tpu.memref_slice %arg8[%multiple_of3A_763, %multiple_of3A_766] : memref<16384x640xf32, #tpu.memory_space<hbm>> -> memref<64x128xf32, #tpu.memory_space<hbm>>
    %dma_start3A_787 = arith.constant 0 : i32
    %dma_start3A_788 = arith.constant 0 : i32
    %dma_start3A_789 = tpu.memref_slice %arg10[%dma_start3A_780, %dma_start3A_787, %dma_start3A_788] : memref<6x64x128xf32, #tpu.memory_space<vmem>> -> memref<1x64x128xf32, #tpu.memory_space<vmem>>
    %dma_start3A_790 = tpu.memref_squeeze %dma_start3A_789 : memref<1x64x128xf32, #tpu.memory_space<vmem>> -> memref<64x128xf32, #tpu.memory_space<vmem>>
    tpu.enqueue_dma source(%dma_start3A_790 : memref<64x128xf32, #tpu.memory_space<vmem>>) target(%dma_start3A_786 : memref<64x128xf32, #tpu.memory_space<hbm>>) target_semaphore(%arg22 : memref<!tpu.dma_semaphore, #tpu.memory_space<semaphore_mem>>)
    %dma_wait3A_791 = arith.constant 4 : i32
    %dma_wait3A_792 = arith.constant 0 : i32
    %dma_wait3A_793 = arith.constant 0 : i32
    %dma_wait3A_794 = tpu.memref_slice %arg10[%dma_wait3A_791, %dma_wait3A_792, %dma_wait3A_793] : memref<6x64x128xf32, #tpu.memory_space<vmem>> -> memref<1x64x128xf32, #tpu.memory_space<vmem>>
    %dma_wait3A_795 = tpu.memref_squeeze %dma_wait3A_794 : memref<1x64x128xf32, #tpu.memory_space<vmem>> -> memref<64x128xf32, #tpu.memory_space<vmem>>
    %dma_wait3A_796 = tpu.memref_slice %arg8[%multiple_of3A_763, %multiple_of3A_766] : memref<16384x640xf32, #tpu.memory_space<hbm>> -> memref<64x128xf32, #tpu.memory_space<hbm>>
    %dma_wait3A_797 = tpu.memref_slice %arg8[%multiple_of3A_763, %multiple_of3A_766] : memref<16384x640xf32, #tpu.memory_space<hbm>> -> memref<64x128xf32, #tpu.memory_space<hbm>>
    %dma_wait3A_798 = arith.constant 0 : i32
    %dma_wait3A_799 = arith.constant 0 : i32
    %dma_wait3A_800 = tpu.memref_slice %arg10[%dma_wait3A_791, %dma_wait3A_798, %dma_wait3A_799] : memref<6x64x128xf32, #tpu.memory_space<vmem>> -> memref<1x64x128xf32, #tpu.memory_space<vmem>>
    %dma_wait3A_801 = tpu.memref_squeeze %dma_wait3A_800 : memref<1x64x128xf32, #tpu.memory_space<vmem>> -> memref<64x128xf32, #tpu.memory_space<vmem>>
    tpu.wait_dma2 semaphore(%arg22 : memref<!tpu.dma_semaphore, #tpu.memory_space<semaphore_mem>>) src(%dma_wait3A_801 : memref<64x128xf32, #tpu.memory_space<vmem>>) dst(%dma_wait3A_797 : memref<64x128xf32, #tpu.memory_space<hbm>>)
    %dma_start3A_802 = arith.constant 0 : i32
    %dma_start3A_803 = arith.constant 16 : i32
    %dma_start3A_804 = arith.constant 4 : i32
    %dma_start3A_805 = arith.constant 0 : i32
    %dma_start3A_806 = arith.constant 0 : i32
    %dma_start3A_807 = tpu.memref_slice %arg10[%dma_start3A_804, %dma_start3A_805, %dma_start3A_806] : memref<6x64x128xf32, #tpu.memory_space<vmem>> -> memref<1x64x128xf32, #tpu.memory_space<vmem>>
    %dma_start3A_808 = tpu.memref_squeeze %dma_start3A_807 : memref<1x64x128xf32, #tpu.memory_space<vmem>> -> memref<64x128xf32, #tpu.memory_space<vmem>>
    %dma_start3A_809 = arith.constant 0 : i32
    %dma_start3A_810 = tpu.memref_slice %arg9[%dma_start3A_802, %dma_start3A_803, %dma_start3A_809] : memref<1x40x64xi32, #tpu.memory_space<vmem>> -> memref<1x1x64xi32, #tpu.memory_space<vmem>>
    %dma_start3A_811 = tpu.memref_squeeze %dma_start3A_810 : memref<1x1x64xi32, #tpu.memory_space<vmem>> -> memref<64xi32, #tpu.memory_space<vmem>>
    %dma_start3A_812 = arith.constant 0 : i32
    %dma_start3A_813 = arith.constant 0 : i32
    %dma_start3A_814 = tpu.memref_slice %arg11[%dma_start3A_812, %dma_start3A_813] : memref<9528x128xf32, #tpu.memory_space<vmem_shared>> -> memref<9528x128xf32, #tpu.memory_space<vmem_shared>>
    tpu.enqueue_indirect_dma source(%dma_start3A_814 : memref<9528x128xf32, #tpu.memory_space<vmem_shared>>) target(%dma_start3A_808 : memref<64x128xf32, #tpu.memory_space<vmem>>) offsets(%dma_start3A_811 : memref<64xi32, #tpu.memory_space<vmem>>) semaphore(%arg16 : memref<!tpu.dma_semaphore, #tpu.memory_space<semaphore_mem>>)
    %mul3A_815 = arith.constant 40 : i32
    %mul3A_816 = arith.muli %add3A, %mul3A_815 : i32
    %add3A_817 = arith.constant 11 : i32
    %add3A_818 = arith.addi %mul3A_816, %add3A_817 : i32
    %shift_right_logical3A_819 = arith.constant 8 : i32
    %shift_right_logical3A_820 = arith.shrui %add3A_818, %shift_right_logical3A_819 : i32
    %and3A_821 = arith.constant 255 : i32
    %and3A_822 = arith.andi %add3A_818, %and3A_821 : i32
    %mul3A_823 = arith.constant 64 : i32
    %mul3A_824 = arith.muli %and3A_822, %mul3A_823 : i32
    %multiple_of3A_825 = tpu.assume_multiple %mul3A_824, 64 : i32
    %mul3A_826 = arith.constant 128 : i32
    %mul3A_827 = arith.muli %shift_right_logical3A_820, %mul3A_826 : i32
    %multiple_of3A_828 = tpu.assume_multiple %mul3A_827, 128 : i32
    %dma_wait3A_829 = arith.constant 0 : i32
    %dma_wait3A_830 = arith.constant 11 : i32
    %dma_wait3A_831 = arith.constant 5 : i32
    %dma_wait3A_832 = arith.constant 0 : i32
    %dma_wait3A_833 = arith.constant 0 : i32
    %dma_wait3A_834 = tpu.memref_slice %arg10[%dma_wait3A_831, %dma_wait3A_832, %dma_wait3A_833] : memref<6x64x128xf32, #tpu.memory_space<vmem>> -> memref<1x64x128xf32, #tpu.memory_space<vmem>>
    %dma_wait3A_835 = tpu.memref_squeeze %dma_wait3A_834 : memref<1x64x128xf32, #tpu.memory_space<vmem>> -> memref<64x128xf32, #tpu.memory_space<vmem>>
    %dma_wait3A_836 = arith.constant 0 : i32
    %dma_wait3A_837 = tpu.memref_slice %arg9[%dma_wait3A_829, %dma_wait3A_830, %dma_wait3A_836] : memref<1x40x64xi32, #tpu.memory_space<vmem>> -> memref<1x1x64xi32, #tpu.memory_space<vmem>>
    %dma_wait3A_838 = tpu.memref_squeeze %dma_wait3A_837 : memref<1x1x64xi32, #tpu.memory_space<vmem>> -> memref<64xi32, #tpu.memory_space<vmem>>
    %dma_wait3A_839 = arith.constant 0 : i32
    %dma_wait3A_840 = arith.constant 0 : i32
    %dma_wait3A_841 = tpu.memref_slice %arg11[%dma_wait3A_839, %dma_wait3A_840] : memref<9528x128xf32, #tpu.memory_space<vmem_shared>> -> memref<9528x128xf32, #tpu.memory_space<vmem_shared>>
    tpu.wait_indirect_dma semaphore(%arg17 : memref<!tpu.dma_semaphore, #tpu.memory_space<semaphore_mem>>) src(%dma_wait3A_841 : memref<9528x128xf32, #tpu.memory_space<vmem_shared>>) dst(%dma_wait3A_835 : memref<64x128xf32, #tpu.memory_space<vmem>>)
    %dma_start3A_842 = arith.constant 5 : i32
    %dma_start3A_843 = arith.constant 0 : i32
    %dma_start3A_844 = arith.constant 0 : i32
    %dma_start3A_845 = tpu.memref_slice %arg10[%dma_start3A_842, %dma_start3A_843, %dma_start3A_844] : memref<6x64x128xf32, #tpu.memory_space<vmem>> -> memref<1x64x128xf32, #tpu.memory_space<vmem>>
    %dma_start3A_846 = tpu.memref_squeeze %dma_start3A_845 : memref<1x64x128xf32, #tpu.memory_space<vmem>> -> memref<64x128xf32, #tpu.memory_space<vmem>>
    %dma_start3A_847 = tpu.memref_slice %arg8[%multiple_of3A_825, %multiple_of3A_828] : memref<16384x640xf32, #tpu.memory_space<hbm>> -> memref<64x128xf32, #tpu.memory_space<hbm>>
    %dma_start3A_848 = tpu.memref_slice %arg8[%multiple_of3A_825, %multiple_of3A_828] : memref<16384x640xf32, #tpu.memory_space<hbm>> -> memref<64x128xf32, #tpu.memory_space<hbm>>
    %dma_start3A_849 = arith.constant 0 : i32
    %dma_start3A_850 = arith.constant 0 : i32
    %dma_start3A_851 = tpu.memref_slice %arg10[%dma_start3A_842, %dma_start3A_849, %dma_start3A_850] : memref<6x64x128xf32, #tpu.memory_space<vmem>> -> memref<1x64x128xf32, #tpu.memory_space<vmem>>
    %dma_start3A_852 = tpu.memref_squeeze %dma_start3A_851 : memref<1x64x128xf32, #tpu.memory_space<vmem>> -> memref<64x128xf32, #tpu.memory_space<vmem>>
    tpu.enqueue_dma source(%dma_start3A_852 : memref<64x128xf32, #tpu.memory_space<vmem>>) target(%dma_start3A_848 : memref<64x128xf32, #tpu.memory_space<hbm>>) target_semaphore(%arg23 : memref<!tpu.dma_semaphore, #tpu.memory_space<semaphore_mem>>)
    %dma_wait3A_853 = arith.constant 5 : i32
    %dma_wait3A_854 = arith.constant 0 : i32
    %dma_wait3A_855 = arith.constant 0 : i32
    %dma_wait3A_856 = tpu.memref_slice %arg10[%dma_wait3A_853, %dma_wait3A_854, %dma_wait3A_855] : memref<6x64x128xf32, #tpu.memory_space<vmem>> -> memref<1x64x128xf32, #tpu.memory_space<vmem>>
    %dma_wait3A_857 = tpu.memref_squeeze %dma_wait3A_856 : memref<1x64x128xf32, #tpu.memory_space<vmem>> -> memref<64x128xf32, #tpu.memory_space<vmem>>
    %dma_wait3A_858 = tpu.memref_slice %arg8[%multiple_of3A_825, %multiple_of3A_828] : memref<16384x640xf32, #tpu.memory_space<hbm>> -> memref<64x128xf32, #tpu.memory_space<hbm>>
    %dma_wait3A_859 = tpu.memref_slice %arg8[%multiple_of3A_825, %multiple_of3A_828] : memref<16384x640xf32, #tpu.memory_space<hbm>> -> memref<64x128xf32, #tpu.memory_space<hbm>>
    %dma_wait3A_860 = arith.constant 0 : i32
    %dma_wait3A_861 = arith.constant 0 : i32
    %dma_wait3A_862 = tpu.memref_slice %arg10[%dma_wait3A_853, %dma_wait3A_860, %dma_wait3A_861] : memref<6x64x128xf32, #tpu.memory_space<vmem>> -> memref<1x64x128xf32, #tpu.memory_space<vmem>>
    %dma_wait3A_863 = tpu.memref_squeeze %dma_wait3A_862 : memref<1x64x128xf32, #tpu.memory_space<vmem>> -> memref<64x128xf32, #tpu.memory_space<vmem>>
    tpu.wait_dma2 semaphore(%arg23 : memref<!tpu.dma_semaphore, #tpu.memory_space<semaphore_mem>>) src(%dma_wait3A_863 : memref<64x128xf32, #tpu.memory_space<vmem>>) dst(%dma_wait3A_859 : memref<64x128xf32, #tpu.memory_space<hbm>>)
    %dma_start3A_864 = arith.constant 0 : i32
    %dma_start3A_865 = arith.constant 17 : i32
    %dma_start3A_866 = arith.constant 5 : i32
    %dma_start3A_867 = arith.constant 0 : i32
    %dma_start3A_868 = arith.constant 0 : i32
    %dma_start3A_869 = tpu.memref_slice %arg10[%dma_start3A_866, %dma_start3A_867, %dma_start3A_868] : memref<6x64x128xf32, #tpu.memory_space<vmem>> -> memref<1x64x128xf32, #tpu.memory_space<vmem>>
    %dma_start3A_870 = tpu.memref_squeeze %dma_start3A_869 : memref<1x64x128xf32, #tpu.memory_space<vmem>> -> memref<64x128xf32, #tpu.memory_space<vmem>>
    %dma_start3A_871 = arith.constant 0 : i32
    %dma_start3A_872 = tpu.memref_slice %arg9[%dma_start3A_864, %dma_start3A_865, %dma_start3A_871] : memref<1x40x64xi32, #tpu.memory_space<vmem>> -> memref<1x1x64xi32, #tpu.memory_space<vmem>>
    %dma_start3A_873 = tpu.memref_squeeze %dma_start3A_872 : memref<1x1x64xi32, #tpu.memory_space<vmem>> -> memref<64xi32, #tpu.memory_space<vmem>>
    %dma_start3A_874 = arith.constant 0 : i32
    %dma_start3A_875 = arith.constant 0 : i32
    %dma_start3A_876 = tpu.memref_slice %arg11[%dma_start3A_874, %dma_start3A_875] : memref<9528x128xf32, #tpu.memory_space<vmem_shared>> -> memref<9528x128xf32, #tpu.memory_space<vmem_shared>>
    tpu.enqueue_indirect_dma source(%dma_start3A_876 : memref<9528x128xf32, #tpu.memory_space<vmem_shared>>) target(%dma_start3A_870 : memref<64x128xf32, #tpu.memory_space<vmem>>) offsets(%dma_start3A_873 : memref<64xi32, #tpu.memory_space<vmem>>) semaphore(%arg17 : memref<!tpu.dma_semaphore, #tpu.memory_space<semaphore_mem>>)
    %mul3A_877 = arith.constant 40 : i32
    %mul3A_878 = arith.muli %add3A, %mul3A_877 : i32
    %add3A_879 = arith.constant 12 : i32
    %add3A_880 = arith.addi %mul3A_878, %add3A_879 : i32
    %shift_right_logical3A_881 = arith.constant 8 : i32
    %shift_right_logical3A_882 = arith.shrui %add3A_880, %shift_right_logical3A_881 : i32
    %and3A_883 = arith.constant 255 : i32
    %and3A_884 = arith.andi %add3A_880, %and3A_883 : i32
    %mul3A_885 = arith.constant 64 : i32
    %mul3A_886 = arith.muli %and3A_884, %mul3A_885 : i32
    %multiple_of3A_887 = tpu.assume_multiple %mul3A_886, 64 : i32
    %mul3A_888 = arith.constant 128 : i32
    %mul3A_889 = arith.muli %shift_right_logical3A_882, %mul3A_888 : i32
    %multiple_of3A_890 = tpu.assume_multiple %mul3A_889, 128 : i32
    %dma_wait3A_891 = arith.constant 0 : i32
    %dma_wait3A_892 = arith.constant 12 : i32
    %dma_wait3A_893 = arith.constant 0 : i32
    %dma_wait3A_894 = arith.constant 0 : i32
    %dma_wait3A_895 = arith.constant 0 : i32
    %dma_wait3A_896 = tpu.memref_slice %arg10[%dma_wait3A_893, %dma_wait3A_894, %dma_wait3A_895] : memref<6x64x128xf32, #tpu.memory_space<vmem>> -> memref<1x64x128xf32, #tpu.memory_space<vmem>>
    %dma_wait3A_897 = tpu.memref_squeeze %dma_wait3A_896 : memref<1x64x128xf32, #tpu.memory_space<vmem>> -> memref<64x128xf32, #tpu.memory_space<vmem>>
    %dma_wait3A_898 = arith.constant 0 : i32
    %dma_wait3A_899 = tpu.memref_slice %arg9[%dma_wait3A_891, %dma_wait3A_892, %dma_wait3A_898] : memref<1x40x64xi32, #tpu.memory_space<vmem>> -> memref<1x1x64xi32, #tpu.memory_space<vmem>>
    %dma_wait3A_900 = tpu.memref_squeeze %dma_wait3A_899 : memref<1x1x64xi32, #tpu.memory_space<vmem>> -> memref<64xi32, #tpu.memory_space<vmem>>
    %dma_wait3A_901 = arith.constant 0 : i32
    %dma_wait3A_902 = arith.constant 0 : i32
    %dma_wait3A_903 = tpu.memref_slice %arg11[%dma_wait3A_901, %dma_wait3A_902] : memref<9528x128xf32, #tpu.memory_space<vmem_shared>> -> memref<9528x128xf32, #tpu.memory_space<vmem_shared>>
    tpu.wait_indirect_dma semaphore(%arg12 : memref<!tpu.dma_semaphore, #tpu.memory_space<semaphore_mem>>) src(%dma_wait3A_903 : memref<9528x128xf32, #tpu.memory_space<vmem_shared>>) dst(%dma_wait3A_897 : memref<64x128xf32, #tpu.memory_space<vmem>>)
    %dma_start3A_904 = arith.constant 0 : i32
    %dma_start3A_905 = arith.constant 0 : i32
    %dma_start3A_906 = arith.constant 0 : i32
    %dma_start3A_907 = tpu.memref_slice %arg10[%dma_start3A_904, %dma_start3A_905, %dma_start3A_906] : memref<6x64x128xf32, #tpu.memory_space<vmem>> -> memref<1x64x128xf32, #tpu.memory_space<vmem>>
    %dma_start3A_908 = tpu.memref_squeeze %dma_start3A_907 : memref<1x64x128xf32, #tpu.memory_space<vmem>> -> memref<64x128xf32, #tpu.memory_space<vmem>>
    %dma_start3A_909 = tpu.memref_slice %arg8[%multiple_of3A_887, %multiple_of3A_890] : memref<16384x640xf32, #tpu.memory_space<hbm>> -> memref<64x128xf32, #tpu.memory_space<hbm>>
    %dma_start3A_910 = tpu.memref_slice %arg8[%multiple_of3A_887, %multiple_of3A_890] : memref<16384x640xf32, #tpu.memory_space<hbm>> -> memref<64x128xf32, #tpu.memory_space<hbm>>
    %dma_start3A_911 = arith.constant 0 : i32
    %dma_start3A_912 = arith.constant 0 : i32
    %dma_start3A_913 = tpu.memref_slice %arg10[%dma_start3A_904, %dma_start3A_911, %dma_start3A_912] : memref<6x64x128xf32, #tpu.memory_space<vmem>> -> memref<1x64x128xf32, #tpu.memory_space<vmem>>
    %dma_start3A_914 = tpu.memref_squeeze %dma_start3A_913 : memref<1x64x128xf32, #tpu.memory_space<vmem>> -> memref<64x128xf32, #tpu.memory_space<vmem>>
    tpu.enqueue_dma source(%dma_start3A_914 : memref<64x128xf32, #tpu.memory_space<vmem>>) target(%dma_start3A_910 : memref<64x128xf32, #tpu.memory_space<hbm>>) target_semaphore(%arg18 : memref<!tpu.dma_semaphore, #tpu.memory_space<semaphore_mem>>)
    %dma_wait3A_915 = arith.constant 0 : i32
    %dma_wait3A_916 = arith.constant 0 : i32
    %dma_wait3A_917 = arith.constant 0 : i32
    %dma_wait3A_918 = tpu.memref_slice %arg10[%dma_wait3A_915, %dma_wait3A_916, %dma_wait3A_917] : memref<6x64x128xf32, #tpu.memory_space<vmem>> -> memref<1x64x128xf32, #tpu.memory_space<vmem>>
    %dma_wait3A_919 = tpu.memref_squeeze %dma_wait3A_918 : memref<1x64x128xf32, #tpu.memory_space<vmem>> -> memref<64x128xf32, #tpu.memory_space<vmem>>
    %dma_wait3A_920 = tpu.memref_slice %arg8[%multiple_of3A_887, %multiple_of3A_890] : memref<16384x640xf32, #tpu.memory_space<hbm>> -> memref<64x128xf32, #tpu.memory_space<hbm>>
    %dma_wait3A_921 = tpu.memref_slice %arg8[%multiple_of3A_887, %multiple_of3A_890] : memref<16384x640xf32, #tpu.memory_space<hbm>> -> memref<64x128xf32, #tpu.memory_space<hbm>>
    %dma_wait3A_922 = arith.constant 0 : i32
    %dma_wait3A_923 = arith.constant 0 : i32
    %dma_wait3A_924 = tpu.memref_slice %arg10[%dma_wait3A_915, %dma_wait3A_922, %dma_wait3A_923] : memref<6x64x128xf32, #tpu.memory_space<vmem>> -> memref<1x64x128xf32, #tpu.memory_space<vmem>>
    %dma_wait3A_925 = tpu.memref_squeeze %dma_wait3A_924 : memref<1x64x128xf32, #tpu.memory_space<vmem>> -> memref<64x128xf32, #tpu.memory_space<vmem>>
    tpu.wait_dma2 semaphore(%arg18 : memref<!tpu.dma_semaphore, #tpu.memory_space<semaphore_mem>>) src(%dma_wait3A_925 : memref<64x128xf32, #tpu.memory_space<vmem>>) dst(%dma_wait3A_921 : memref<64x128xf32, #tpu.memory_space<hbm>>)
    %dma_start3A_926 = arith.constant 0 : i32
    %dma_start3A_927 = arith.constant 18 : i32
    %dma_start3A_928 = arith.constant 0 : i32
    %dma_start3A_929 = arith.constant 0 : i32
    %dma_start3A_930 = arith.constant 0 : i32
    %dma_start3A_931 = tpu.memref_slice %arg10[%dma_start3A_928, %dma_start3A_929, %dma_start3A_930] : memref<6x64x128xf32, #tpu.memory_space<vmem>> -> memref<1x64x128xf32, #tpu.memory_space<vmem>>
    %dma_start3A_932 = tpu.memref_squeeze %dma_start3A_931 : memref<1x64x128xf32, #tpu.memory_space<vmem>> -> memref<64x128xf32, #tpu.memory_space<vmem>>
    %dma_start3A_933 = arith.constant 0 : i32
    %dma_start3A_934 = tpu.memref_slice %arg9[%dma_start3A_926, %dma_start3A_927, %dma_start3A_933] : memref<1x40x64xi32, #tpu.memory_space<vmem>> -> memref<1x1x64xi32, #tpu.memory_space<vmem>>
    %dma_start3A_935 = tpu.memref_squeeze %dma_start3A_934 : memref<1x1x64xi32, #tpu.memory_space<vmem>> -> memref<64xi32, #tpu.memory_space<vmem>>
    %dma_start3A_936 = arith.constant 0 : i32
    %dma_start3A_937 = arith.constant 0 : i32
    %dma_start3A_938 = tpu.memref_slice %arg11[%dma_start3A_936, %dma_start3A_937] : memref<9528x128xf32, #tpu.memory_space<vmem_shared>> -> memref<9528x128xf32, #tpu.memory_space<vmem_shared>>
    tpu.enqueue_indirect_dma source(%dma_start3A_938 : memref<9528x128xf32, #tpu.memory_space<vmem_shared>>) target(%dma_start3A_932 : memref<64x128xf32, #tpu.memory_space<vmem>>) offsets(%dma_start3A_935 : memref<64xi32, #tpu.memory_space<vmem>>) semaphore(%arg12 : memref<!tpu.dma_semaphore, #tpu.memory_space<semaphore_mem>>)
    %mul3A_939 = arith.constant 40 : i32
    %mul3A_940 = arith.muli %add3A, %mul3A_939 : i32
    %add3A_941 = arith.constant 13 : i32
    %add3A_942 = arith.addi %mul3A_940, %add3A_941 : i32
    %shift_right_logical3A_943 = arith.constant 8 : i32
    %shift_right_logical3A_944 = arith.shrui %add3A_942, %shift_right_logical3A_943 : i32
    %and3A_945 = arith.constant 255 : i32
    %and3A_946 = arith.andi %add3A_942, %and3A_945 : i32
    %mul3A_947 = arith.constant 64 : i32
    %mul3A_948 = arith.muli %and3A_946, %mul3A_947 : i32
    %multiple_of3A_949 = tpu.assume_multiple %mul3A_948, 64 : i32
    %mul3A_950 = arith.constant 128 : i32
    %mul3A_951 = arith.muli %shift_right_logical3A_944, %mul3A_950 : i32
    %multiple_of3A_952 = tpu.assume_multiple %mul3A_951, 128 : i32
    %dma_wait3A_953 = arith.constant 0 : i32
    %dma_wait3A_954 = arith.constant 13 : i32
    %dma_wait3A_955 = arith.constant 1 : i32
    %dma_wait3A_956 = arith.constant 0 : i32
    %dma_wait3A_957 = arith.constant 0 : i32
    %dma_wait3A_958 = tpu.memref_slice %arg10[%dma_wait3A_955, %dma_wait3A_956, %dma_wait3A_957] : memref<6x64x128xf32, #tpu.memory_space<vmem>> -> memref<1x64x128xf32, #tpu.memory_space<vmem>>
    %dma_wait3A_959 = tpu.memref_squeeze %dma_wait3A_958 : memref<1x64x128xf32, #tpu.memory_space<vmem>> -> memref<64x128xf32, #tpu.memory_space<vmem>>
    %dma_wait3A_960 = arith.constant 0 : i32
    %dma_wait3A_961 = tpu.memref_slice %arg9[%dma_wait3A_953, %dma_wait3A_954, %dma_wait3A_960] : memref<1x40x64xi32, #tpu.memory_space<vmem>> -> memref<1x1x64xi32, #tpu.memory_space<vmem>>
    %dma_wait3A_962 = tpu.memref_squeeze %dma_wait3A_961 : memref<1x1x64xi32, #tpu.memory_space<vmem>> -> memref<64xi32, #tpu.memory_space<vmem>>
    %dma_wait3A_963 = arith.constant 0 : i32
    %dma_wait3A_964 = arith.constant 0 : i32
    %dma_wait3A_965 = tpu.memref_slice %arg11[%dma_wait3A_963, %dma_wait3A_964] : memref<9528x128xf32, #tpu.memory_space<vmem_shared>> -> memref<9528x128xf32, #tpu.memory_space<vmem_shared>>
    tpu.wait_indirect_dma semaphore(%arg13 : memref<!tpu.dma_semaphore, #tpu.memory_space<semaphore_mem>>) src(%dma_wait3A_965 : memref<9528x128xf32, #tpu.memory_space<vmem_shared>>) dst(%dma_wait3A_959 : memref<64x128xf32, #tpu.memory_space<vmem>>)
    %dma_start3A_966 = arith.constant 1 : i32
    %dma_start3A_967 = arith.constant 0 : i32
    %dma_start3A_968 = arith.constant 0 : i32
    %dma_start3A_969 = tpu.memref_slice %arg10[%dma_start3A_966, %dma_start3A_967, %dma_start3A_968] : memref<6x64x128xf32, #tpu.memory_space<vmem>> -> memref<1x64x128xf32, #tpu.memory_space<vmem>>
    %dma_start3A_970 = tpu.memref_squeeze %dma_start3A_969 : memref<1x64x128xf32, #tpu.memory_space<vmem>> -> memref<64x128xf32, #tpu.memory_space<vmem>>
    %dma_start3A_971 = tpu.memref_slice %arg8[%multiple_of3A_949, %multiple_of3A_952] : memref<16384x640xf32, #tpu.memory_space<hbm>> -> memref<64x128xf32, #tpu.memory_space<hbm>>
    %dma_start3A_972 = tpu.memref_slice %arg8[%multiple_of3A_949, %multiple_of3A_952] : memref<16384x640xf32, #tpu.memory_space<hbm>> -> memref<64x128xf32, #tpu.memory_space<hbm>>
    %dma_start3A_973 = arith.constant 0 : i32
    %dma_start3A_974 = arith.constant 0 : i32
    %dma_start3A_975 = tpu.memref_slice %arg10[%dma_start3A_966, %dma_start3A_973, %dma_start3A_974] : memref<6x64x128xf32, #tpu.memory_space<vmem>> -> memref<1x64x128xf32, #tpu.memory_space<vmem>>
    %dma_start3A_976 = tpu.memref_squeeze %dma_start3A_975 : memref<1x64x128xf32, #tpu.memory_space<vmem>> -> memref<64x128xf32, #tpu.memory_space<vmem>>
    tpu.enqueue_dma source(%dma_start3A_976 : memref<64x128xf32, #tpu.memory_space<vmem>>) target(%dma_start3A_972 : memref<64x128xf32, #tpu.memory_space<hbm>>) target_semaphore(%arg19 : memref<!tpu.dma_semaphore, #tpu.memory_space<semaphore_mem>>)
    %dma_wait3A_977 = arith.constant 1 : i32
    %dma_wait3A_978 = arith.constant 0 : i32
    %dma_wait3A_979 = arith.constant 0 : i32
    %dma_wait3A_980 = tpu.memref_slice %arg10[%dma_wait3A_977, %dma_wait3A_978, %dma_wait3A_979] : memref<6x64x128xf32, #tpu.memory_space<vmem>> -> memref<1x64x128xf32, #tpu.memory_space<vmem>>
    %dma_wait3A_981 = tpu.memref_squeeze %dma_wait3A_980 : memref<1x64x128xf32, #tpu.memory_space<vmem>> -> memref<64x128xf32, #tpu.memory_space<vmem>>
    %dma_wait3A_982 = tpu.memref_slice %arg8[%multiple_of3A_949, %multiple_of3A_952] : memref<16384x640xf32, #tpu.memory_space<hbm>> -> memref<64x128xf32, #tpu.memory_space<hbm>>
    %dma_wait3A_983 = tpu.memref_slice %arg8[%multiple_of3A_949, %multiple_of3A_952] : memref<16384x640xf32, #tpu.memory_space<hbm>> -> memref<64x128xf32, #tpu.memory_space<hbm>>
    %dma_wait3A_984 = arith.constant 0 : i32
    %dma_wait3A_985 = arith.constant 0 : i32
    %dma_wait3A_986 = tpu.memref_slice %arg10[%dma_wait3A_977, %dma_wait3A_984, %dma_wait3A_985] : memref<6x64x128xf32, #tpu.memory_space<vmem>> -> memref<1x64x128xf32, #tpu.memory_space<vmem>>
    %dma_wait3A_987 = tpu.memref_squeeze %dma_wait3A_986 : memref<1x64x128xf32, #tpu.memory_space<vmem>> -> memref<64x128xf32, #tpu.memory_space<vmem>>
    tpu.wait_dma2 semaphore(%arg19 : memref<!tpu.dma_semaphore, #tpu.memory_space<semaphore_mem>>) src(%dma_wait3A_987 : memref<64x128xf32, #tpu.memory_space<vmem>>) dst(%dma_wait3A_983 : memref<64x128xf32, #tpu.memory_space<hbm>>)
    %dma_start3A_988 = arith.constant 0 : i32
    %dma_start3A_989 = arith.constant 19 : i32
    %dma_start3A_990 = arith.constant 1 : i32
    %dma_start3A_991 = arith.constant 0 : i32
    %dma_start3A_992 = arith.constant 0 : i32
    %dma_start3A_993 = tpu.memref_slice %arg10[%dma_start3A_990, %dma_start3A_991, %dma_start3A_992] : memref<6x64x128xf32, #tpu.memory_space<vmem>> -> memref<1x64x128xf32, #tpu.memory_space<vmem>>
    %dma_start3A_994 = tpu.memref_squeeze %dma_start3A_993 : memref<1x64x128xf32, #tpu.memory_space<vmem>> -> memref<64x128xf32, #tpu.memory_space<vmem>>
    %dma_start3A_995 = arith.constant 0 : i32
    %dma_start3A_996 = tpu.memref_slice %arg9[%dma_start3A_988, %dma_start3A_989, %dma_start3A_995] : memref<1x40x64xi32, #tpu.memory_space<vmem>> -> memref<1x1x64xi32, #tpu.memory_space<vmem>>
    %dma_start3A_997 = tpu.memref_squeeze %dma_start3A_996 : memref<1x1x64xi32, #tpu.memory_space<vmem>> -> memref<64xi32, #tpu.memory_space<vmem>>
    %dma_start3A_998 = arith.constant 0 : i32
    %dma_start3A_999 = arith.constant 0 : i32
    %dma_start3A_1000 = tpu.memref_slice %arg11[%dma_start3A_998, %dma_start3A_999] : memref<9528x128xf32, #tpu.memory_space<vmem_shared>> -> memref<9528x128xf32, #tpu.memory_space<vmem_shared>>
    tpu.enqueue_indirect_dma source(%dma_start3A_1000 : memref<9528x128xf32, #tpu.memory_space<vmem_shared>>) target(%dma_start3A_994 : memref<64x128xf32, #tpu.memory_space<vmem>>) offsets(%dma_start3A_997 : memref<64xi32, #tpu.memory_space<vmem>>) semaphore(%arg13 : memref<!tpu.dma_semaphore, #tpu.memory_space<semaphore_mem>>)
    %mul3A_1001 = arith.constant 40 : i32
    %mul3A_1002 = arith.muli %add3A, %mul3A_1001 : i32
    %add3A_1003 = arith.constant 14 : i32
    %add3A_1004 = arith.addi %mul3A_1002, %add3A_1003 : i32
    %shift_right_logical3A_1005 = arith.constant 8 : i32
    %shift_right_logical3A_1006 = arith.shrui %add3A_1004, %shift_right_logical3A_1005 : i32
    %and3A_1007 = arith.constant 255 : i32
    %and3A_1008 = arith.andi %add3A_1004, %and3A_1007 : i32
    %mul3A_1009 = arith.constant 64 : i32
    %mul3A_1010 = arith.muli %and3A_1008, %mul3A_1009 : i32
    %multiple_of3A_1011 = tpu.assume_multiple %mul3A_1010, 64 : i32
    %mul3A_1012 = arith.constant 128 : i32
    %mul3A_1013 = arith.muli %shift_right_logical3A_1006, %mul3A_1012 : i32
    %multiple_of3A_1014 = tpu.assume_multiple %mul3A_1013, 128 : i32
    %dma_wait3A_1015 = arith.constant 0 : i32
    %dma_wait3A_1016 = arith.constant 14 : i32
    %dma_wait3A_1017 = arith.constant 2 : i32
    %dma_wait3A_1018 = arith.constant 0 : i32
    %dma_wait3A_1019 = arith.constant 0 : i32
    %dma_wait3A_1020 = tpu.memref_slice %arg10[%dma_wait3A_1017, %dma_wait3A_1018, %dma_wait3A_1019] : memref<6x64x128xf32, #tpu.memory_space<vmem>> -> memref<1x64x128xf32, #tpu.memory_space<vmem>>
    %dma_wait3A_1021 = tpu.memref_squeeze %dma_wait3A_1020 : memref<1x64x128xf32, #tpu.memory_space<vmem>> -> memref<64x128xf32, #tpu.memory_space<vmem>>
    %dma_wait3A_1022 = arith.constant 0 : i32
    %dma_wait3A_1023 = tpu.memref_slice %arg9[%dma_wait3A_1015, %dma_wait3A_1016, %dma_wait3A_1022] : memref<1x40x64xi32, #tpu.memory_space<vmem>> -> memref<1x1x64xi32, #tpu.memory_space<vmem>>
    %dma_wait3A_1024 = tpu.memref_squeeze %dma_wait3A_1023 : memref<1x1x64xi32, #tpu.memory_space<vmem>> -> memref<64xi32, #tpu.memory_space<vmem>>
    %dma_wait3A_1025 = arith.constant 0 : i32
    %dma_wait3A_1026 = arith.constant 0 : i32
    %dma_wait3A_1027 = tpu.memref_slice %arg11[%dma_wait3A_1025, %dma_wait3A_1026] : memref<9528x128xf32, #tpu.memory_space<vmem_shared>> -> memref<9528x128xf32, #tpu.memory_space<vmem_shared>>
    tpu.wait_indirect_dma semaphore(%arg14 : memref<!tpu.dma_semaphore, #tpu.memory_space<semaphore_mem>>) src(%dma_wait3A_1027 : memref<9528x128xf32, #tpu.memory_space<vmem_shared>>) dst(%dma_wait3A_1021 : memref<64x128xf32, #tpu.memory_space<vmem>>)
    %dma_start3A_1028 = arith.constant 2 : i32
    %dma_start3A_1029 = arith.constant 0 : i32
    %dma_start3A_1030 = arith.constant 0 : i32
    %dma_start3A_1031 = tpu.memref_slice %arg10[%dma_start3A_1028, %dma_start3A_1029, %dma_start3A_1030] : memref<6x64x128xf32, #tpu.memory_space<vmem>> -> memref<1x64x128xf32, #tpu.memory_space<vmem>>
    %dma_start3A_1032 = tpu.memref_squeeze %dma_start3A_1031 : memref<1x64x128xf32, #tpu.memory_space<vmem>> -> memref<64x128xf32, #tpu.memory_space<vmem>>
    %dma_start3A_1033 = tpu.memref_slice %arg8[%multiple_of3A_1011, %multiple_of3A_1014] : memref<16384x640xf32, #tpu.memory_space<hbm>> -> memref<64x128xf32, #tpu.memory_space<hbm>>
    %dma_start3A_1034 = tpu.memref_slice %arg8[%multiple_of3A_1011, %multiple_of3A_1014] : memref<16384x640xf32, #tpu.memory_space<hbm>> -> memref<64x128xf32, #tpu.memory_space<hbm>>
    %dma_start3A_1035 = arith.constant 0 : i32
    %dma_start3A_1036 = arith.constant 0 : i32
    %dma_start3A_1037 = tpu.memref_slice %arg10[%dma_start3A_1028, %dma_start3A_1035, %dma_start3A_1036] : memref<6x64x128xf32, #tpu.memory_space<vmem>> -> memref<1x64x128xf32, #tpu.memory_space<vmem>>
    %dma_start3A_1038 = tpu.memref_squeeze %dma_start3A_1037 : memref<1x64x128xf32, #tpu.memory_space<vmem>> -> memref<64x128xf32, #tpu.memory_space<vmem>>
    tpu.enqueue_dma source(%dma_start3A_1038 : memref<64x128xf32, #tpu.memory_space<vmem>>) target(%dma_start3A_1034 : memref<64x128xf32, #tpu.memory_space<hbm>>) target_semaphore(%arg20 : memref<!tpu.dma_semaphore, #tpu.memory_space<semaphore_mem>>)
    %dma_wait3A_1039 = arith.constant 2 : i32
    %dma_wait3A_1040 = arith.constant 0 : i32
    %dma_wait3A_1041 = arith.constant 0 : i32
    %dma_wait3A_1042 = tpu.memref_slice %arg10[%dma_wait3A_1039, %dma_wait3A_1040, %dma_wait3A_1041] : memref<6x64x128xf32, #tpu.memory_space<vmem>> -> memref<1x64x128xf32, #tpu.memory_space<vmem>>
    %dma_wait3A_1043 = tpu.memref_squeeze %dma_wait3A_1042 : memref<1x64x128xf32, #tpu.memory_space<vmem>> -> memref<64x128xf32, #tpu.memory_space<vmem>>
    %dma_wait3A_1044 = tpu.memref_slice %arg8[%multiple_of3A_1011, %multiple_of3A_1014] : memref<16384x640xf32, #tpu.memory_space<hbm>> -> memref<64x128xf32, #tpu.memory_space<hbm>>
    %dma_wait3A_1045 = tpu.memref_slice %arg8[%multiple_of3A_1011, %multiple_of3A_1014] : memref<16384x640xf32, #tpu.memory_space<hbm>> -> memref<64x128xf32, #tpu.memory_space<hbm>>
    %dma_wait3A_1046 = arith.constant 0 : i32
    %dma_wait3A_1047 = arith.constant 0 : i32
    %dma_wait3A_1048 = tpu.memref_slice %arg10[%dma_wait3A_1039, %dma_wait3A_1046, %dma_wait3A_1047] : memref<6x64x128xf32, #tpu.memory_space<vmem>> -> memref<1x64x128xf32, #tpu.memory_space<vmem>>
    %dma_wait3A_1049 = tpu.memref_squeeze %dma_wait3A_1048 : memref<1x64x128xf32, #tpu.memory_space<vmem>> -> memref<64x128xf32, #tpu.memory_space<vmem>>
    tpu.wait_dma2 semaphore(%arg20 : memref<!tpu.dma_semaphore, #tpu.memory_space<semaphore_mem>>) src(%dma_wait3A_1049 : memref<64x128xf32, #tpu.memory_space<vmem>>) dst(%dma_wait3A_1045 : memref<64x128xf32, #tpu.memory_space<hbm>>)
    %dma_start3A_1050 = arith.constant 0 : i32
    %dma_start3A_1051 = arith.constant 20 : i32
    %dma_start3A_1052 = arith.constant 2 : i32
    %dma_start3A_1053 = arith.constant 0 : i32
    %dma_start3A_1054 = arith.constant 0 : i32
    %dma_start3A_1055 = tpu.memref_slice %arg10[%dma_start3A_1052, %dma_start3A_1053, %dma_start3A_1054] : memref<6x64x128xf32, #tpu.memory_space<vmem>> -> memref<1x64x128xf32, #tpu.memory_space<vmem>>
    %dma_start3A_1056 = tpu.memref_squeeze %dma_start3A_1055 : memref<1x64x128xf32, #tpu.memory_space<vmem>> -> memref<64x128xf32, #tpu.memory_space<vmem>>
    %dma_start3A_1057 = arith.constant 0 : i32
    %dma_start3A_1058 = tpu.memref_slice %arg9[%dma_start3A_1050, %dma_start3A_1051, %dma_start3A_1057] : memref<1x40x64xi32, #tpu.memory_space<vmem>> -> memref<1x1x64xi32, #tpu.memory_space<vmem>>
    %dma_start3A_1059 = tpu.memref_squeeze %dma_start3A_1058 : memref<1x1x64xi32, #tpu.memory_space<vmem>> -> memref<64xi32, #tpu.memory_space<vmem>>
    %dma_start3A_1060 = arith.constant 0 : i32
    %dma_start3A_1061 = arith.constant 0 : i32
    %dma_start3A_1062 = tpu.memref_slice %arg11[%dma_start3A_1060, %dma_start3A_1061] : memref<9528x128xf32, #tpu.memory_space<vmem_shared>> -> memref<9528x128xf32, #tpu.memory_space<vmem_shared>>
    tpu.enqueue_indirect_dma source(%dma_start3A_1062 : memref<9528x128xf32, #tpu.memory_space<vmem_shared>>) target(%dma_start3A_1056 : memref<64x128xf32, #tpu.memory_space<vmem>>) offsets(%dma_start3A_1059 : memref<64xi32, #tpu.memory_space<vmem>>) semaphore(%arg14 : memref<!tpu.dma_semaphore, #tpu.memory_space<semaphore_mem>>)
    %mul3A_1063 = arith.constant 40 : i32
    %mul3A_1064 = arith.muli %add3A, %mul3A_1063 : i32
    %add3A_1065 = arith.constant 15 : i32
    %add3A_1066 = arith.addi %mul3A_1064, %add3A_1065 : i32
    %shift_right_logical3A_1067 = arith.constant 8 : i32
    %shift_right_logical3A_1068 = arith.shrui %add3A_1066, %shift_right_logical3A_1067 : i32
    %and3A_1069 = arith.constant 255 : i32
    %and3A_1070 = arith.andi %add3A_1066, %and3A_1069 : i32
    %mul3A_1071 = arith.constant 64 : i32
    %mul3A_1072 = arith.muli %and3A_1070, %mul3A_1071 : i32
    %multiple_of3A_1073 = tpu.assume_multiple %mul3A_1072, 64 : i32
    %mul3A_1074 = arith.constant 128 : i32
    %mul3A_1075 = arith.muli %shift_right_logical3A_1068, %mul3A_1074 : i32
    %multiple_of3A_1076 = tpu.assume_multiple %mul3A_1075, 128 : i32
    %dma_wait3A_1077 = arith.constant 0 : i32
    %dma_wait3A_1078 = arith.constant 15 : i32
    %dma_wait3A_1079 = arith.constant 3 : i32
    %dma_wait3A_1080 = arith.constant 0 : i32
    %dma_wait3A_1081 = arith.constant 0 : i32
    %dma_wait3A_1082 = tpu.memref_slice %arg10[%dma_wait3A_1079, %dma_wait3A_1080, %dma_wait3A_1081] : memref<6x64x128xf32, #tpu.memory_space<vmem>> -> memref<1x64x128xf32, #tpu.memory_space<vmem>>
    %dma_wait3A_1083 = tpu.memref_squeeze %dma_wait3A_1082 : memref<1x64x128xf32, #tpu.memory_space<vmem>> -> memref<64x128xf32, #tpu.memory_space<vmem>>
    %dma_wait3A_1084 = arith.constant 0 : i32
    %dma_wait3A_1085 = tpu.memref_slice %arg9[%dma_wait3A_1077, %dma_wait3A_1078, %dma_wait3A_1084] : memref<1x40x64xi32, #tpu.memory_space<vmem>> -> memref<1x1x64xi32, #tpu.memory_space<vmem>>
    %dma_wait3A_1086 = tpu.memref_squeeze %dma_wait3A_1085 : memref<1x1x64xi32, #tpu.memory_space<vmem>> -> memref<64xi32, #tpu.memory_space<vmem>>
    %dma_wait3A_1087 = arith.constant 0 : i32
    %dma_wait3A_1088 = arith.constant 0 : i32
    %dma_wait3A_1089 = tpu.memref_slice %arg11[%dma_wait3A_1087, %dma_wait3A_1088] : memref<9528x128xf32, #tpu.memory_space<vmem_shared>> -> memref<9528x128xf32, #tpu.memory_space<vmem_shared>>
    tpu.wait_indirect_dma semaphore(%arg15 : memref<!tpu.dma_semaphore, #tpu.memory_space<semaphore_mem>>) src(%dma_wait3A_1089 : memref<9528x128xf32, #tpu.memory_space<vmem_shared>>) dst(%dma_wait3A_1083 : memref<64x128xf32, #tpu.memory_space<vmem>>)
    %dma_start3A_1090 = arith.constant 3 : i32
    %dma_start3A_1091 = arith.constant 0 : i32
    %dma_start3A_1092 = arith.constant 0 : i32
    %dma_start3A_1093 = tpu.memref_slice %arg10[%dma_start3A_1090, %dma_start3A_1091, %dma_start3A_1092] : memref<6x64x128xf32, #tpu.memory_space<vmem>> -> memref<1x64x128xf32, #tpu.memory_space<vmem>>
    %dma_start3A_1094 = tpu.memref_squeeze %dma_start3A_1093 : memref<1x64x128xf32, #tpu.memory_space<vmem>> -> memref<64x128xf32, #tpu.memory_space<vmem>>
    %dma_start3A_1095 = tpu.memref_slice %arg8[%multiple_of3A_1073, %multiple_of3A_1076] : memref<16384x640xf32, #tpu.memory_space<hbm>> -> memref<64x128xf32, #tpu.memory_space<hbm>>
    %dma_start3A_1096 = tpu.memref_slice %arg8[%multiple_of3A_1073, %multiple_of3A_1076] : memref<16384x640xf32, #tpu.memory_space<hbm>> -> memref<64x128xf32, #tpu.memory_space<hbm>>
    %dma_start3A_1097 = arith.constant 0 : i32
    %dma_start3A_1098 = arith.constant 0 : i32
    %dma_start3A_1099 = tpu.memref_slice %arg10[%dma_start3A_1090, %dma_start3A_1097, %dma_start3A_1098] : memref<6x64x128xf32, #tpu.memory_space<vmem>> -> memref<1x64x128xf32, #tpu.memory_space<vmem>>
    %dma_start3A_1100 = tpu.memref_squeeze %dma_start3A_1099 : memref<1x64x128xf32, #tpu.memory_space<vmem>> -> memref<64x128xf32, #tpu.memory_space<vmem>>
    tpu.enqueue_dma source(%dma_start3A_1100 : memref<64x128xf32, #tpu.memory_space<vmem>>) target(%dma_start3A_1096 : memref<64x128xf32, #tpu.memory_space<hbm>>) target_semaphore(%arg21 : memref<!tpu.dma_semaphore, #tpu.memory_space<semaphore_mem>>)
    %dma_wait3A_1101 = arith.constant 3 : i32
    %dma_wait3A_1102 = arith.constant 0 : i32
    %dma_wait3A_1103 = arith.constant 0 : i32
    %dma_wait3A_1104 = tpu.memref_slice %arg10[%dma_wait3A_1101, %dma_wait3A_1102, %dma_wait3A_1103] : memref<6x64x128xf32, #tpu.memory_space<vmem>> -> memref<1x64x128xf32, #tpu.memory_space<vmem>>
    %dma_wait3A_1105 = tpu.memref_squeeze %dma_wait3A_1104 : memref<1x64x128xf32, #tpu.memory_space<vmem>> -> memref<64x128xf32, #tpu.memory_space<vmem>>
    %dma_wait3A_1106 = tpu.memref_slice %arg8[%multiple_of3A_1073, %multiple_of3A_1076] : memref<16384x640xf32, #tpu.memory_space<hbm>> -> memref<64x128xf32, #tpu.memory_space<hbm>>
    %dma_wait3A_1107 = tpu.memref_slice %arg8[%multiple_of3A_1073, %multiple_of3A_1076] : memref<16384x640xf32, #tpu.memory_space<hbm>> -> memref<64x128xf32, #tpu.memory_space<hbm>>
    %dma_wait3A_1108 = arith.constant 0 : i32
    %dma_wait3A_1109 = arith.constant 0 : i32
    %dma_wait3A_1110 = tpu.memref_slice %arg10[%dma_wait3A_1101, %dma_wait3A_1108, %dma_wait3A_1109] : memref<6x64x128xf32, #tpu.memory_space<vmem>> -> memref<1x64x128xf32, #tpu.memory_space<vmem>>
    %dma_wait3A_1111 = tpu.memref_squeeze %dma_wait3A_1110 : memref<1x64x128xf32, #tpu.memory_space<vmem>> -> memref<64x128xf32, #tpu.memory_space<vmem>>
    tpu.wait_dma2 semaphore(%arg21 : memref<!tpu.dma_semaphore, #tpu.memory_space<semaphore_mem>>) src(%dma_wait3A_1111 : memref<64x128xf32, #tpu.memory_space<vmem>>) dst(%dma_wait3A_1107 : memref<64x128xf32, #tpu.memory_space<hbm>>)
    %dma_start3A_1112 = arith.constant 0 : i32
    %dma_start3A_1113 = arith.constant 21 : i32
    %dma_start3A_1114 = arith.constant 3 : i32
    %dma_start3A_1115 = arith.constant 0 : i32
    %dma_start3A_1116 = arith.constant 0 : i32
    %dma_start3A_1117 = tpu.memref_slice %arg10[%dma_start3A_1114, %dma_start3A_1115, %dma_start3A_1116] : memref<6x64x128xf32, #tpu.memory_space<vmem>> -> memref<1x64x128xf32, #tpu.memory_space<vmem>>
    %dma_start3A_1118 = tpu.memref_squeeze %dma_start3A_1117 : memref<1x64x128xf32, #tpu.memory_space<vmem>> -> memref<64x128xf32, #tpu.memory_space<vmem>>
    %dma_start3A_1119 = arith.constant 0 : i32
    %dma_start3A_1120 = tpu.memref_slice %arg9[%dma_start3A_1112, %dma_start3A_1113, %dma_start3A_1119] : memref<1x40x64xi32, #tpu.memory_space<vmem>> -> memref<1x1x64xi32, #tpu.memory_space<vmem>>
    %dma_start3A_1121 = tpu.memref_squeeze %dma_start3A_1120 : memref<1x1x64xi32, #tpu.memory_space<vmem>> -> memref<64xi32, #tpu.memory_space<vmem>>
    %dma_start3A_1122 = arith.constant 0 : i32
    %dma_start3A_1123 = arith.constant 0 : i32
    %dma_start3A_1124 = tpu.memref_slice %arg11[%dma_start3A_1122, %dma_start3A_1123] : memref<9528x128xf32, #tpu.memory_space<vmem_shared>> -> memref<9528x128xf32, #tpu.memory_space<vmem_shared>>
    tpu.enqueue_indirect_dma source(%dma_start3A_1124 : memref<9528x128xf32, #tpu.memory_space<vmem_shared>>) target(%dma_start3A_1118 : memref<64x128xf32, #tpu.memory_space<vmem>>) offsets(%dma_start3A_1121 : memref<64xi32, #tpu.memory_space<vmem>>) semaphore(%arg15 : memref<!tpu.dma_semaphore, #tpu.memory_space<semaphore_mem>>)
    %mul3A_1125 = arith.constant 40 : i32
    %mul3A_1126 = arith.muli %add3A, %mul3A_1125 : i32
    %add3A_1127 = arith.constant 16 : i32
    %add3A_1128 = arith.addi %mul3A_1126, %add3A_1127 : i32
    %shift_right_logical3A_1129 = arith.constant 8 : i32
    %shift_right_logical3A_1130 = arith.shrui %add3A_1128, %shift_right_logical3A_1129 : i32
    %and3A_1131 = arith.constant 255 : i32
    %and3A_1132 = arith.andi %add3A_1128, %and3A_1131 : i32
    %mul3A_1133 = arith.constant 64 : i32
    %mul3A_1134 = arith.muli %and3A_1132, %mul3A_1133 : i32
    %multiple_of3A_1135 = tpu.assume_multiple %mul3A_1134, 64 : i32
    %mul3A_1136 = arith.constant 128 : i32
    %mul3A_1137 = arith.muli %shift_right_logical3A_1130, %mul3A_1136 : i32
    %multiple_of3A_1138 = tpu.assume_multiple %mul3A_1137, 128 : i32
    %dma_wait3A_1139 = arith.constant 0 : i32
    %dma_wait3A_1140 = arith.constant 16 : i32
    %dma_wait3A_1141 = arith.constant 4 : i32
    %dma_wait3A_1142 = arith.constant 0 : i32
    %dma_wait3A_1143 = arith.constant 0 : i32
    %dma_wait3A_1144 = tpu.memref_slice %arg10[%dma_wait3A_1141, %dma_wait3A_1142, %dma_wait3A_1143] : memref<6x64x128xf32, #tpu.memory_space<vmem>> -> memref<1x64x128xf32, #tpu.memory_space<vmem>>
    %dma_wait3A_1145 = tpu.memref_squeeze %dma_wait3A_1144 : memref<1x64x128xf32, #tpu.memory_space<vmem>> -> memref<64x128xf32, #tpu.memory_space<vmem>>
    %dma_wait3A_1146 = arith.constant 0 : i32
    %dma_wait3A_1147 = tpu.memref_slice %arg9[%dma_wait3A_1139, %dma_wait3A_1140, %dma_wait3A_1146] : memref<1x40x64xi32, #tpu.memory_space<vmem>> -> memref<1x1x64xi32, #tpu.memory_space<vmem>>
    %dma_wait3A_1148 = tpu.memref_squeeze %dma_wait3A_1147 : memref<1x1x64xi32, #tpu.memory_space<vmem>> -> memref<64xi32, #tpu.memory_space<vmem>>
    %dma_wait3A_1149 = arith.constant 0 : i32
    %dma_wait3A_1150 = arith.constant 0 : i32
    %dma_wait3A_1151 = tpu.memref_slice %arg11[%dma_wait3A_1149, %dma_wait3A_1150] : memref<9528x128xf32, #tpu.memory_space<vmem_shared>> -> memref<9528x128xf32, #tpu.memory_space<vmem_shared>>
    tpu.wait_indirect_dma semaphore(%arg16 : memref<!tpu.dma_semaphore, #tpu.memory_space<semaphore_mem>>) src(%dma_wait3A_1151 : memref<9528x128xf32, #tpu.memory_space<vmem_shared>>) dst(%dma_wait3A_1145 : memref<64x128xf32, #tpu.memory_space<vmem>>)
    %dma_start3A_1152 = arith.constant 4 : i32
    %dma_start3A_1153 = arith.constant 0 : i32
    %dma_start3A_1154 = arith.constant 0 : i32
    %dma_start3A_1155 = tpu.memref_slice %arg10[%dma_start3A_1152, %dma_start3A_1153, %dma_start3A_1154] : memref<6x64x128xf32, #tpu.memory_space<vmem>> -> memref<1x64x128xf32, #tpu.memory_space<vmem>>
    %dma_start3A_1156 = tpu.memref_squeeze %dma_start3A_1155 : memref<1x64x128xf32, #tpu.memory_space<vmem>> -> memref<64x128xf32, #tpu.memory_space<vmem>>
    %dma_start3A_1157 = tpu.memref_slice %arg8[%multiple_of3A_1135, %multiple_of3A_1138] : memref<16384x640xf32, #tpu.memory_space<hbm>> -> memref<64x128xf32, #tpu.memory_space<hbm>>
    %dma_start3A_1158 = tpu.memref_slice %arg8[%multiple_of3A_1135, %multiple_of3A_1138] : memref<16384x640xf32, #tpu.memory_space<hbm>> -> memref<64x128xf32, #tpu.memory_space<hbm>>
    %dma_start3A_1159 = arith.constant 0 : i32
    %dma_start3A_1160 = arith.constant 0 : i32
    %dma_start3A_1161 = tpu.memref_slice %arg10[%dma_start3A_1152, %dma_start3A_1159, %dma_start3A_1160] : memref<6x64x128xf32, #tpu.memory_space<vmem>> -> memref<1x64x128xf32, #tpu.memory_space<vmem>>
    %dma_start3A_1162 = tpu.memref_squeeze %dma_start3A_1161 : memref<1x64x128xf32, #tpu.memory_space<vmem>> -> memref<64x128xf32, #tpu.memory_space<vmem>>
    tpu.enqueue_dma source(%dma_start3A_1162 : memref<64x128xf32, #tpu.memory_space<vmem>>) target(%dma_start3A_1158 : memref<64x128xf32, #tpu.memory_space<hbm>>) target_semaphore(%arg22 : memref<!tpu.dma_semaphore, #tpu.memory_space<semaphore_mem>>)
    %dma_wait3A_1163 = arith.constant 4 : i32
    %dma_wait3A_1164 = arith.constant 0 : i32
    %dma_wait3A_1165 = arith.constant 0 : i32
    %dma_wait3A_1166 = tpu.memref_slice %arg10[%dma_wait3A_1163, %dma_wait3A_1164, %dma_wait3A_1165] : memref<6x64x128xf32, #tpu.memory_space<vmem>> -> memref<1x64x128xf32, #tpu.memory_space<vmem>>
    %dma_wait3A_1167 = tpu.memref_squeeze %dma_wait3A_1166 : memref<1x64x128xf32, #tpu.memory_space<vmem>> -> memref<64x128xf32, #tpu.memory_space<vmem>>
    %dma_wait3A_1168 = tpu.memref_slice %arg8[%multiple_of3A_1135, %multiple_of3A_1138] : memref<16384x640xf32, #tpu.memory_space<hbm>> -> memref<64x128xf32, #tpu.memory_space<hbm>>
    %dma_wait3A_1169 = tpu.memref_slice %arg8[%multiple_of3A_1135, %multiple_of3A_1138] : memref<16384x640xf32, #tpu.memory_space<hbm>> -> memref<64x128xf32, #tpu.memory_space<hbm>>
    %dma_wait3A_1170 = arith.constant 0 : i32
    %dma_wait3A_1171 = arith.constant 0 : i32
    %dma_wait3A_1172 = tpu.memref_slice %arg10[%dma_wait3A_1163, %dma_wait3A_1170, %dma_wait3A_1171] : memref<6x64x128xf32, #tpu.memory_space<vmem>> -> memref<1x64x128xf32, #tpu.memory_space<vmem>>
    %dma_wait3A_1173 = tpu.memref_squeeze %dma_wait3A_1172 : memref<1x64x128xf32, #tpu.memory_space<vmem>> -> memref<64x128xf32, #tpu.memory_space<vmem>>
    tpu.wait_dma2 semaphore(%arg22 : memref<!tpu.dma_semaphore, #tpu.memory_space<semaphore_mem>>) src(%dma_wait3A_1173 : memref<64x128xf32, #tpu.memory_space<vmem>>) dst(%dma_wait3A_1169 : memref<64x128xf32, #tpu.memory_space<hbm>>)
    %dma_start3A_1174 = arith.constant 0 : i32
    %dma_start3A_1175 = arith.constant 22 : i32
    %dma_start3A_1176 = arith.constant 4 : i32
    %dma_start3A_1177 = arith.constant 0 : i32
    %dma_start3A_1178 = arith.constant 0 : i32
    %dma_start3A_1179 = tpu.memref_slice %arg10[%dma_start3A_1176, %dma_start3A_1177, %dma_start3A_1178] : memref<6x64x128xf32, #tpu.memory_space<vmem>> -> memref<1x64x128xf32, #tpu.memory_space<vmem>>
    %dma_start3A_1180 = tpu.memref_squeeze %dma_start3A_1179 : memref<1x64x128xf32, #tpu.memory_space<vmem>> -> memref<64x128xf32, #tpu.memory_space<vmem>>
    %dma_start3A_1181 = arith.constant 0 : i32
    %dma_start3A_1182 = tpu.memref_slice %arg9[%dma_start3A_1174, %dma_start3A_1175, %dma_start3A_1181] : memref<1x40x64xi32, #tpu.memory_space<vmem>> -> memref<1x1x64xi32, #tpu.memory_space<vmem>>
    %dma_start3A_1183 = tpu.memref_squeeze %dma_start3A_1182 : memref<1x1x64xi32, #tpu.memory_space<vmem>> -> memref<64xi32, #tpu.memory_space<vmem>>
    %dma_start3A_1184 = arith.constant 0 : i32
    %dma_start3A_1185 = arith.constant 0 : i32
    %dma_start3A_1186 = tpu.memref_slice %arg11[%dma_start3A_1184, %dma_start3A_1185] : memref<9528x128xf32, #tpu.memory_space<vmem_shared>> -> memref<9528x128xf32, #tpu.memory_space<vmem_shared>>
    tpu.enqueue_indirect_dma source(%dma_start3A_1186 : memref<9528x128xf32, #tpu.memory_space<vmem_shared>>) target(%dma_start3A_1180 : memref<64x128xf32, #tpu.memory_space<vmem>>) offsets(%dma_start3A_1183 : memref<64xi32, #tpu.memory_space<vmem>>) semaphore(%arg16 : memref<!tpu.dma_semaphore, #tpu.memory_space<semaphore_mem>>)
    %mul3A_1187 = arith.constant 40 : i32
    %mul3A_1188 = arith.muli %add3A, %mul3A_1187 : i32
    %add3A_1189 = arith.constant 17 : i32
    %add3A_1190 = arith.addi %mul3A_1188, %add3A_1189 : i32
    %shift_right_logical3A_1191 = arith.constant 8 : i32
    %shift_right_logical3A_1192 = arith.shrui %add3A_1190, %shift_right_logical3A_1191 : i32
    %and3A_1193 = arith.constant 255 : i32
    %and3A_1194 = arith.andi %add3A_1190, %and3A_1193 : i32
    %mul3A_1195 = arith.constant 64 : i32
    %mul3A_1196 = arith.muli %and3A_1194, %mul3A_1195 : i32
    %multiple_of3A_1197 = tpu.assume_multiple %mul3A_1196, 64 : i32
    %mul3A_1198 = arith.constant 128 : i32
    %mul3A_1199 = arith.muli %shift_right_logical3A_1192, %mul3A_1198 : i32
    %multiple_of3A_1200 = tpu.assume_multiple %mul3A_1199, 128 : i32
    %dma_wait3A_1201 = arith.constant 0 : i32
    %dma_wait3A_1202 = arith.constant 17 : i32
    %dma_wait3A_1203 = arith.constant 5 : i32
    %dma_wait3A_1204 = arith.constant 0 : i32
    %dma_wait3A_1205 = arith.constant 0 : i32
    %dma_wait3A_1206 = tpu.memref_slice %arg10[%dma_wait3A_1203, %dma_wait3A_1204, %dma_wait3A_1205] : memref<6x64x128xf32, #tpu.memory_space<vmem>> -> memref<1x64x128xf32, #tpu.memory_space<vmem>>
    %dma_wait3A_1207 = tpu.memref_squeeze %dma_wait3A_1206 : memref<1x64x128xf32, #tpu.memory_space<vmem>> -> memref<64x128xf32, #tpu.memory_space<vmem>>
    %dma_wait3A_1208 = arith.constant 0 : i32
    %dma_wait3A_1209 = tpu.memref_slice %arg9[%dma_wait3A_1201, %dma_wait3A_1202, %dma_wait3A_1208] : memref<1x40x64xi32, #tpu.memory_space<vmem>> -> memref<1x1x64xi32, #tpu.memory_space<vmem>>
    %dma_wait3A_1210 = tpu.memref_squeeze %dma_wait3A_1209 : memref<1x1x64xi32, #tpu.memory_space<vmem>> -> memref<64xi32, #tpu.memory_space<vmem>>
    %dma_wait3A_1211 = arith.constant 0 : i32
    %dma_wait3A_1212 = arith.constant 0 : i32
    %dma_wait3A_1213 = tpu.memref_slice %arg11[%dma_wait3A_1211, %dma_wait3A_1212] : memref<9528x128xf32, #tpu.memory_space<vmem_shared>> -> memref<9528x128xf32, #tpu.memory_space<vmem_shared>>
    tpu.wait_indirect_dma semaphore(%arg17 : memref<!tpu.dma_semaphore, #tpu.memory_space<semaphore_mem>>) src(%dma_wait3A_1213 : memref<9528x128xf32, #tpu.memory_space<vmem_shared>>) dst(%dma_wait3A_1207 : memref<64x128xf32, #tpu.memory_space<vmem>>)
    %dma_start3A_1214 = arith.constant 5 : i32
    %dma_start3A_1215 = arith.constant 0 : i32
    %dma_start3A_1216 = arith.constant 0 : i32
    %dma_start3A_1217 = tpu.memref_slice %arg10[%dma_start3A_1214, %dma_start3A_1215, %dma_start3A_1216] : memref<6x64x128xf32, #tpu.memory_space<vmem>> -> memref<1x64x128xf32, #tpu.memory_space<vmem>>
    %dma_start3A_1218 = tpu.memref_squeeze %dma_start3A_1217 : memref<1x64x128xf32, #tpu.memory_space<vmem>> -> memref<64x128xf32, #tpu.memory_space<vmem>>
    %dma_start3A_1219 = tpu.memref_slice %arg8[%multiple_of3A_1197, %multiple_of3A_1200] : memref<16384x640xf32, #tpu.memory_space<hbm>> -> memref<64x128xf32, #tpu.memory_space<hbm>>
    %dma_start3A_1220 = tpu.memref_slice %arg8[%multiple_of3A_1197, %multiple_of3A_1200] : memref<16384x640xf32, #tpu.memory_space<hbm>> -> memref<64x128xf32, #tpu.memory_space<hbm>>
    %dma_start3A_1221 = arith.constant 0 : i32
    %dma_start3A_1222 = arith.constant 0 : i32
    %dma_start3A_1223 = tpu.memref_slice %arg10[%dma_start3A_1214, %dma_start3A_1221, %dma_start3A_1222] : memref<6x64x128xf32, #tpu.memory_space<vmem>> -> memref<1x64x128xf32, #tpu.memory_space<vmem>>
    %dma_start3A_1224 = tpu.memref_squeeze %dma_start3A_1223 : memref<1x64x128xf32, #tpu.memory_space<vmem>> -> memref<64x128xf32, #tpu.memory_space<vmem>>
    tpu.enqueue_dma source(%dma_start3A_1224 : memref<64x128xf32, #tpu.memory_space<vmem>>) target(%dma_start3A_1220 : memref<64x128xf32, #tpu.memory_space<hbm>>) target_semaphore(%arg23 : memref<!tpu.dma_semaphore, #tpu.memory_space<semaphore_mem>>)
    %dma_wait3A_1225 = arith.constant 5 : i32
    %dma_wait3A_1226 = arith.constant 0 : i32
    %dma_wait3A_1227 = arith.constant 0 : i32
    %dma_wait3A_1228 = tpu.memref_slice %arg10[%dma_wait3A_1225, %dma_wait3A_1226, %dma_wait3A_1227] : memref<6x64x128xf32, #tpu.memory_space<vmem>> -> memref<1x64x128xf32, #tpu.memory_space<vmem>>
    %dma_wait3A_1229 = tpu.memref_squeeze %dma_wait3A_1228 : memref<1x64x128xf32, #tpu.memory_space<vmem>> -> memref<64x128xf32, #tpu.memory_space<vmem>>
    %dma_wait3A_1230 = tpu.memref_slice %arg8[%multiple_of3A_1197, %multiple_of3A_1200] : memref<16384x640xf32, #tpu.memory_space<hbm>> -> memref<64x128xf32, #tpu.memory_space<hbm>>
    %dma_wait3A_1231 = tpu.memref_slice %arg8[%multiple_of3A_1197, %multiple_of3A_1200] : memref<16384x640xf32, #tpu.memory_space<hbm>> -> memref<64x128xf32, #tpu.memory_space<hbm>>
    %dma_wait3A_1232 = arith.constant 0 : i32
    %dma_wait3A_1233 = arith.constant 0 : i32
    %dma_wait3A_1234 = tpu.memref_slice %arg10[%dma_wait3A_1225, %dma_wait3A_1232, %dma_wait3A_1233] : memref<6x64x128xf32, #tpu.memory_space<vmem>> -> memref<1x64x128xf32, #tpu.memory_space<vmem>>
    %dma_wait3A_1235 = tpu.memref_squeeze %dma_wait3A_1234 : memref<1x64x128xf32, #tpu.memory_space<vmem>> -> memref<64x128xf32, #tpu.memory_space<vmem>>
    tpu.wait_dma2 semaphore(%arg23 : memref<!tpu.dma_semaphore, #tpu.memory_space<semaphore_mem>>) src(%dma_wait3A_1235 : memref<64x128xf32, #tpu.memory_space<vmem>>) dst(%dma_wait3A_1231 : memref<64x128xf32, #tpu.memory_space<hbm>>)
    %dma_start3A_1236 = arith.constant 0 : i32
    %dma_start3A_1237 = arith.constant 23 : i32
    %dma_start3A_1238 = arith.constant 5 : i32
    %dma_start3A_1239 = arith.constant 0 : i32
    %dma_start3A_1240 = arith.constant 0 : i32
    %dma_start3A_1241 = tpu.memref_slice %arg10[%dma_start3A_1238, %dma_start3A_1239, %dma_start3A_1240] : memref<6x64x128xf32, #tpu.memory_space<vmem>> -> memref<1x64x128xf32, #tpu.memory_space<vmem>>
    %dma_start3A_1242 = tpu.memref_squeeze %dma_start3A_1241 : memref<1x64x128xf32, #tpu.memory_space<vmem>> -> memref<64x128xf32, #tpu.memory_space<vmem>>
    %dma_start3A_1243 = arith.constant 0 : i32
    %dma_start3A_1244 = tpu.memref_slice %arg9[%dma_start3A_1236, %dma_start3A_1237, %dma_start3A_1243] : memref<1x40x64xi32, #tpu.memory_space<vmem>> -> memref<1x1x64xi32, #tpu.memory_space<vmem>>
    %dma_start3A_1245 = tpu.memref_squeeze %dma_start3A_1244 : memref<1x1x64xi32, #tpu.memory_space<vmem>> -> memref<64xi32, #tpu.memory_space<vmem>>
    %dma_start3A_1246 = arith.constant 0 : i32
    %dma_start3A_1247 = arith.constant 0 : i32
    %dma_start3A_1248 = tpu.memref_slice %arg11[%dma_start3A_1246, %dma_start3A_1247] : memref<9528x128xf32, #tpu.memory_space<vmem_shared>> -> memref<9528x128xf32, #tpu.memory_space<vmem_shared>>
    tpu.enqueue_indirect_dma source(%dma_start3A_1248 : memref<9528x128xf32, #tpu.memory_space<vmem_shared>>) target(%dma_start3A_1242 : memref<64x128xf32, #tpu.memory_space<vmem>>) offsets(%dma_start3A_1245 : memref<64xi32, #tpu.memory_space<vmem>>) semaphore(%arg17 : memref<!tpu.dma_semaphore, #tpu.memory_space<semaphore_mem>>)
    %mul3A_1249 = arith.constant 40 : i32
    %mul3A_1250 = arith.muli %add3A, %mul3A_1249 : i32
    %add3A_1251 = arith.constant 18 : i32
    %add3A_1252 = arith.addi %mul3A_1250, %add3A_1251 : i32
    %shift_right_logical3A_1253 = arith.constant 8 : i32
    %shift_right_logical3A_1254 = arith.shrui %add3A_1252, %shift_right_logical3A_1253 : i32
    %and3A_1255 = arith.constant 255 : i32
    %and3A_1256 = arith.andi %add3A_1252, %and3A_1255 : i32
    %mul3A_1257 = arith.constant 64 : i32
    %mul3A_1258 = arith.muli %and3A_1256, %mul3A_1257 : i32
    %multiple_of3A_1259 = tpu.assume_multiple %mul3A_1258, 64 : i32
    %mul3A_1260 = arith.constant 128 : i32
    %mul3A_1261 = arith.muli %shift_right_logical3A_1254, %mul3A_1260 : i32
    %multiple_of3A_1262 = tpu.assume_multiple %mul3A_1261, 128 : i32
    %dma_wait3A_1263 = arith.constant 0 : i32
    %dma_wait3A_1264 = arith.constant 18 : i32
    %dma_wait3A_1265 = arith.constant 0 : i32
    %dma_wait3A_1266 = arith.constant 0 : i32
    %dma_wait3A_1267 = arith.constant 0 : i32
    %dma_wait3A_1268 = tpu.memref_slice %arg10[%dma_wait3A_1265, %dma_wait3A_1266, %dma_wait3A_1267] : memref<6x64x128xf32, #tpu.memory_space<vmem>> -> memref<1x64x128xf32, #tpu.memory_space<vmem>>
    %dma_wait3A_1269 = tpu.memref_squeeze %dma_wait3A_1268 : memref<1x64x128xf32, #tpu.memory_space<vmem>> -> memref<64x128xf32, #tpu.memory_space<vmem>>
    %dma_wait3A_1270 = arith.constant 0 : i32
    %dma_wait3A_1271 = tpu.memref_slice %arg9[%dma_wait3A_1263, %dma_wait3A_1264, %dma_wait3A_1270] : memref<1x40x64xi32, #tpu.memory_space<vmem>> -> memref<1x1x64xi32, #tpu.memory_space<vmem>>
    %dma_wait3A_1272 = tpu.memref_squeeze %dma_wait3A_1271 : memref<1x1x64xi32, #tpu.memory_space<vmem>> -> memref<64xi32, #tpu.memory_space<vmem>>
    %dma_wait3A_1273 = arith.constant 0 : i32
    %dma_wait3A_1274 = arith.constant 0 : i32
    %dma_wait3A_1275 = tpu.memref_slice %arg11[%dma_wait3A_1273, %dma_wait3A_1274] : memref<9528x128xf32, #tpu.memory_space<vmem_shared>> -> memref<9528x128xf32, #tpu.memory_space<vmem_shared>>
    tpu.wait_indirect_dma semaphore(%arg12 : memref<!tpu.dma_semaphore, #tpu.memory_space<semaphore_mem>>) src(%dma_wait3A_1275 : memref<9528x128xf32, #tpu.memory_space<vmem_shared>>) dst(%dma_wait3A_1269 : memref<64x128xf32, #tpu.memory_space<vmem>>)
    %dma_start3A_1276 = arith.constant 0 : i32
    %dma_start3A_1277 = arith.constant 0 : i32
    %dma_start3A_1278 = arith.constant 0 : i32
    %dma_start3A_1279 = tpu.memref_slice %arg10[%dma_start3A_1276, %dma_start3A_1277, %dma_start3A_1278] : memref<6x64x128xf32, #tpu.memory_space<vmem>> -> memref<1x64x128xf32, #tpu.memory_space<vmem>>
    %dma_start3A_1280 = tpu.memref_squeeze %dma_start3A_1279 : memref<1x64x128xf32, #tpu.memory_space<vmem>> -> memref<64x128xf32, #tpu.memory_space<vmem>>
    %dma_start3A_1281 = tpu.memref_slice %arg8[%multiple_of3A_1259, %multiple_of3A_1262] : memref<16384x640xf32, #tpu.memory_space<hbm>> -> memref<64x128xf32, #tpu.memory_space<hbm>>
    %dma_start3A_1282 = tpu.memref_slice %arg8[%multiple_of3A_1259, %multiple_of3A_1262] : memref<16384x640xf32, #tpu.memory_space<hbm>> -> memref<64x128xf32, #tpu.memory_space<hbm>>
    %dma_start3A_1283 = arith.constant 0 : i32
    %dma_start3A_1284 = arith.constant 0 : i32
    %dma_start3A_1285 = tpu.memref_slice %arg10[%dma_start3A_1276, %dma_start3A_1283, %dma_start3A_1284] : memref<6x64x128xf32, #tpu.memory_space<vmem>> -> memref<1x64x128xf32, #tpu.memory_space<vmem>>
    %dma_start3A_1286 = tpu.memref_squeeze %dma_start3A_1285 : memref<1x64x128xf32, #tpu.memory_space<vmem>> -> memref<64x128xf32, #tpu.memory_space<vmem>>
    tpu.enqueue_dma source(%dma_start3A_1286 : memref<64x128xf32, #tpu.memory_space<vmem>>) target(%dma_start3A_1282 : memref<64x128xf32, #tpu.memory_space<hbm>>) target_semaphore(%arg18 : memref<!tpu.dma_semaphore, #tpu.memory_space<semaphore_mem>>)
    %dma_wait3A_1287 = arith.constant 0 : i32
    %dma_wait3A_1288 = arith.constant 0 : i32
    %dma_wait3A_1289 = arith.constant 0 : i32
    %dma_wait3A_1290 = tpu.memref_slice %arg10[%dma_wait3A_1287, %dma_wait3A_1288, %dma_wait3A_1289] : memref<6x64x128xf32, #tpu.memory_space<vmem>> -> memref<1x64x128xf32, #tpu.memory_space<vmem>>
    %dma_wait3A_1291 = tpu.memref_squeeze %dma_wait3A_1290 : memref<1x64x128xf32, #tpu.memory_space<vmem>> -> memref<64x128xf32, #tpu.memory_space<vmem>>
    %dma_wait3A_1292 = tpu.memref_slice %arg8[%multiple_of3A_1259, %multiple_of3A_1262] : memref<16384x640xf32, #tpu.memory_space<hbm>> -> memref<64x128xf32, #tpu.memory_space<hbm>>
    %dma_wait3A_1293 = tpu.memref_slice %arg8[%multiple_of3A_1259, %multiple_of3A_1262] : memref<16384x640xf32, #tpu.memory_space<hbm>> -> memref<64x128xf32, #tpu.memory_space<hbm>>
    %dma_wait3A_1294 = arith.constant 0 : i32
    %dma_wait3A_1295 = arith.constant 0 : i32
    %dma_wait3A_1296 = tpu.memref_slice %arg10[%dma_wait3A_1287, %dma_wait3A_1294, %dma_wait3A_1295] : memref<6x64x128xf32, #tpu.memory_space<vmem>> -> memref<1x64x128xf32, #tpu.memory_space<vmem>>
    %dma_wait3A_1297 = tpu.memref_squeeze %dma_wait3A_1296 : memref<1x64x128xf32, #tpu.memory_space<vmem>> -> memref<64x128xf32, #tpu.memory_space<vmem>>
    tpu.wait_dma2 semaphore(%arg18 : memref<!tpu.dma_semaphore, #tpu.memory_space<semaphore_mem>>) src(%dma_wait3A_1297 : memref<64x128xf32, #tpu.memory_space<vmem>>) dst(%dma_wait3A_1293 : memref<64x128xf32, #tpu.memory_space<hbm>>)
    %dma_start3A_1298 = arith.constant 0 : i32
    %dma_start3A_1299 = arith.constant 24 : i32
    %dma_start3A_1300 = arith.constant 0 : i32
    %dma_start3A_1301 = arith.constant 0 : i32
    %dma_start3A_1302 = arith.constant 0 : i32
    %dma_start3A_1303 = tpu.memref_slice %arg10[%dma_start3A_1300, %dma_start3A_1301, %dma_start3A_1302] : memref<6x64x128xf32, #tpu.memory_space<vmem>> -> memref<1x64x128xf32, #tpu.memory_space<vmem>>
    %dma_start3A_1304 = tpu.memref_squeeze %dma_start3A_1303 : memref<1x64x128xf32, #tpu.memory_space<vmem>> -> memref<64x128xf32, #tpu.memory_space<vmem>>
    %dma_start3A_1305 = arith.constant 0 : i32
    %dma_start3A_1306 = tpu.memref_slice %arg9[%dma_start3A_1298, %dma_start3A_1299, %dma_start3A_1305] : memref<1x40x64xi32, #tpu.memory_space<vmem>> -> memref<1x1x64xi32, #tpu.memory_space<vmem>>
    %dma_start3A_1307 = tpu.memref_squeeze %dma_start3A_1306 : memref<1x1x64xi32, #tpu.memory_space<vmem>> -> memref<64xi32, #tpu.memory_space<vmem>>
    %dma_start3A_1308 = arith.constant 0 : i32
    %dma_start3A_1309 = arith.constant 0 : i32
    %dma_start3A_1310 = tpu.memref_slice %arg11[%dma_start3A_1308, %dma_start3A_1309] : memref<9528x128xf32, #tpu.memory_space<vmem_shared>> -> memref<9528x128xf32, #tpu.memory_space<vmem_shared>>
    tpu.enqueue_indirect_dma source(%dma_start3A_1310 : memref<9528x128xf32, #tpu.memory_space<vmem_shared>>) target(%dma_start3A_1304 : memref<64x128xf32, #tpu.memory_space<vmem>>) offsets(%dma_start3A_1307 : memref<64xi32, #tpu.memory_space<vmem>>) semaphore(%arg12 : memref<!tpu.dma_semaphore, #tpu.memory_space<semaphore_mem>>)
    %mul3A_1311 = arith.constant 40 : i32
    %mul3A_1312 = arith.muli %add3A, %mul3A_1311 : i32
    %add3A_1313 = arith.constant 19 : i32
    %add3A_1314 = arith.addi %mul3A_1312, %add3A_1313 : i32
    %shift_right_logical3A_1315 = arith.constant 8 : i32
    %shift_right_logical3A_1316 = arith.shrui %add3A_1314, %shift_right_logical3A_1315 : i32
    %and3A_1317 = arith.constant 255 : i32
    %and3A_1318 = arith.andi %add3A_1314, %and3A_1317 : i32
    %mul3A_1319 = arith.constant 64 : i32
    %mul3A_1320 = arith.muli %and3A_1318, %mul3A_1319 : i32
    %multiple_of3A_1321 = tpu.assume_multiple %mul3A_1320, 64 : i32
    %mul3A_1322 = arith.constant 128 : i32
    %mul3A_1323 = arith.muli %shift_right_logical3A_1316, %mul3A_1322 : i32
    %multiple_of3A_1324 = tpu.assume_multiple %mul3A_1323, 128 : i32
    %dma_wait3A_1325 = arith.constant 0 : i32
    %dma_wait3A_1326 = arith.constant 19 : i32
    %dma_wait3A_1327 = arith.constant 1 : i32
    %dma_wait3A_1328 = arith.constant 0 : i32
    %dma_wait3A_1329 = arith.constant 0 : i32
    %dma_wait3A_1330 = tpu.memref_slice %arg10[%dma_wait3A_1327, %dma_wait3A_1328, %dma_wait3A_1329] : memref<6x64x128xf32, #tpu.memory_space<vmem>> -> memref<1x64x128xf32, #tpu.memory_space<vmem>>
    %dma_wait3A_1331 = tpu.memref_squeeze %dma_wait3A_1330 : memref<1x64x128xf32, #tpu.memory_space<vmem>> -> memref<64x128xf32, #tpu.memory_space<vmem>>
    %dma_wait3A_1332 = arith.constant 0 : i32
    %dma_wait3A_1333 = tpu.memref_slice %arg9[%dma_wait3A_1325, %dma_wait3A_1326, %dma_wait3A_1332] : memref<1x40x64xi32, #tpu.memory_space<vmem>> -> memref<1x1x64xi32, #tpu.memory_space<vmem>>
    %dma_wait3A_1334 = tpu.memref_squeeze %dma_wait3A_1333 : memref<1x1x64xi32, #tpu.memory_space<vmem>> -> memref<64xi32, #tpu.memory_space<vmem>>
    %dma_wait3A_1335 = arith.constant 0 : i32
    %dma_wait3A_1336 = arith.constant 0 : i32
    %dma_wait3A_1337 = tpu.memref_slice %arg11[%dma_wait3A_1335, %dma_wait3A_1336] : memref<9528x128xf32, #tpu.memory_space<vmem_shared>> -> memref<9528x128xf32, #tpu.memory_space<vmem_shared>>
    tpu.wait_indirect_dma semaphore(%arg13 : memref<!tpu.dma_semaphore, #tpu.memory_space<semaphore_mem>>) src(%dma_wait3A_1337 : memref<9528x128xf32, #tpu.memory_space<vmem_shared>>) dst(%dma_wait3A_1331 : memref<64x128xf32, #tpu.memory_space<vmem>>)
    %dma_start3A_1338 = arith.constant 1 : i32
    %dma_start3A_1339 = arith.constant 0 : i32
    %dma_start3A_1340 = arith.constant 0 : i32
    %dma_start3A_1341 = tpu.memref_slice %arg10[%dma_start3A_1338, %dma_start3A_1339, %dma_start3A_1340] : memref<6x64x128xf32, #tpu.memory_space<vmem>> -> memref<1x64x128xf32, #tpu.memory_space<vmem>>
    %dma_start3A_1342 = tpu.memref_squeeze %dma_start3A_1341 : memref<1x64x128xf32, #tpu.memory_space<vmem>> -> memref<64x128xf32, #tpu.memory_space<vmem>>
    %dma_start3A_1343 = tpu.memref_slice %arg8[%multiple_of3A_1321, %multiple_of3A_1324] : memref<16384x640xf32, #tpu.memory_space<hbm>> -> memref<64x128xf32, #tpu.memory_space<hbm>>
    %dma_start3A_1344 = tpu.memref_slice %arg8[%multiple_of3A_1321, %multiple_of3A_1324] : memref<16384x640xf32, #tpu.memory_space<hbm>> -> memref<64x128xf32, #tpu.memory_space<hbm>>
    %dma_start3A_1345 = arith.constant 0 : i32
    %dma_start3A_1346 = arith.constant 0 : i32
    %dma_start3A_1347 = tpu.memref_slice %arg10[%dma_start3A_1338, %dma_start3A_1345, %dma_start3A_1346] : memref<6x64x128xf32, #tpu.memory_space<vmem>> -> memref<1x64x128xf32, #tpu.memory_space<vmem>>
    %dma_start3A_1348 = tpu.memref_squeeze %dma_start3A_1347 : memref<1x64x128xf32, #tpu.memory_space<vmem>> -> memref<64x128xf32, #tpu.memory_space<vmem>>
    tpu.enqueue_dma source(%dma_start3A_1348 : memref<64x128xf32, #tpu.memory_space<vmem>>) target(%dma_start3A_1344 : memref<64x128xf32, #tpu.memory_space<hbm>>) target_semaphore(%arg19 : memref<!tpu.dma_semaphore, #tpu.memory_space<semaphore_mem>>)
    %dma_wait3A_1349 = arith.constant 1 : i32
    %dma_wait3A_1350 = arith.constant 0 : i32
    %dma_wait3A_1351 = arith.constant 0 : i32
    %dma_wait3A_1352 = tpu.memref_slice %arg10[%dma_wait3A_1349, %dma_wait3A_1350, %dma_wait3A_1351] : memref<6x64x128xf32, #tpu.memory_space<vmem>> -> memref<1x64x128xf32, #tpu.memory_space<vmem>>
    %dma_wait3A_1353 = tpu.memref_squeeze %dma_wait3A_1352 : memref<1x64x128xf32, #tpu.memory_space<vmem>> -> memref<64x128xf32, #tpu.memory_space<vmem>>
    %dma_wait3A_1354 = tpu.memref_slice %arg8[%multiple_of3A_1321, %multiple_of3A_1324] : memref<16384x640xf32, #tpu.memory_space<hbm>> -> memref<64x128xf32, #tpu.memory_space<hbm>>
    %dma_wait3A_1355 = tpu.memref_slice %arg8[%multiple_of3A_1321, %multiple_of3A_1324] : memref<16384x640xf32, #tpu.memory_space<hbm>> -> memref<64x128xf32, #tpu.memory_space<hbm>>
    %dma_wait3A_1356 = arith.constant 0 : i32
    %dma_wait3A_1357 = arith.constant 0 : i32
    %dma_wait3A_1358 = tpu.memref_slice %arg10[%dma_wait3A_1349, %dma_wait3A_1356, %dma_wait3A_1357] : memref<6x64x128xf32, #tpu.memory_space<vmem>> -> memref<1x64x128xf32, #tpu.memory_space<vmem>>
    %dma_wait3A_1359 = tpu.memref_squeeze %dma_wait3A_1358 : memref<1x64x128xf32, #tpu.memory_space<vmem>> -> memref<64x128xf32, #tpu.memory_space<vmem>>
    tpu.wait_dma2 semaphore(%arg19 : memref<!tpu.dma_semaphore, #tpu.memory_space<semaphore_mem>>) src(%dma_wait3A_1359 : memref<64x128xf32, #tpu.memory_space<vmem>>) dst(%dma_wait3A_1355 : memref<64x128xf32, #tpu.memory_space<hbm>>)
    %dma_start3A_1360 = arith.constant 0 : i32
    %dma_start3A_1361 = arith.constant 25 : i32
    %dma_start3A_1362 = arith.constant 1 : i32
    %dma_start3A_1363 = arith.constant 0 : i32
    %dma_start3A_1364 = arith.constant 0 : i32
    %dma_start3A_1365 = tpu.memref_slice %arg10[%dma_start3A_1362, %dma_start3A_1363, %dma_start3A_1364] : memref<6x64x128xf32, #tpu.memory_space<vmem>> -> memref<1x64x128xf32, #tpu.memory_space<vmem>>
    %dma_start3A_1366 = tpu.memref_squeeze %dma_start3A_1365 : memref<1x64x128xf32, #tpu.memory_space<vmem>> -> memref<64x128xf32, #tpu.memory_space<vmem>>
    %dma_start3A_1367 = arith.constant 0 : i32
    %dma_start3A_1368 = tpu.memref_slice %arg9[%dma_start3A_1360, %dma_start3A_1361, %dma_start3A_1367] : memref<1x40x64xi32, #tpu.memory_space<vmem>> -> memref<1x1x64xi32, #tpu.memory_space<vmem>>
    %dma_start3A_1369 = tpu.memref_squeeze %dma_start3A_1368 : memref<1x1x64xi32, #tpu.memory_space<vmem>> -> memref<64xi32, #tpu.memory_space<vmem>>
    %dma_start3A_1370 = arith.constant 0 : i32
    %dma_start3A_1371 = arith.constant 0 : i32
    %dma_start3A_1372 = tpu.memref_slice %arg11[%dma_start3A_1370, %dma_start3A_1371] : memref<9528x128xf32, #tpu.memory_space<vmem_shared>> -> memref<9528x128xf32, #tpu.memory_space<vmem_shared>>
    tpu.enqueue_indirect_dma source(%dma_start3A_1372 : memref<9528x128xf32, #tpu.memory_space<vmem_shared>>) target(%dma_start3A_1366 : memref<64x128xf32, #tpu.memory_space<vmem>>) offsets(%dma_start3A_1369 : memref<64xi32, #tpu.memory_space<vmem>>) semaphore(%arg13 : memref<!tpu.dma_semaphore, #tpu.memory_space<semaphore_mem>>)
    %mul3A_1373 = arith.constant 40 : i32
    %mul3A_1374 = arith.muli %add3A, %mul3A_1373 : i32
    %add3A_1375 = arith.constant 20 : i32
    %add3A_1376 = arith.addi %mul3A_1374, %add3A_1375 : i32
    %shift_right_logical3A_1377 = arith.constant 8 : i32
    %shift_right_logical3A_1378 = arith.shrui %add3A_1376, %shift_right_logical3A_1377 : i32
    %and3A_1379 = arith.constant 255 : i32
    %and3A_1380 = arith.andi %add3A_1376, %and3A_1379 : i32
    %mul3A_1381 = arith.constant 64 : i32
    %mul3A_1382 = arith.muli %and3A_1380, %mul3A_1381 : i32
    %multiple_of3A_1383 = tpu.assume_multiple %mul3A_1382, 64 : i32
    %mul3A_1384 = arith.constant 128 : i32
    %mul3A_1385 = arith.muli %shift_right_logical3A_1378, %mul3A_1384 : i32
    %multiple_of3A_1386 = tpu.assume_multiple %mul3A_1385, 128 : i32
    %dma_wait3A_1387 = arith.constant 0 : i32
    %dma_wait3A_1388 = arith.constant 20 : i32
    %dma_wait3A_1389 = arith.constant 2 : i32
    %dma_wait3A_1390 = arith.constant 0 : i32
    %dma_wait3A_1391 = arith.constant 0 : i32
    %dma_wait3A_1392 = tpu.memref_slice %arg10[%dma_wait3A_1389, %dma_wait3A_1390, %dma_wait3A_1391] : memref<6x64x128xf32, #tpu.memory_space<vmem>> -> memref<1x64x128xf32, #tpu.memory_space<vmem>>
    %dma_wait3A_1393 = tpu.memref_squeeze %dma_wait3A_1392 : memref<1x64x128xf32, #tpu.memory_space<vmem>> -> memref<64x128xf32, #tpu.memory_space<vmem>>
    %dma_wait3A_1394 = arith.constant 0 : i32
    %dma_wait3A_1395 = tpu.memref_slice %arg9[%dma_wait3A_1387, %dma_wait3A_1388, %dma_wait3A_1394] : memref<1x40x64xi32, #tpu.memory_space<vmem>> -> memref<1x1x64xi32, #tpu.memory_space<vmem>>
    %dma_wait3A_1396 = tpu.memref_squeeze %dma_wait3A_1395 : memref<1x1x64xi32, #tpu.memory_space<vmem>> -> memref<64xi32, #tpu.memory_space<vmem>>
    %dma_wait3A_1397 = arith.constant 0 : i32
    %dma_wait3A_1398 = arith.constant 0 : i32
    %dma_wait3A_1399 = tpu.memref_slice %arg11[%dma_wait3A_1397, %dma_wait3A_1398] : memref<9528x128xf32, #tpu.memory_space<vmem_shared>> -> memref<9528x128xf32, #tpu.memory_space<vmem_shared>>
    tpu.wait_indirect_dma semaphore(%arg14 : memref<!tpu.dma_semaphore, #tpu.memory_space<semaphore_mem>>) src(%dma_wait3A_1399 : memref<9528x128xf32, #tpu.memory_space<vmem_shared>>) dst(%dma_wait3A_1393 : memref<64x128xf32, #tpu.memory_space<vmem>>)
    %dma_start3A_1400 = arith.constant 2 : i32
    %dma_start3A_1401 = arith.constant 0 : i32
    %dma_start3A_1402 = arith.constant 0 : i32
    %dma_start3A_1403 = tpu.memref_slice %arg10[%dma_start3A_1400, %dma_start3A_1401, %dma_start3A_1402] : memref<6x64x128xf32, #tpu.memory_space<vmem>> -> memref<1x64x128xf32, #tpu.memory_space<vmem>>
    %dma_start3A_1404 = tpu.memref_squeeze %dma_start3A_1403 : memref<1x64x128xf32, #tpu.memory_space<vmem>> -> memref<64x128xf32, #tpu.memory_space<vmem>>
    %dma_start3A_1405 = tpu.memref_slice %arg8[%multiple_of3A_1383, %multiple_of3A_1386] : memref<16384x640xf32, #tpu.memory_space<hbm>> -> memref<64x128xf32, #tpu.memory_space<hbm>>
    %dma_start3A_1406 = tpu.memref_slice %arg8[%multiple_of3A_1383, %multiple_of3A_1386] : memref<16384x640xf32, #tpu.memory_space<hbm>> -> memref<64x128xf32, #tpu.memory_space<hbm>>
    %dma_start3A_1407 = arith.constant 0 : i32
    %dma_start3A_1408 = arith.constant 0 : i32
    %dma_start3A_1409 = tpu.memref_slice %arg10[%dma_start3A_1400, %dma_start3A_1407, %dma_start3A_1408] : memref<6x64x128xf32, #tpu.memory_space<vmem>> -> memref<1x64x128xf32, #tpu.memory_space<vmem>>
    %dma_start3A_1410 = tpu.memref_squeeze %dma_start3A_1409 : memref<1x64x128xf32, #tpu.memory_space<vmem>> -> memref<64x128xf32, #tpu.memory_space<vmem>>
    tpu.enqueue_dma source(%dma_start3A_1410 : memref<64x128xf32, #tpu.memory_space<vmem>>) target(%dma_start3A_1406 : memref<64x128xf32, #tpu.memory_space<hbm>>) target_semaphore(%arg20 : memref<!tpu.dma_semaphore, #tpu.memory_space<semaphore_mem>>)
    %dma_wait3A_1411 = arith.constant 2 : i32
    %dma_wait3A_1412 = arith.constant 0 : i32
    %dma_wait3A_1413 = arith.constant 0 : i32
    %dma_wait3A_1414 = tpu.memref_slice %arg10[%dma_wait3A_1411, %dma_wait3A_1412, %dma_wait3A_1413] : memref<6x64x128xf32, #tpu.memory_space<vmem>> -> memref<1x64x128xf32, #tpu.memory_space<vmem>>
    %dma_wait3A_1415 = tpu.memref_squeeze %dma_wait3A_1414 : memref<1x64x128xf32, #tpu.memory_space<vmem>> -> memref<64x128xf32, #tpu.memory_space<vmem>>
    %dma_wait3A_1416 = tpu.memref_slice %arg8[%multiple_of3A_1383, %multiple_of3A_1386] : memref<16384x640xf32, #tpu.memory_space<hbm>> -> memref<64x128xf32, #tpu.memory_space<hbm>>
    %dma_wait3A_1417 = tpu.memref_slice %arg8[%multiple_of3A_1383, %multiple_of3A_1386] : memref<16384x640xf32, #tpu.memory_space<hbm>> -> memref<64x128xf32, #tpu.memory_space<hbm>>
    %dma_wait3A_1418 = arith.constant 0 : i32
    %dma_wait3A_1419 = arith.constant 0 : i32
    %dma_wait3A_1420 = tpu.memref_slice %arg10[%dma_wait3A_1411, %dma_wait3A_1418, %dma_wait3A_1419] : memref<6x64x128xf32, #tpu.memory_space<vmem>> -> memref<1x64x128xf32, #tpu.memory_space<vmem>>
    %dma_wait3A_1421 = tpu.memref_squeeze %dma_wait3A_1420 : memref<1x64x128xf32, #tpu.memory_space<vmem>> -> memref<64x128xf32, #tpu.memory_space<vmem>>
    tpu.wait_dma2 semaphore(%arg20 : memref<!tpu.dma_semaphore, #tpu.memory_space<semaphore_mem>>) src(%dma_wait3A_1421 : memref<64x128xf32, #tpu.memory_space<vmem>>) dst(%dma_wait3A_1417 : memref<64x128xf32, #tpu.memory_space<hbm>>)
    %dma_start3A_1422 = arith.constant 0 : i32
    %dma_start3A_1423 = arith.constant 26 : i32
    %dma_start3A_1424 = arith.constant 2 : i32
    %dma_start3A_1425 = arith.constant 0 : i32
    %dma_start3A_1426 = arith.constant 0 : i32
    %dma_start3A_1427 = tpu.memref_slice %arg10[%dma_start3A_1424, %dma_start3A_1425, %dma_start3A_1426] : memref<6x64x128xf32, #tpu.memory_space<vmem>> -> memref<1x64x128xf32, #tpu.memory_space<vmem>>
    %dma_start3A_1428 = tpu.memref_squeeze %dma_start3A_1427 : memref<1x64x128xf32, #tpu.memory_space<vmem>> -> memref<64x128xf32, #tpu.memory_space<vmem>>
    %dma_start3A_1429 = arith.constant 0 : i32
    %dma_start3A_1430 = tpu.memref_slice %arg9[%dma_start3A_1422, %dma_start3A_1423, %dma_start3A_1429] : memref<1x40x64xi32, #tpu.memory_space<vmem>> -> memref<1x1x64xi32, #tpu.memory_space<vmem>>
    %dma_start3A_1431 = tpu.memref_squeeze %dma_start3A_1430 : memref<1x1x64xi32, #tpu.memory_space<vmem>> -> memref<64xi32, #tpu.memory_space<vmem>>
    %dma_start3A_1432 = arith.constant 0 : i32
    %dma_start3A_1433 = arith.constant 0 : i32
    %dma_start3A_1434 = tpu.memref_slice %arg11[%dma_start3A_1432, %dma_start3A_1433] : memref<9528x128xf32, #tpu.memory_space<vmem_shared>> -> memref<9528x128xf32, #tpu.memory_space<vmem_shared>>
    tpu.enqueue_indirect_dma source(%dma_start3A_1434 : memref<9528x128xf32, #tpu.memory_space<vmem_shared>>) target(%dma_start3A_1428 : memref<64x128xf32, #tpu.memory_space<vmem>>) offsets(%dma_start3A_1431 : memref<64xi32, #tpu.memory_space<vmem>>) semaphore(%arg14 : memref<!tpu.dma_semaphore, #tpu.memory_space<semaphore_mem>>)
    %mul3A_1435 = arith.constant 40 : i32
    %mul3A_1436 = arith.muli %add3A, %mul3A_1435 : i32
    %add3A_1437 = arith.constant 21 : i32
    %add3A_1438 = arith.addi %mul3A_1436, %add3A_1437 : i32
    %shift_right_logical3A_1439 = arith.constant 8 : i32
    %shift_right_logical3A_1440 = arith.shrui %add3A_1438, %shift_right_logical3A_1439 : i32
    %and3A_1441 = arith.constant 255 : i32
    %and3A_1442 = arith.andi %add3A_1438, %and3A_1441 : i32
    %mul3A_1443 = arith.constant 64 : i32
    %mul3A_1444 = arith.muli %and3A_1442, %mul3A_1443 : i32
    %multiple_of3A_1445 = tpu.assume_multiple %mul3A_1444, 64 : i32
    %mul3A_1446 = arith.constant 128 : i32
    %mul3A_1447 = arith.muli %shift_right_logical3A_1440, %mul3A_1446 : i32
    %multiple_of3A_1448 = tpu.assume_multiple %mul3A_1447, 128 : i32
    %dma_wait3A_1449 = arith.constant 0 : i32
    %dma_wait3A_1450 = arith.constant 21 : i32
    %dma_wait3A_1451 = arith.constant 3 : i32
    %dma_wait3A_1452 = arith.constant 0 : i32
    %dma_wait3A_1453 = arith.constant 0 : i32
    %dma_wait3A_1454 = tpu.memref_slice %arg10[%dma_wait3A_1451, %dma_wait3A_1452, %dma_wait3A_1453] : memref<6x64x128xf32, #tpu.memory_space<vmem>> -> memref<1x64x128xf32, #tpu.memory_space<vmem>>
    %dma_wait3A_1455 = tpu.memref_squeeze %dma_wait3A_1454 : memref<1x64x128xf32, #tpu.memory_space<vmem>> -> memref<64x128xf32, #tpu.memory_space<vmem>>
    %dma_wait3A_1456 = arith.constant 0 : i32
    %dma_wait3A_1457 = tpu.memref_slice %arg9[%dma_wait3A_1449, %dma_wait3A_1450, %dma_wait3A_1456] : memref<1x40x64xi32, #tpu.memory_space<vmem>> -> memref<1x1x64xi32, #tpu.memory_space<vmem>>
    %dma_wait3A_1458 = tpu.memref_squeeze %dma_wait3A_1457 : memref<1x1x64xi32, #tpu.memory_space<vmem>> -> memref<64xi32, #tpu.memory_space<vmem>>
    %dma_wait3A_1459 = arith.constant 0 : i32
    %dma_wait3A_1460 = arith.constant 0 : i32
    %dma_wait3A_1461 = tpu.memref_slice %arg11[%dma_wait3A_1459, %dma_wait3A_1460] : memref<9528x128xf32, #tpu.memory_space<vmem_shared>> -> memref<9528x128xf32, #tpu.memory_space<vmem_shared>>
    tpu.wait_indirect_dma semaphore(%arg15 : memref<!tpu.dma_semaphore, #tpu.memory_space<semaphore_mem>>) src(%dma_wait3A_1461 : memref<9528x128xf32, #tpu.memory_space<vmem_shared>>) dst(%dma_wait3A_1455 : memref<64x128xf32, #tpu.memory_space<vmem>>)
    %dma_start3A_1462 = arith.constant 3 : i32
    %dma_start3A_1463 = arith.constant 0 : i32
    %dma_start3A_1464 = arith.constant 0 : i32
    %dma_start3A_1465 = tpu.memref_slice %arg10[%dma_start3A_1462, %dma_start3A_1463, %dma_start3A_1464] : memref<6x64x128xf32, #tpu.memory_space<vmem>> -> memref<1x64x128xf32, #tpu.memory_space<vmem>>
    %dma_start3A_1466 = tpu.memref_squeeze %dma_start3A_1465 : memref<1x64x128xf32, #tpu.memory_space<vmem>> -> memref<64x128xf32, #tpu.memory_space<vmem>>
    %dma_start3A_1467 = tpu.memref_slice %arg8[%multiple_of3A_1445, %multiple_of3A_1448] : memref<16384x640xf32, #tpu.memory_space<hbm>> -> memref<64x128xf32, #tpu.memory_space<hbm>>
    %dma_start3A_1468 = tpu.memref_slice %arg8[%multiple_of3A_1445, %multiple_of3A_1448] : memref<16384x640xf32, #tpu.memory_space<hbm>> -> memref<64x128xf32, #tpu.memory_space<hbm>>
    %dma_start3A_1469 = arith.constant 0 : i32
    %dma_start3A_1470 = arith.constant 0 : i32
    %dma_start3A_1471 = tpu.memref_slice %arg10[%dma_start3A_1462, %dma_start3A_1469, %dma_start3A_1470] : memref<6x64x128xf32, #tpu.memory_space<vmem>> -> memref<1x64x128xf32, #tpu.memory_space<vmem>>
    %dma_start3A_1472 = tpu.memref_squeeze %dma_start3A_1471 : memref<1x64x128xf32, #tpu.memory_space<vmem>> -> memref<64x128xf32, #tpu.memory_space<vmem>>
    tpu.enqueue_dma source(%dma_start3A_1472 : memref<64x128xf32, #tpu.memory_space<vmem>>) target(%dma_start3A_1468 : memref<64x128xf32, #tpu.memory_space<hbm>>) target_semaphore(%arg21 : memref<!tpu.dma_semaphore, #tpu.memory_space<semaphore_mem>>)
    %dma_wait3A_1473 = arith.constant 3 : i32
    %dma_wait3A_1474 = arith.constant 0 : i32
    %dma_wait3A_1475 = arith.constant 0 : i32
    %dma_wait3A_1476 = tpu.memref_slice %arg10[%dma_wait3A_1473, %dma_wait3A_1474, %dma_wait3A_1475] : memref<6x64x128xf32, #tpu.memory_space<vmem>> -> memref<1x64x128xf32, #tpu.memory_space<vmem>>
    %dma_wait3A_1477 = tpu.memref_squeeze %dma_wait3A_1476 : memref<1x64x128xf32, #tpu.memory_space<vmem>> -> memref<64x128xf32, #tpu.memory_space<vmem>>
    %dma_wait3A_1478 = tpu.memref_slice %arg8[%multiple_of3A_1445, %multiple_of3A_1448] : memref<16384x640xf32, #tpu.memory_space<hbm>> -> memref<64x128xf32, #tpu.memory_space<hbm>>
    %dma_wait3A_1479 = tpu.memref_slice %arg8[%multiple_of3A_1445, %multiple_of3A_1448] : memref<16384x640xf32, #tpu.memory_space<hbm>> -> memref<64x128xf32, #tpu.memory_space<hbm>>
    %dma_wait3A_1480 = arith.constant 0 : i32
    %dma_wait3A_1481 = arith.constant 0 : i32
    %dma_wait3A_1482 = tpu.memref_slice %arg10[%dma_wait3A_1473, %dma_wait3A_1480, %dma_wait3A_1481] : memref<6x64x128xf32, #tpu.memory_space<vmem>> -> memref<1x64x128xf32, #tpu.memory_space<vmem>>
    %dma_wait3A_1483 = tpu.memref_squeeze %dma_wait3A_1482 : memref<1x64x128xf32, #tpu.memory_space<vmem>> -> memref<64x128xf32, #tpu.memory_space<vmem>>
    tpu.wait_dma2 semaphore(%arg21 : memref<!tpu.dma_semaphore, #tpu.memory_space<semaphore_mem>>) src(%dma_wait3A_1483 : memref<64x128xf32, #tpu.memory_space<vmem>>) dst(%dma_wait3A_1479 : memref<64x128xf32, #tpu.memory_space<hbm>>)
    %dma_start3A_1484 = arith.constant 0 : i32
    %dma_start3A_1485 = arith.constant 27 : i32
    %dma_start3A_1486 = arith.constant 3 : i32
    %dma_start3A_1487 = arith.constant 0 : i32
    %dma_start3A_1488 = arith.constant 0 : i32
    %dma_start3A_1489 = tpu.memref_slice %arg10[%dma_start3A_1486, %dma_start3A_1487, %dma_start3A_1488] : memref<6x64x128xf32, #tpu.memory_space<vmem>> -> memref<1x64x128xf32, #tpu.memory_space<vmem>>
    %dma_start3A_1490 = tpu.memref_squeeze %dma_start3A_1489 : memref<1x64x128xf32, #tpu.memory_space<vmem>> -> memref<64x128xf32, #tpu.memory_space<vmem>>
    %dma_start3A_1491 = arith.constant 0 : i32
    %dma_start3A_1492 = tpu.memref_slice %arg9[%dma_start3A_1484, %dma_start3A_1485, %dma_start3A_1491] : memref<1x40x64xi32, #tpu.memory_space<vmem>> -> memref<1x1x64xi32, #tpu.memory_space<vmem>>
    %dma_start3A_1493 = tpu.memref_squeeze %dma_start3A_1492 : memref<1x1x64xi32, #tpu.memory_space<vmem>> -> memref<64xi32, #tpu.memory_space<vmem>>
    %dma_start3A_1494 = arith.constant 0 : i32
    %dma_start3A_1495 = arith.constant 0 : i32
    %dma_start3A_1496 = tpu.memref_slice %arg11[%dma_start3A_1494, %dma_start3A_1495] : memref<9528x128xf32, #tpu.memory_space<vmem_shared>> -> memref<9528x128xf32, #tpu.memory_space<vmem_shared>>
    tpu.enqueue_indirect_dma source(%dma_start3A_1496 : memref<9528x128xf32, #tpu.memory_space<vmem_shared>>) target(%dma_start3A_1490 : memref<64x128xf32, #tpu.memory_space<vmem>>) offsets(%dma_start3A_1493 : memref<64xi32, #tpu.memory_space<vmem>>) semaphore(%arg15 : memref<!tpu.dma_semaphore, #tpu.memory_space<semaphore_mem>>)
    %mul3A_1497 = arith.constant 40 : i32
    %mul3A_1498 = arith.muli %add3A, %mul3A_1497 : i32
    %add3A_1499 = arith.constant 22 : i32
    %add3A_1500 = arith.addi %mul3A_1498, %add3A_1499 : i32
    %shift_right_logical3A_1501 = arith.constant 8 : i32
    %shift_right_logical3A_1502 = arith.shrui %add3A_1500, %shift_right_logical3A_1501 : i32
    %and3A_1503 = arith.constant 255 : i32
    %and3A_1504 = arith.andi %add3A_1500, %and3A_1503 : i32
    %mul3A_1505 = arith.constant 64 : i32
    %mul3A_1506 = arith.muli %and3A_1504, %mul3A_1505 : i32
    %multiple_of3A_1507 = tpu.assume_multiple %mul3A_1506, 64 : i32
    %mul3A_1508 = arith.constant 128 : i32
    %mul3A_1509 = arith.muli %shift_right_logical3A_1502, %mul3A_1508 : i32
    %multiple_of3A_1510 = tpu.assume_multiple %mul3A_1509, 128 : i32
    %dma_wait3A_1511 = arith.constant 0 : i32
    %dma_wait3A_1512 = arith.constant 22 : i32
    %dma_wait3A_1513 = arith.constant 4 : i32
    %dma_wait3A_1514 = arith.constant 0 : i32
    %dma_wait3A_1515 = arith.constant 0 : i32
    %dma_wait3A_1516 = tpu.memref_slice %arg10[%dma_wait3A_1513, %dma_wait3A_1514, %dma_wait3A_1515] : memref<6x64x128xf32, #tpu.memory_space<vmem>> -> memref<1x64x128xf32, #tpu.memory_space<vmem>>
    %dma_wait3A_1517 = tpu.memref_squeeze %dma_wait3A_1516 : memref<1x64x128xf32, #tpu.memory_space<vmem>> -> memref<64x128xf32, #tpu.memory_space<vmem>>
    %dma_wait3A_1518 = arith.constant 0 : i32
    %dma_wait3A_1519 = tpu.memref_slice %arg9[%dma_wait3A_1511, %dma_wait3A_1512, %dma_wait3A_1518] : memref<1x40x64xi32, #tpu.memory_space<vmem>> -> memref<1x1x64xi32, #tpu.memory_space<vmem>>
    %dma_wait3A_1520 = tpu.memref_squeeze %dma_wait3A_1519 : memref<1x1x64xi32, #tpu.memory_space<vmem>> -> memref<64xi32, #tpu.memory_space<vmem>>
    %dma_wait3A_1521 = arith.constant 0 : i32
    %dma_wait3A_1522 = arith.constant 0 : i32
    %dma_wait3A_1523 = tpu.memref_slice %arg11[%dma_wait3A_1521, %dma_wait3A_1522] : memref<9528x128xf32, #tpu.memory_space<vmem_shared>> -> memref<9528x128xf32, #tpu.memory_space<vmem_shared>>
    tpu.wait_indirect_dma semaphore(%arg16 : memref<!tpu.dma_semaphore, #tpu.memory_space<semaphore_mem>>) src(%dma_wait3A_1523 : memref<9528x128xf32, #tpu.memory_space<vmem_shared>>) dst(%dma_wait3A_1517 : memref<64x128xf32, #tpu.memory_space<vmem>>)
    %dma_start3A_1524 = arith.constant 4 : i32
    %dma_start3A_1525 = arith.constant 0 : i32
    %dma_start3A_1526 = arith.constant 0 : i32
    %dma_start3A_1527 = tpu.memref_slice %arg10[%dma_start3A_1524, %dma_start3A_1525, %dma_start3A_1526] : memref<6x64x128xf32, #tpu.memory_space<vmem>> -> memref<1x64x128xf32, #tpu.memory_space<vmem>>
    %dma_start3A_1528 = tpu.memref_squeeze %dma_start3A_1527 : memref<1x64x128xf32, #tpu.memory_space<vmem>> -> memref<64x128xf32, #tpu.memory_space<vmem>>
    %dma_start3A_1529 = tpu.memref_slice %arg8[%multiple_of3A_1507, %multiple_of3A_1510] : memref<16384x640xf32, #tpu.memory_space<hbm>> -> memref<64x128xf32, #tpu.memory_space<hbm>>
    %dma_start3A_1530 = tpu.memref_slice %arg8[%multiple_of3A_1507, %multiple_of3A_1510] : memref<16384x640xf32, #tpu.memory_space<hbm>> -> memref<64x128xf32, #tpu.memory_space<hbm>>
    %dma_start3A_1531 = arith.constant 0 : i32
    %dma_start3A_1532 = arith.constant 0 : i32
    %dma_start3A_1533 = tpu.memref_slice %arg10[%dma_start3A_1524, %dma_start3A_1531, %dma_start3A_1532] : memref<6x64x128xf32, #tpu.memory_space<vmem>> -> memref<1x64x128xf32, #tpu.memory_space<vmem>>
    %dma_start3A_1534 = tpu.memref_squeeze %dma_start3A_1533 : memref<1x64x128xf32, #tpu.memory_space<vmem>> -> memref<64x128xf32, #tpu.memory_space<vmem>>
    tpu.enqueue_dma source(%dma_start3A_1534 : memref<64x128xf32, #tpu.memory_space<vmem>>) target(%dma_start3A_1530 : memref<64x128xf32, #tpu.memory_space<hbm>>) target_semaphore(%arg22 : memref<!tpu.dma_semaphore, #tpu.memory_space<semaphore_mem>>)
    %dma_wait3A_1535 = arith.constant 4 : i32
    %dma_wait3A_1536 = arith.constant 0 : i32
    %dma_wait3A_1537 = arith.constant 0 : i32
    %dma_wait3A_1538 = tpu.memref_slice %arg10[%dma_wait3A_1535, %dma_wait3A_1536, %dma_wait3A_1537] : memref<6x64x128xf32, #tpu.memory_space<vmem>> -> memref<1x64x128xf32, #tpu.memory_space<vmem>>
    %dma_wait3A_1539 = tpu.memref_squeeze %dma_wait3A_1538 : memref<1x64x128xf32, #tpu.memory_space<vmem>> -> memref<64x128xf32, #tpu.memory_space<vmem>>
    %dma_wait3A_1540 = tpu.memref_slice %arg8[%multiple_of3A_1507, %multiple_of3A_1510] : memref<16384x640xf32, #tpu.memory_space<hbm>> -> memref<64x128xf32, #tpu.memory_space<hbm>>
    %dma_wait3A_1541 = tpu.memref_slice %arg8[%multiple_of3A_1507, %multiple_of3A_1510] : memref<16384x640xf32, #tpu.memory_space<hbm>> -> memref<64x128xf32, #tpu.memory_space<hbm>>
    %dma_wait3A_1542 = arith.constant 0 : i32
    %dma_wait3A_1543 = arith.constant 0 : i32
    %dma_wait3A_1544 = tpu.memref_slice %arg10[%dma_wait3A_1535, %dma_wait3A_1542, %dma_wait3A_1543] : memref<6x64x128xf32, #tpu.memory_space<vmem>> -> memref<1x64x128xf32, #tpu.memory_space<vmem>>
    %dma_wait3A_1545 = tpu.memref_squeeze %dma_wait3A_1544 : memref<1x64x128xf32, #tpu.memory_space<vmem>> -> memref<64x128xf32, #tpu.memory_space<vmem>>
    tpu.wait_dma2 semaphore(%arg22 : memref<!tpu.dma_semaphore, #tpu.memory_space<semaphore_mem>>) src(%dma_wait3A_1545 : memref<64x128xf32, #tpu.memory_space<vmem>>) dst(%dma_wait3A_1541 : memref<64x128xf32, #tpu.memory_space<hbm>>)
    %dma_start3A_1546 = arith.constant 0 : i32
    %dma_start3A_1547 = arith.constant 28 : i32
    %dma_start3A_1548 = arith.constant 4 : i32
    %dma_start3A_1549 = arith.constant 0 : i32
    %dma_start3A_1550 = arith.constant 0 : i32
    %dma_start3A_1551 = tpu.memref_slice %arg10[%dma_start3A_1548, %dma_start3A_1549, %dma_start3A_1550] : memref<6x64x128xf32, #tpu.memory_space<vmem>> -> memref<1x64x128xf32, #tpu.memory_space<vmem>>
    %dma_start3A_1552 = tpu.memref_squeeze %dma_start3A_1551 : memref<1x64x128xf32, #tpu.memory_space<vmem>> -> memref<64x128xf32, #tpu.memory_space<vmem>>
    %dma_start3A_1553 = arith.constant 0 : i32
    %dma_start3A_1554 = tpu.memref_slice %arg9[%dma_start3A_1546, %dma_start3A_1547, %dma_start3A_1553] : memref<1x40x64xi32, #tpu.memory_space<vmem>> -> memref<1x1x64xi32, #tpu.memory_space<vmem>>
    %dma_start3A_1555 = tpu.memref_squeeze %dma_start3A_1554 : memref<1x1x64xi32, #tpu.memory_space<vmem>> -> memref<64xi32, #tpu.memory_space<vmem>>
    %dma_start3A_1556 = arith.constant 0 : i32
    %dma_start3A_1557 = arith.constant 0 : i32
    %dma_start3A_1558 = tpu.memref_slice %arg11[%dma_start3A_1556, %dma_start3A_1557] : memref<9528x128xf32, #tpu.memory_space<vmem_shared>> -> memref<9528x128xf32, #tpu.memory_space<vmem_shared>>
    tpu.enqueue_indirect_dma source(%dma_start3A_1558 : memref<9528x128xf32, #tpu.memory_space<vmem_shared>>) target(%dma_start3A_1552 : memref<64x128xf32, #tpu.memory_space<vmem>>) offsets(%dma_start3A_1555 : memref<64xi32, #tpu.memory_space<vmem>>) semaphore(%arg16 : memref<!tpu.dma_semaphore, #tpu.memory_space<semaphore_mem>>)
    %mul3A_1559 = arith.constant 40 : i32
    %mul3A_1560 = arith.muli %add3A, %mul3A_1559 : i32
    %add3A_1561 = arith.constant 23 : i32
    %add3A_1562 = arith.addi %mul3A_1560, %add3A_1561 : i32
    %shift_right_logical3A_1563 = arith.constant 8 : i32
    %shift_right_logical3A_1564 = arith.shrui %add3A_1562, %shift_right_logical3A_1563 : i32
    %and3A_1565 = arith.constant 255 : i32
    %and3A_1566 = arith.andi %add3A_1562, %and3A_1565 : i32
    %mul3A_1567 = arith.constant 64 : i32
    %mul3A_1568 = arith.muli %and3A_1566, %mul3A_1567 : i32
    %multiple_of3A_1569 = tpu.assume_multiple %mul3A_1568, 64 : i32
    %mul3A_1570 = arith.constant 128 : i32
    %mul3A_1571 = arith.muli %shift_right_logical3A_1564, %mul3A_1570 : i32
    %multiple_of3A_1572 = tpu.assume_multiple %mul3A_1571, 128 : i32
    %dma_wait3A_1573 = arith.constant 0 : i32
    %dma_wait3A_1574 = arith.constant 23 : i32
    %dma_wait3A_1575 = arith.constant 5 : i32
    %dma_wait3A_1576 = arith.constant 0 : i32
    %dma_wait3A_1577 = arith.constant 0 : i32
    %dma_wait3A_1578 = tpu.memref_slice %arg10[%dma_wait3A_1575, %dma_wait3A_1576, %dma_wait3A_1577] : memref<6x64x128xf32, #tpu.memory_space<vmem>> -> memref<1x64x128xf32, #tpu.memory_space<vmem>>
    %dma_wait3A_1579 = tpu.memref_squeeze %dma_wait3A_1578 : memref<1x64x128xf32, #tpu.memory_space<vmem>> -> memref<64x128xf32, #tpu.memory_space<vmem>>
    %dma_wait3A_1580 = arith.constant 0 : i32
    %dma_wait3A_1581 = tpu.memref_slice %arg9[%dma_wait3A_1573, %dma_wait3A_1574, %dma_wait3A_1580] : memref<1x40x64xi32, #tpu.memory_space<vmem>> -> memref<1x1x64xi32, #tpu.memory_space<vmem>>
    %dma_wait3A_1582 = tpu.memref_squeeze %dma_wait3A_1581 : memref<1x1x64xi32, #tpu.memory_space<vmem>> -> memref<64xi32, #tpu.memory_space<vmem>>
    %dma_wait3A_1583 = arith.constant 0 : i32
    %dma_wait3A_1584 = arith.constant 0 : i32
    %dma_wait3A_1585 = tpu.memref_slice %arg11[%dma_wait3A_1583, %dma_wait3A_1584] : memref<9528x128xf32, #tpu.memory_space<vmem_shared>> -> memref<9528x128xf32, #tpu.memory_space<vmem_shared>>
    tpu.wait_indirect_dma semaphore(%arg17 : memref<!tpu.dma_semaphore, #tpu.memory_space<semaphore_mem>>) src(%dma_wait3A_1585 : memref<9528x128xf32, #tpu.memory_space<vmem_shared>>) dst(%dma_wait3A_1579 : memref<64x128xf32, #tpu.memory_space<vmem>>)
    %dma_start3A_1586 = arith.constant 5 : i32
    %dma_start3A_1587 = arith.constant 0 : i32
    %dma_start3A_1588 = arith.constant 0 : i32
    %dma_start3A_1589 = tpu.memref_slice %arg10[%dma_start3A_1586, %dma_start3A_1587, %dma_start3A_1588] : memref<6x64x128xf32, #tpu.memory_space<vmem>> -> memref<1x64x128xf32, #tpu.memory_space<vmem>>
    %dma_start3A_1590 = tpu.memref_squeeze %dma_start3A_1589 : memref<1x64x128xf32, #tpu.memory_space<vmem>> -> memref<64x128xf32, #tpu.memory_space<vmem>>
    %dma_start3A_1591 = tpu.memref_slice %arg8[%multiple_of3A_1569, %multiple_of3A_1572] : memref<16384x640xf32, #tpu.memory_space<hbm>> -> memref<64x128xf32, #tpu.memory_space<hbm>>
    %dma_start3A_1592 = tpu.memref_slice %arg8[%multiple_of3A_1569, %multiple_of3A_1572] : memref<16384x640xf32, #tpu.memory_space<hbm>> -> memref<64x128xf32, #tpu.memory_space<hbm>>
    %dma_start3A_1593 = arith.constant 0 : i32
    %dma_start3A_1594 = arith.constant 0 : i32
    %dma_start3A_1595 = tpu.memref_slice %arg10[%dma_start3A_1586, %dma_start3A_1593, %dma_start3A_1594] : memref<6x64x128xf32, #tpu.memory_space<vmem>> -> memref<1x64x128xf32, #tpu.memory_space<vmem>>
    %dma_start3A_1596 = tpu.memref_squeeze %dma_start3A_1595 : memref<1x64x128xf32, #tpu.memory_space<vmem>> -> memref<64x128xf32, #tpu.memory_space<vmem>>
    tpu.enqueue_dma source(%dma_start3A_1596 : memref<64x128xf32, #tpu.memory_space<vmem>>) target(%dma_start3A_1592 : memref<64x128xf32, #tpu.memory_space<hbm>>) target_semaphore(%arg23 : memref<!tpu.dma_semaphore, #tpu.memory_space<semaphore_mem>>)
    %dma_wait3A_1597 = arith.constant 5 : i32
    %dma_wait3A_1598 = arith.constant 0 : i32
    %dma_wait3A_1599 = arith.constant 0 : i32
    %dma_wait3A_1600 = tpu.memref_slice %arg10[%dma_wait3A_1597, %dma_wait3A_1598, %dma_wait3A_1599] : memref<6x64x128xf32, #tpu.memory_space<vmem>> -> memref<1x64x128xf32, #tpu.memory_space<vmem>>
    %dma_wait3A_1601 = tpu.memref_squeeze %dma_wait3A_1600 : memref<1x64x128xf32, #tpu.memory_space<vmem>> -> memref<64x128xf32, #tpu.memory_space<vmem>>
    %dma_wait3A_1602 = tpu.memref_slice %arg8[%multiple_of3A_1569, %multiple_of3A_1572] : memref<16384x640xf32, #tpu.memory_space<hbm>> -> memref<64x128xf32, #tpu.memory_space<hbm>>
    %dma_wait3A_1603 = tpu.memref_slice %arg8[%multiple_of3A_1569, %multiple_of3A_1572] : memref<16384x640xf32, #tpu.memory_space<hbm>> -> memref<64x128xf32, #tpu.memory_space<hbm>>
    %dma_wait3A_1604 = arith.constant 0 : i32
    %dma_wait3A_1605 = arith.constant 0 : i32
    %dma_wait3A_1606 = tpu.memref_slice %arg10[%dma_wait3A_1597, %dma_wait3A_1604, %dma_wait3A_1605] : memref<6x64x128xf32, #tpu.memory_space<vmem>> -> memref<1x64x128xf32, #tpu.memory_space<vmem>>
    %dma_wait3A_1607 = tpu.memref_squeeze %dma_wait3A_1606 : memref<1x64x128xf32, #tpu.memory_space<vmem>> -> memref<64x128xf32, #tpu.memory_space<vmem>>
    tpu.wait_dma2 semaphore(%arg23 : memref<!tpu.dma_semaphore, #tpu.memory_space<semaphore_mem>>) src(%dma_wait3A_1607 : memref<64x128xf32, #tpu.memory_space<vmem>>) dst(%dma_wait3A_1603 : memref<64x128xf32, #tpu.memory_space<hbm>>)
    %dma_start3A_1608 = arith.constant 0 : i32
    %dma_start3A_1609 = arith.constant 29 : i32
    %dma_start3A_1610 = arith.constant 5 : i32
    %dma_start3A_1611 = arith.constant 0 : i32
    %dma_start3A_1612 = arith.constant 0 : i32
    %dma_start3A_1613 = tpu.memref_slice %arg10[%dma_start3A_1610, %dma_start3A_1611, %dma_start3A_1612] : memref<6x64x128xf32, #tpu.memory_space<vmem>> -> memref<1x64x128xf32, #tpu.memory_space<vmem>>
    %dma_start3A_1614 = tpu.memref_squeeze %dma_start3A_1613 : memref<1x64x128xf32, #tpu.memory_space<vmem>> -> memref<64x128xf32, #tpu.memory_space<vmem>>
    %dma_start3A_1615 = arith.constant 0 : i32
    %dma_start3A_1616 = tpu.memref_slice %arg9[%dma_start3A_1608, %dma_start3A_1609, %dma_start3A_1615] : memref<1x40x64xi32, #tpu.memory_space<vmem>> -> memref<1x1x64xi32, #tpu.memory_space<vmem>>
    %dma_start3A_1617 = tpu.memref_squeeze %dma_start3A_1616 : memref<1x1x64xi32, #tpu.memory_space<vmem>> -> memref<64xi32, #tpu.memory_space<vmem>>
    %dma_start3A_1618 = arith.constant 0 : i32
    %dma_start3A_1619 = arith.constant 0 : i32
    %dma_start3A_1620 = tpu.memref_slice %arg11[%dma_start3A_1618, %dma_start3A_1619] : memref<9528x128xf32, #tpu.memory_space<vmem_shared>> -> memref<9528x128xf32, #tpu.memory_space<vmem_shared>>
    tpu.enqueue_indirect_dma source(%dma_start3A_1620 : memref<9528x128xf32, #tpu.memory_space<vmem_shared>>) target(%dma_start3A_1614 : memref<64x128xf32, #tpu.memory_space<vmem>>) offsets(%dma_start3A_1617 : memref<64xi32, #tpu.memory_space<vmem>>) semaphore(%arg17 : memref<!tpu.dma_semaphore, #tpu.memory_space<semaphore_mem>>)
    %mul3A_1621 = arith.constant 40 : i32
    %mul3A_1622 = arith.muli %add3A, %mul3A_1621 : i32
    %add3A_1623 = arith.constant 24 : i32
    %add3A_1624 = arith.addi %mul3A_1622, %add3A_1623 : i32
    %shift_right_logical3A_1625 = arith.constant 8 : i32
    %shift_right_logical3A_1626 = arith.shrui %add3A_1624, %shift_right_logical3A_1625 : i32
    %and3A_1627 = arith.constant 255 : i32
    %and3A_1628 = arith.andi %add3A_1624, %and3A_1627 : i32
    %mul3A_1629 = arith.constant 64 : i32
    %mul3A_1630 = arith.muli %and3A_1628, %mul3A_1629 : i32
    %multiple_of3A_1631 = tpu.assume_multiple %mul3A_1630, 64 : i32
    %mul3A_1632 = arith.constant 128 : i32
    %mul3A_1633 = arith.muli %shift_right_logical3A_1626, %mul3A_1632 : i32
    %multiple_of3A_1634 = tpu.assume_multiple %mul3A_1633, 128 : i32
    %dma_wait3A_1635 = arith.constant 0 : i32
    %dma_wait3A_1636 = arith.constant 24 : i32
    %dma_wait3A_1637 = arith.constant 0 : i32
    %dma_wait3A_1638 = arith.constant 0 : i32
    %dma_wait3A_1639 = arith.constant 0 : i32
    %dma_wait3A_1640 = tpu.memref_slice %arg10[%dma_wait3A_1637, %dma_wait3A_1638, %dma_wait3A_1639] : memref<6x64x128xf32, #tpu.memory_space<vmem>> -> memref<1x64x128xf32, #tpu.memory_space<vmem>>
    %dma_wait3A_1641 = tpu.memref_squeeze %dma_wait3A_1640 : memref<1x64x128xf32, #tpu.memory_space<vmem>> -> memref<64x128xf32, #tpu.memory_space<vmem>>
    %dma_wait3A_1642 = arith.constant 0 : i32
    %dma_wait3A_1643 = tpu.memref_slice %arg9[%dma_wait3A_1635, %dma_wait3A_1636, %dma_wait3A_1642] : memref<1x40x64xi32, #tpu.memory_space<vmem>> -> memref<1x1x64xi32, #tpu.memory_space<vmem>>
    %dma_wait3A_1644 = tpu.memref_squeeze %dma_wait3A_1643 : memref<1x1x64xi32, #tpu.memory_space<vmem>> -> memref<64xi32, #tpu.memory_space<vmem>>
    %dma_wait3A_1645 = arith.constant 0 : i32
    %dma_wait3A_1646 = arith.constant 0 : i32
    %dma_wait3A_1647 = tpu.memref_slice %arg11[%dma_wait3A_1645, %dma_wait3A_1646] : memref<9528x128xf32, #tpu.memory_space<vmem_shared>> -> memref<9528x128xf32, #tpu.memory_space<vmem_shared>>
    tpu.wait_indirect_dma semaphore(%arg12 : memref<!tpu.dma_semaphore, #tpu.memory_space<semaphore_mem>>) src(%dma_wait3A_1647 : memref<9528x128xf32, #tpu.memory_space<vmem_shared>>) dst(%dma_wait3A_1641 : memref<64x128xf32, #tpu.memory_space<vmem>>)
    %dma_start3A_1648 = arith.constant 0 : i32
    %dma_start3A_1649 = arith.constant 0 : i32
    %dma_start3A_1650 = arith.constant 0 : i32
    %dma_start3A_1651 = tpu.memref_slice %arg10[%dma_start3A_1648, %dma_start3A_1649, %dma_start3A_1650] : memref<6x64x128xf32, #tpu.memory_space<vmem>> -> memref<1x64x128xf32, #tpu.memory_space<vmem>>
    %dma_start3A_1652 = tpu.memref_squeeze %dma_start3A_1651 : memref<1x64x128xf32, #tpu.memory_space<vmem>> -> memref<64x128xf32, #tpu.memory_space<vmem>>
    %dma_start3A_1653 = tpu.memref_slice %arg8[%multiple_of3A_1631, %multiple_of3A_1634] : memref<16384x640xf32, #tpu.memory_space<hbm>> -> memref<64x128xf32, #tpu.memory_space<hbm>>
    %dma_start3A_1654 = tpu.memref_slice %arg8[%multiple_of3A_1631, %multiple_of3A_1634] : memref<16384x640xf32, #tpu.memory_space<hbm>> -> memref<64x128xf32, #tpu.memory_space<hbm>>
    %dma_start3A_1655 = arith.constant 0 : i32
    %dma_start3A_1656 = arith.constant 0 : i32
    %dma_start3A_1657 = tpu.memref_slice %arg10[%dma_start3A_1648, %dma_start3A_1655, %dma_start3A_1656] : memref<6x64x128xf32, #tpu.memory_space<vmem>> -> memref<1x64x128xf32, #tpu.memory_space<vmem>>
    %dma_start3A_1658 = tpu.memref_squeeze %dma_start3A_1657 : memref<1x64x128xf32, #tpu.memory_space<vmem>> -> memref<64x128xf32, #tpu.memory_space<vmem>>
    tpu.enqueue_dma source(%dma_start3A_1658 : memref<64x128xf32, #tpu.memory_space<vmem>>) target(%dma_start3A_1654 : memref<64x128xf32, #tpu.memory_space<hbm>>) target_semaphore(%arg18 : memref<!tpu.dma_semaphore, #tpu.memory_space<semaphore_mem>>)
    %dma_wait3A_1659 = arith.constant 0 : i32
    %dma_wait3A_1660 = arith.constant 0 : i32
    %dma_wait3A_1661 = arith.constant 0 : i32
    %dma_wait3A_1662 = tpu.memref_slice %arg10[%dma_wait3A_1659, %dma_wait3A_1660, %dma_wait3A_1661] : memref<6x64x128xf32, #tpu.memory_space<vmem>> -> memref<1x64x128xf32, #tpu.memory_space<vmem>>
    %dma_wait3A_1663 = tpu.memref_squeeze %dma_wait3A_1662 : memref<1x64x128xf32, #tpu.memory_space<vmem>> -> memref<64x128xf32, #tpu.memory_space<vmem>>
    %dma_wait3A_1664 = tpu.memref_slice %arg8[%multiple_of3A_1631, %multiple_of3A_1634] : memref<16384x640xf32, #tpu.memory_space<hbm>> -> memref<64x128xf32, #tpu.memory_space<hbm>>
    %dma_wait3A_1665 = tpu.memref_slice %arg8[%multiple_of3A_1631, %multiple_of3A_1634] : memref<16384x640xf32, #tpu.memory_space<hbm>> -> memref<64x128xf32, #tpu.memory_space<hbm>>
    %dma_wait3A_1666 = arith.constant 0 : i32
    %dma_wait3A_1667 = arith.constant 0 : i32
    %dma_wait3A_1668 = tpu.memref_slice %arg10[%dma_wait3A_1659, %dma_wait3A_1666, %dma_wait3A_1667] : memref<6x64x128xf32, #tpu.memory_space<vmem>> -> memref<1x64x128xf32, #tpu.memory_space<vmem>>
    %dma_wait3A_1669 = tpu.memref_squeeze %dma_wait3A_1668 : memref<1x64x128xf32, #tpu.memory_space<vmem>> -> memref<64x128xf32, #tpu.memory_space<vmem>>
    tpu.wait_dma2 semaphore(%arg18 : memref<!tpu.dma_semaphore, #tpu.memory_space<semaphore_mem>>) src(%dma_wait3A_1669 : memref<64x128xf32, #tpu.memory_space<vmem>>) dst(%dma_wait3A_1665 : memref<64x128xf32, #tpu.memory_space<hbm>>)
    %dma_start3A_1670 = arith.constant 0 : i32
    %dma_start3A_1671 = arith.constant 30 : i32
    %dma_start3A_1672 = arith.constant 0 : i32
    %dma_start3A_1673 = arith.constant 0 : i32
    %dma_start3A_1674 = arith.constant 0 : i32
    %dma_start3A_1675 = tpu.memref_slice %arg10[%dma_start3A_1672, %dma_start3A_1673, %dma_start3A_1674] : memref<6x64x128xf32, #tpu.memory_space<vmem>> -> memref<1x64x128xf32, #tpu.memory_space<vmem>>
    %dma_start3A_1676 = tpu.memref_squeeze %dma_start3A_1675 : memref<1x64x128xf32, #tpu.memory_space<vmem>> -> memref<64x128xf32, #tpu.memory_space<vmem>>
    %dma_start3A_1677 = arith.constant 0 : i32
    %dma_start3A_1678 = tpu.memref_slice %arg9[%dma_start3A_1670, %dma_start3A_1671, %dma_start3A_1677] : memref<1x40x64xi32, #tpu.memory_space<vmem>> -> memref<1x1x64xi32, #tpu.memory_space<vmem>>
    %dma_start3A_1679 = tpu.memref_squeeze %dma_start3A_1678 : memref<1x1x64xi32, #tpu.memory_space<vmem>> -> memref<64xi32, #tpu.memory_space<vmem>>
    %dma_start3A_1680 = arith.constant 0 : i32
    %dma_start3A_1681 = arith.constant 0 : i32
    %dma_start3A_1682 = tpu.memref_slice %arg11[%dma_start3A_1680, %dma_start3A_1681] : memref<9528x128xf32, #tpu.memory_space<vmem_shared>> -> memref<9528x128xf32, #tpu.memory_space<vmem_shared>>
    tpu.enqueue_indirect_dma source(%dma_start3A_1682 : memref<9528x128xf32, #tpu.memory_space<vmem_shared>>) target(%dma_start3A_1676 : memref<64x128xf32, #tpu.memory_space<vmem>>) offsets(%dma_start3A_1679 : memref<64xi32, #tpu.memory_space<vmem>>) semaphore(%arg12 : memref<!tpu.dma_semaphore, #tpu.memory_space<semaphore_mem>>)
    %mul3A_1683 = arith.constant 40 : i32
    %mul3A_1684 = arith.muli %add3A, %mul3A_1683 : i32
    %add3A_1685 = arith.constant 25 : i32
    %add3A_1686 = arith.addi %mul3A_1684, %add3A_1685 : i32
    %shift_right_logical3A_1687 = arith.constant 8 : i32
    %shift_right_logical3A_1688 = arith.shrui %add3A_1686, %shift_right_logical3A_1687 : i32
    %and3A_1689 = arith.constant 255 : i32
    %and3A_1690 = arith.andi %add3A_1686, %and3A_1689 : i32
    %mul3A_1691 = arith.constant 64 : i32
    %mul3A_1692 = arith.muli %and3A_1690, %mul3A_1691 : i32
    %multiple_of3A_1693 = tpu.assume_multiple %mul3A_1692, 64 : i32
    %mul3A_1694 = arith.constant 128 : i32
    %mul3A_1695 = arith.muli %shift_right_logical3A_1688, %mul3A_1694 : i32
    %multiple_of3A_1696 = tpu.assume_multiple %mul3A_1695, 128 : i32
    %dma_wait3A_1697 = arith.constant 0 : i32
    %dma_wait3A_1698 = arith.constant 25 : i32
    %dma_wait3A_1699 = arith.constant 1 : i32
    %dma_wait3A_1700 = arith.constant 0 : i32
    %dma_wait3A_1701 = arith.constant 0 : i32
    %dma_wait3A_1702 = tpu.memref_slice %arg10[%dma_wait3A_1699, %dma_wait3A_1700, %dma_wait3A_1701] : memref<6x64x128xf32, #tpu.memory_space<vmem>> -> memref<1x64x128xf32, #tpu.memory_space<vmem>>
    %dma_wait3A_1703 = tpu.memref_squeeze %dma_wait3A_1702 : memref<1x64x128xf32, #tpu.memory_space<vmem>> -> memref<64x128xf32, #tpu.memory_space<vmem>>
    %dma_wait3A_1704 = arith.constant 0 : i32
    %dma_wait3A_1705 = tpu.memref_slice %arg9[%dma_wait3A_1697, %dma_wait3A_1698, %dma_wait3A_1704] : memref<1x40x64xi32, #tpu.memory_space<vmem>> -> memref<1x1x64xi32, #tpu.memory_space<vmem>>
    %dma_wait3A_1706 = tpu.memref_squeeze %dma_wait3A_1705 : memref<1x1x64xi32, #tpu.memory_space<vmem>> -> memref<64xi32, #tpu.memory_space<vmem>>
    %dma_wait3A_1707 = arith.constant 0 : i32
    %dma_wait3A_1708 = arith.constant 0 : i32
    %dma_wait3A_1709 = tpu.memref_slice %arg11[%dma_wait3A_1707, %dma_wait3A_1708] : memref<9528x128xf32, #tpu.memory_space<vmem_shared>> -> memref<9528x128xf32, #tpu.memory_space<vmem_shared>>
    tpu.wait_indirect_dma semaphore(%arg13 : memref<!tpu.dma_semaphore, #tpu.memory_space<semaphore_mem>>) src(%dma_wait3A_1709 : memref<9528x128xf32, #tpu.memory_space<vmem_shared>>) dst(%dma_wait3A_1703 : memref<64x128xf32, #tpu.memory_space<vmem>>)
    %dma_start3A_1710 = arith.constant 1 : i32
    %dma_start3A_1711 = arith.constant 0 : i32
    %dma_start3A_1712 = arith.constant 0 : i32
    %dma_start3A_1713 = tpu.memref_slice %arg10[%dma_start3A_1710, %dma_start3A_1711, %dma_start3A_1712] : memref<6x64x128xf32, #tpu.memory_space<vmem>> -> memref<1x64x128xf32, #tpu.memory_space<vmem>>
    %dma_start3A_1714 = tpu.memref_squeeze %dma_start3A_1713 : memref<1x64x128xf32, #tpu.memory_space<vmem>> -> memref<64x128xf32, #tpu.memory_space<vmem>>
    %dma_start3A_1715 = tpu.memref_slice %arg8[%multiple_of3A_1693, %multiple_of3A_1696] : memref<16384x640xf32, #tpu.memory_space<hbm>> -> memref<64x128xf32, #tpu.memory_space<hbm>>
    %dma_start3A_1716 = tpu.memref_slice %arg8[%multiple_of3A_1693, %multiple_of3A_1696] : memref<16384x640xf32, #tpu.memory_space<hbm>> -> memref<64x128xf32, #tpu.memory_space<hbm>>
    %dma_start3A_1717 = arith.constant 0 : i32
    %dma_start3A_1718 = arith.constant 0 : i32
    %dma_start3A_1719 = tpu.memref_slice %arg10[%dma_start3A_1710, %dma_start3A_1717, %dma_start3A_1718] : memref<6x64x128xf32, #tpu.memory_space<vmem>> -> memref<1x64x128xf32, #tpu.memory_space<vmem>>
    %dma_start3A_1720 = tpu.memref_squeeze %dma_start3A_1719 : memref<1x64x128xf32, #tpu.memory_space<vmem>> -> memref<64x128xf32, #tpu.memory_space<vmem>>
    tpu.enqueue_dma source(%dma_start3A_1720 : memref<64x128xf32, #tpu.memory_space<vmem>>) target(%dma_start3A_1716 : memref<64x128xf32, #tpu.memory_space<hbm>>) target_semaphore(%arg19 : memref<!tpu.dma_semaphore, #tpu.memory_space<semaphore_mem>>)
    %dma_wait3A_1721 = arith.constant 1 : i32
    %dma_wait3A_1722 = arith.constant 0 : i32
    %dma_wait3A_1723 = arith.constant 0 : i32
    %dma_wait3A_1724 = tpu.memref_slice %arg10[%dma_wait3A_1721, %dma_wait3A_1722, %dma_wait3A_1723] : memref<6x64x128xf32, #tpu.memory_space<vmem>> -> memref<1x64x128xf32, #tpu.memory_space<vmem>>
    %dma_wait3A_1725 = tpu.memref_squeeze %dma_wait3A_1724 : memref<1x64x128xf32, #tpu.memory_space<vmem>> -> memref<64x128xf32, #tpu.memory_space<vmem>>
    %dma_wait3A_1726 = tpu.memref_slice %arg8[%multiple_of3A_1693, %multiple_of3A_1696] : memref<16384x640xf32, #tpu.memory_space<hbm>> -> memref<64x128xf32, #tpu.memory_space<hbm>>
    %dma_wait3A_1727 = tpu.memref_slice %arg8[%multiple_of3A_1693, %multiple_of3A_1696] : memref<16384x640xf32, #tpu.memory_space<hbm>> -> memref<64x128xf32, #tpu.memory_space<hbm>>
    %dma_wait3A_1728 = arith.constant 0 : i32
    %dma_wait3A_1729 = arith.constant 0 : i32
    %dma_wait3A_1730 = tpu.memref_slice %arg10[%dma_wait3A_1721, %dma_wait3A_1728, %dma_wait3A_1729] : memref<6x64x128xf32, #tpu.memory_space<vmem>> -> memref<1x64x128xf32, #tpu.memory_space<vmem>>
    %dma_wait3A_1731 = tpu.memref_squeeze %dma_wait3A_1730 : memref<1x64x128xf32, #tpu.memory_space<vmem>> -> memref<64x128xf32, #tpu.memory_space<vmem>>
    tpu.wait_dma2 semaphore(%arg19 : memref<!tpu.dma_semaphore, #tpu.memory_space<semaphore_mem>>) src(%dma_wait3A_1731 : memref<64x128xf32, #tpu.memory_space<vmem>>) dst(%dma_wait3A_1727 : memref<64x128xf32, #tpu.memory_space<hbm>>)
    %dma_start3A_1732 = arith.constant 0 : i32
    %dma_start3A_1733 = arith.constant 31 : i32
    %dma_start3A_1734 = arith.constant 1 : i32
    %dma_start3A_1735 = arith.constant 0 : i32
    %dma_start3A_1736 = arith.constant 0 : i32
    %dma_start3A_1737 = tpu.memref_slice %arg10[%dma_start3A_1734, %dma_start3A_1735, %dma_start3A_1736] : memref<6x64x128xf32, #tpu.memory_space<vmem>> -> memref<1x64x128xf32, #tpu.memory_space<vmem>>
    %dma_start3A_1738 = tpu.memref_squeeze %dma_start3A_1737 : memref<1x64x128xf32, #tpu.memory_space<vmem>> -> memref<64x128xf32, #tpu.memory_space<vmem>>
    %dma_start3A_1739 = arith.constant 0 : i32
    %dma_start3A_1740 = tpu.memref_slice %arg9[%dma_start3A_1732, %dma_start3A_1733, %dma_start3A_1739] : memref<1x40x64xi32, #tpu.memory_space<vmem>> -> memref<1x1x64xi32, #tpu.memory_space<vmem>>
    %dma_start3A_1741 = tpu.memref_squeeze %dma_start3A_1740 : memref<1x1x64xi32, #tpu.memory_space<vmem>> -> memref<64xi32, #tpu.memory_space<vmem>>
    %dma_start3A_1742 = arith.constant 0 : i32
    %dma_start3A_1743 = arith.constant 0 : i32
    %dma_start3A_1744 = tpu.memref_slice %arg11[%dma_start3A_1742, %dma_start3A_1743] : memref<9528x128xf32, #tpu.memory_space<vmem_shared>> -> memref<9528x128xf32, #tpu.memory_space<vmem_shared>>
    tpu.enqueue_indirect_dma source(%dma_start3A_1744 : memref<9528x128xf32, #tpu.memory_space<vmem_shared>>) target(%dma_start3A_1738 : memref<64x128xf32, #tpu.memory_space<vmem>>) offsets(%dma_start3A_1741 : memref<64xi32, #tpu.memory_space<vmem>>) semaphore(%arg13 : memref<!tpu.dma_semaphore, #tpu.memory_space<semaphore_mem>>)
    %mul3A_1745 = arith.constant 40 : i32
    %mul3A_1746 = arith.muli %add3A, %mul3A_1745 : i32
    %add3A_1747 = arith.constant 26 : i32
    %add3A_1748 = arith.addi %mul3A_1746, %add3A_1747 : i32
    %shift_right_logical3A_1749 = arith.constant 8 : i32
    %shift_right_logical3A_1750 = arith.shrui %add3A_1748, %shift_right_logical3A_1749 : i32
    %and3A_1751 = arith.constant 255 : i32
    %and3A_1752 = arith.andi %add3A_1748, %and3A_1751 : i32
    %mul3A_1753 = arith.constant 64 : i32
    %mul3A_1754 = arith.muli %and3A_1752, %mul3A_1753 : i32
    %multiple_of3A_1755 = tpu.assume_multiple %mul3A_1754, 64 : i32
    %mul3A_1756 = arith.constant 128 : i32
    %mul3A_1757 = arith.muli %shift_right_logical3A_1750, %mul3A_1756 : i32
    %multiple_of3A_1758 = tpu.assume_multiple %mul3A_1757, 128 : i32
    %dma_wait3A_1759 = arith.constant 0 : i32
    %dma_wait3A_1760 = arith.constant 26 : i32
    %dma_wait3A_1761 = arith.constant 2 : i32
    %dma_wait3A_1762 = arith.constant 0 : i32
    %dma_wait3A_1763 = arith.constant 0 : i32
    %dma_wait3A_1764 = tpu.memref_slice %arg10[%dma_wait3A_1761, %dma_wait3A_1762, %dma_wait3A_1763] : memref<6x64x128xf32, #tpu.memory_space<vmem>> -> memref<1x64x128xf32, #tpu.memory_space<vmem>>
    %dma_wait3A_1765 = tpu.memref_squeeze %dma_wait3A_1764 : memref<1x64x128xf32, #tpu.memory_space<vmem>> -> memref<64x128xf32, #tpu.memory_space<vmem>>
    %dma_wait3A_1766 = arith.constant 0 : i32
    %dma_wait3A_1767 = tpu.memref_slice %arg9[%dma_wait3A_1759, %dma_wait3A_1760, %dma_wait3A_1766] : memref<1x40x64xi32, #tpu.memory_space<vmem>> -> memref<1x1x64xi32, #tpu.memory_space<vmem>>
    %dma_wait3A_1768 = tpu.memref_squeeze %dma_wait3A_1767 : memref<1x1x64xi32, #tpu.memory_space<vmem>> -> memref<64xi32, #tpu.memory_space<vmem>>
    %dma_wait3A_1769 = arith.constant 0 : i32
    %dma_wait3A_1770 = arith.constant 0 : i32
    %dma_wait3A_1771 = tpu.memref_slice %arg11[%dma_wait3A_1769, %dma_wait3A_1770] : memref<9528x128xf32, #tpu.memory_space<vmem_shared>> -> memref<9528x128xf32, #tpu.memory_space<vmem_shared>>
    tpu.wait_indirect_dma semaphore(%arg14 : memref<!tpu.dma_semaphore, #tpu.memory_space<semaphore_mem>>) src(%dma_wait3A_1771 : memref<9528x128xf32, #tpu.memory_space<vmem_shared>>) dst(%dma_wait3A_1765 : memref<64x128xf32, #tpu.memory_space<vmem>>)
    %dma_start3A_1772 = arith.constant 2 : i32
    %dma_start3A_1773 = arith.constant 0 : i32
    %dma_start3A_1774 = arith.constant 0 : i32
    %dma_start3A_1775 = tpu.memref_slice %arg10[%dma_start3A_1772, %dma_start3A_1773, %dma_start3A_1774] : memref<6x64x128xf32, #tpu.memory_space<vmem>> -> memref<1x64x128xf32, #tpu.memory_space<vmem>>
    %dma_start3A_1776 = tpu.memref_squeeze %dma_start3A_1775 : memref<1x64x128xf32, #tpu.memory_space<vmem>> -> memref<64x128xf32, #tpu.memory_space<vmem>>
    %dma_start3A_1777 = tpu.memref_slice %arg8[%multiple_of3A_1755, %multiple_of3A_1758] : memref<16384x640xf32, #tpu.memory_space<hbm>> -> memref<64x128xf32, #tpu.memory_space<hbm>>
    %dma_start3A_1778 = tpu.memref_slice %arg8[%multiple_of3A_1755, %multiple_of3A_1758] : memref<16384x640xf32, #tpu.memory_space<hbm>> -> memref<64x128xf32, #tpu.memory_space<hbm>>
    %dma_start3A_1779 = arith.constant 0 : i32
    %dma_start3A_1780 = arith.constant 0 : i32
    %dma_start3A_1781 = tpu.memref_slice %arg10[%dma_start3A_1772, %dma_start3A_1779, %dma_start3A_1780] : memref<6x64x128xf32, #tpu.memory_space<vmem>> -> memref<1x64x128xf32, #tpu.memory_space<vmem>>
    %dma_start3A_1782 = tpu.memref_squeeze %dma_start3A_1781 : memref<1x64x128xf32, #tpu.memory_space<vmem>> -> memref<64x128xf32, #tpu.memory_space<vmem>>
    tpu.enqueue_dma source(%dma_start3A_1782 : memref<64x128xf32, #tpu.memory_space<vmem>>) target(%dma_start3A_1778 : memref<64x128xf32, #tpu.memory_space<hbm>>) target_semaphore(%arg20 : memref<!tpu.dma_semaphore, #tpu.memory_space<semaphore_mem>>)
    %dma_wait3A_1783 = arith.constant 2 : i32
    %dma_wait3A_1784 = arith.constant 0 : i32
    %dma_wait3A_1785 = arith.constant 0 : i32
    %dma_wait3A_1786 = tpu.memref_slice %arg10[%dma_wait3A_1783, %dma_wait3A_1784, %dma_wait3A_1785] : memref<6x64x128xf32, #tpu.memory_space<vmem>> -> memref<1x64x128xf32, #tpu.memory_space<vmem>>
    %dma_wait3A_1787 = tpu.memref_squeeze %dma_wait3A_1786 : memref<1x64x128xf32, #tpu.memory_space<vmem>> -> memref<64x128xf32, #tpu.memory_space<vmem>>
    %dma_wait3A_1788 = tpu.memref_slice %arg8[%multiple_of3A_1755, %multiple_of3A_1758] : memref<16384x640xf32, #tpu.memory_space<hbm>> -> memref<64x128xf32, #tpu.memory_space<hbm>>
    %dma_wait3A_1789 = tpu.memref_slice %arg8[%multiple_of3A_1755, %multiple_of3A_1758] : memref<16384x640xf32, #tpu.memory_space<hbm>> -> memref<64x128xf32, #tpu.memory_space<hbm>>
    %dma_wait3A_1790 = arith.constant 0 : i32
    %dma_wait3A_1791 = arith.constant 0 : i32
    %dma_wait3A_1792 = tpu.memref_slice %arg10[%dma_wait3A_1783, %dma_wait3A_1790, %dma_wait3A_1791] : memref<6x64x128xf32, #tpu.memory_space<vmem>> -> memref<1x64x128xf32, #tpu.memory_space<vmem>>
    %dma_wait3A_1793 = tpu.memref_squeeze %dma_wait3A_1792 : memref<1x64x128xf32, #tpu.memory_space<vmem>> -> memref<64x128xf32, #tpu.memory_space<vmem>>
    tpu.wait_dma2 semaphore(%arg20 : memref<!tpu.dma_semaphore, #tpu.memory_space<semaphore_mem>>) src(%dma_wait3A_1793 : memref<64x128xf32, #tpu.memory_space<vmem>>) dst(%dma_wait3A_1789 : memref<64x128xf32, #tpu.memory_space<hbm>>)
    %dma_start3A_1794 = arith.constant 0 : i32
    %dma_start3A_1795 = arith.constant 32 : i32
    %dma_start3A_1796 = arith.constant 2 : i32
    %dma_start3A_1797 = arith.constant 0 : i32
    %dma_start3A_1798 = arith.constant 0 : i32
    %dma_start3A_1799 = tpu.memref_slice %arg10[%dma_start3A_1796, %dma_start3A_1797, %dma_start3A_1798] : memref<6x64x128xf32, #tpu.memory_space<vmem>> -> memref<1x64x128xf32, #tpu.memory_space<vmem>>
    %dma_start3A_1800 = tpu.memref_squeeze %dma_start3A_1799 : memref<1x64x128xf32, #tpu.memory_space<vmem>> -> memref<64x128xf32, #tpu.memory_space<vmem>>
    %dma_start3A_1801 = arith.constant 0 : i32
    %dma_start3A_1802 = tpu.memref_slice %arg9[%dma_start3A_1794, %dma_start3A_1795, %dma_start3A_1801] : memref<1x40x64xi32, #tpu.memory_space<vmem>> -> memref<1x1x64xi32, #tpu.memory_space<vmem>>
    %dma_start3A_1803 = tpu.memref_squeeze %dma_start3A_1802 : memref<1x1x64xi32, #tpu.memory_space<vmem>> -> memref<64xi32, #tpu.memory_space<vmem>>
    %dma_start3A_1804 = arith.constant 0 : i32
    %dma_start3A_1805 = arith.constant 0 : i32
    %dma_start3A_1806 = tpu.memref_slice %arg11[%dma_start3A_1804, %dma_start3A_1805] : memref<9528x128xf32, #tpu.memory_space<vmem_shared>> -> memref<9528x128xf32, #tpu.memory_space<vmem_shared>>
    tpu.enqueue_indirect_dma source(%dma_start3A_1806 : memref<9528x128xf32, #tpu.memory_space<vmem_shared>>) target(%dma_start3A_1800 : memref<64x128xf32, #tpu.memory_space<vmem>>) offsets(%dma_start3A_1803 : memref<64xi32, #tpu.memory_space<vmem>>) semaphore(%arg14 : memref<!tpu.dma_semaphore, #tpu.memory_space<semaphore_mem>>)
    %mul3A_1807 = arith.constant 40 : i32
    %mul3A_1808 = arith.muli %add3A, %mul3A_1807 : i32
    %add3A_1809 = arith.constant 27 : i32
    %add3A_1810 = arith.addi %mul3A_1808, %add3A_1809 : i32
    %shift_right_logical3A_1811 = arith.constant 8 : i32
    %shift_right_logical3A_1812 = arith.shrui %add3A_1810, %shift_right_logical3A_1811 : i32
    %and3A_1813 = arith.constant 255 : i32
    %and3A_1814 = arith.andi %add3A_1810, %and3A_1813 : i32
    %mul3A_1815 = arith.constant 64 : i32
    %mul3A_1816 = arith.muli %and3A_1814, %mul3A_1815 : i32
    %multiple_of3A_1817 = tpu.assume_multiple %mul3A_1816, 64 : i32
    %mul3A_1818 = arith.constant 128 : i32
    %mul3A_1819 = arith.muli %shift_right_logical3A_1812, %mul3A_1818 : i32
    %multiple_of3A_1820 = tpu.assume_multiple %mul3A_1819, 128 : i32
    %dma_wait3A_1821 = arith.constant 0 : i32
    %dma_wait3A_1822 = arith.constant 27 : i32
    %dma_wait3A_1823 = arith.constant 3 : i32
    %dma_wait3A_1824 = arith.constant 0 : i32
    %dma_wait3A_1825 = arith.constant 0 : i32
    %dma_wait3A_1826 = tpu.memref_slice %arg10[%dma_wait3A_1823, %dma_wait3A_1824, %dma_wait3A_1825] : memref<6x64x128xf32, #tpu.memory_space<vmem>> -> memref<1x64x128xf32, #tpu.memory_space<vmem>>
    %dma_wait3A_1827 = tpu.memref_squeeze %dma_wait3A_1826 : memref<1x64x128xf32, #tpu.memory_space<vmem>> -> memref<64x128xf32, #tpu.memory_space<vmem>>
    %dma_wait3A_1828 = arith.constant 0 : i32
    %dma_wait3A_1829 = tpu.memref_slice %arg9[%dma_wait3A_1821, %dma_wait3A_1822, %dma_wait3A_1828] : memref<1x40x64xi32, #tpu.memory_space<vmem>> -> memref<1x1x64xi32, #tpu.memory_space<vmem>>
    %dma_wait3A_1830 = tpu.memref_squeeze %dma_wait3A_1829 : memref<1x1x64xi32, #tpu.memory_space<vmem>> -> memref<64xi32, #tpu.memory_space<vmem>>
    %dma_wait3A_1831 = arith.constant 0 : i32
    %dma_wait3A_1832 = arith.constant 0 : i32
    %dma_wait3A_1833 = tpu.memref_slice %arg11[%dma_wait3A_1831, %dma_wait3A_1832] : memref<9528x128xf32, #tpu.memory_space<vmem_shared>> -> memref<9528x128xf32, #tpu.memory_space<vmem_shared>>
    tpu.wait_indirect_dma semaphore(%arg15 : memref<!tpu.dma_semaphore, #tpu.memory_space<semaphore_mem>>) src(%dma_wait3A_1833 : memref<9528x128xf32, #tpu.memory_space<vmem_shared>>) dst(%dma_wait3A_1827 : memref<64x128xf32, #tpu.memory_space<vmem>>)
    %dma_start3A_1834 = arith.constant 3 : i32
    %dma_start3A_1835 = arith.constant 0 : i32
    %dma_start3A_1836 = arith.constant 0 : i32
    %dma_start3A_1837 = tpu.memref_slice %arg10[%dma_start3A_1834, %dma_start3A_1835, %dma_start3A_1836] : memref<6x64x128xf32, #tpu.memory_space<vmem>> -> memref<1x64x128xf32, #tpu.memory_space<vmem>>
    %dma_start3A_1838 = tpu.memref_squeeze %dma_start3A_1837 : memref<1x64x128xf32, #tpu.memory_space<vmem>> -> memref<64x128xf32, #tpu.memory_space<vmem>>
    %dma_start3A_1839 = tpu.memref_slice %arg8[%multiple_of3A_1817, %multiple_of3A_1820] : memref<16384x640xf32, #tpu.memory_space<hbm>> -> memref<64x128xf32, #tpu.memory_space<hbm>>
    %dma_start3A_1840 = tpu.memref_slice %arg8[%multiple_of3A_1817, %multiple_of3A_1820] : memref<16384x640xf32, #tpu.memory_space<hbm>> -> memref<64x128xf32, #tpu.memory_space<hbm>>
    %dma_start3A_1841 = arith.constant 0 : i32
    %dma_start3A_1842 = arith.constant 0 : i32
    %dma_start3A_1843 = tpu.memref_slice %arg10[%dma_start3A_1834, %dma_start3A_1841, %dma_start3A_1842] : memref<6x64x128xf32, #tpu.memory_space<vmem>> -> memref<1x64x128xf32, #tpu.memory_space<vmem>>
    %dma_start3A_1844 = tpu.memref_squeeze %dma_start3A_1843 : memref<1x64x128xf32, #tpu.memory_space<vmem>> -> memref<64x128xf32, #tpu.memory_space<vmem>>
    tpu.enqueue_dma source(%dma_start3A_1844 : memref<64x128xf32, #tpu.memory_space<vmem>>) target(%dma_start3A_1840 : memref<64x128xf32, #tpu.memory_space<hbm>>) target_semaphore(%arg21 : memref<!tpu.dma_semaphore, #tpu.memory_space<semaphore_mem>>)
    %dma_wait3A_1845 = arith.constant 3 : i32
    %dma_wait3A_1846 = arith.constant 0 : i32
    %dma_wait3A_1847 = arith.constant 0 : i32
    %dma_wait3A_1848 = tpu.memref_slice %arg10[%dma_wait3A_1845, %dma_wait3A_1846, %dma_wait3A_1847] : memref<6x64x128xf32, #tpu.memory_space<vmem>> -> memref<1x64x128xf32, #tpu.memory_space<vmem>>
    %dma_wait3A_1849 = tpu.memref_squeeze %dma_wait3A_1848 : memref<1x64x128xf32, #tpu.memory_space<vmem>> -> memref<64x128xf32, #tpu.memory_space<vmem>>
    %dma_wait3A_1850 = tpu.memref_slice %arg8[%multiple_of3A_1817, %multiple_of3A_1820] : memref<16384x640xf32, #tpu.memory_space<hbm>> -> memref<64x128xf32, #tpu.memory_space<hbm>>
    %dma_wait3A_1851 = tpu.memref_slice %arg8[%multiple_of3A_1817, %multiple_of3A_1820] : memref<16384x640xf32, #tpu.memory_space<hbm>> -> memref<64x128xf32, #tpu.memory_space<hbm>>
    %dma_wait3A_1852 = arith.constant 0 : i32
    %dma_wait3A_1853 = arith.constant 0 : i32
    %dma_wait3A_1854 = tpu.memref_slice %arg10[%dma_wait3A_1845, %dma_wait3A_1852, %dma_wait3A_1853] : memref<6x64x128xf32, #tpu.memory_space<vmem>> -> memref<1x64x128xf32, #tpu.memory_space<vmem>>
    %dma_wait3A_1855 = tpu.memref_squeeze %dma_wait3A_1854 : memref<1x64x128xf32, #tpu.memory_space<vmem>> -> memref<64x128xf32, #tpu.memory_space<vmem>>
    tpu.wait_dma2 semaphore(%arg21 : memref<!tpu.dma_semaphore, #tpu.memory_space<semaphore_mem>>) src(%dma_wait3A_1855 : memref<64x128xf32, #tpu.memory_space<vmem>>) dst(%dma_wait3A_1851 : memref<64x128xf32, #tpu.memory_space<hbm>>)
    %dma_start3A_1856 = arith.constant 0 : i32
    %dma_start3A_1857 = arith.constant 33 : i32
    %dma_start3A_1858 = arith.constant 3 : i32
    %dma_start3A_1859 = arith.constant 0 : i32
    %dma_start3A_1860 = arith.constant 0 : i32
    %dma_start3A_1861 = tpu.memref_slice %arg10[%dma_start3A_1858, %dma_start3A_1859, %dma_start3A_1860] : memref<6x64x128xf32, #tpu.memory_space<vmem>> -> memref<1x64x128xf32, #tpu.memory_space<vmem>>
    %dma_start3A_1862 = tpu.memref_squeeze %dma_start3A_1861 : memref<1x64x128xf32, #tpu.memory_space<vmem>> -> memref<64x128xf32, #tpu.memory_space<vmem>>
    %dma_start3A_1863 = arith.constant 0 : i32
    %dma_start3A_1864 = tpu.memref_slice %arg9[%dma_start3A_1856, %dma_start3A_1857, %dma_start3A_1863] : memref<1x40x64xi32, #tpu.memory_space<vmem>> -> memref<1x1x64xi32, #tpu.memory_space<vmem>>
    %dma_start3A_1865 = tpu.memref_squeeze %dma_start3A_1864 : memref<1x1x64xi32, #tpu.memory_space<vmem>> -> memref<64xi32, #tpu.memory_space<vmem>>
    %dma_start3A_1866 = arith.constant 0 : i32
    %dma_start3A_1867 = arith.constant 0 : i32
    %dma_start3A_1868 = tpu.memref_slice %arg11[%dma_start3A_1866, %dma_start3A_1867] : memref<9528x128xf32, #tpu.memory_space<vmem_shared>> -> memref<9528x128xf32, #tpu.memory_space<vmem_shared>>
    tpu.enqueue_indirect_dma source(%dma_start3A_1868 : memref<9528x128xf32, #tpu.memory_space<vmem_shared>>) target(%dma_start3A_1862 : memref<64x128xf32, #tpu.memory_space<vmem>>) offsets(%dma_start3A_1865 : memref<64xi32, #tpu.memory_space<vmem>>) semaphore(%arg15 : memref<!tpu.dma_semaphore, #tpu.memory_space<semaphore_mem>>)
    %mul3A_1869 = arith.constant 40 : i32
    %mul3A_1870 = arith.muli %add3A, %mul3A_1869 : i32
    %add3A_1871 = arith.constant 28 : i32
    %add3A_1872 = arith.addi %mul3A_1870, %add3A_1871 : i32
    %shift_right_logical3A_1873 = arith.constant 8 : i32
    %shift_right_logical3A_1874 = arith.shrui %add3A_1872, %shift_right_logical3A_1873 : i32
    %and3A_1875 = arith.constant 255 : i32
    %and3A_1876 = arith.andi %add3A_1872, %and3A_1875 : i32
    %mul3A_1877 = arith.constant 64 : i32
    %mul3A_1878 = arith.muli %and3A_1876, %mul3A_1877 : i32
    %multiple_of3A_1879 = tpu.assume_multiple %mul3A_1878, 64 : i32
    %mul3A_1880 = arith.constant 128 : i32
    %mul3A_1881 = arith.muli %shift_right_logical3A_1874, %mul3A_1880 : i32
    %multiple_of3A_1882 = tpu.assume_multiple %mul3A_1881, 128 : i32
    %dma_wait3A_1883 = arith.constant 0 : i32
    %dma_wait3A_1884 = arith.constant 28 : i32
    %dma_wait3A_1885 = arith.constant 4 : i32
    %dma_wait3A_1886 = arith.constant 0 : i32
    %dma_wait3A_1887 = arith.constant 0 : i32
    %dma_wait3A_1888 = tpu.memref_slice %arg10[%dma_wait3A_1885, %dma_wait3A_1886, %dma_wait3A_1887] : memref<6x64x128xf32, #tpu.memory_space<vmem>> -> memref<1x64x128xf32, #tpu.memory_space<vmem>>
    %dma_wait3A_1889 = tpu.memref_squeeze %dma_wait3A_1888 : memref<1x64x128xf32, #tpu.memory_space<vmem>> -> memref<64x128xf32, #tpu.memory_space<vmem>>
    %dma_wait3A_1890 = arith.constant 0 : i32
    %dma_wait3A_1891 = tpu.memref_slice %arg9[%dma_wait3A_1883, %dma_wait3A_1884, %dma_wait3A_1890] : memref<1x40x64xi32, #tpu.memory_space<vmem>> -> memref<1x1x64xi32, #tpu.memory_space<vmem>>
    %dma_wait3A_1892 = tpu.memref_squeeze %dma_wait3A_1891 : memref<1x1x64xi32, #tpu.memory_space<vmem>> -> memref<64xi32, #tpu.memory_space<vmem>>
    %dma_wait3A_1893 = arith.constant 0 : i32
    %dma_wait3A_1894 = arith.constant 0 : i32
    %dma_wait3A_1895 = tpu.memref_slice %arg11[%dma_wait3A_1893, %dma_wait3A_1894] : memref<9528x128xf32, #tpu.memory_space<vmem_shared>> -> memref<9528x128xf32, #tpu.memory_space<vmem_shared>>
    tpu.wait_indirect_dma semaphore(%arg16 : memref<!tpu.dma_semaphore, #tpu.memory_space<semaphore_mem>>) src(%dma_wait3A_1895 : memref<9528x128xf32, #tpu.memory_space<vmem_shared>>) dst(%dma_wait3A_1889 : memref<64x128xf32, #tpu.memory_space<vmem>>)
    %dma_start3A_1896 = arith.constant 4 : i32
    %dma_start3A_1897 = arith.constant 0 : i32
    %dma_start3A_1898 = arith.constant 0 : i32
    %dma_start3A_1899 = tpu.memref_slice %arg10[%dma_start3A_1896, %dma_start3A_1897, %dma_start3A_1898] : memref<6x64x128xf32, #tpu.memory_space<vmem>> -> memref<1x64x128xf32, #tpu.memory_space<vmem>>
    %dma_start3A_1900 = tpu.memref_squeeze %dma_start3A_1899 : memref<1x64x128xf32, #tpu.memory_space<vmem>> -> memref<64x128xf32, #tpu.memory_space<vmem>>
    %dma_start3A_1901 = tpu.memref_slice %arg8[%multiple_of3A_1879, %multiple_of3A_1882] : memref<16384x640xf32, #tpu.memory_space<hbm>> -> memref<64x128xf32, #tpu.memory_space<hbm>>
    %dma_start3A_1902 = tpu.memref_slice %arg8[%multiple_of3A_1879, %multiple_of3A_1882] : memref<16384x640xf32, #tpu.memory_space<hbm>> -> memref<64x128xf32, #tpu.memory_space<hbm>>
    %dma_start3A_1903 = arith.constant 0 : i32
    %dma_start3A_1904 = arith.constant 0 : i32
    %dma_start3A_1905 = tpu.memref_slice %arg10[%dma_start3A_1896, %dma_start3A_1903, %dma_start3A_1904] : memref<6x64x128xf32, #tpu.memory_space<vmem>> -> memref<1x64x128xf32, #tpu.memory_space<vmem>>
    %dma_start3A_1906 = tpu.memref_squeeze %dma_start3A_1905 : memref<1x64x128xf32, #tpu.memory_space<vmem>> -> memref<64x128xf32, #tpu.memory_space<vmem>>
    tpu.enqueue_dma source(%dma_start3A_1906 : memref<64x128xf32, #tpu.memory_space<vmem>>) target(%dma_start3A_1902 : memref<64x128xf32, #tpu.memory_space<hbm>>) target_semaphore(%arg22 : memref<!tpu.dma_semaphore, #tpu.memory_space<semaphore_mem>>)
    %dma_wait3A_1907 = arith.constant 4 : i32
    %dma_wait3A_1908 = arith.constant 0 : i32
    %dma_wait3A_1909 = arith.constant 0 : i32
    %dma_wait3A_1910 = tpu.memref_slice %arg10[%dma_wait3A_1907, %dma_wait3A_1908, %dma_wait3A_1909] : memref<6x64x128xf32, #tpu.memory_space<vmem>> -> memref<1x64x128xf32, #tpu.memory_space<vmem>>
    %dma_wait3A_1911 = tpu.memref_squeeze %dma_wait3A_1910 : memref<1x64x128xf32, #tpu.memory_space<vmem>> -> memref<64x128xf32, #tpu.memory_space<vmem>>
    %dma_wait3A_1912 = tpu.memref_slice %arg8[%multiple_of3A_1879, %multiple_of3A_1882] : memref<16384x640xf32, #tpu.memory_space<hbm>> -> memref<64x128xf32, #tpu.memory_space<hbm>>
    %dma_wait3A_1913 = tpu.memref_slice %arg8[%multiple_of3A_1879, %multiple_of3A_1882] : memref<16384x640xf32, #tpu.memory_space<hbm>> -> memref<64x128xf32, #tpu.memory_space<hbm>>
    %dma_wait3A_1914 = arith.constant 0 : i32
    %dma_wait3A_1915 = arith.constant 0 : i32
    %dma_wait3A_1916 = tpu.memref_slice %arg10[%dma_wait3A_1907, %dma_wait3A_1914, %dma_wait3A_1915] : memref<6x64x128xf32, #tpu.memory_space<vmem>> -> memref<1x64x128xf32, #tpu.memory_space<vmem>>
    %dma_wait3A_1917 = tpu.memref_squeeze %dma_wait3A_1916 : memref<1x64x128xf32, #tpu.memory_space<vmem>> -> memref<64x128xf32, #tpu.memory_space<vmem>>
    tpu.wait_dma2 semaphore(%arg22 : memref<!tpu.dma_semaphore, #tpu.memory_space<semaphore_mem>>) src(%dma_wait3A_1917 : memref<64x128xf32, #tpu.memory_space<vmem>>) dst(%dma_wait3A_1913 : memref<64x128xf32, #tpu.memory_space<hbm>>)
    %dma_start3A_1918 = arith.constant 0 : i32
    %dma_start3A_1919 = arith.constant 34 : i32
    %dma_start3A_1920 = arith.constant 4 : i32
    %dma_start3A_1921 = arith.constant 0 : i32
    %dma_start3A_1922 = arith.constant 0 : i32
    %dma_start3A_1923 = tpu.memref_slice %arg10[%dma_start3A_1920, %dma_start3A_1921, %dma_start3A_1922] : memref<6x64x128xf32, #tpu.memory_space<vmem>> -> memref<1x64x128xf32, #tpu.memory_space<vmem>>
    %dma_start3A_1924 = tpu.memref_squeeze %dma_start3A_1923 : memref<1x64x128xf32, #tpu.memory_space<vmem>> -> memref<64x128xf32, #tpu.memory_space<vmem>>
    %dma_start3A_1925 = arith.constant 0 : i32
    %dma_start3A_1926 = tpu.memref_slice %arg9[%dma_start3A_1918, %dma_start3A_1919, %dma_start3A_1925] : memref<1x40x64xi32, #tpu.memory_space<vmem>> -> memref<1x1x64xi32, #tpu.memory_space<vmem>>
    %dma_start3A_1927 = tpu.memref_squeeze %dma_start3A_1926 : memref<1x1x64xi32, #tpu.memory_space<vmem>> -> memref<64xi32, #tpu.memory_space<vmem>>
    %dma_start3A_1928 = arith.constant 0 : i32
    %dma_start3A_1929 = arith.constant 0 : i32
    %dma_start3A_1930 = tpu.memref_slice %arg11[%dma_start3A_1928, %dma_start3A_1929] : memref<9528x128xf32, #tpu.memory_space<vmem_shared>> -> memref<9528x128xf32, #tpu.memory_space<vmem_shared>>
    tpu.enqueue_indirect_dma source(%dma_start3A_1930 : memref<9528x128xf32, #tpu.memory_space<vmem_shared>>) target(%dma_start3A_1924 : memref<64x128xf32, #tpu.memory_space<vmem>>) offsets(%dma_start3A_1927 : memref<64xi32, #tpu.memory_space<vmem>>) semaphore(%arg16 : memref<!tpu.dma_semaphore, #tpu.memory_space<semaphore_mem>>)
    %mul3A_1931 = arith.constant 40 : i32
    %mul3A_1932 = arith.muli %add3A, %mul3A_1931 : i32
    %add3A_1933 = arith.constant 29 : i32
    %add3A_1934 = arith.addi %mul3A_1932, %add3A_1933 : i32
    %shift_right_logical3A_1935 = arith.constant 8 : i32
    %shift_right_logical3A_1936 = arith.shrui %add3A_1934, %shift_right_logical3A_1935 : i32
    %and3A_1937 = arith.constant 255 : i32
    %and3A_1938 = arith.andi %add3A_1934, %and3A_1937 : i32
    %mul3A_1939 = arith.constant 64 : i32
    %mul3A_1940 = arith.muli %and3A_1938, %mul3A_1939 : i32
    %multiple_of3A_1941 = tpu.assume_multiple %mul3A_1940, 64 : i32
    %mul3A_1942 = arith.constant 128 : i32
    %mul3A_1943 = arith.muli %shift_right_logical3A_1936, %mul3A_1942 : i32
    %multiple_of3A_1944 = tpu.assume_multiple %mul3A_1943, 128 : i32
    %dma_wait3A_1945 = arith.constant 0 : i32
    %dma_wait3A_1946 = arith.constant 29 : i32
    %dma_wait3A_1947 = arith.constant 5 : i32
    %dma_wait3A_1948 = arith.constant 0 : i32
    %dma_wait3A_1949 = arith.constant 0 : i32
    %dma_wait3A_1950 = tpu.memref_slice %arg10[%dma_wait3A_1947, %dma_wait3A_1948, %dma_wait3A_1949] : memref<6x64x128xf32, #tpu.memory_space<vmem>> -> memref<1x64x128xf32, #tpu.memory_space<vmem>>
    %dma_wait3A_1951 = tpu.memref_squeeze %dma_wait3A_1950 : memref<1x64x128xf32, #tpu.memory_space<vmem>> -> memref<64x128xf32, #tpu.memory_space<vmem>>
    %dma_wait3A_1952 = arith.constant 0 : i32
    %dma_wait3A_1953 = tpu.memref_slice %arg9[%dma_wait3A_1945, %dma_wait3A_1946, %dma_wait3A_1952] : memref<1x40x64xi32, #tpu.memory_space<vmem>> -> memref<1x1x64xi32, #tpu.memory_space<vmem>>
    %dma_wait3A_1954 = tpu.memref_squeeze %dma_wait3A_1953 : memref<1x1x64xi32, #tpu.memory_space<vmem>> -> memref<64xi32, #tpu.memory_space<vmem>>
    %dma_wait3A_1955 = arith.constant 0 : i32
    %dma_wait3A_1956 = arith.constant 0 : i32
    %dma_wait3A_1957 = tpu.memref_slice %arg11[%dma_wait3A_1955, %dma_wait3A_1956] : memref<9528x128xf32, #tpu.memory_space<vmem_shared>> -> memref<9528x128xf32, #tpu.memory_space<vmem_shared>>
    tpu.wait_indirect_dma semaphore(%arg17 : memref<!tpu.dma_semaphore, #tpu.memory_space<semaphore_mem>>) src(%dma_wait3A_1957 : memref<9528x128xf32, #tpu.memory_space<vmem_shared>>) dst(%dma_wait3A_1951 : memref<64x128xf32, #tpu.memory_space<vmem>>)
    %dma_start3A_1958 = arith.constant 5 : i32
    %dma_start3A_1959 = arith.constant 0 : i32
    %dma_start3A_1960 = arith.constant 0 : i32
    %dma_start3A_1961 = tpu.memref_slice %arg10[%dma_start3A_1958, %dma_start3A_1959, %dma_start3A_1960] : memref<6x64x128xf32, #tpu.memory_space<vmem>> -> memref<1x64x128xf32, #tpu.memory_space<vmem>>
    %dma_start3A_1962 = tpu.memref_squeeze %dma_start3A_1961 : memref<1x64x128xf32, #tpu.memory_space<vmem>> -> memref<64x128xf32, #tpu.memory_space<vmem>>
    %dma_start3A_1963 = tpu.memref_slice %arg8[%multiple_of3A_1941, %multiple_of3A_1944] : memref<16384x640xf32, #tpu.memory_space<hbm>> -> memref<64x128xf32, #tpu.memory_space<hbm>>
    %dma_start3A_1964 = tpu.memref_slice %arg8[%multiple_of3A_1941, %multiple_of3A_1944] : memref<16384x640xf32, #tpu.memory_space<hbm>> -> memref<64x128xf32, #tpu.memory_space<hbm>>
    %dma_start3A_1965 = arith.constant 0 : i32
    %dma_start3A_1966 = arith.constant 0 : i32
    %dma_start3A_1967 = tpu.memref_slice %arg10[%dma_start3A_1958, %dma_start3A_1965, %dma_start3A_1966] : memref<6x64x128xf32, #tpu.memory_space<vmem>> -> memref<1x64x128xf32, #tpu.memory_space<vmem>>
    %dma_start3A_1968 = tpu.memref_squeeze %dma_start3A_1967 : memref<1x64x128xf32, #tpu.memory_space<vmem>> -> memref<64x128xf32, #tpu.memory_space<vmem>>
    tpu.enqueue_dma source(%dma_start3A_1968 : memref<64x128xf32, #tpu.memory_space<vmem>>) target(%dma_start3A_1964 : memref<64x128xf32, #tpu.memory_space<hbm>>) target_semaphore(%arg23 : memref<!tpu.dma_semaphore, #tpu.memory_space<semaphore_mem>>)
    %dma_wait3A_1969 = arith.constant 5 : i32
    %dma_wait3A_1970 = arith.constant 0 : i32
    %dma_wait3A_1971 = arith.constant 0 : i32
    %dma_wait3A_1972 = tpu.memref_slice %arg10[%dma_wait3A_1969, %dma_wait3A_1970, %dma_wait3A_1971] : memref<6x64x128xf32, #tpu.memory_space<vmem>> -> memref<1x64x128xf32, #tpu.memory_space<vmem>>
    %dma_wait3A_1973 = tpu.memref_squeeze %dma_wait3A_1972 : memref<1x64x128xf32, #tpu.memory_space<vmem>> -> memref<64x128xf32, #tpu.memory_space<vmem>>
    %dma_wait3A_1974 = tpu.memref_slice %arg8[%multiple_of3A_1941, %multiple_of3A_1944] : memref<16384x640xf32, #tpu.memory_space<hbm>> -> memref<64x128xf32, #tpu.memory_space<hbm>>
    %dma_wait3A_1975 = tpu.memref_slice %arg8[%multiple_of3A_1941, %multiple_of3A_1944] : memref<16384x640xf32, #tpu.memory_space<hbm>> -> memref<64x128xf32, #tpu.memory_space<hbm>>
    %dma_wait3A_1976 = arith.constant 0 : i32
    %dma_wait3A_1977 = arith.constant 0 : i32
    %dma_wait3A_1978 = tpu.memref_slice %arg10[%dma_wait3A_1969, %dma_wait3A_1976, %dma_wait3A_1977] : memref<6x64x128xf32, #tpu.memory_space<vmem>> -> memref<1x64x128xf32, #tpu.memory_space<vmem>>
    %dma_wait3A_1979 = tpu.memref_squeeze %dma_wait3A_1978 : memref<1x64x128xf32, #tpu.memory_space<vmem>> -> memref<64x128xf32, #tpu.memory_space<vmem>>
    tpu.wait_dma2 semaphore(%arg23 : memref<!tpu.dma_semaphore, #tpu.memory_space<semaphore_mem>>) src(%dma_wait3A_1979 : memref<64x128xf32, #tpu.memory_space<vmem>>) dst(%dma_wait3A_1975 : memref<64x128xf32, #tpu.memory_space<hbm>>)
    %dma_start3A_1980 = arith.constant 0 : i32
    %dma_start3A_1981 = arith.constant 35 : i32
    %dma_start3A_1982 = arith.constant 5 : i32
    %dma_start3A_1983 = arith.constant 0 : i32
    %dma_start3A_1984 = arith.constant 0 : i32
    %dma_start3A_1985 = tpu.memref_slice %arg10[%dma_start3A_1982, %dma_start3A_1983, %dma_start3A_1984] : memref<6x64x128xf32, #tpu.memory_space<vmem>> -> memref<1x64x128xf32, #tpu.memory_space<vmem>>
    %dma_start3A_1986 = tpu.memref_squeeze %dma_start3A_1985 : memref<1x64x128xf32, #tpu.memory_space<vmem>> -> memref<64x128xf32, #tpu.memory_space<vmem>>
    %dma_start3A_1987 = arith.constant 0 : i32
    %dma_start3A_1988 = tpu.memref_slice %arg9[%dma_start3A_1980, %dma_start3A_1981, %dma_start3A_1987] : memref<1x40x64xi32, #tpu.memory_space<vmem>> -> memref<1x1x64xi32, #tpu.memory_space<vmem>>
    %dma_start3A_1989 = tpu.memref_squeeze %dma_start3A_1988 : memref<1x1x64xi32, #tpu.memory_space<vmem>> -> memref<64xi32, #tpu.memory_space<vmem>>
    %dma_start3A_1990 = arith.constant 0 : i32
    %dma_start3A_1991 = arith.constant 0 : i32
    %dma_start3A_1992 = tpu.memref_slice %arg11[%dma_start3A_1990, %dma_start3A_1991] : memref<9528x128xf32, #tpu.memory_space<vmem_shared>> -> memref<9528x128xf32, #tpu.memory_space<vmem_shared>>
    tpu.enqueue_indirect_dma source(%dma_start3A_1992 : memref<9528x128xf32, #tpu.memory_space<vmem_shared>>) target(%dma_start3A_1986 : memref<64x128xf32, #tpu.memory_space<vmem>>) offsets(%dma_start3A_1989 : memref<64xi32, #tpu.memory_space<vmem>>) semaphore(%arg17 : memref<!tpu.dma_semaphore, #tpu.memory_space<semaphore_mem>>)
    %mul3A_1993 = arith.constant 40 : i32
    %mul3A_1994 = arith.muli %add3A, %mul3A_1993 : i32
    %add3A_1995 = arith.constant 30 : i32
    %add3A_1996 = arith.addi %mul3A_1994, %add3A_1995 : i32
    %shift_right_logical3A_1997 = arith.constant 8 : i32
    %shift_right_logical3A_1998 = arith.shrui %add3A_1996, %shift_right_logical3A_1997 : i32
    %and3A_1999 = arith.constant 255 : i32
    %and3A_2000 = arith.andi %add3A_1996, %and3A_1999 : i32
    %mul3A_2001 = arith.constant 64 : i32
    %mul3A_2002 = arith.muli %and3A_2000, %mul3A_2001 : i32
    %multiple_of3A_2003 = tpu.assume_multiple %mul3A_2002, 64 : i32
    %mul3A_2004 = arith.constant 128 : i32
    %mul3A_2005 = arith.muli %shift_right_logical3A_1998, %mul3A_2004 : i32
    %multiple_of3A_2006 = tpu.assume_multiple %mul3A_2005, 128 : i32
    %dma_wait3A_2007 = arith.constant 0 : i32
    %dma_wait3A_2008 = arith.constant 30 : i32
    %dma_wait3A_2009 = arith.constant 0 : i32
    %dma_wait3A_2010 = arith.constant 0 : i32
    %dma_wait3A_2011 = arith.constant 0 : i32
    %dma_wait3A_2012 = tpu.memref_slice %arg10[%dma_wait3A_2009, %dma_wait3A_2010, %dma_wait3A_2011] : memref<6x64x128xf32, #tpu.memory_space<vmem>> -> memref<1x64x128xf32, #tpu.memory_space<vmem>>
    %dma_wait3A_2013 = tpu.memref_squeeze %dma_wait3A_2012 : memref<1x64x128xf32, #tpu.memory_space<vmem>> -> memref<64x128xf32, #tpu.memory_space<vmem>>
    %dma_wait3A_2014 = arith.constant 0 : i32
    %dma_wait3A_2015 = tpu.memref_slice %arg9[%dma_wait3A_2007, %dma_wait3A_2008, %dma_wait3A_2014] : memref<1x40x64xi32, #tpu.memory_space<vmem>> -> memref<1x1x64xi32, #tpu.memory_space<vmem>>
    %dma_wait3A_2016 = tpu.memref_squeeze %dma_wait3A_2015 : memref<1x1x64xi32, #tpu.memory_space<vmem>> -> memref<64xi32, #tpu.memory_space<vmem>>
    %dma_wait3A_2017 = arith.constant 0 : i32
    %dma_wait3A_2018 = arith.constant 0 : i32
    %dma_wait3A_2019 = tpu.memref_slice %arg11[%dma_wait3A_2017, %dma_wait3A_2018] : memref<9528x128xf32, #tpu.memory_space<vmem_shared>> -> memref<9528x128xf32, #tpu.memory_space<vmem_shared>>
    tpu.wait_indirect_dma semaphore(%arg12 : memref<!tpu.dma_semaphore, #tpu.memory_space<semaphore_mem>>) src(%dma_wait3A_2019 : memref<9528x128xf32, #tpu.memory_space<vmem_shared>>) dst(%dma_wait3A_2013 : memref<64x128xf32, #tpu.memory_space<vmem>>)
    %dma_start3A_2020 = arith.constant 0 : i32
    %dma_start3A_2021 = arith.constant 0 : i32
    %dma_start3A_2022 = arith.constant 0 : i32
    %dma_start3A_2023 = tpu.memref_slice %arg10[%dma_start3A_2020, %dma_start3A_2021, %dma_start3A_2022] : memref<6x64x128xf32, #tpu.memory_space<vmem>> -> memref<1x64x128xf32, #tpu.memory_space<vmem>>
    %dma_start3A_2024 = tpu.memref_squeeze %dma_start3A_2023 : memref<1x64x128xf32, #tpu.memory_space<vmem>> -> memref<64x128xf32, #tpu.memory_space<vmem>>
    %dma_start3A_2025 = tpu.memref_slice %arg8[%multiple_of3A_2003, %multiple_of3A_2006] : memref<16384x640xf32, #tpu.memory_space<hbm>> -> memref<64x128xf32, #tpu.memory_space<hbm>>
    %dma_start3A_2026 = tpu.memref_slice %arg8[%multiple_of3A_2003, %multiple_of3A_2006] : memref<16384x640xf32, #tpu.memory_space<hbm>> -> memref<64x128xf32, #tpu.memory_space<hbm>>
    %dma_start3A_2027 = arith.constant 0 : i32
    %dma_start3A_2028 = arith.constant 0 : i32
    %dma_start3A_2029 = tpu.memref_slice %arg10[%dma_start3A_2020, %dma_start3A_2027, %dma_start3A_2028] : memref<6x64x128xf32, #tpu.memory_space<vmem>> -> memref<1x64x128xf32, #tpu.memory_space<vmem>>
    %dma_start3A_2030 = tpu.memref_squeeze %dma_start3A_2029 : memref<1x64x128xf32, #tpu.memory_space<vmem>> -> memref<64x128xf32, #tpu.memory_space<vmem>>
    tpu.enqueue_dma source(%dma_start3A_2030 : memref<64x128xf32, #tpu.memory_space<vmem>>) target(%dma_start3A_2026 : memref<64x128xf32, #tpu.memory_space<hbm>>) target_semaphore(%arg18 : memref<!tpu.dma_semaphore, #tpu.memory_space<semaphore_mem>>)
    %dma_wait3A_2031 = arith.constant 0 : i32
    %dma_wait3A_2032 = arith.constant 0 : i32
    %dma_wait3A_2033 = arith.constant 0 : i32
    %dma_wait3A_2034 = tpu.memref_slice %arg10[%dma_wait3A_2031, %dma_wait3A_2032, %dma_wait3A_2033] : memref<6x64x128xf32, #tpu.memory_space<vmem>> -> memref<1x64x128xf32, #tpu.memory_space<vmem>>
    %dma_wait3A_2035 = tpu.memref_squeeze %dma_wait3A_2034 : memref<1x64x128xf32, #tpu.memory_space<vmem>> -> memref<64x128xf32, #tpu.memory_space<vmem>>
    %dma_wait3A_2036 = tpu.memref_slice %arg8[%multiple_of3A_2003, %multiple_of3A_2006] : memref<16384x640xf32, #tpu.memory_space<hbm>> -> memref<64x128xf32, #tpu.memory_space<hbm>>
    %dma_wait3A_2037 = tpu.memref_slice %arg8[%multiple_of3A_2003, %multiple_of3A_2006] : memref<16384x640xf32, #tpu.memory_space<hbm>> -> memref<64x128xf32, #tpu.memory_space<hbm>>
    %dma_wait3A_2038 = arith.constant 0 : i32
    %dma_wait3A_2039 = arith.constant 0 : i32
    %dma_wait3A_2040 = tpu.memref_slice %arg10[%dma_wait3A_2031, %dma_wait3A_2038, %dma_wait3A_2039] : memref<6x64x128xf32, #tpu.memory_space<vmem>> -> memref<1x64x128xf32, #tpu.memory_space<vmem>>
    %dma_wait3A_2041 = tpu.memref_squeeze %dma_wait3A_2040 : memref<1x64x128xf32, #tpu.memory_space<vmem>> -> memref<64x128xf32, #tpu.memory_space<vmem>>
    tpu.wait_dma2 semaphore(%arg18 : memref<!tpu.dma_semaphore, #tpu.memory_space<semaphore_mem>>) src(%dma_wait3A_2041 : memref<64x128xf32, #tpu.memory_space<vmem>>) dst(%dma_wait3A_2037 : memref<64x128xf32, #tpu.memory_space<hbm>>)
    %dma_start3A_2042 = arith.constant 0 : i32
    %dma_start3A_2043 = arith.constant 36 : i32
    %dma_start3A_2044 = arith.constant 0 : i32
    %dma_start3A_2045 = arith.constant 0 : i32
    %dma_start3A_2046 = arith.constant 0 : i32
    %dma_start3A_2047 = tpu.memref_slice %arg10[%dma_start3A_2044, %dma_start3A_2045, %dma_start3A_2046] : memref<6x64x128xf32, #tpu.memory_space<vmem>> -> memref<1x64x128xf32, #tpu.memory_space<vmem>>
    %dma_start3A_2048 = tpu.memref_squeeze %dma_start3A_2047 : memref<1x64x128xf32, #tpu.memory_space<vmem>> -> memref<64x128xf32, #tpu.memory_space<vmem>>
    %dma_start3A_2049 = arith.constant 0 : i32
    %dma_start3A_2050 = tpu.memref_slice %arg9[%dma_start3A_2042, %dma_start3A_2043, %dma_start3A_2049] : memref<1x40x64xi32, #tpu.memory_space<vmem>> -> memref<1x1x64xi32, #tpu.memory_space<vmem>>
    %dma_start3A_2051 = tpu.memref_squeeze %dma_start3A_2050 : memref<1x1x64xi32, #tpu.memory_space<vmem>> -> memref<64xi32, #tpu.memory_space<vmem>>
    %dma_start3A_2052 = arith.constant 0 : i32
    %dma_start3A_2053 = arith.constant 0 : i32
    %dma_start3A_2054 = tpu.memref_slice %arg11[%dma_start3A_2052, %dma_start3A_2053] : memref<9528x128xf32, #tpu.memory_space<vmem_shared>> -> memref<9528x128xf32, #tpu.memory_space<vmem_shared>>
    tpu.enqueue_indirect_dma source(%dma_start3A_2054 : memref<9528x128xf32, #tpu.memory_space<vmem_shared>>) target(%dma_start3A_2048 : memref<64x128xf32, #tpu.memory_space<vmem>>) offsets(%dma_start3A_2051 : memref<64xi32, #tpu.memory_space<vmem>>) semaphore(%arg12 : memref<!tpu.dma_semaphore, #tpu.memory_space<semaphore_mem>>)
    %mul3A_2055 = arith.constant 40 : i32
    %mul3A_2056 = arith.muli %add3A, %mul3A_2055 : i32
    %add3A_2057 = arith.constant 31 : i32
    %add3A_2058 = arith.addi %mul3A_2056, %add3A_2057 : i32
    %shift_right_logical3A_2059 = arith.constant 8 : i32
    %shift_right_logical3A_2060 = arith.shrui %add3A_2058, %shift_right_logical3A_2059 : i32
    %and3A_2061 = arith.constant 255 : i32
    %and3A_2062 = arith.andi %add3A_2058, %and3A_2061 : i32
    %mul3A_2063 = arith.constant 64 : i32
    %mul3A_2064 = arith.muli %and3A_2062, %mul3A_2063 : i32
    %multiple_of3A_2065 = tpu.assume_multiple %mul3A_2064, 64 : i32
    %mul3A_2066 = arith.constant 128 : i32
    %mul3A_2067 = arith.muli %shift_right_logical3A_2060, %mul3A_2066 : i32
    %multiple_of3A_2068 = tpu.assume_multiple %mul3A_2067, 128 : i32
    %dma_wait3A_2069 = arith.constant 0 : i32
    %dma_wait3A_2070 = arith.constant 31 : i32
    %dma_wait3A_2071 = arith.constant 1 : i32
    %dma_wait3A_2072 = arith.constant 0 : i32
    %dma_wait3A_2073 = arith.constant 0 : i32
    %dma_wait3A_2074 = tpu.memref_slice %arg10[%dma_wait3A_2071, %dma_wait3A_2072, %dma_wait3A_2073] : memref<6x64x128xf32, #tpu.memory_space<vmem>> -> memref<1x64x128xf32, #tpu.memory_space<vmem>>
    %dma_wait3A_2075 = tpu.memref_squeeze %dma_wait3A_2074 : memref<1x64x128xf32, #tpu.memory_space<vmem>> -> memref<64x128xf32, #tpu.memory_space<vmem>>
    %dma_wait3A_2076 = arith.constant 0 : i32
    %dma_wait3A_2077 = tpu.memref_slice %arg9[%dma_wait3A_2069, %dma_wait3A_2070, %dma_wait3A_2076] : memref<1x40x64xi32, #tpu.memory_space<vmem>> -> memref<1x1x64xi32, #tpu.memory_space<vmem>>
    %dma_wait3A_2078 = tpu.memref_squeeze %dma_wait3A_2077 : memref<1x1x64xi32, #tpu.memory_space<vmem>> -> memref<64xi32, #tpu.memory_space<vmem>>
    %dma_wait3A_2079 = arith.constant 0 : i32
    %dma_wait3A_2080 = arith.constant 0 : i32
    %dma_wait3A_2081 = tpu.memref_slice %arg11[%dma_wait3A_2079, %dma_wait3A_2080] : memref<9528x128xf32, #tpu.memory_space<vmem_shared>> -> memref<9528x128xf32, #tpu.memory_space<vmem_shared>>
    tpu.wait_indirect_dma semaphore(%arg13 : memref<!tpu.dma_semaphore, #tpu.memory_space<semaphore_mem>>) src(%dma_wait3A_2081 : memref<9528x128xf32, #tpu.memory_space<vmem_shared>>) dst(%dma_wait3A_2075 : memref<64x128xf32, #tpu.memory_space<vmem>>)
    %dma_start3A_2082 = arith.constant 1 : i32
    %dma_start3A_2083 = arith.constant 0 : i32
    %dma_start3A_2084 = arith.constant 0 : i32
    %dma_start3A_2085 = tpu.memref_slice %arg10[%dma_start3A_2082, %dma_start3A_2083, %dma_start3A_2084] : memref<6x64x128xf32, #tpu.memory_space<vmem>> -> memref<1x64x128xf32, #tpu.memory_space<vmem>>
    %dma_start3A_2086 = tpu.memref_squeeze %dma_start3A_2085 : memref<1x64x128xf32, #tpu.memory_space<vmem>> -> memref<64x128xf32, #tpu.memory_space<vmem>>
    %dma_start3A_2087 = tpu.memref_slice %arg8[%multiple_of3A_2065, %multiple_of3A_2068] : memref<16384x640xf32, #tpu.memory_space<hbm>> -> memref<64x128xf32, #tpu.memory_space<hbm>>
    %dma_start3A_2088 = tpu.memref_slice %arg8[%multiple_of3A_2065, %multiple_of3A_2068] : memref<16384x640xf32, #tpu.memory_space<hbm>> -> memref<64x128xf32, #tpu.memory_space<hbm>>
    %dma_start3A_2089 = arith.constant 0 : i32
    %dma_start3A_2090 = arith.constant 0 : i32
    %dma_start3A_2091 = tpu.memref_slice %arg10[%dma_start3A_2082, %dma_start3A_2089, %dma_start3A_2090] : memref<6x64x128xf32, #tpu.memory_space<vmem>> -> memref<1x64x128xf32, #tpu.memory_space<vmem>>
    %dma_start3A_2092 = tpu.memref_squeeze %dma_start3A_2091 : memref<1x64x128xf32, #tpu.memory_space<vmem>> -> memref<64x128xf32, #tpu.memory_space<vmem>>
    tpu.enqueue_dma source(%dma_start3A_2092 : memref<64x128xf32, #tpu.memory_space<vmem>>) target(%dma_start3A_2088 : memref<64x128xf32, #tpu.memory_space<hbm>>) target_semaphore(%arg19 : memref<!tpu.dma_semaphore, #tpu.memory_space<semaphore_mem>>)
    %dma_wait3A_2093 = arith.constant 1 : i32
    %dma_wait3A_2094 = arith.constant 0 : i32
    %dma_wait3A_2095 = arith.constant 0 : i32
    %dma_wait3A_2096 = tpu.memref_slice %arg10[%dma_wait3A_2093, %dma_wait3A_2094, %dma_wait3A_2095] : memref<6x64x128xf32, #tpu.memory_space<vmem>> -> memref<1x64x128xf32, #tpu.memory_space<vmem>>
    %dma_wait3A_2097 = tpu.memref_squeeze %dma_wait3A_2096 : memref<1x64x128xf32, #tpu.memory_space<vmem>> -> memref<64x128xf32, #tpu.memory_space<vmem>>
    %dma_wait3A_2098 = tpu.memref_slice %arg8[%multiple_of3A_2065, %multiple_of3A_2068] : memref<16384x640xf32, #tpu.memory_space<hbm>> -> memref<64x128xf32, #tpu.memory_space<hbm>>
    %dma_wait3A_2099 = tpu.memref_slice %arg8[%multiple_of3A_2065, %multiple_of3A_2068] : memref<16384x640xf32, #tpu.memory_space<hbm>> -> memref<64x128xf32, #tpu.memory_space<hbm>>
    %dma_wait3A_2100 = arith.constant 0 : i32
    %dma_wait3A_2101 = arith.constant 0 : i32
    %dma_wait3A_2102 = tpu.memref_slice %arg10[%dma_wait3A_2093, %dma_wait3A_2100, %dma_wait3A_2101] : memref<6x64x128xf32, #tpu.memory_space<vmem>> -> memref<1x64x128xf32, #tpu.memory_space<vmem>>
    %dma_wait3A_2103 = tpu.memref_squeeze %dma_wait3A_2102 : memref<1x64x128xf32, #tpu.memory_space<vmem>> -> memref<64x128xf32, #tpu.memory_space<vmem>>
    tpu.wait_dma2 semaphore(%arg19 : memref<!tpu.dma_semaphore, #tpu.memory_space<semaphore_mem>>) src(%dma_wait3A_2103 : memref<64x128xf32, #tpu.memory_space<vmem>>) dst(%dma_wait3A_2099 : memref<64x128xf32, #tpu.memory_space<hbm>>)
    %dma_start3A_2104 = arith.constant 0 : i32
    %dma_start3A_2105 = arith.constant 37 : i32
    %dma_start3A_2106 = arith.constant 1 : i32
    %dma_start3A_2107 = arith.constant 0 : i32
    %dma_start3A_2108 = arith.constant 0 : i32
    %dma_start3A_2109 = tpu.memref_slice %arg10[%dma_start3A_2106, %dma_start3A_2107, %dma_start3A_2108] : memref<6x64x128xf32, #tpu.memory_space<vmem>> -> memref<1x64x128xf32, #tpu.memory_space<vmem>>
    %dma_start3A_2110 = tpu.memref_squeeze %dma_start3A_2109 : memref<1x64x128xf32, #tpu.memory_space<vmem>> -> memref<64x128xf32, #tpu.memory_space<vmem>>
    %dma_start3A_2111 = arith.constant 0 : i32
    %dma_start3A_2112 = tpu.memref_slice %arg9[%dma_start3A_2104, %dma_start3A_2105, %dma_start3A_2111] : memref<1x40x64xi32, #tpu.memory_space<vmem>> -> memref<1x1x64xi32, #tpu.memory_space<vmem>>
    %dma_start3A_2113 = tpu.memref_squeeze %dma_start3A_2112 : memref<1x1x64xi32, #tpu.memory_space<vmem>> -> memref<64xi32, #tpu.memory_space<vmem>>
    %dma_start3A_2114 = arith.constant 0 : i32
    %dma_start3A_2115 = arith.constant 0 : i32
    %dma_start3A_2116 = tpu.memref_slice %arg11[%dma_start3A_2114, %dma_start3A_2115] : memref<9528x128xf32, #tpu.memory_space<vmem_shared>> -> memref<9528x128xf32, #tpu.memory_space<vmem_shared>>
    tpu.enqueue_indirect_dma source(%dma_start3A_2116 : memref<9528x128xf32, #tpu.memory_space<vmem_shared>>) target(%dma_start3A_2110 : memref<64x128xf32, #tpu.memory_space<vmem>>) offsets(%dma_start3A_2113 : memref<64xi32, #tpu.memory_space<vmem>>) semaphore(%arg13 : memref<!tpu.dma_semaphore, #tpu.memory_space<semaphore_mem>>)
    %mul3A_2117 = arith.constant 40 : i32
    %mul3A_2118 = arith.muli %add3A, %mul3A_2117 : i32
    %add3A_2119 = arith.constant 32 : i32
    %add3A_2120 = arith.addi %mul3A_2118, %add3A_2119 : i32
    %shift_right_logical3A_2121 = arith.constant 8 : i32
    %shift_right_logical3A_2122 = arith.shrui %add3A_2120, %shift_right_logical3A_2121 : i32
    %and3A_2123 = arith.constant 255 : i32
    %and3A_2124 = arith.andi %add3A_2120, %and3A_2123 : i32
    %mul3A_2125 = arith.constant 64 : i32
    %mul3A_2126 = arith.muli %and3A_2124, %mul3A_2125 : i32
    %multiple_of3A_2127 = tpu.assume_multiple %mul3A_2126, 64 : i32
    %mul3A_2128 = arith.constant 128 : i32
    %mul3A_2129 = arith.muli %shift_right_logical3A_2122, %mul3A_2128 : i32
    %multiple_of3A_2130 = tpu.assume_multiple %mul3A_2129, 128 : i32
    %dma_wait3A_2131 = arith.constant 0 : i32
    %dma_wait3A_2132 = arith.constant 32 : i32
    %dma_wait3A_2133 = arith.constant 2 : i32
    %dma_wait3A_2134 = arith.constant 0 : i32
    %dma_wait3A_2135 = arith.constant 0 : i32
    %dma_wait3A_2136 = tpu.memref_slice %arg10[%dma_wait3A_2133, %dma_wait3A_2134, %dma_wait3A_2135] : memref<6x64x128xf32, #tpu.memory_space<vmem>> -> memref<1x64x128xf32, #tpu.memory_space<vmem>>
    %dma_wait3A_2137 = tpu.memref_squeeze %dma_wait3A_2136 : memref<1x64x128xf32, #tpu.memory_space<vmem>> -> memref<64x128xf32, #tpu.memory_space<vmem>>
    %dma_wait3A_2138 = arith.constant 0 : i32
    %dma_wait3A_2139 = tpu.memref_slice %arg9[%dma_wait3A_2131, %dma_wait3A_2132, %dma_wait3A_2138] : memref<1x40x64xi32, #tpu.memory_space<vmem>> -> memref<1x1x64xi32, #tpu.memory_space<vmem>>
    %dma_wait3A_2140 = tpu.memref_squeeze %dma_wait3A_2139 : memref<1x1x64xi32, #tpu.memory_space<vmem>> -> memref<64xi32, #tpu.memory_space<vmem>>
    %dma_wait3A_2141 = arith.constant 0 : i32
    %dma_wait3A_2142 = arith.constant 0 : i32
    %dma_wait3A_2143 = tpu.memref_slice %arg11[%dma_wait3A_2141, %dma_wait3A_2142] : memref<9528x128xf32, #tpu.memory_space<vmem_shared>> -> memref<9528x128xf32, #tpu.memory_space<vmem_shared>>
    tpu.wait_indirect_dma semaphore(%arg14 : memref<!tpu.dma_semaphore, #tpu.memory_space<semaphore_mem>>) src(%dma_wait3A_2143 : memref<9528x128xf32, #tpu.memory_space<vmem_shared>>) dst(%dma_wait3A_2137 : memref<64x128xf32, #tpu.memory_space<vmem>>)
    %dma_start3A_2144 = arith.constant 2 : i32
    %dma_start3A_2145 = arith.constant 0 : i32
    %dma_start3A_2146 = arith.constant 0 : i32
    %dma_start3A_2147 = tpu.memref_slice %arg10[%dma_start3A_2144, %dma_start3A_2145, %dma_start3A_2146] : memref<6x64x128xf32, #tpu.memory_space<vmem>> -> memref<1x64x128xf32, #tpu.memory_space<vmem>>
    %dma_start3A_2148 = tpu.memref_squeeze %dma_start3A_2147 : memref<1x64x128xf32, #tpu.memory_space<vmem>> -> memref<64x128xf32, #tpu.memory_space<vmem>>
    %dma_start3A_2149 = tpu.memref_slice %arg8[%multiple_of3A_2127, %multiple_of3A_2130] : memref<16384x640xf32, #tpu.memory_space<hbm>> -> memref<64x128xf32, #tpu.memory_space<hbm>>
    %dma_start3A_2150 = tpu.memref_slice %arg8[%multiple_of3A_2127, %multiple_of3A_2130] : memref<16384x640xf32, #tpu.memory_space<hbm>> -> memref<64x128xf32, #tpu.memory_space<hbm>>
    %dma_start3A_2151 = arith.constant 0 : i32
    %dma_start3A_2152 = arith.constant 0 : i32
    %dma_start3A_2153 = tpu.memref_slice %arg10[%dma_start3A_2144, %dma_start3A_2151, %dma_start3A_2152] : memref<6x64x128xf32, #tpu.memory_space<vmem>> -> memref<1x64x128xf32, #tpu.memory_space<vmem>>
    %dma_start3A_2154 = tpu.memref_squeeze %dma_start3A_2153 : memref<1x64x128xf32, #tpu.memory_space<vmem>> -> memref<64x128xf32, #tpu.memory_space<vmem>>
    tpu.enqueue_dma source(%dma_start3A_2154 : memref<64x128xf32, #tpu.memory_space<vmem>>) target(%dma_start3A_2150 : memref<64x128xf32, #tpu.memory_space<hbm>>) target_semaphore(%arg20 : memref<!tpu.dma_semaphore, #tpu.memory_space<semaphore_mem>>)
    %dma_wait3A_2155 = arith.constant 2 : i32
    %dma_wait3A_2156 = arith.constant 0 : i32
    %dma_wait3A_2157 = arith.constant 0 : i32
    %dma_wait3A_2158 = tpu.memref_slice %arg10[%dma_wait3A_2155, %dma_wait3A_2156, %dma_wait3A_2157] : memref<6x64x128xf32, #tpu.memory_space<vmem>> -> memref<1x64x128xf32, #tpu.memory_space<vmem>>
    %dma_wait3A_2159 = tpu.memref_squeeze %dma_wait3A_2158 : memref<1x64x128xf32, #tpu.memory_space<vmem>> -> memref<64x128xf32, #tpu.memory_space<vmem>>
    %dma_wait3A_2160 = tpu.memref_slice %arg8[%multiple_of3A_2127, %multiple_of3A_2130] : memref<16384x640xf32, #tpu.memory_space<hbm>> -> memref<64x128xf32, #tpu.memory_space<hbm>>
    %dma_wait3A_2161 = tpu.memref_slice %arg8[%multiple_of3A_2127, %multiple_of3A_2130] : memref<16384x640xf32, #tpu.memory_space<hbm>> -> memref<64x128xf32, #tpu.memory_space<hbm>>
    %dma_wait3A_2162 = arith.constant 0 : i32
    %dma_wait3A_2163 = arith.constant 0 : i32
    %dma_wait3A_2164 = tpu.memref_slice %arg10[%dma_wait3A_2155, %dma_wait3A_2162, %dma_wait3A_2163] : memref<6x64x128xf32, #tpu.memory_space<vmem>> -> memref<1x64x128xf32, #tpu.memory_space<vmem>>
    %dma_wait3A_2165 = tpu.memref_squeeze %dma_wait3A_2164 : memref<1x64x128xf32, #tpu.memory_space<vmem>> -> memref<64x128xf32, #tpu.memory_space<vmem>>
    tpu.wait_dma2 semaphore(%arg20 : memref<!tpu.dma_semaphore, #tpu.memory_space<semaphore_mem>>) src(%dma_wait3A_2165 : memref<64x128xf32, #tpu.memory_space<vmem>>) dst(%dma_wait3A_2161 : memref<64x128xf32, #tpu.memory_space<hbm>>)
    %dma_start3A_2166 = arith.constant 0 : i32
    %dma_start3A_2167 = arith.constant 38 : i32
    %dma_start3A_2168 = arith.constant 2 : i32
    %dma_start3A_2169 = arith.constant 0 : i32
    %dma_start3A_2170 = arith.constant 0 : i32
    %dma_start3A_2171 = tpu.memref_slice %arg10[%dma_start3A_2168, %dma_start3A_2169, %dma_start3A_2170] : memref<6x64x128xf32, #tpu.memory_space<vmem>> -> memref<1x64x128xf32, #tpu.memory_space<vmem>>
    %dma_start3A_2172 = tpu.memref_squeeze %dma_start3A_2171 : memref<1x64x128xf32, #tpu.memory_space<vmem>> -> memref<64x128xf32, #tpu.memory_space<vmem>>
    %dma_start3A_2173 = arith.constant 0 : i32
    %dma_start3A_2174 = tpu.memref_slice %arg9[%dma_start3A_2166, %dma_start3A_2167, %dma_start3A_2173] : memref<1x40x64xi32, #tpu.memory_space<vmem>> -> memref<1x1x64xi32, #tpu.memory_space<vmem>>
    %dma_start3A_2175 = tpu.memref_squeeze %dma_start3A_2174 : memref<1x1x64xi32, #tpu.memory_space<vmem>> -> memref<64xi32, #tpu.memory_space<vmem>>
    %dma_start3A_2176 = arith.constant 0 : i32
    %dma_start3A_2177 = arith.constant 0 : i32
    %dma_start3A_2178 = tpu.memref_slice %arg11[%dma_start3A_2176, %dma_start3A_2177] : memref<9528x128xf32, #tpu.memory_space<vmem_shared>> -> memref<9528x128xf32, #tpu.memory_space<vmem_shared>>
    tpu.enqueue_indirect_dma source(%dma_start3A_2178 : memref<9528x128xf32, #tpu.memory_space<vmem_shared>>) target(%dma_start3A_2172 : memref<64x128xf32, #tpu.memory_space<vmem>>) offsets(%dma_start3A_2175 : memref<64xi32, #tpu.memory_space<vmem>>) semaphore(%arg14 : memref<!tpu.dma_semaphore, #tpu.memory_space<semaphore_mem>>)
    %mul3A_2179 = arith.constant 40 : i32
    %mul3A_2180 = arith.muli %add3A, %mul3A_2179 : i32
    %add3A_2181 = arith.constant 33 : i32
    %add3A_2182 = arith.addi %mul3A_2180, %add3A_2181 : i32
    %shift_right_logical3A_2183 = arith.constant 8 : i32
    %shift_right_logical3A_2184 = arith.shrui %add3A_2182, %shift_right_logical3A_2183 : i32
    %and3A_2185 = arith.constant 255 : i32
    %and3A_2186 = arith.andi %add3A_2182, %and3A_2185 : i32
    %mul3A_2187 = arith.constant 64 : i32
    %mul3A_2188 = arith.muli %and3A_2186, %mul3A_2187 : i32
    %multiple_of3A_2189 = tpu.assume_multiple %mul3A_2188, 64 : i32
    %mul3A_2190 = arith.constant 128 : i32
    %mul3A_2191 = arith.muli %shift_right_logical3A_2184, %mul3A_2190 : i32
    %multiple_of3A_2192 = tpu.assume_multiple %mul3A_2191, 128 : i32
    %dma_wait3A_2193 = arith.constant 0 : i32
    %dma_wait3A_2194 = arith.constant 33 : i32
    %dma_wait3A_2195 = arith.constant 3 : i32
    %dma_wait3A_2196 = arith.constant 0 : i32
    %dma_wait3A_2197 = arith.constant 0 : i32
    %dma_wait3A_2198 = tpu.memref_slice %arg10[%dma_wait3A_2195, %dma_wait3A_2196, %dma_wait3A_2197] : memref<6x64x128xf32, #tpu.memory_space<vmem>> -> memref<1x64x128xf32, #tpu.memory_space<vmem>>
    %dma_wait3A_2199 = tpu.memref_squeeze %dma_wait3A_2198 : memref<1x64x128xf32, #tpu.memory_space<vmem>> -> memref<64x128xf32, #tpu.memory_space<vmem>>
    %dma_wait3A_2200 = arith.constant 0 : i32
    %dma_wait3A_2201 = tpu.memref_slice %arg9[%dma_wait3A_2193, %dma_wait3A_2194, %dma_wait3A_2200] : memref<1x40x64xi32, #tpu.memory_space<vmem>> -> memref<1x1x64xi32, #tpu.memory_space<vmem>>
    %dma_wait3A_2202 = tpu.memref_squeeze %dma_wait3A_2201 : memref<1x1x64xi32, #tpu.memory_space<vmem>> -> memref<64xi32, #tpu.memory_space<vmem>>
    %dma_wait3A_2203 = arith.constant 0 : i32
    %dma_wait3A_2204 = arith.constant 0 : i32
    %dma_wait3A_2205 = tpu.memref_slice %arg11[%dma_wait3A_2203, %dma_wait3A_2204] : memref<9528x128xf32, #tpu.memory_space<vmem_shared>> -> memref<9528x128xf32, #tpu.memory_space<vmem_shared>>
    tpu.wait_indirect_dma semaphore(%arg15 : memref<!tpu.dma_semaphore, #tpu.memory_space<semaphore_mem>>) src(%dma_wait3A_2205 : memref<9528x128xf32, #tpu.memory_space<vmem_shared>>) dst(%dma_wait3A_2199 : memref<64x128xf32, #tpu.memory_space<vmem>>)
    %dma_start3A_2206 = arith.constant 3 : i32
    %dma_start3A_2207 = arith.constant 0 : i32
    %dma_start3A_2208 = arith.constant 0 : i32
    %dma_start3A_2209 = tpu.memref_slice %arg10[%dma_start3A_2206, %dma_start3A_2207, %dma_start3A_2208] : memref<6x64x128xf32, #tpu.memory_space<vmem>> -> memref<1x64x128xf32, #tpu.memory_space<vmem>>
    %dma_start3A_2210 = tpu.memref_squeeze %dma_start3A_2209 : memref<1x64x128xf32, #tpu.memory_space<vmem>> -> memref<64x128xf32, #tpu.memory_space<vmem>>
    %dma_start3A_2211 = tpu.memref_slice %arg8[%multiple_of3A_2189, %multiple_of3A_2192] : memref<16384x640xf32, #tpu.memory_space<hbm>> -> memref<64x128xf32, #tpu.memory_space<hbm>>
    %dma_start3A_2212 = tpu.memref_slice %arg8[%multiple_of3A_2189, %multiple_of3A_2192] : memref<16384x640xf32, #tpu.memory_space<hbm>> -> memref<64x128xf32, #tpu.memory_space<hbm>>
    %dma_start3A_2213 = arith.constant 0 : i32
    %dma_start3A_2214 = arith.constant 0 : i32
    %dma_start3A_2215 = tpu.memref_slice %arg10[%dma_start3A_2206, %dma_start3A_2213, %dma_start3A_2214] : memref<6x64x128xf32, #tpu.memory_space<vmem>> -> memref<1x64x128xf32, #tpu.memory_space<vmem>>
    %dma_start3A_2216 = tpu.memref_squeeze %dma_start3A_2215 : memref<1x64x128xf32, #tpu.memory_space<vmem>> -> memref<64x128xf32, #tpu.memory_space<vmem>>
    tpu.enqueue_dma source(%dma_start3A_2216 : memref<64x128xf32, #tpu.memory_space<vmem>>) target(%dma_start3A_2212 : memref<64x128xf32, #tpu.memory_space<hbm>>) target_semaphore(%arg21 : memref<!tpu.dma_semaphore, #tpu.memory_space<semaphore_mem>>)
    %dma_wait3A_2217 = arith.constant 3 : i32
    %dma_wait3A_2218 = arith.constant 0 : i32
    %dma_wait3A_2219 = arith.constant 0 : i32
    %dma_wait3A_2220 = tpu.memref_slice %arg10[%dma_wait3A_2217, %dma_wait3A_2218, %dma_wait3A_2219] : memref<6x64x128xf32, #tpu.memory_space<vmem>> -> memref<1x64x128xf32, #tpu.memory_space<vmem>>
    %dma_wait3A_2221 = tpu.memref_squeeze %dma_wait3A_2220 : memref<1x64x128xf32, #tpu.memory_space<vmem>> -> memref<64x128xf32, #tpu.memory_space<vmem>>
    %dma_wait3A_2222 = tpu.memref_slice %arg8[%multiple_of3A_2189, %multiple_of3A_2192] : memref<16384x640xf32, #tpu.memory_space<hbm>> -> memref<64x128xf32, #tpu.memory_space<hbm>>
    %dma_wait3A_2223 = tpu.memref_slice %arg8[%multiple_of3A_2189, %multiple_of3A_2192] : memref<16384x640xf32, #tpu.memory_space<hbm>> -> memref<64x128xf32, #tpu.memory_space<hbm>>
    %dma_wait3A_2224 = arith.constant 0 : i32
    %dma_wait3A_2225 = arith.constant 0 : i32
    %dma_wait3A_2226 = tpu.memref_slice %arg10[%dma_wait3A_2217, %dma_wait3A_2224, %dma_wait3A_2225] : memref<6x64x128xf32, #tpu.memory_space<vmem>> -> memref<1x64x128xf32, #tpu.memory_space<vmem>>
    %dma_wait3A_2227 = tpu.memref_squeeze %dma_wait3A_2226 : memref<1x64x128xf32, #tpu.memory_space<vmem>> -> memref<64x128xf32, #tpu.memory_space<vmem>>
    tpu.wait_dma2 semaphore(%arg21 : memref<!tpu.dma_semaphore, #tpu.memory_space<semaphore_mem>>) src(%dma_wait3A_2227 : memref<64x128xf32, #tpu.memory_space<vmem>>) dst(%dma_wait3A_2223 : memref<64x128xf32, #tpu.memory_space<hbm>>)
    %dma_start3A_2228 = arith.constant 0 : i32
    %dma_start3A_2229 = arith.constant 39 : i32
    %dma_start3A_2230 = arith.constant 3 : i32
    %dma_start3A_2231 = arith.constant 0 : i32
    %dma_start3A_2232 = arith.constant 0 : i32
    %dma_start3A_2233 = tpu.memref_slice %arg10[%dma_start3A_2230, %dma_start3A_2231, %dma_start3A_2232] : memref<6x64x128xf32, #tpu.memory_space<vmem>> -> memref<1x64x128xf32, #tpu.memory_space<vmem>>
    %dma_start3A_2234 = tpu.memref_squeeze %dma_start3A_2233 : memref<1x64x128xf32, #tpu.memory_space<vmem>> -> memref<64x128xf32, #tpu.memory_space<vmem>>
    %dma_start3A_2235 = arith.constant 0 : i32
    %dma_start3A_2236 = tpu.memref_slice %arg9[%dma_start3A_2228, %dma_start3A_2229, %dma_start3A_2235] : memref<1x40x64xi32, #tpu.memory_space<vmem>> -> memref<1x1x64xi32, #tpu.memory_space<vmem>>
    %dma_start3A_2237 = tpu.memref_squeeze %dma_start3A_2236 : memref<1x1x64xi32, #tpu.memory_space<vmem>> -> memref<64xi32, #tpu.memory_space<vmem>>
    %dma_start3A_2238 = arith.constant 0 : i32
    %dma_start3A_2239 = arith.constant 0 : i32
    %dma_start3A_2240 = tpu.memref_slice %arg11[%dma_start3A_2238, %dma_start3A_2239] : memref<9528x128xf32, #tpu.memory_space<vmem_shared>> -> memref<9528x128xf32, #tpu.memory_space<vmem_shared>>
    tpu.enqueue_indirect_dma source(%dma_start3A_2240 : memref<9528x128xf32, #tpu.memory_space<vmem_shared>>) target(%dma_start3A_2234 : memref<64x128xf32, #tpu.memory_space<vmem>>) offsets(%dma_start3A_2237 : memref<64xi32, #tpu.memory_space<vmem>>) semaphore(%arg15 : memref<!tpu.dma_semaphore, #tpu.memory_space<semaphore_mem>>)
    %mul3A_2241 = arith.constant 40 : i32
    %mul3A_2242 = arith.muli %add3A, %mul3A_2241 : i32
    %add3A_2243 = arith.constant 34 : i32
    %add3A_2244 = arith.addi %mul3A_2242, %add3A_2243 : i32
    %shift_right_logical3A_2245 = arith.constant 8 : i32
    %shift_right_logical3A_2246 = arith.shrui %add3A_2244, %shift_right_logical3A_2245 : i32
    %and3A_2247 = arith.constant 255 : i32
    %and3A_2248 = arith.andi %add3A_2244, %and3A_2247 : i32
    %mul3A_2249 = arith.constant 64 : i32
    %mul3A_2250 = arith.muli %and3A_2248, %mul3A_2249 : i32
    %multiple_of3A_2251 = tpu.assume_multiple %mul3A_2250, 64 : i32
    %mul3A_2252 = arith.constant 128 : i32
    %mul3A_2253 = arith.muli %shift_right_logical3A_2246, %mul3A_2252 : i32
    %multiple_of3A_2254 = tpu.assume_multiple %mul3A_2253, 128 : i32
    %dma_wait3A_2255 = arith.constant 0 : i32
    %dma_wait3A_2256 = arith.constant 34 : i32
    %dma_wait3A_2257 = arith.constant 4 : i32
    %dma_wait3A_2258 = arith.constant 0 : i32
    %dma_wait3A_2259 = arith.constant 0 : i32
    %dma_wait3A_2260 = tpu.memref_slice %arg10[%dma_wait3A_2257, %dma_wait3A_2258, %dma_wait3A_2259] : memref<6x64x128xf32, #tpu.memory_space<vmem>> -> memref<1x64x128xf32, #tpu.memory_space<vmem>>
    %dma_wait3A_2261 = tpu.memref_squeeze %dma_wait3A_2260 : memref<1x64x128xf32, #tpu.memory_space<vmem>> -> memref<64x128xf32, #tpu.memory_space<vmem>>
    %dma_wait3A_2262 = arith.constant 0 : i32
    %dma_wait3A_2263 = tpu.memref_slice %arg9[%dma_wait3A_2255, %dma_wait3A_2256, %dma_wait3A_2262] : memref<1x40x64xi32, #tpu.memory_space<vmem>> -> memref<1x1x64xi32, #tpu.memory_space<vmem>>
    %dma_wait3A_2264 = tpu.memref_squeeze %dma_wait3A_2263 : memref<1x1x64xi32, #tpu.memory_space<vmem>> -> memref<64xi32, #tpu.memory_space<vmem>>
    %dma_wait3A_2265 = arith.constant 0 : i32
    %dma_wait3A_2266 = arith.constant 0 : i32
    %dma_wait3A_2267 = tpu.memref_slice %arg11[%dma_wait3A_2265, %dma_wait3A_2266] : memref<9528x128xf32, #tpu.memory_space<vmem_shared>> -> memref<9528x128xf32, #tpu.memory_space<vmem_shared>>
    tpu.wait_indirect_dma semaphore(%arg16 : memref<!tpu.dma_semaphore, #tpu.memory_space<semaphore_mem>>) src(%dma_wait3A_2267 : memref<9528x128xf32, #tpu.memory_space<vmem_shared>>) dst(%dma_wait3A_2261 : memref<64x128xf32, #tpu.memory_space<vmem>>)
    %dma_start3A_2268 = arith.constant 4 : i32
    %dma_start3A_2269 = arith.constant 0 : i32
    %dma_start3A_2270 = arith.constant 0 : i32
    %dma_start3A_2271 = tpu.memref_slice %arg10[%dma_start3A_2268, %dma_start3A_2269, %dma_start3A_2270] : memref<6x64x128xf32, #tpu.memory_space<vmem>> -> memref<1x64x128xf32, #tpu.memory_space<vmem>>
    %dma_start3A_2272 = tpu.memref_squeeze %dma_start3A_2271 : memref<1x64x128xf32, #tpu.memory_space<vmem>> -> memref<64x128xf32, #tpu.memory_space<vmem>>
    %dma_start3A_2273 = tpu.memref_slice %arg8[%multiple_of3A_2251, %multiple_of3A_2254] : memref<16384x640xf32, #tpu.memory_space<hbm>> -> memref<64x128xf32, #tpu.memory_space<hbm>>
    %dma_start3A_2274 = tpu.memref_slice %arg8[%multiple_of3A_2251, %multiple_of3A_2254] : memref<16384x640xf32, #tpu.memory_space<hbm>> -> memref<64x128xf32, #tpu.memory_space<hbm>>
    %dma_start3A_2275 = arith.constant 0 : i32
    %dma_start3A_2276 = arith.constant 0 : i32
    %dma_start3A_2277 = tpu.memref_slice %arg10[%dma_start3A_2268, %dma_start3A_2275, %dma_start3A_2276] : memref<6x64x128xf32, #tpu.memory_space<vmem>> -> memref<1x64x128xf32, #tpu.memory_space<vmem>>
    %dma_start3A_2278 = tpu.memref_squeeze %dma_start3A_2277 : memref<1x64x128xf32, #tpu.memory_space<vmem>> -> memref<64x128xf32, #tpu.memory_space<vmem>>
    tpu.enqueue_dma source(%dma_start3A_2278 : memref<64x128xf32, #tpu.memory_space<vmem>>) target(%dma_start3A_2274 : memref<64x128xf32, #tpu.memory_space<hbm>>) target_semaphore(%arg22 : memref<!tpu.dma_semaphore, #tpu.memory_space<semaphore_mem>>)
    %mul3A_2279 = arith.constant 40 : i32
    %mul3A_2280 = arith.muli %add3A, %mul3A_2279 : i32
    %add3A_2281 = arith.constant 35 : i32
    %add3A_2282 = arith.addi %mul3A_2280, %add3A_2281 : i32
    %shift_right_logical3A_2283 = arith.constant 8 : i32
    %shift_right_logical3A_2284 = arith.shrui %add3A_2282, %shift_right_logical3A_2283 : i32
    %and3A_2285 = arith.constant 255 : i32
    %and3A_2286 = arith.andi %add3A_2282, %and3A_2285 : i32
    %mul3A_2287 = arith.constant 64 : i32
    %mul3A_2288 = arith.muli %and3A_2286, %mul3A_2287 : i32
    %multiple_of3A_2289 = tpu.assume_multiple %mul3A_2288, 64 : i32
    %mul3A_2290 = arith.constant 128 : i32
    %mul3A_2291 = arith.muli %shift_right_logical3A_2284, %mul3A_2290 : i32
    %multiple_of3A_2292 = tpu.assume_multiple %mul3A_2291, 128 : i32
    %dma_wait3A_2293 = arith.constant 0 : i32
    %dma_wait3A_2294 = arith.constant 35 : i32
    %dma_wait3A_2295 = arith.constant 5 : i32
    %dma_wait3A_2296 = arith.constant 0 : i32
    %dma_wait3A_2297 = arith.constant 0 : i32
    %dma_wait3A_2298 = tpu.memref_slice %arg10[%dma_wait3A_2295, %dma_wait3A_2296, %dma_wait3A_2297] : memref<6x64x128xf32, #tpu.memory_space<vmem>> -> memref<1x64x128xf32, #tpu.memory_space<vmem>>
    %dma_wait3A_2299 = tpu.memref_squeeze %dma_wait3A_2298 : memref<1x64x128xf32, #tpu.memory_space<vmem>> -> memref<64x128xf32, #tpu.memory_space<vmem>>
    %dma_wait3A_2300 = arith.constant 0 : i32
    %dma_wait3A_2301 = tpu.memref_slice %arg9[%dma_wait3A_2293, %dma_wait3A_2294, %dma_wait3A_2300] : memref<1x40x64xi32, #tpu.memory_space<vmem>> -> memref<1x1x64xi32, #tpu.memory_space<vmem>>
    %dma_wait3A_2302 = tpu.memref_squeeze %dma_wait3A_2301 : memref<1x1x64xi32, #tpu.memory_space<vmem>> -> memref<64xi32, #tpu.memory_space<vmem>>
    %dma_wait3A_2303 = arith.constant 0 : i32
    %dma_wait3A_2304 = arith.constant 0 : i32
    %dma_wait3A_2305 = tpu.memref_slice %arg11[%dma_wait3A_2303, %dma_wait3A_2304] : memref<9528x128xf32, #tpu.memory_space<vmem_shared>> -> memref<9528x128xf32, #tpu.memory_space<vmem_shared>>
    tpu.wait_indirect_dma semaphore(%arg17 : memref<!tpu.dma_semaphore, #tpu.memory_space<semaphore_mem>>) src(%dma_wait3A_2305 : memref<9528x128xf32, #tpu.memory_space<vmem_shared>>) dst(%dma_wait3A_2299 : memref<64x128xf32, #tpu.memory_space<vmem>>)
    %dma_start3A_2306 = arith.constant 5 : i32
    %dma_start3A_2307 = arith.constant 0 : i32
    %dma_start3A_2308 = arith.constant 0 : i32
    %dma_start3A_2309 = tpu.memref_slice %arg10[%dma_start3A_2306, %dma_start3A_2307, %dma_start3A_2308] : memref<6x64x128xf32, #tpu.memory_space<vmem>> -> memref<1x64x128xf32, #tpu.memory_space<vmem>>
    %dma_start3A_2310 = tpu.memref_squeeze %dma_start3A_2309 : memref<1x64x128xf32, #tpu.memory_space<vmem>> -> memref<64x128xf32, #tpu.memory_space<vmem>>
    %dma_start3A_2311 = tpu.memref_slice %arg8[%multiple_of3A_2289, %multiple_of3A_2292] : memref<16384x640xf32, #tpu.memory_space<hbm>> -> memref<64x128xf32, #tpu.memory_space<hbm>>
    %dma_start3A_2312 = tpu.memref_slice %arg8[%multiple_of3A_2289, %multiple_of3A_2292] : memref<16384x640xf32, #tpu.memory_space<hbm>> -> memref<64x128xf32, #tpu.memory_space<hbm>>
    %dma_start3A_2313 = arith.constant 0 : i32
    %dma_start3A_2314 = arith.constant 0 : i32
    %dma_start3A_2315 = tpu.memref_slice %arg10[%dma_start3A_2306, %dma_start3A_2313, %dma_start3A_2314] : memref<6x64x128xf32, #tpu.memory_space<vmem>> -> memref<1x64x128xf32, #tpu.memory_space<vmem>>
    %dma_start3A_2316 = tpu.memref_squeeze %dma_start3A_2315 : memref<1x64x128xf32, #tpu.memory_space<vmem>> -> memref<64x128xf32, #tpu.memory_space<vmem>>
    tpu.enqueue_dma source(%dma_start3A_2316 : memref<64x128xf32, #tpu.memory_space<vmem>>) target(%dma_start3A_2312 : memref<64x128xf32, #tpu.memory_space<hbm>>) target_semaphore(%arg23 : memref<!tpu.dma_semaphore, #tpu.memory_space<semaphore_mem>>)
    %mul3A_2317 = arith.constant 40 : i32
    %mul3A_2318 = arith.muli %add3A, %mul3A_2317 : i32
    %add3A_2319 = arith.constant 36 : i32
    %add3A_2320 = arith.addi %mul3A_2318, %add3A_2319 : i32
    %shift_right_logical3A_2321 = arith.constant 8 : i32
    %shift_right_logical3A_2322 = arith.shrui %add3A_2320, %shift_right_logical3A_2321 : i32
    %and3A_2323 = arith.constant 255 : i32
    %and3A_2324 = arith.andi %add3A_2320, %and3A_2323 : i32
    %mul3A_2325 = arith.constant 64 : i32
    %mul3A_2326 = arith.muli %and3A_2324, %mul3A_2325 : i32
    %multiple_of3A_2327 = tpu.assume_multiple %mul3A_2326, 64 : i32
    %mul3A_2328 = arith.constant 128 : i32
    %mul3A_2329 = arith.muli %shift_right_logical3A_2322, %mul3A_2328 : i32
    %multiple_of3A_2330 = tpu.assume_multiple %mul3A_2329, 128 : i32
    %dma_wait3A_2331 = arith.constant 0 : i32
    %dma_wait3A_2332 = arith.constant 36 : i32
    %dma_wait3A_2333 = arith.constant 0 : i32
    %dma_wait3A_2334 = arith.constant 0 : i32
    %dma_wait3A_2335 = arith.constant 0 : i32
    %dma_wait3A_2336 = tpu.memref_slice %arg10[%dma_wait3A_2333, %dma_wait3A_2334, %dma_wait3A_2335] : memref<6x64x128xf32, #tpu.memory_space<vmem>> -> memref<1x64x128xf32, #tpu.memory_space<vmem>>
    %dma_wait3A_2337 = tpu.memref_squeeze %dma_wait3A_2336 : memref<1x64x128xf32, #tpu.memory_space<vmem>> -> memref<64x128xf32, #tpu.memory_space<vmem>>
    %dma_wait3A_2338 = arith.constant 0 : i32
    %dma_wait3A_2339 = tpu.memref_slice %arg9[%dma_wait3A_2331, %dma_wait3A_2332, %dma_wait3A_2338] : memref<1x40x64xi32, #tpu.memory_space<vmem>> -> memref<1x1x64xi32, #tpu.memory_space<vmem>>
    %dma_wait3A_2340 = tpu.memref_squeeze %dma_wait3A_2339 : memref<1x1x64xi32, #tpu.memory_space<vmem>> -> memref<64xi32, #tpu.memory_space<vmem>>
    %dma_wait3A_2341 = arith.constant 0 : i32
    %dma_wait3A_2342 = arith.constant 0 : i32
    %dma_wait3A_2343 = tpu.memref_slice %arg11[%dma_wait3A_2341, %dma_wait3A_2342] : memref<9528x128xf32, #tpu.memory_space<vmem_shared>> -> memref<9528x128xf32, #tpu.memory_space<vmem_shared>>
    tpu.wait_indirect_dma semaphore(%arg12 : memref<!tpu.dma_semaphore, #tpu.memory_space<semaphore_mem>>) src(%dma_wait3A_2343 : memref<9528x128xf32, #tpu.memory_space<vmem_shared>>) dst(%dma_wait3A_2337 : memref<64x128xf32, #tpu.memory_space<vmem>>)
    %dma_start3A_2344 = arith.constant 0 : i32
    %dma_start3A_2345 = arith.constant 0 : i32
    %dma_start3A_2346 = arith.constant 0 : i32
    %dma_start3A_2347 = tpu.memref_slice %arg10[%dma_start3A_2344, %dma_start3A_2345, %dma_start3A_2346] : memref<6x64x128xf32, #tpu.memory_space<vmem>> -> memref<1x64x128xf32, #tpu.memory_space<vmem>>
    %dma_start3A_2348 = tpu.memref_squeeze %dma_start3A_2347 : memref<1x64x128xf32, #tpu.memory_space<vmem>> -> memref<64x128xf32, #tpu.memory_space<vmem>>
    %dma_start3A_2349 = tpu.memref_slice %arg8[%multiple_of3A_2327, %multiple_of3A_2330] : memref<16384x640xf32, #tpu.memory_space<hbm>> -> memref<64x128xf32, #tpu.memory_space<hbm>>
    %dma_start3A_2350 = tpu.memref_slice %arg8[%multiple_of3A_2327, %multiple_of3A_2330] : memref<16384x640xf32, #tpu.memory_space<hbm>> -> memref<64x128xf32, #tpu.memory_space<hbm>>
    %dma_start3A_2351 = arith.constant 0 : i32
    %dma_start3A_2352 = arith.constant 0 : i32
    %dma_start3A_2353 = tpu.memref_slice %arg10[%dma_start3A_2344, %dma_start3A_2351, %dma_start3A_2352] : memref<6x64x128xf32, #tpu.memory_space<vmem>> -> memref<1x64x128xf32, #tpu.memory_space<vmem>>
    %dma_start3A_2354 = tpu.memref_squeeze %dma_start3A_2353 : memref<1x64x128xf32, #tpu.memory_space<vmem>> -> memref<64x128xf32, #tpu.memory_space<vmem>>
    tpu.enqueue_dma source(%dma_start3A_2354 : memref<64x128xf32, #tpu.memory_space<vmem>>) target(%dma_start3A_2350 : memref<64x128xf32, #tpu.memory_space<hbm>>) target_semaphore(%arg18 : memref<!tpu.dma_semaphore, #tpu.memory_space<semaphore_mem>>)
    %mul3A_2355 = arith.constant 40 : i32
    %mul3A_2356 = arith.muli %add3A, %mul3A_2355 : i32
    %add3A_2357 = arith.constant 37 : i32
    %add3A_2358 = arith.addi %mul3A_2356, %add3A_2357 : i32
    %shift_right_logical3A_2359 = arith.constant 8 : i32
    %shift_right_logical3A_2360 = arith.shrui %add3A_2358, %shift_right_logical3A_2359 : i32
    %and3A_2361 = arith.constant 255 : i32
    %and3A_2362 = arith.andi %add3A_2358, %and3A_2361 : i32
    %mul3A_2363 = arith.constant 64 : i32
    %mul3A_2364 = arith.muli %and3A_2362, %mul3A_2363 : i32
    %multiple_of3A_2365 = tpu.assume_multiple %mul3A_2364, 64 : i32
    %mul3A_2366 = arith.constant 128 : i32
    %mul3A_2367 = arith.muli %shift_right_logical3A_2360, %mul3A_2366 : i32
    %multiple_of3A_2368 = tpu.assume_multiple %mul3A_2367, 128 : i32
    %dma_wait3A_2369 = arith.constant 0 : i32
    %dma_wait3A_2370 = arith.constant 37 : i32
    %dma_wait3A_2371 = arith.constant 1 : i32
    %dma_wait3A_2372 = arith.constant 0 : i32
    %dma_wait3A_2373 = arith.constant 0 : i32
    %dma_wait3A_2374 = tpu.memref_slice %arg10[%dma_wait3A_2371, %dma_wait3A_2372, %dma_wait3A_2373] : memref<6x64x128xf32, #tpu.memory_space<vmem>> -> memref<1x64x128xf32, #tpu.memory_space<vmem>>
    %dma_wait3A_2375 = tpu.memref_squeeze %dma_wait3A_2374 : memref<1x64x128xf32, #tpu.memory_space<vmem>> -> memref<64x128xf32, #tpu.memory_space<vmem>>
    %dma_wait3A_2376 = arith.constant 0 : i32
    %dma_wait3A_2377 = tpu.memref_slice %arg9[%dma_wait3A_2369, %dma_wait3A_2370, %dma_wait3A_2376] : memref<1x40x64xi32, #tpu.memory_space<vmem>> -> memref<1x1x64xi32, #tpu.memory_space<vmem>>
    %dma_wait3A_2378 = tpu.memref_squeeze %dma_wait3A_2377 : memref<1x1x64xi32, #tpu.memory_space<vmem>> -> memref<64xi32, #tpu.memory_space<vmem>>
    %dma_wait3A_2379 = arith.constant 0 : i32
    %dma_wait3A_2380 = arith.constant 0 : i32
    %dma_wait3A_2381 = tpu.memref_slice %arg11[%dma_wait3A_2379, %dma_wait3A_2380] : memref<9528x128xf32, #tpu.memory_space<vmem_shared>> -> memref<9528x128xf32, #tpu.memory_space<vmem_shared>>
    tpu.wait_indirect_dma semaphore(%arg13 : memref<!tpu.dma_semaphore, #tpu.memory_space<semaphore_mem>>) src(%dma_wait3A_2381 : memref<9528x128xf32, #tpu.memory_space<vmem_shared>>) dst(%dma_wait3A_2375 : memref<64x128xf32, #tpu.memory_space<vmem>>)
    %dma_start3A_2382 = arith.constant 1 : i32
    %dma_start3A_2383 = arith.constant 0 : i32
    %dma_start3A_2384 = arith.constant 0 : i32
    %dma_start3A_2385 = tpu.memref_slice %arg10[%dma_start3A_2382, %dma_start3A_2383, %dma_start3A_2384] : memref<6x64x128xf32, #tpu.memory_space<vmem>> -> memref<1x64x128xf32, #tpu.memory_space<vmem>>
    %dma_start3A_2386 = tpu.memref_squeeze %dma_start3A_2385 : memref<1x64x128xf32, #tpu.memory_space<vmem>> -> memref<64x128xf32, #tpu.memory_space<vmem>>
    %dma_start3A_2387 = tpu.memref_slice %arg8[%multiple_of3A_2365, %multiple_of3A_2368] : memref<16384x640xf32, #tpu.memory_space<hbm>> -> memref<64x128xf32, #tpu.memory_space<hbm>>
    %dma_start3A_2388 = tpu.memref_slice %arg8[%multiple_of3A_2365, %multiple_of3A_2368] : memref<16384x640xf32, #tpu.memory_space<hbm>> -> memref<64x128xf32, #tpu.memory_space<hbm>>
    %dma_start3A_2389 = arith.constant 0 : i32
    %dma_start3A_2390 = arith.constant 0 : i32
    %dma_start3A_2391 = tpu.memref_slice %arg10[%dma_start3A_2382, %dma_start3A_2389, %dma_start3A_2390] : memref<6x64x128xf32, #tpu.memory_space<vmem>> -> memref<1x64x128xf32, #tpu.memory_space<vmem>>
    %dma_start3A_2392 = tpu.memref_squeeze %dma_start3A_2391 : memref<1x64x128xf32, #tpu.memory_space<vmem>> -> memref<64x128xf32, #tpu.memory_space<vmem>>
    tpu.enqueue_dma source(%dma_start3A_2392 : memref<64x128xf32, #tpu.memory_space<vmem>>) target(%dma_start3A_2388 : memref<64x128xf32, #tpu.memory_space<hbm>>) target_semaphore(%arg19 : memref<!tpu.dma_semaphore, #tpu.memory_space<semaphore_mem>>)
    %mul3A_2393 = arith.constant 40 : i32
    %mul3A_2394 = arith.muli %add3A, %mul3A_2393 : i32
    %add3A_2395 = arith.constant 38 : i32
    %add3A_2396 = arith.addi %mul3A_2394, %add3A_2395 : i32
    %shift_right_logical3A_2397 = arith.constant 8 : i32
    %shift_right_logical3A_2398 = arith.shrui %add3A_2396, %shift_right_logical3A_2397 : i32
    %and3A_2399 = arith.constant 255 : i32
    %and3A_2400 = arith.andi %add3A_2396, %and3A_2399 : i32
    %mul3A_2401 = arith.constant 64 : i32
    %mul3A_2402 = arith.muli %and3A_2400, %mul3A_2401 : i32
    %multiple_of3A_2403 = tpu.assume_multiple %mul3A_2402, 64 : i32
    %mul3A_2404 = arith.constant 128 : i32
    %mul3A_2405 = arith.muli %shift_right_logical3A_2398, %mul3A_2404 : i32
    %multiple_of3A_2406 = tpu.assume_multiple %mul3A_2405, 128 : i32
    %dma_wait3A_2407 = arith.constant 0 : i32
    %dma_wait3A_2408 = arith.constant 38 : i32
    %dma_wait3A_2409 = arith.constant 2 : i32
    %dma_wait3A_2410 = arith.constant 0 : i32
    %dma_wait3A_2411 = arith.constant 0 : i32
    %dma_wait3A_2412 = tpu.memref_slice %arg10[%dma_wait3A_2409, %dma_wait3A_2410, %dma_wait3A_2411] : memref<6x64x128xf32, #tpu.memory_space<vmem>> -> memref<1x64x128xf32, #tpu.memory_space<vmem>>
    %dma_wait3A_2413 = tpu.memref_squeeze %dma_wait3A_2412 : memref<1x64x128xf32, #tpu.memory_space<vmem>> -> memref<64x128xf32, #tpu.memory_space<vmem>>
    %dma_wait3A_2414 = arith.constant 0 : i32
    %dma_wait3A_2415 = tpu.memref_slice %arg9[%dma_wait3A_2407, %dma_wait3A_2408, %dma_wait3A_2414] : memref<1x40x64xi32, #tpu.memory_space<vmem>> -> memref<1x1x64xi32, #tpu.memory_space<vmem>>
    %dma_wait3A_2416 = tpu.memref_squeeze %dma_wait3A_2415 : memref<1x1x64xi32, #tpu.memory_space<vmem>> -> memref<64xi32, #tpu.memory_space<vmem>>
    %dma_wait3A_2417 = arith.constant 0 : i32
    %dma_wait3A_2418 = arith.constant 0 : i32
    %dma_wait3A_2419 = tpu.memref_slice %arg11[%dma_wait3A_2417, %dma_wait3A_2418] : memref<9528x128xf32, #tpu.memory_space<vmem_shared>> -> memref<9528x128xf32, #tpu.memory_space<vmem_shared>>
    tpu.wait_indirect_dma semaphore(%arg14 : memref<!tpu.dma_semaphore, #tpu.memory_space<semaphore_mem>>) src(%dma_wait3A_2419 : memref<9528x128xf32, #tpu.memory_space<vmem_shared>>) dst(%dma_wait3A_2413 : memref<64x128xf32, #tpu.memory_space<vmem>>)
    %dma_start3A_2420 = arith.constant 2 : i32
    %dma_start3A_2421 = arith.constant 0 : i32
    %dma_start3A_2422 = arith.constant 0 : i32
    %dma_start3A_2423 = tpu.memref_slice %arg10[%dma_start3A_2420, %dma_start3A_2421, %dma_start3A_2422] : memref<6x64x128xf32, #tpu.memory_space<vmem>> -> memref<1x64x128xf32, #tpu.memory_space<vmem>>
    %dma_start3A_2424 = tpu.memref_squeeze %dma_start3A_2423 : memref<1x64x128xf32, #tpu.memory_space<vmem>> -> memref<64x128xf32, #tpu.memory_space<vmem>>
    %dma_start3A_2425 = tpu.memref_slice %arg8[%multiple_of3A_2403, %multiple_of3A_2406] : memref<16384x640xf32, #tpu.memory_space<hbm>> -> memref<64x128xf32, #tpu.memory_space<hbm>>
    %dma_start3A_2426 = tpu.memref_slice %arg8[%multiple_of3A_2403, %multiple_of3A_2406] : memref<16384x640xf32, #tpu.memory_space<hbm>> -> memref<64x128xf32, #tpu.memory_space<hbm>>
    %dma_start3A_2427 = arith.constant 0 : i32
    %dma_start3A_2428 = arith.constant 0 : i32
    %dma_start3A_2429 = tpu.memref_slice %arg10[%dma_start3A_2420, %dma_start3A_2427, %dma_start3A_2428] : memref<6x64x128xf32, #tpu.memory_space<vmem>> -> memref<1x64x128xf32, #tpu.memory_space<vmem>>
    %dma_start3A_2430 = tpu.memref_squeeze %dma_start3A_2429 : memref<1x64x128xf32, #tpu.memory_space<vmem>> -> memref<64x128xf32, #tpu.memory_space<vmem>>
    tpu.enqueue_dma source(%dma_start3A_2430 : memref<64x128xf32, #tpu.memory_space<vmem>>) target(%dma_start3A_2426 : memref<64x128xf32, #tpu.memory_space<hbm>>) target_semaphore(%arg20 : memref<!tpu.dma_semaphore, #tpu.memory_space<semaphore_mem>>)
    %mul3A_2431 = arith.constant 40 : i32
    %mul3A_2432 = arith.muli %add3A, %mul3A_2431 : i32
    %add3A_2433 = arith.constant 39 : i32
    %add3A_2434 = arith.addi %mul3A_2432, %add3A_2433 : i32
    %shift_right_logical3A_2435 = arith.constant 8 : i32
    %shift_right_logical3A_2436 = arith.shrui %add3A_2434, %shift_right_logical3A_2435 : i32
    %and3A_2437 = arith.constant 255 : i32
    %and3A_2438 = arith.andi %add3A_2434, %and3A_2437 : i32
    %mul3A_2439 = arith.constant 64 : i32
    %mul3A_2440 = arith.muli %and3A_2438, %mul3A_2439 : i32
    %multiple_of3A_2441 = tpu.assume_multiple %mul3A_2440, 64 : i32
    %mul3A_2442 = arith.constant 128 : i32
    %mul3A_2443 = arith.muli %shift_right_logical3A_2436, %mul3A_2442 : i32
    %multiple_of3A_2444 = tpu.assume_multiple %mul3A_2443, 128 : i32
    %dma_wait3A_2445 = arith.constant 0 : i32
    %dma_wait3A_2446 = arith.constant 39 : i32
    %dma_wait3A_2447 = arith.constant 3 : i32
    %dma_wait3A_2448 = arith.constant 0 : i32
    %dma_wait3A_2449 = arith.constant 0 : i32
    %dma_wait3A_2450 = tpu.memref_slice %arg10[%dma_wait3A_2447, %dma_wait3A_2448, %dma_wait3A_2449] : memref<6x64x128xf32, #tpu.memory_space<vmem>> -> memref<1x64x128xf32, #tpu.memory_space<vmem>>
    %dma_wait3A_2451 = tpu.memref_squeeze %dma_wait3A_2450 : memref<1x64x128xf32, #tpu.memory_space<vmem>> -> memref<64x128xf32, #tpu.memory_space<vmem>>
    %dma_wait3A_2452 = arith.constant 0 : i32
    %dma_wait3A_2453 = tpu.memref_slice %arg9[%dma_wait3A_2445, %dma_wait3A_2446, %dma_wait3A_2452] : memref<1x40x64xi32, #tpu.memory_space<vmem>> -> memref<1x1x64xi32, #tpu.memory_space<vmem>>
    %dma_wait3A_2454 = tpu.memref_squeeze %dma_wait3A_2453 : memref<1x1x64xi32, #tpu.memory_space<vmem>> -> memref<64xi32, #tpu.memory_space<vmem>>
    %dma_wait3A_2455 = arith.constant 0 : i32
    %dma_wait3A_2456 = arith.constant 0 : i32
    %dma_wait3A_2457 = tpu.memref_slice %arg11[%dma_wait3A_2455, %dma_wait3A_2456] : memref<9528x128xf32, #tpu.memory_space<vmem_shared>> -> memref<9528x128xf32, #tpu.memory_space<vmem_shared>>
    tpu.wait_indirect_dma semaphore(%arg15 : memref<!tpu.dma_semaphore, #tpu.memory_space<semaphore_mem>>) src(%dma_wait3A_2457 : memref<9528x128xf32, #tpu.memory_space<vmem_shared>>) dst(%dma_wait3A_2451 : memref<64x128xf32, #tpu.memory_space<vmem>>)
    %dma_start3A_2458 = arith.constant 3 : i32
    %dma_start3A_2459 = arith.constant 0 : i32
    %dma_start3A_2460 = arith.constant 0 : i32
    %dma_start3A_2461 = tpu.memref_slice %arg10[%dma_start3A_2458, %dma_start3A_2459, %dma_start3A_2460] : memref<6x64x128xf32, #tpu.memory_space<vmem>> -> memref<1x64x128xf32, #tpu.memory_space<vmem>>
    %dma_start3A_2462 = tpu.memref_squeeze %dma_start3A_2461 : memref<1x64x128xf32, #tpu.memory_space<vmem>> -> memref<64x128xf32, #tpu.memory_space<vmem>>
    %dma_start3A_2463 = tpu.memref_slice %arg8[%multiple_of3A_2441, %multiple_of3A_2444] : memref<16384x640xf32, #tpu.memory_space<hbm>> -> memref<64x128xf32, #tpu.memory_space<hbm>>
    %dma_start3A_2464 = tpu.memref_slice %arg8[%multiple_of3A_2441, %multiple_of3A_2444] : memref<16384x640xf32, #tpu.memory_space<hbm>> -> memref<64x128xf32, #tpu.memory_space<hbm>>
    %dma_start3A_2465 = arith.constant 0 : i32
    %dma_start3A_2466 = arith.constant 0 : i32
    %dma_start3A_2467 = tpu.memref_slice %arg10[%dma_start3A_2458, %dma_start3A_2465, %dma_start3A_2466] : memref<6x64x128xf32, #tpu.memory_space<vmem>> -> memref<1x64x128xf32, #tpu.memory_space<vmem>>
    %dma_start3A_2468 = tpu.memref_squeeze %dma_start3A_2467 : memref<1x64x128xf32, #tpu.memory_space<vmem>> -> memref<64x128xf32, #tpu.memory_space<vmem>>
    tpu.enqueue_dma source(%dma_start3A_2468 : memref<64x128xf32, #tpu.memory_space<vmem>>) target(%dma_start3A_2464 : memref<64x128xf32, #tpu.memory_space<hbm>>) target_semaphore(%arg21 : memref<!tpu.dma_semaphore, #tpu.memory_space<semaphore_mem>>)
    %dma_wait3A_2469 = arith.constant 4 : i32
    %dma_wait3A_2470 = arith.constant 0 : i32
    %dma_wait3A_2471 = arith.constant 0 : i32
    %dma_wait3A_2472 = tpu.memref_slice %arg10[%dma_wait3A_2469, %dma_wait3A_2470, %dma_wait3A_2471] : memref<6x64x128xf32, #tpu.memory_space<vmem>> -> memref<1x64x128xf32, #tpu.memory_space<vmem>>
    %dma_wait3A_2473 = tpu.memref_squeeze %dma_wait3A_2472 : memref<1x64x128xf32, #tpu.memory_space<vmem>> -> memref<64x128xf32, #tpu.memory_space<vmem>>
    %dma_wait3A_2474 = tpu.memref_slice %arg8[%multiple_of3A_2251, %multiple_of3A_2254] : memref<16384x640xf32, #tpu.memory_space<hbm>> -> memref<64x128xf32, #tpu.memory_space<hbm>>
    %dma_wait3A_2475 = tpu.memref_slice %arg8[%multiple_of3A_2251, %multiple_of3A_2254] : memref<16384x640xf32, #tpu.memory_space<hbm>> -> memref<64x128xf32, #tpu.memory_space<hbm>>
    %dma_wait3A_2476 = arith.constant 0 : i32
    %dma_wait3A_2477 = arith.constant 0 : i32
    %dma_wait3A_2478 = tpu.memref_slice %arg10[%dma_wait3A_2469, %dma_wait3A_2476, %dma_wait3A_2477] : memref<6x64x128xf32, #tpu.memory_space<vmem>> -> memref<1x64x128xf32, #tpu.memory_space<vmem>>
    %dma_wait3A_2479 = tpu.memref_squeeze %dma_wait3A_2478 : memref<1x64x128xf32, #tpu.memory_space<vmem>> -> memref<64x128xf32, #tpu.memory_space<vmem>>
    tpu.wait_dma2 semaphore(%arg22 : memref<!tpu.dma_semaphore, #tpu.memory_space<semaphore_mem>>) src(%dma_wait3A_2479 : memref<64x128xf32, #tpu.memory_space<vmem>>) dst(%dma_wait3A_2475 : memref<64x128xf32, #tpu.memory_space<hbm>>)
    %dma_wait3A_2480 = arith.constant 5 : i32
    %dma_wait3A_2481 = arith.constant 0 : i32
    %dma_wait3A_2482 = arith.constant 0 : i32
    %dma_wait3A_2483 = tpu.memref_slice %arg10[%dma_wait3A_2480, %dma_wait3A_2481, %dma_wait3A_2482] : memref<6x64x128xf32, #tpu.memory_space<vmem>> -> memref<1x64x128xf32, #tpu.memory_space<vmem>>
    %dma_wait3A_2484 = tpu.memref_squeeze %dma_wait3A_2483 : memref<1x64x128xf32, #tpu.memory_space<vmem>> -> memref<64x128xf32, #tpu.memory_space<vmem>>
    %dma_wait3A_2485 = tpu.memref_slice %arg8[%multiple_of3A_2289, %multiple_of3A_2292] : memref<16384x640xf32, #tpu.memory_space<hbm>> -> memref<64x128xf32, #tpu.memory_space<hbm>>
    %dma_wait3A_2486 = tpu.memref_slice %arg8[%multiple_of3A_2289, %multiple_of3A_2292] : memref<16384x640xf32, #tpu.memory_space<hbm>> -> memref<64x128xf32, #tpu.memory_space<hbm>>
    %dma_wait3A_2487 = arith.constant 0 : i32
    %dma_wait3A_2488 = arith.constant 0 : i32
    %dma_wait3A_2489 = tpu.memref_slice %arg10[%dma_wait3A_2480, %dma_wait3A_2487, %dma_wait3A_2488] : memref<6x64x128xf32, #tpu.memory_space<vmem>> -> memref<1x64x128xf32, #tpu.memory_space<vmem>>
    %dma_wait3A_2490 = tpu.memref_squeeze %dma_wait3A_2489 : memref<1x64x128xf32, #tpu.memory_space<vmem>> -> memref<64x128xf32, #tpu.memory_space<vmem>>
    tpu.wait_dma2 semaphore(%arg23 : memref<!tpu.dma_semaphore, #tpu.memory_space<semaphore_mem>>) src(%dma_wait3A_2490 : memref<64x128xf32, #tpu.memory_space<vmem>>) dst(%dma_wait3A_2486 : memref<64x128xf32, #tpu.memory_space<hbm>>)
    %dma_wait3A_2491 = arith.constant 0 : i32
    %dma_wait3A_2492 = arith.constant 0 : i32
    %dma_wait3A_2493 = arith.constant 0 : i32
    %dma_wait3A_2494 = tpu.memref_slice %arg10[%dma_wait3A_2491, %dma_wait3A_2492, %dma_wait3A_2493] : memref<6x64x128xf32, #tpu.memory_space<vmem>> -> memref<1x64x128xf32, #tpu.memory_space<vmem>>
    %dma_wait3A_2495 = tpu.memref_squeeze %dma_wait3A_2494 : memref<1x64x128xf32, #tpu.memory_space<vmem>> -> memref<64x128xf32, #tpu.memory_space<vmem>>
    %dma_wait3A_2496 = tpu.memref_slice %arg8[%multiple_of3A_2327, %multiple_of3A_2330] : memref<16384x640xf32, #tpu.memory_space<hbm>> -> memref<64x128xf32, #tpu.memory_space<hbm>>
    %dma_wait3A_2497 = tpu.memref_slice %arg8[%multiple_of3A_2327, %multiple_of3A_2330] : memref<16384x640xf32, #tpu.memory_space<hbm>> -> memref<64x128xf32, #tpu.memory_space<hbm>>
    %dma_wait3A_2498 = arith.constant 0 : i32
    %dma_wait3A_2499 = arith.constant 0 : i32
    %dma_wait3A_2500 = tpu.memref_slice %arg10[%dma_wait3A_2491, %dma_wait3A_2498, %dma_wait3A_2499] : memref<6x64x128xf32, #tpu.memory_space<vmem>> -> memref<1x64x128xf32, #tpu.memory_space<vmem>>
    %dma_wait3A_2501 = tpu.memref_squeeze %dma_wait3A_2500 : memref<1x64x128xf32, #tpu.memory_space<vmem>> -> memref<64x128xf32, #tpu.memory_space<vmem>>
    tpu.wait_dma2 semaphore(%arg18 : memref<!tpu.dma_semaphore, #tpu.memory_space<semaphore_mem>>) src(%dma_wait3A_2501 : memref<64x128xf32, #tpu.memory_space<vmem>>) dst(%dma_wait3A_2497 : memref<64x128xf32, #tpu.memory_space<hbm>>)
    %dma_wait3A_2502 = arith.constant 1 : i32
    %dma_wait3A_2503 = arith.constant 0 : i32
    %dma_wait3A_2504 = arith.constant 0 : i32
    %dma_wait3A_2505 = tpu.memref_slice %arg10[%dma_wait3A_2502, %dma_wait3A_2503, %dma_wait3A_2504] : memref<6x64x128xf32, #tpu.memory_space<vmem>> -> memref<1x64x128xf32, #tpu.memory_space<vmem>>
    %dma_wait3A_2506 = tpu.memref_squeeze %dma_wait3A_2505 : memref<1x64x128xf32, #tpu.memory_space<vmem>> -> memref<64x128xf32, #tpu.memory_space<vmem>>
    %dma_wait3A_2507 = tpu.memref_slice %arg8[%multiple_of3A_2365, %multiple_of3A_2368] : memref<16384x640xf32, #tpu.memory_space<hbm>> -> memref<64x128xf32, #tpu.memory_space<hbm>>
    %dma_wait3A_2508 = tpu.memref_slice %arg8[%multiple_of3A_2365, %multiple_of3A_2368] : memref<16384x640xf32, #tpu.memory_space<hbm>> -> memref<64x128xf32, #tpu.memory_space<hbm>>
    %dma_wait3A_2509 = arith.constant 0 : i32
    %dma_wait3A_2510 = arith.constant 0 : i32
    %dma_wait3A_2511 = tpu.memref_slice %arg10[%dma_wait3A_2502, %dma_wait3A_2509, %dma_wait3A_2510] : memref<6x64x128xf32, #tpu.memory_space<vmem>> -> memref<1x64x128xf32, #tpu.memory_space<vmem>>
    %dma_wait3A_2512 = tpu.memref_squeeze %dma_wait3A_2511 : memref<1x64x128xf32, #tpu.memory_space<vmem>> -> memref<64x128xf32, #tpu.memory_space<vmem>>
    tpu.wait_dma2 semaphore(%arg19 : memref<!tpu.dma_semaphore, #tpu.memory_space<semaphore_mem>>) src(%dma_wait3A_2512 : memref<64x128xf32, #tpu.memory_space<vmem>>) dst(%dma_wait3A_2508 : memref<64x128xf32, #tpu.memory_space<hbm>>)
    %dma_wait3A_2513 = arith.constant 2 : i32
    %dma_wait3A_2514 = arith.constant 0 : i32
    %dma_wait3A_2515 = arith.constant 0 : i32
    %dma_wait3A_2516 = tpu.memref_slice %arg10[%dma_wait3A_2513, %dma_wait3A_2514, %dma_wait3A_2515] : memref<6x64x128xf32, #tpu.memory_space<vmem>> -> memref<1x64x128xf32, #tpu.memory_space<vmem>>
    %dma_wait3A_2517 = tpu.memref_squeeze %dma_wait3A_2516 : memref<1x64x128xf32, #tpu.memory_space<vmem>> -> memref<64x128xf32, #tpu.memory_space<vmem>>
    %dma_wait3A_2518 = tpu.memref_slice %arg8[%multiple_of3A_2403, %multiple_of3A_2406] : memref<16384x640xf32, #tpu.memory_space<hbm>> -> memref<64x128xf32, #tpu.memory_space<hbm>>
    %dma_wait3A_2519 = tpu.memref_slice %arg8[%multiple_of3A_2403, %multiple_of3A_2406] : memref<16384x640xf32, #tpu.memory_space<hbm>> -> memref<64x128xf32, #tpu.memory_space<hbm>>
    %dma_wait3A_2520 = arith.constant 0 : i32
    %dma_wait3A_2521 = arith.constant 0 : i32
    %dma_wait3A_2522 = tpu.memref_slice %arg10[%dma_wait3A_2513, %dma_wait3A_2520, %dma_wait3A_2521] : memref<6x64x128xf32, #tpu.memory_space<vmem>> -> memref<1x64x128xf32, #tpu.memory_space<vmem>>
    %dma_wait3A_2523 = tpu.memref_squeeze %dma_wait3A_2522 : memref<1x64x128xf32, #tpu.memory_space<vmem>> -> memref<64x128xf32, #tpu.memory_space<vmem>>
    tpu.wait_dma2 semaphore(%arg20 : memref<!tpu.dma_semaphore, #tpu.memory_space<semaphore_mem>>) src(%dma_wait3A_2523 : memref<64x128xf32, #tpu.memory_space<vmem>>) dst(%dma_wait3A_2519 : memref<64x128xf32, #tpu.memory_space<hbm>>)
    %dma_wait3A_2524 = arith.constant 3 : i32
    %dma_wait3A_2525 = arith.constant 0 : i32
    %dma_wait3A_2526 = arith.constant 0 : i32
    %dma_wait3A_2527 = tpu.memref_slice %arg10[%dma_wait3A_2524, %dma_wait3A_2525, %dma_wait3A_2526] : memref<6x64x128xf32, #tpu.memory_space<vmem>> -> memref<1x64x128xf32, #tpu.memory_space<vmem>>
    %dma_wait3A_2528 = tpu.memref_squeeze %dma_wait3A_2527 : memref<1x64x128xf32, #tpu.memory_space<vmem>> -> memref<64x128xf32, #tpu.memory_space<vmem>>
    %dma_wait3A_2529 = tpu.memref_slice %arg8[%multiple_of3A_2441, %multiple_of3A_2444] : memref<16384x640xf32, #tpu.memory_space<hbm>> -> memref<64x128xf32, #tpu.memory_space<hbm>>
    %dma_wait3A_2530 = tpu.memref_slice %arg8[%multiple_of3A_2441, %multiple_of3A_2444] : memref<16384x640xf32, #tpu.memory_space<hbm>> -> memref<64x128xf32, #tpu.memory_space<hbm>>
    %dma_wait3A_2531 = arith.constant 0 : i32
    %dma_wait3A_2532 = arith.constant 0 : i32
    %dma_wait3A_2533 = tpu.memref_slice %arg10[%dma_wait3A_2524, %dma_wait3A_2531, %dma_wait3A_2532] : memref<6x64x128xf32, #tpu.memory_space<vmem>> -> memref<1x64x128xf32, #tpu.memory_space<vmem>>
    %dma_wait3A_2534 = tpu.memref_squeeze %dma_wait3A_2533 : memref<1x64x128xf32, #tpu.memory_space<vmem>> -> memref<64x128xf32, #tpu.memory_space<vmem>>
    tpu.wait_dma2 semaphore(%arg21 : memref<!tpu.dma_semaphore, #tpu.memory_space<semaphore_mem>>) src(%dma_wait3A_2534 : memref<64x128xf32, #tpu.memory_space<vmem>>) dst(%dma_wait3A_2530 : memref<64x128xf32, #tpu.memory_space<hbm>>)
    return
  }
}

</mosaic_0001>

<sc_bundles>
// kernel: kernel.3.cloned.1.call-start
scs
__scs_entry_jumppad:
0x0: {  	(pc) =	sbr.rel $0x88, $3  }
0x1: {  	(tag) =	ssettag $0x0;
	lr =	simm.s32 $0x1  }
0x2: {  	[smem:$0x3F9B] =	sst lr;
	_ =	strace $0xD0000000  }
0x3: {  	_ = 	snop  }
0x4: {  	_ = 	snop  }
0x5: {  	_ = 	snop  }
0x6: {  	_ = 	snop  }
0x7: {  	_ = 	snop  }
__scs_overlays_trampoline_lowered:
0x8: {  	[smem:$0x3FAA] =	sst s0  }
0x9: {  	[smem:$0x3FAB] =	sst s1  }
0xa: {  	[smem:$0x3FAC] =	sst s2  }
0xb: {  	[smem:$0x3FAD] =	sst s3  }
0xc: {  	[smem:$0x3FAE] =	sst s4  }
0xd: {  	[smem:$0x3FAF] =	sst s5  }
0xe: {  	[smem:$0x3FB0] =	sst s6  }
0xf: {  	[smem:$0x3FB1] =	sst s7  }
0x10: {  	[smem:$0x3FB2] =	sst s8  }
0x11: {  	[smem:$0x3FB3] =	sst s9;
	s0 =	simm.s32 @!p0 $0x0  }
0x12: {  	s1 =	sld [smem:$0x3F99];
	s0 =	simm.s32 @p0 $0x1  }
0x13: {  	[smem:$0x3FB4] =	sst s0;
	s0 =	simm.s32 @!p1 $0x0  }
0x14: {  	s2 =	sld [smem:$0x3F98];
	s0 =	simm.s32 @p1 $0x1  }
0x15: {  	[smem:$0x3FB5] =	sst s0;
	s0 =	simm.s32 @!p2 $0x0  }
0x16: {  	s3 =	sld [smem:$0x3FDB];
	s0 =	simm.s32 @p2 $0x1  }
0x17: {  	s4 =	simm.s32 $0x1BF5;
	[smem:$0x3FB7] =	sst s0  }
0x18: {  	s0 =	sld [smem:$0x3F9A];
	_ =	swait.ge [sflag:s4], $0x0  }
0x19: {  	s7 =	sld [smem:$0x3F9B]  }
0x1a: {  	s8 =	sadd.s32 $0xFFFFE003, lr  }
0x1b: {  	s9 =	sadd.s32 $0xFFFFFEF7, lr;
	s5 =	simm.s32 $0xFFFFFFFF;
	p2 =	slt.u32 s8, $0xFFFFF086  }
0x1c: {  	p1 =	slt.u32 s9, $0xF7A;
	s5 =	simm.s32 @!p2 $0x0  }
0x1d: {  	s5 =	simm.s32 @p1 $0x1;
	p0 =	seq.s32 s7, s2  }
0x1e: {  	s7 =	smul.u32 @!p0 $0xF7A, s2;
	p2 =	seq.s32 @!p0 s5, $0x0  }
0x1f: {  	s9 =	smul.u32 $0xF7A, s1;
	s8 =	simm.s32 @!p0 $0x1BF5;
	p2 =	por !p2, p0  }
0x20: {  	[sflag:s8] =	ssyncset.s32 @!p0 $0xFFFFF086;
	s6 =	sadd.s32 @!p0 s3, s7;
	s7 =	simm.s32 @!p0 $0x108  }
0x21: {  	s3 =	sadd.s32 s3, s9;
	s6 =	sadd.s32 @!p0 $0x88, s6;
	s7 =	simm.s32 @p2 $0x1082  }
0x22: {  	[simem:s7], [sflag:s8] =	dma.local @!p0 [hbm:s6], $0xF7A  }
0x23: {  	s9 =	sor.u32 $0xD0000000, s2;
	s6 =	simm.s32 $0x108;
	_ =	swait.ge @!p0 [sflag:s8], $0x0  }
0x24: {  	s3 =	sadd.s32 $0x88, s3;
	s6 =	simm.s32 @!p1 $0x1082;
	[sflag:s4] =	ssyncset.s32 $0xFFFFF086  }
0x25: {  	[simem:s6], [sflag:s4] =	dma.local [hbm:s3], $0xF7A  }
0x26: {  	[smem:$0x3F9B] =	sst s1;
	(tag) =	ssettag s2;
	_ =	strace s9  }
0x27: {  	s1 =	sld [smem:$0x3FAB]  }
0x28: {  	s2 =	sld [smem:$0x3FAC]  }
0x29: {  	s4 =	sld [smem:$0x3FAE]  }
0x2a: {  	p0 =	seq.s32 s5, $0x0;
	s5 =	sld [smem:$0x3FAF]  }
0x2b: {  	s6 =	sld [smem:$0x3FB0]  }
0x2c: {  	s7 =	sld [smem:$0x3FB1]  }
0x2d: {  	s3 =	simm.s32 $0x108;
	s8 =	sld [smem:$0x3FB2]  }
0x2e: {  	s3 =	simm.s32 @!p0 $0x1082;
	s9 =	sld [smem:$0x3FB3]  }
0x2f: {  	lr =	sadd.s32 s0, s3;
	s0 =	sld [smem:$0x3FAA]  }
0x30: {  	s3 =	sld [smem:$0x3FAD]  }
0x31: {  	[smem:$0x3FB6] =	sst s10  }
0x32: {  	s10 =	sld [smem:$0x3FB4];
	_ =	sdelay $0x3  }
0x33: {  	p0 =	seq.s32 s10, $0x1;
	s10 =	sld [smem:$0x3FB6];
	_ =	sdelay $0x3  }
0x34: {  	[smem:$0x3FB6] =	sst s10  }
0x35: {  	s10 =	sld [smem:$0x3FB5];
	_ =	sdelay $0x3  }
0x36: {  	p1 =	seq.s32 s10, $0x1;
	s10 =	sld [smem:$0x3FB6];
	_ =	sdelay $0x3  }
0x37: {  	[smem:$0x3FB6] =	sst s10  }
0x38: {  	s10 =	sld [smem:$0x3FB7]  }
0x39: {  	_ = 	snop;
	(pc) =	sbr.ind lr, $3  }
0x3a: {  	_ = 	snop  }
0x3b: {  	_ = 	snop  }
0x3c: {  	p2 =	seq.s32 s10, $0x1;
	s10 =	sld [smem:$0x3FB6]  }
0x3d: {  	_ =	shalt  }
0x3e: {  	_ =	shalt  }
0x3f: {  	_ =	shalt  }
0x40: {  	_ =	shalt  }
0x41: {  	_ =	shalt  }
0x42: {  	_ =	shalt  }
0x43: {  	_ =	shalt  }
0x44: {  	_ =	shalt  }
0x45: {  	_ =	shalt  }
0x46: {  	_ =	shalt  }
0x47: {  	_ =	shalt  }
0x48: {  	_ =	shalt  }
0x49: {  	_ =	shalt  }
0x4a: {  	_ =	shalt  }
0x4b: {  	_ =	shalt  }
0x4c: {  	_ =	shalt  }
0x4d: {  	_ =	shalt  }
0x4e: {  	_ =	shalt  }
0x4f: {  	_ =	shalt  }
0x50: {  	_ =	shalt  }
0x51: {  	_ =	shalt  }
0x52: {  	_ =	shalt  }
0x53: {  	_ =	shalt  }
0x54: {  	_ =	shalt  }
0x55: {  	_ =	shalt  }
0x56: {  	_ =	shalt  }
0x57: {  	_ =	shalt  }
0x58: {  	_ =	shalt  }
0x59: {  	_ =	shalt  }
0x5a: {  	_ =	shalt  }
0x5b: {  	_ =	shalt  }
0x5c: {  	_ =	shalt  }
0x5d: {  	_ =	shalt  }
0x5e: {  	_ =	shalt  }
0x5f: {  	_ =	shalt  }
0x60: {  	_ =	shalt  }
0x61: {  	_ =	shalt  }
0x62: {  	_ =	shalt  }
0x63: {  	_ =	shalt  }
0x64: {  	_ =	shalt  }
0x65: {  	_ =	shalt  }
0x66: {  	_ =	shalt  }
0x67: {  	_ =	shalt  }
0x68: {  	_ =	shalt  }
0x69: {  	_ =	shalt  }
0x6a: {  	_ =	shalt  }
0x6b: {  	_ =	shalt  }
0x6c: {  	_ =	shalt  }
0x6d: {  	_ =	shalt  }
0x6e: {  	_ =	shalt  }
0x6f: {  	_ =	shalt  }
0x70: {  	_ =	shalt  }
0x71: {  	_ =	shalt  }
0x72: {  	_ =	shalt  }
0x73: {  	_ =	shalt  }
0x74: {  	_ =	shalt  }
0x75: {  	_ =	shalt  }
0x76: {  	_ =	shalt  }
0x77: {  	_ =	shalt  }
0x78: {  	_ =	shalt  }
0x79: {  	_ =	shalt  }
0x7a: {  	_ =	shalt  }
0x7b: {  	_ =	shalt  }
0x7c: {  	_ =	shalt  }
0x7d: {  	_ =	shalt  }
0x7e: {  	_ =	shalt  }
0x7f: {  	_ =	shalt  }
0x80: {  	_ =	shalt  }
0x81: {  	_ =	shalt  }
0x82: {  	_ =	shalt  }
0x83: {  	_ =	shalt  }
0x84: {  	_ =	shalt  }
0x85: {  	_ =	shalt  }
0x86: {  	_ =	shalt  }
0x87: {  	_ =	shalt  }
.Lfunc_end0:
.L_simem_size_0:
called_computation_lowered:
.L_overlay_start_0:
0x88: {  	s2 =	sld [smem:$0x3FD9]  }
0x89: {  	s3 =	sld [smem:$0x3FFE];
	_ =	sdelay $0x1  }
0x8a: {  	s1 =	srdreg.scid  }
0x8b: {  	s0 =	sand.u32 $0x1, s1  }
0x8c: {  	s17 =	sshll.u32 s0, $0xA;
	s2 =	sadd.s32 s3, s2  }
0x8d: {  	s2 =	sadd.s32 s2, s17  }
0x8e: {  	[smem:$0x3FC2] =	sst s2  }
0x8f: {  	_ = 	snop  }
0x90: {  	s2 =	sld [smem:$0x3FC8]  }
0x91: {  	s18 =	sld [smem:$0x3FC7]  }
0x92: {  	s4 =	sld [smem:$0x3FC6]  }
0x93: {  	s5 =	sld [smem:$0x3FC5]  }
0x94: {  	s6 =	sld [smem:$0x3FC4]  }
0x95: {  	s7 =	sld [smem:$0x3FD0];
	(tm) =	ssettm $0x1  }
0x96: {  	s8 =	sld [smem:$0x3FFB];
	_ =	sdelay $0x3  }
0x97: {  	_ =	strace s8  }
0x98: {  	s8 =	sld [smem:$0x3FFC];
	_ =	sdelay $0x3  }
0x99: {  	_ =	strace s8  }
0x9a: {  	s8 =	sld [smem:$0x3FFD];
	_ =	sdelay $0x3  }
0x9b: {  	_ =	strace s8  }
0x9c: {  	_ =	strace $0x8FFFFFFF  }
0x9d: {  	s19 =	sld [smem:$0x3FDB];
	_ =	sdelay $0x1  }
0x9e: {  	s9 =	simm.s32 $_scs_section_size  }
0x9f: {  	s10 =	simm.s32 $_size__tile_overlayer_lowered;
	s11 =	simm.s32 $_tile_overlayer_lowered  }
0xa0: {  	s22 =	simm.s32 $0x1BFF;
	s21 =	sshll.u32 s11, $0x1;
	s8 =	sadd.s32 s9, s19  }
0xa1: {  	s12 =	simm.s32 $0x0;
	s20 =	sshll.u32 s10, $0x1;
	s10 =	sadd.s32 s21, s8  }
0xa2: {  	[timem:s12], [sflag:s22] =	dma.local [hbm:s10], s20  }
0xa3: {  	_ =	swait.ge [sflag:s22], s20  }
0xa4: {  	s9 =	ssub.s32 $0x0, s20;
	[sflag:s22] =	ssyncset.done $0x0  }
0xa5: {  	[sflag:s22] =	ssyncadd.s32 s9;
	_ =	sdelay $0x1  }
0xa6: {  	s23 =	simm.s32 $0x1B8B  }
0xa7: {  	_ =	swait.ge [sflag:s23], $0x1  }
0xa8: {  	[sflag:s23] =	ssyncset.done $0x0  }
0xa9: {  	s25 =	simm.s32 $0x1B8E;
	s24 =	sld [smem:$0x3FFE];
	[sflag:s23] =	ssyncadd.s32 $0xFFFFFFFF  }
0xaa: {  	s26 =	simm.s32 $execute0_lowered;
	[smem:$0x3FD2] =	sst s25  }
0xab: {  	s10 =	sshll.u32 s26, $0x1;
	_ =	strace $0x80000046;
	[dreg:$0x1] =	wrdreg $0xFFFFFFFF  }
0xac: {  	s28 =	simm.s32 $_size_execute0_lowered;
	s8 =	sadd.s32 s8, s10;
	[dreg:$0x0] =	wrdreg $0x0  }
0xad: {  	s10 =	sshll.u32 s28, $0x1;
	[dreg:$0x2] =	wrdreg s8  }
0xae: {  	[dreg:$0x3] =	wrdreg s10  }
0xaf: {  	[dreg:$0x4] =	wrdreg $0xC0  }
0xb0: {  	_ =	task [dreg:s12], $0x5FFFF  }
0xb1: {  	[dreg:$0x1] =	wrdreg $0xFFFFFFFF  }
0xb2: {  	[dreg:$0x0] =	wrdreg $0x60  }
0xb3: {  	[dreg:$0x2] =	wrdreg s24  }
0xb4: {  	[dreg:$0x3] =	wrdreg s2  }
0xb5: {  	[dreg:$0x4] =	wrdreg s18  }
0xb6: {  	[dreg:$0x5] =	wrdreg s4  }
0xb7: {  	[dreg:$0x6] =	wrdreg s5  }
0xb8: {  	[dreg:$0x7] =	wrdreg s6  }
0xb9: {  	[dreg:$0x8] =	wrdreg s7  }
0xba: {  	[dreg:$0x9] =	wrdreg $0xD4000  }
0xbb: {  	[dreg:$0xa] =	wrdreg $0x9  }
0xbc: {  	_ =	task.clear_ibuf [dreg:s12], $0xBFFFF;
	_ =	strace $0x90000046  }
0xbd: {  	s29 =	simm.s32 $0x9;
	_ =	strace $0x80000048  }
0xbe: {  	_ =	swait.ge [sflag:s29], $0x1  }
0xbf: {  	[sflag:s29] =	ssyncadd.s32 $0xFFFFFFFF  }
0xc0: {  	_ =	strace $0x90000048  }
0xc1: {  	_ =	sfence  }
0xc2: {  	s30 =	sld [smem:$0x0];
	_ =	sdelay $0x2  }
0xc3: {  	s31 =	sshll.u32 s1, $0xD;
	s1 =	sshrl.u32 s1, $0x2  }
0xc4: {  	s3 =	sand.u32 $0x4000, s31;
	s1 =	sadd.s32 s1, s30  }
0xc5: {  	s0 =	sor.u32 s3, s0;
	s1 =	sshll.u32 s1, $0x11  }
0xc6: {  	s0 =	sor.u32 s1, s0  }
0xc7: {  	s0 =	sadd.s32 $0x8F2B, s0  }
0xc8: {  	[sflag:s0] =	ssyncadd.remote.s32 $0x1  }
0xc9: {  	_ =	sfence.sel $0xFFFF  }
0xca: {  	[dreg:$0x0] =	wrdreg $0xFFFFFFFF;
	(pc) =	sbr.abs _section_cstart, $3  }
0xcb: {  	[dreg:$0x1] =	wrdreg $0xFFFFFFFF  }
0xcc: {  	_ =	task.clear_ibuf [dreg:s12], $0x2FFFF;
	_ =	strace $0x9FFFFFFF  }
0xcd: {  	(tm) =	ssettm $0x7FFFFFFF  }
tec
execute0_lowered:
.L_overlay_start_1:
0x0: {  	(tag) =	ssettag $0x1  }
0x1: {  	s0 =	srdreg.scid;
	s13 =	stileid.u32  }
0x2: {  	s0 =	sand.u32 $0x1, s0;
	s1 =	sshll.u32 s13, $0x1  }
0x3: {  	s1 =	sor.u32 s0, s1  }
0x4: {  	s2 =	smul.u32 $0x280, s1  }
0x5: {  	s6 =	smul.u32 $0x28, s1  }
0x6: {  	s0 =	ssub.s32 $0x2, s0;
	s4 =	smul.u32 $0x140, s1  }
0x7: {  	s3 =	rddreg [dreg:$0x0];
	s10 =	sshrl.u32 s0, $0x1;
	s11 =	smul.u32 $0xA0, s1  }
0x8: {  	s0 =	ssub.s32 s0, s10;
	s2 =	sadd.s32 s2, s3;
	s8 =	sand.u32 $0x7C0, s4  }
0x9: {  	s9 =	sadd.s32 $0x8, s6;
	[smem:$0x7E9] =	sst s0;
	s14 =	sadd.s32 $0x9, s6  }
0xa: {  	s0 =	sand.u32 $0x1C00, s11;
	s19 =	sadd.s32 $0xA, s6;
	s21 =	sadd.s32 $0xB, s6  }
0xb: {  	s25 =	sadd.s32 $0xC, s6;
	s10 =	sadd.s32 $0xE, s6;
	[smem:$0x7E8] =	sst s2  }
0xc: {  	s2 =	smul.u32 $0x1400, s8;
	s5 =	sshll.u32 s9, $0x3;
	s3 =	sshll.u32 s9, $0x2  }
0xd: {  	s7 =	sshll.u32 s14, $0x3;
	s18 =	sshll.u32 s14, $0x2;
	s20 =	sshll.u32 s19, $0x3  }
0xe: {  	s23 =	sshll.u32 s21, $0x3;
	s24 =	sshll.u32 s21, $0x2;
	s26 =	sshll.u32 s25, $0x3  }
0xf: {  	s14 =	sshll.u32 s10, $0x2;
	s21 =	sadd.s32 $0x11, s6;
	s12 =	sand.u32 $0x7C0, s5  }
0x10: {  	s15 =	sand.u32 $0x3C00, s3;
	s17 =	sand.u32 $0x7C8, s7;
	s22 =	sand.u32 $0x7D0, s20  }
0x11: {  	s4 =	sand.u32 $0x3C00, s24;
	s5 =	sshll.u32 s25, $0x2;
	s7 =	sadd.s32 $0xD, s6  }
0x12: {  	s24 =	sshll.u32 s21, $0x2;
	s25 =	sadd.s32 $0x12, s6;
	s1 =	smul.u32 $0x1400, s12  }
0x13: {  	s9 =	sor.u32 s0, s2;
	s0 =	smul.u32 $0x1400, s17;
	s2 =	sshll.u32 s19, $0x2  }
0x14: {  	s8 =	sshll.u32 s7, $0x3;
	s12 =	sshll.u32 s10, $0x3;
	s19 =	sadd.s32 $0x10, s6  }
0x15: {  	s2 =	sand.u32 $0x3C00, s2;
	s11 =	sand.u32 $0x7E8, s8;
	s20 =	sshll.u32 s19, $0x3  }
0x16: {  	s16 =	sor.u32 s15, s1;
	s1 =	sand.u32 $0x3C00, s18;
	s15 =	sadd.s32 $0xF, s6  }
0x17: {  	[smem:$0x7CF] =	sst s16;
	s0 =	sadd.s32 s1, s0;
	s1 =	sand.u32 $0x7D8, s23  }
0x18: {  	s8 =	sshll.u32 s15, $0x3;
	s18 =	sshll.u32 s15, $0x2;
	s23 =	sshll.u32 s21, $0x3  }
0x19: {  	s21 =	sadd.s32 $0x16, s6;
	[smem:$0x7D0] =	sst s0;
	s0 =	smul.u32 $0x1400, s22  }
0x1a: {  	s1 =	smul.u32 $0x1400, s1;
	s17 =	sand.u32 $0x7F8, s8;
	s8 =	sadd.s32 $0x14, s6  }
0x1b: {  	s22 =	sand.u32 $0x7C0, s20;
	s15 =	sshll.u32 s8, $0x3;
	s0 =	sor.u32 s2, s0  }
0x1c: {  	s3 =	sadd.s32 s4, s1;
	s4 =	sand.u32 $0x7E0, s26;
	s1 =	sand.u32 $0x3C00, s5  }
0x1d: {  	s2 =	sshll.u32 s7, $0x2;
	[smem:$0x7D1] =	sst s0;
	s0 =	smul.u32 $0x1400, s4  }
0x1e: {  	s5 =	sand.u32 $0x3C00, s14;
	s26 =	sshll.u32 s25, $0x3;
	[smem:$0x7D2] =	sst s3  }
0x1f: {  	s2 =	sand.u32 $0x3C00, s2;
	s4 =	sadd.s32 $0x13, s6;
	s0 =	sor.u32 s1, s0  }
0x20: {  	s1 =	sand.u32 $0x7F0, s12;
	[smem:$0x7D3] =	sst s0;
	s0 =	smul.u32 $0x1400, s11  }
0x21: {  	s3 =	sshll.u32 s25, $0x2;
	s7 =	sshll.u32 s4, $0x3;
	s1 =	smul.u32 $0x1400, s1  }
0x22: {  	s10 =	sand.u32 $0x7D8, s7;
	s7 =	sadd.s32 $0x1C, s6;
	s0 =	sadd.s32 s2, s0  }
0x23: {  	s16 =	sor.u32 s5, s1;
	s1 =	sand.u32 $0x3C00, s18;
	[smem:$0x7D4] =	sst s0  }
0x24: {  	s2 =	sshll.u32 s19, $0x2;
	s5 =	sand.u32 $0x3C00, s24;
	[smem:$0x7D5] =	sst s16  }
0x25: {  	s0 =	smul.u32 $0x1400, s17;
	s2 =	sand.u32 $0x3C00, s2;
	s17 =	sadd.s32 $0x15, s6  }
0x26: {  	s16 =	sshll.u32 s8, $0x2;
	s18 =	sshll.u32 s17, $0x3;
	s20 =	sshll.u32 s17, $0x2  }
0x27: {  	s0 =	sadd.s32 s1, s0;
	s1 =	sand.u32 $0x7C8, s23;
	s19 =	sand.u32 $0x7E8, s18  }
0x28: {  	s23 =	sadd.s32 $0x17, s6;
	[smem:$0x7D6] =	sst s0;
	s0 =	smul.u32 $0x1400, s22  }
0x29: {  	s1 =	smul.u32 $0x1400, s1;
	s22 =	sshll.u32 s21, $0x3;
	s25 =	sshll.u32 s23, $0x3  }
0x2a: {  	s24 =	sand.u32 $0x7F0, s22;
	s22 =	sadd.s32 $0x1A, s6;
	s11 =	sor.u32 s2, s0  }
0x2b: {  	s12 =	sadd.s32 s5, s1;
	s2 =	sand.u32 $0x7D0, s26;
	s1 =	sand.u32 $0x3C00, s3  }
0x2c: {  	s5 =	sand.u32 $0x3C00, s16;
	s3 =	sadd.s32 $0x18, s6;
	s0 =	smul.u32 $0x1400, s2  }
0x2d: {  	s26 =	sshll.u32 s23, $0x2;
	s2 =	sshll.u32 s4, $0x2;
	s4 =	sshll.u32 s3, $0x3  }
0x2e: {  	s14 =	sor.u32 s1, s0;
	s0 =	smul.u32 $0x1400, s10;
	s1 =	sand.u32 $0x7E0, s15  }
0x2f: {  	s8 =	sshll.u32 s3, $0x2;
	s2 =	sand.u32 $0x3C00, s2;
	s1 =	smul.u32 $0x1400, s1  }
0x30: {  	s10 =	sadd.s32 $0x19, s6;
	s16 =	sadd.s32 s2, s0;
	s0 =	smul.u32 $0x1400, s19  }
0x31: {  	s2 =	sshll.u32 s21, $0x2;
	s21 =	sshll.u32 s10, $0x3;
	s15 =	sor.u32 s5, s1  }
0x32: {  	s1 =	sand.u32 $0x3C00, s20;
	s2 =	sand.u32 $0x3C00, s2;
	s5 =	sand.u32 $0x3C00, s26  }
0x33: {  	s23 =	sand.u32 $0x7C8, s21;
	s26 =	sadd.s32 $0x1B, s6;
	s17 =	sadd.s32 s1, s0  }
0x34: {  	s0 =	smul.u32 $0x1400, s24;
	s1 =	sand.u32 $0x7F8, s25;
	s24 =	sshll.u32 s22, $0x3  }
0x35: {  	s25 =	sshll.u32 s22, $0x2;
	s3 =	sshll.u32 s26, $0x3;
	s1 =	smul.u32 $0x1400, s1  }
0x36: {  	s19 =	sor.u32 s2, s0;
	s2 =	sshll.u32 s10, $0x2;
	s10 =	sadd.s32 $0x1D, s6  }
0x37: {  	s18 =	sadd.s32 s5, s1;
	s5 =	sand.u32 $0x7C0, s4;
	s1 =	sand.u32 $0x3C00, s8  }
0x38: {  	s2 =	sand.u32 $0x3C00, s2;
	s4 =	sand.u32 $0x7D8, s3;
	s0 =	smul.u32 $0x1400, s5  }
0x39: {  	s8 =	sshll.u32 s7, $0x3;
	s3 =	sadd.s32 $0x1E, s6;
	s5 =	sand.u32 $0x3C00, s25  }
0x3a: {  	s20 =	sor.u32 s1, s0;
	s0 =	smul.u32 $0x1400, s23;
	s1 =	sand.u32 $0x7D0, s24  }
0x3b: {  	s25 =	sshll.u32 s10, $0x3;
	s24 =	sand.u32 $0x7E0, s8;
	s1 =	smul.u32 $0x1400, s1  }
0x3c: {  	s8 =	sshll.u32 s3, $0x2;
	s22 =	sadd.s32 s2, s0;
	s0 =	smul.u32 $0x1400, s4  }
0x3d: {  	s2 =	sshll.u32 s7, $0x2;
	s21 =	sor.u32 s5, s1;
	s5 =	sshll.u32 s26, $0x2  }
0x3e: {  	s4 =	sshll.u32 s3, $0x3;
	s7 =	sadd.s32 $0x22, s6;
	s1 =	sand.u32 $0x3C00, s5  }
0x3f: {  	s23 =	sadd.s32 s1, s0;
	s0 =	smul.u32 $0x1400, s24;
	s1 =	sand.u32 $0x7E8, s25  }
0x40: {  	s26 =	sshll.u32 s10, $0x2;
	s10 =	sadd.s32 $0x1F, s6;
	s1 =	smul.u32 $0x1400, s1  }
0x41: {  	s2 =	sand.u32 $0x3C00, s2;
	s5 =	sand.u32 $0x3C00, s26;
	s3 =	sshll.u32 s10, $0x3  }
0x42: {  	s25 =	sor.u32 s2, s0;
	s2 =	sshll.u32 s10, $0x2;
	s24 =	sadd.s32 s5, s1  }
0x43: {  	s5 =	sand.u32 $0x7F0, s4;
	s1 =	sand.u32 $0x3C00, s8;
	s4 =	sadd.s32 $0x20, s6  }
0x44: {  	s2 =	sand.u32 $0x3C00, s2;
	s0 =	smul.u32 $0x1400, s5;
	s5 =	sand.u32 $0x7F8, s3  }
0x45: {  	s8 =	sshll.u32 s4, $0x3;
	s10 =	sshll.u32 s4, $0x2;
	s4 =	sadd.s32 $0x21, s6  }
0x46: {  	s3 =	sand.u32 $0x3C00, s10;
	s26 =	sor.u32 s1, s0;
	s0 =	smul.u32 $0x1400, s5  }
0x47: {  	s10 =	sadd.s32 $0x23, s6;
	s1 =	sand.u32 $0x7C0, s8;
	s5 =	sshll.u32 s4, $0x3  }
0x48: {  	s8 =	sshll.u32 s7, $0x3;
	s1 =	smul.u32 $0x1400, s1;
	s28 =	sadd.s32 s2, s0  }
0x49: {  	s0 =	sand.u32 $0x7C8, s5;
	s2 =	sshll.u32 s4, $0x2;
	s5 =	sand.u32 $0x7D0, s8  }
0x4a: {  	s4 =	sshll.u32 s10, $0x3;
	s10 =	sshll.u32 s10, $0x2;
	s0 =	smul.u32 $0x1400, s0  }
0x4b: {  	s29 =	sor.u32 s3, s1;
	s5 =	smul.u32 $0x1400, s5;
	s1 =	sshll.u32 s7, $0x2  }
0x4c: {  	s2 =	sand.u32 $0x3C00, s2;
	s8 =	sand.u32 $0x7D8, s4;
	s3 =	sand.u32 $0x3C00, s1  }
0x4d: {  	s1 =	sadd.s32 $0x24, s6;
	s30 =	sadd.s32 s2, s0;
	s31 =	sor.u32 s3, s5  }
0x4e: {  	s3 =	smul.u32 $0x1400, s8;
	s0 =	sshll.u32 s1, $0x3;
	s2 =	sand.u32 $0x3C00, s10  }
0x4f: {  	s8 =	sadd.s32 $0x25, s6;
	s1 =	sshll.u32 s1, $0x2;
	s5 =	sand.u32 $0x7E0, s0  }
0x50: {  	s1 =	sand.u32 $0x3C00, s1;
	s4 =	smul.u32 $0x1400, s5;
	s5 =	sshll.u32 s8, $0x3  }
0x51: {  	s10 =	sadd.s32 s2, s3;
	s3 =	sshll.u32 s8, $0x2;
	s0 =	sand.u32 $0x7E8, s5  }
0x52: {  	s5 =	sadd.s32 $0x27, s6;
	s7 =	sor.u32 s1, s4;
	s1 =	sadd.s32 $0x26, s6  }
0x53: {  	s2 =	sand.u32 $0x3C00, s3;
	s4 =	smul.u32 $0x1400, s0;
	s8 =	sshll.u32 s1, $0x3  }
0x54: {  	s0 =	sshll.u32 s5, $0x3;
	s5 =	sshll.u32 s5, $0x2;
	s6 =	sand.u32 $0x7F0, s8  }
0x55: {  	s1 =	sshll.u32 s1, $0x2;
	s8 =	sand.u32 $0x7F8, s0;
	s6 =	smul.u32 $0x1400, s6  }
0x56: {  	s1 =	sand.u32 $0x3C00, s1;
	s3 =	sadd.s32 s2, s4;
	s8 =	smul.u32 $0x1400, s8  }
0x57: {  	s0 =	sand.u32 $0x3C00, s5;
	s4 =	sadd.s32 $0x14000, s9;
	s2 =	sor.u32 s1, s6  }
0x58: {  	s8 =	sadd.s32 s0, s8;
	s0 =	rddreg [dreg:$0x6];
	s6 =	sshrl.u32 s9, $0x3  }
0x59: {  	s1 =	sshrl.u32 s4, $0x3;
	s5 =	sadd.s32 s0, s6;
	s6 =	sadd.s32 $0x1E000, s9  }
0x5a: {  	s1 =	sadd.s32 s0, s1;
	s4 =	sshrl.u32 s6, $0x3  }
0x5b: {  	s6 =	sadd.s32 $0x28000, s9;
	[dreg:$0x9] =	wrdreg s1;
	s4 =	sadd.s32 s0, s4  }
0x5c: {  	s6 =	sshrl.u32 s6, $0x3;
	[dreg:$0xa] =	wrdreg s4  }
0x5d: {  	s1 =	sadd.s32 s0, s6;
	s4 =	sadd.s32 $0x32000, s9;
	s6 =	sadd.s32 $0x3C000, s9  }
0x5e: {  	[dreg:$0xb] =	wrdreg s1;
	s1 =	sshrl.u32 s4, $0x3;
	s4 =	sshrl.u32 s6, $0x3  }
0x5f: {  	s6 =	sld [smem:$0x7D0];
	s4 =	sadd.s32 s0, s4  }
0x60: {  	[dreg:$0xd] =	wrdreg s4  }
0x61: {  	s9 =	sadd.s32 $0x46000, s9;
	s4 =	sld [smem:$0x7CF]  }
0x62: {  	s9 =	sshrl.u32 s9, $0x3;
	s1 =	sadd.s32 s0, s1  }
0x63: {  	[dreg:$0xc] =	wrdreg s1;
	s1 =	sadd.s32 s0, s9  }
0x64: {  	[dreg:$0xe] =	wrdreg s1;
	s1 =	sshrl.u32 s4, $0x3;
	s4 =	sshrl.u32 s6, $0x3  }
0x65: {  	p0 =	sgt.s32 s13, $0x1;
	s9 =	sadd.s32 s0, s4;
	s4 =	sld [smem:$0x7D1]  }
0x66: {  	p3 =	seq.s32 @p0 s13, $0x2;
	[dreg:$0x10] =	wrdreg s9  }
0x67: {  	p1 =	por p3, !p0;
	s9 =	sld [smem:$0x7D3]  }
0x68: {  	p4 =	seq.s32 @!p1 s13, $0x3;
	s6 =	sld [smem:$0x7D2];
	s1 =	sadd.s32 s0, s1  }
0x69: {  	p2 =	por @p0 p4, p3;
	[dreg:$0xf] =	wrdreg s1;
	s1 =	sshrl.u32 s4, $0x3  }
0x6a: {  	s1 =	sadd.s32 s0, s1;
	s4 =	sshrl.u32 s9, $0x3;
	s9 =	sld [smem:$0x7D4]  }
0x6b: {  	p2 =	por p2, !p0;
	[dreg:$0x11] =	wrdreg s1  }
0x6c: {  	s1 =	sshrl.u32 s6, $0x3;
	s6 =	sadd.s32 s0, s4;
	s4 =	sld [smem:$0x7D5]  }
0x6d: {  	p6 =	por @p0 !p4, p3;
	p5 =	seq.s32 @!p2 s13, $0x4;
	[dreg:$0x13] =	wrdreg s6  }
0x6e: {  	p2 =	sgt.s32 s13, $0x6;
	s1 =	sadd.s32 s0, s1;
	s6 =	sld [smem:$0x7D6]  }
0x6f: {  	p4 =	por @!p1 !p5, p4;
	[dreg:$0x12] =	wrdreg s1;
	s1 =	sshrl.u32 s9, $0x3  }
0x70: {  	s11 =	sshrl.u32 s11, $0x3;
	s21 =	sshrl.u32 s21, $0x3;
	s1 =	sadd.s32 s0, s1  }
0x71: {  	[dreg:$0x14] =	wrdreg s1;
	s1 =	sshrl.u32 s4, $0x3;
	s4 =	sshrl.u32 s6, $0x3  }
0x72: {  	s6 =	sshrl.u32 s14, $0x3;
	s14 =	sshrl.u32 s17, $0x3;
	s17 =	sshrl.u32 s18, $0x3  }
0x73: {  	s18 =	sshrl.u32 s20, $0x3;
	s20 =	sshrl.u32 s22, $0x3;
	s22 =	sshrl.u32 s23, $0x3  }
0x74: {  	s1 =	sadd.s32 s0, s1;
	s9 =	sadd.s32 s0, s4;
	s4 =	sshrl.u32 s12, $0x3  }
0x75: {  	s12 =	sshrl.u32 s15, $0x3;
	s15 =	sadd.s32 s0, s14;
	[dreg:$0x15] =	wrdreg s1  }
0x76: {  	s23 =	sadd.s32 s0, s22;
	s14 =	sshrl.u32 s29, $0x3;
	[dreg:$0x16] =	wrdreg s9  }
0x77: {  	s22 =	sshrl.u32 s8, $0x3;
	s1 =	sadd.s32 s0, s11;
	[dreg:$0x1c] =	wrdreg s15  }
0x78: {  	s9 =	sadd.s32 s0, s6;
	s11 =	sshrl.u32 s16, $0x3;
	[dreg:$0x17] =	wrdreg s1  }
0x79: {  	s16 =	sshrl.u32 s19, $0x3;
	s19 =	sadd.s32 s0, s18;
	[dreg:$0x19] =	wrdreg s9  }
0x7a: {  	s6 =	sshrl.u32 s24, $0x3;
	s1 =	sadd.s32 s0, s4;
	[dreg:$0x1f] =	wrdreg s19  }
0x7b: {  	s15 =	sshrl.u32 s30, $0x3;
	[dreg:$0x18] =	wrdreg s1;
	s1 =	sadd.s32 s0, s11  }
0x7c: {  	s18 =	sshrl.u32 s10, $0x3;
	[dreg:$0x1a] =	wrdreg s1;
	s1 =	sadd.s32 s0, s12  }
0x7d: {  	s8 =	sadd.s32 s0, s22;
	[dreg:$0x1b] =	wrdreg s1;
	s1 =	sadd.s32 s0, s16  }
0x7e: {  	s4 =	sshrl.u32 s25, $0x3;
	[dreg:$0x1d] =	wrdreg s1;
	s1 =	sadd.s32 s0, s17  }
0x7f: {  	s9 =	sshrl.u32 s26, $0x3;
	[dreg:$0x1e] =	wrdreg s1;
	s1 =	sadd.s32 s0, s20  }
0x80: {  	s19 =	sshrl.u32 s7, $0x3;
	[smem:$0x7D7] =	sst s1;
	s1 =	sadd.s32 s0, s21  }
0x81: {  	s11 =	sadd.s32 s0, s9;
	[smem:$0x7D8] =	sst s1;
	s1 =	sadd.s32 s0, s4  }
0x82: {  	s12 =	sshrl.u32 s28, $0x3;
	[smem:$0x7DA] =	sst s1;
	s1 =	sadd.s32 s0, s6  }
0x83: {  	s16 =	sadd.s32 s0, s15;
	[smem:$0x7DB] =	sst s1;
	s1 =	sadd.s32 s0, s12  }
0x84: {  	s17 =	sshrl.u32 s31, $0x3;
	[smem:$0x7DD] =	sst s1;
	s1 =	sadd.s32 s0, s14  }
0x85: {  	s20 =	sshrl.u32 s3, $0x3;
	[smem:$0x7DE] =	sst s1;
	s1 =	sadd.s32 s0, s17  }
0x86: {  	s7 =	sadd.s32 s0, s20;
	[smem:$0x7E0] =	sst s1;
	s1 =	sadd.s32 s0, s18  }
0x87: {  	s21 =	sshrl.u32 s2, $0x3;
	[smem:$0x7E1] =	sst s1;
	s1 =	sadd.s32 s0, s19  }
0x88: {  	[smem:$0x7E2] =	sst s1;
	s1 =	sadd.s32 s0, s21;
	s0 =	simm.s32 @!p6 $0x0  }
0x89: {  	p4 =	por @p0 p4, p3;
	[smem:$0x7D9] =	sst s23;
	s0 =	simm.s32 @p6 $0x1  }
0x8a: {  	p1 =	seq.s32 @p2 s13, $0x7;
	[smem:$0x7E3] =	sst s0;
	s0 =	simm.s32 @!p4 $0x0  }
0x8b: {  	s0 =	simm.s32 @p4 $0x1;
	p4 =	por p1, !p2;
	s23 =	sld [smem:$0x7E3]  }
0x8c: {  	[smem:$0x7E4] =	sst s0;
	s0 =	simm.s32 @!p4 $0x0  }
0x8d: {  	p3 =	por !p3, !p0;
	p6 =	seq.s32 @!p4 s13, $0x8;
	s0 =	simm.s32 @p4 $0x1  }
0x8e: {  	[smem:$0x7E7] =	sst s0;
	s0 =	simm.s32 @!p3 $0x0;
	p4 =	seq.s32 s23, $0x1  }
0x8f: {  	p5 =	seq.s32 @!p0 s13, $0x0;
	s0 =	simm.s32 @p3 $0x1;
	p4 =	por p4, !p0  }
0x90: {  	p3 =	por p5, p0;
	[smem:$0x7EA] =	sst s0;
	s0 =	simm.s32 @!p4 $0x0  }
0x91: {  	s24 =	sld [smem:$0x7E4];
	p3 =	seq.s32 @!p3 s13, $0x1;
	s0 =	simm.s32 @p4 $0x1  }
0x92: {  	[smem:$0x7EC] =	sst s0;
	s0 =	simm.s32 @!p3 $0x0  }
0x93: {  	s0 =	simm.s32 @p3 $0x1  }
0x94: {  	[smem:$0x7E5] =	sst s0  }
0x95: {  	p3 =	seq.s32 s24, $0x1;
	s25 =	sld [smem:$0x7E5]  }
0x96: {  	s10 =	rddreg [dreg:$0x7];
	p3 =	por p3, !p0  }
0x97: {  	s26 =	rddreg [dreg:$0x1];
	s9 =	simm.s32 $0x0;
	s0 =	simm.s32 @!p3 $0x0  }
0x98: {  	[smem:$0x7DC] =	sst s11;
	s0 =	simm.s32 @p3 $0x1;
	p3 =	seq.s32 s25, $0x1  }
0x99: {  	[smem:$0x7FF] =	sst s9;
	p3 =	por @!p0 !p3, p5  }
0x9a: {  	[smem:$0x7EE] =	sst s0;
	s0 =	simm.s32 @!p3 $0x0  }
0x9b: {  	[smem:$0x7DF] =	sst s16;
	s0 =	simm.s32 @p3 $0x1  }
0x9c: {  	s29 =	simm.s32 $0x4;
	[smem:$0x7E6] =	sst s0  }
0x9d: {  	s30 =	simm.s32 $0xA;
	s28 =	simm.s32 $0x9;
	s0 =	sld [smem:$0x7E6]  }
0x9e: {  	s31 =	simm.s32 $0x5;
	s3 =	simm.s32 $0xC;
	p4 =	por @p2 p6, p1  }
0x9f: {  	s2 =	sadd.s32 $0x5E800, s10;
	s14 =	rddreg [dreg:$0x5];
	p4 =	por p4, !p2  }
0xa0: {  	p3 =	por !p5, p0;
	p5 =	seq.s32 @!p4 s13, $0x9;
	p4 =	seq.s32 s0, $0x1  }
0xa1: {  	s6 =	smov.u32 s5;
	s22 =	sadd.s32 $0x4780, s14;
	p0 =	por p4, p0  }
0xa2: {  	s21 =	sadd.s32 $0x8F00, s14;
	s12 =	sld [smem:$0x7E7];
	s0 =	simm.s32 @!p0 $0x0  }
0xa3: {  	s14 =	simm.s32 $0x1;
	s23 =	sadd.s32 $0x11B80, s26;
	s0 =	simm.s32 @p0 $0x1  }
0xa4: {  	s24 =	sadd.s32 $0xBD00, s26;
	s25 =	sadd.s32 $0x5E80, s26;
	[smem:$0x7F0] =	sst s0  }
0xa5: {  	p0 =	seq.s32 s12, $0x1;
	_ =	strace $0x80000047;
	[smem:$0x7F8] =	sst s21  }
0xa6: {  	s26 =	sadd.s32 $0x1400, s5;
	p0 =	por @!p0 !p5, p6;
	[smem:$0x7F9] =	sst s22  }
0xa7: {  	p6 =	por @p2 !p6, p1;
	p5 =	por !p1, !p2;
	[smem:$0x7FA] =	sst s23  }
0xa8: {  	s0 =	sadd.s32 $0x8DC00, s10;
	p0 =	por @p2 p0, p1;
	[smem:$0x7FB] =	sst s24  }
0xa9: {  	p1 =	seq.s32 @!p2 s13, $0x5;
	p6 =	por p6, !p2;
	[smem:$0x7FC] =	sst s25  }
0xaa: {  	[smem:$0x7FD] =	sst s26;
	s21 =	simm.s32 $0xB400;
	s22 =	simm.s32 $0x400  }
0xab: {  	s23 =	simm.s32 $0x7;
	p4 =	por p1, p2;
	s17 =	sld [smem:$0x7EA]  }
0xac: {  	s24 =	simm.s32 $0x2;
	s18 =	sld [smem:$0x7EC];
	p4 =	seq.s32 @!p4 s13, $0x6  }
0xad: {  	p0 =	por p0, !p2;
	s19 =	sld [smem:$0x7EE];
	p4 =	por @!p2 !p4, p1  }
0xae: {  	p1 =	por !p1, p2;
	p2 =	por p4, p2;
	p4 =	seq.s32 s17, $0x1  }
0xaf: {  	s15 =	sld [smem:$0x7E8];
	s2 =	sshrl.u32 @!p4 s2, $0x3;
	p4 =	seq.s32 s18, $0x1  }
0xb0: {  	s25 =	simm.s32 $0x8;
	s16 =	sld [smem:$0x7E9];
	s0 =	sshrl.u32 @!p4 s0, $0x3  }
0xb1: {  	p4 =	seq.s32 s19, $0x1;
	[smem:$0x7ED] =	sst s0;
	s0 =	sadd.s32 $0xBD000, s10  }
0xb2: {  	s26 =	simm.s32 $0x3;
	s20 =	sld [smem:$0x7F0];
	s0 =	sshrl.u32 @!p4 s0, $0x3  }
0xb3: {  	s11 =	sadd.s32 $0x400, s15;
	[smem:$0x7EF] =	sst s0;
	s0 =	sadd.s32 $0xBE400, s10  }
0xb4: {  	s12 =	smax.u32 s16, $0x1;
	[smem:$0x7EB] =	sst s2;
	s0 =	sshrl.u32 @!p5 s0, $0x3  }
0xb5: {  	s15 =	simm.s32 $0x40;
	[smem:$0x7F2] =	sst s0;
	s0 =	sadd.s32 $0xE2000, s10  }
0xb6: {  	s2 =	sadd.s32 $0x2F400, s10;
	p4 =	seq.s32 s20, $0x1;
	s0 =	sshrl.u32 @!p6 s0, $0x3  }
0xb7: {  	s2 =	sshrl.u32 @!p4 s2, $0x3;
	[smem:$0x7F3] =	sst s0;
	s0 =	sadd.s32 $0x105C00, s10  }
0xb8: {  	[smem:$0x7F1] =	sst s2;
	s2 =	sadd.s32 $0xBD400, s10;
	s0 =	sshrl.u32 @!p0 s0, $0x3  }
0xb9: {  	s16 =	simm.s32 $0x1400;
	[smem:$0x7F4] =	sst s0;
	s0 =	sshrl.u32 @!p1 s2, $0x3  }
.Ltmp0:
0xba: {  	[smem:$0x7F5] =	sst s0;
	s0 =	sadd.s32 $0xBD800, s10;
	(pc) =	sbr.rel .LBB2_1-.Ltmp0, $4  }
0xbb: {  	s17 =	simm.s32 $0x3400;
	p4 =	sgt.s32 s13, $0x4;
	s0 =	sshrl.u32 @!p2 s0, $0x3  }
0xbc: {  	s18 =	simm.s32 $0x5400;
	[smem:$0x7F6] =	sst s0;
	s0 =	simm.s32 @!p4 $0x0  }
0xbd: {  	s19 =	simm.s32 $0x7400;
	s20 =	simm.s32 $0x9400;
	s0 =	simm.s32 @p4 $0x1  }
0xbe: {  	s2 =	simm.s32 $0x6;
	[smem:$0x7F7] =	sst s0;
	s0 =	simm.s32 $0xB  }
.LBB2_3:
0xbf: {  	s13 =	smov.u32 s11;
	s11 =	sld [smem:$0x7F2];
	_ =	sdelay $0x1  }
0xc0: {  	s4 =	simm.s32 @!p5 $0x1DCD;
	s5 =	rddreg [dreg:$0x5]  }
0xc1: {  	[spmem:s11], [sflag:s4] =	dma.local @!p5 [hbm:s5], $0x4780  }
0xc2: {  	s4 =	simm.s32 @!p5 $0xD  }
0xc3: {  	_ =	swait.ge @!p5 [sflag:s4], $0x4780  }
0xc4: {  	s5 =	sld [smem:$0x7F3]  }
0xc5: {  	s11 =	smov.u32 s13;
	s13 =	sld [smem:$0x7F9]  }
0xc6: {  	[sflag:s4] =	ssyncset.done @!p5 $0x0  }
0xc7: {  	[sflag:s4] =	ssyncadd.s32 @!p5 $0xFFFFB880;
	s4 =	simm.s32 @!p6 $0x1E0D  }
0xc8: {  	[spmem:s5], [sflag:s4] =	dma.local @!p6 [hbm:s13], $0x4780  }
0xc9: {  	s4 =	simm.s32 @!p6 $0xD  }
0xca: {  	_ =	swait.ge @!p6 [sflag:s4], $0x4780  }
0xcb: {  	s5 =	sld [smem:$0x7F4]  }
0xcc: {  	s13 =	sld [smem:$0x7F8]  }
0xcd: {  	[sflag:s4] =	ssyncset.done @!p6 $0x0  }
0xce: {  	[sflag:s4] =	ssyncadd.s32 @!p6 $0xFFFFB880;
	s4 =	simm.s32 @!p0 $0x1E4D  }
0xcf: {  	[spmem:s5], [sflag:s4] =	dma.local @!p0 [hbm:s13], $0x47F0  }
0xd0: {  	s4 =	simm.s32 @!p0 $0xD  }
0xd1: {  	_ =	swait.ge @!p0 [sflag:s4], $0x47F0  }
0xd2: {  	[sflag:s4] =	ssyncset.done @!p0 $0x0;
	s13 =	sld [smem:$0x7F5]  }
0xd3: {  	[sflag:s4] =	ssyncadd.s32 @!p0 $0xFFFFB810  }
0xd4: {  	s4 =	simm.s32 @!p1 $0x1D4D;
	s5 =	rddreg [dreg:$0x3]  }
0xd5: {  	[spmem:s13], [sflag:s4] =	dma.local @!p1 [hbm:s5], $0x70  }
0xd6: {  	s4 =	simm.s32 @!p1 $0xD  }
0xd7: {  	_ =	swait.ge @!p1 [sflag:s4], $0x70  }
0xd8: {  	[sflag:s4] =	ssyncset.done @!p1 $0x0;
	s13 =	sld [smem:$0x7F6]  }
0xd9: {  	[sflag:s4] =	ssyncadd.s32 @!p1 $0xFFFFFF90  }
0xda: {  	s4 =	simm.s32 @!p2 $0x1D8D;
	s5 =	rddreg [dreg:$0x4]  }
0xdb: {  	[spmem:s13], [sflag:s4] =	dma.local @!p2 [hbm:s5], $0x150  }
0xdc: {  	s4 =	simm.s32 @!p2 $0xD  }
0xdd: {  	_ =	swait.ge @!p2 [sflag:s4], $0x150  }
0xde: {  	[sflag:s4] =	ssyncset.done @!p2 $0x0  }
0xdf: {  	[sflag:s4] =	ssyncadd.s32 @!p2 $0xFFFFFEB0  }
.LBB2_4:
0xe0: {  	_ =	swait.ge [sflag:s14], $0x1400  }
0xe1: {  	[sflag:s14] =	ssyncset.done $0x0  }
0xe2: {  	[sflag:s14] =	ssyncadd.s32 $0xFFFFEC00  }
0xe3: {  	[bflag:$0x0] =	sbarrier.arrive $0xFFFF  }
0xe4: {  	[tilespmem:s16], [sflag:$0x1] =	stream.indirect.gather [spmem:s10], $0x80, s9, s15, $0xb8;
	[tilespmem:$0x1FDC0] =	vst v63  }
0xe5: {  	s4 =	simm.s32 $0x80  }
0xe6: {  	[tilespmem:s17], [sflag:$0x2] =	stream.indirect.gather [spmem:s10], $0x80, s4, s15, $0xb8;
	[tilespmem:$0x1FDC0] =	vst v63  }
0xe7: {  	s13 =	simm.s32 $0x100  }
0xe8: {  	[tilespmem:s18], [sflag:$0x3] =	stream.indirect.gather [spmem:s10], $0x80, s13, s15, $0xb8;
	[tilespmem:$0x1FDC0] =	vst v63  }
0xe9: {  	s5 =	simm.s32 $0x180  }
0xea: {  	[tilespmem:s19], [sflag:$0x4] =	stream.indirect.gather [spmem:s10], $0x80, s5, s15, $0xb8;
	[tilespmem:$0x1FDC0] =	vst v63  }
0xeb: {  	s13 =	simm.s32 $0x200  }
0xec: {  	[tilespmem:s20], [sflag:$0x5] =	stream.indirect.gather [spmem:s10], $0x80, s13, s15, $0xb8;
	[tilespmem:$0x1FDC0] =	vst v63  }
0xed: {  	s5 =	simm.s32 $0x280  }
0xee: {  	[tilespmem:s21], [sflag:$0x6] =	stream.indirect.gather [spmem:s10], $0x80, s5, s15, $0xb8;
	[tilespmem:$0x1FDC0] =	vst v63  }
0xef: {  	_ =	swait.ge [sflag:s14], $0x2000  }
0xf0: {  	[sflag:s14] =	ssyncset.done $0x0  }
0xf1: {  	[sflag:s14] =	ssyncadd.s32 $0xFFFFE000  }
0xf2: {  	[hbm4b:s6+s22] =	stream.strided.scatter [tilespmem:s16], [sflag:$0x7], $0x2000, s16, s22, $0x38;
	[tilespmem:$0x1FDC0] =	vst v63  }
0xf3: {  	_ =	swait.ge [sflag:s23], $0x2000  }
0xf4: {  	[sflag:s23] =	ssyncset.done $0x0  }
0xf5: {  	s13 =	simm.s32 $0x300;
	[sflag:s23] =	ssyncadd.s32 $0xFFFFE000  }
0xf6: {  	[tilespmem:s16], [sflag:$0x1] =	stream.indirect.gather [spmem:s10], $0x80, s13, s15, $0xb8;
	[tilespmem:$0x1FDC0] =	vst v63  }
0xf7: {  	_ =	swait.ge [sflag:s24], $0x2000  }
0xf8: {  	s5 =	sld [smem:$0x7FD]  }
0xf9: {  	[sflag:s24] =	ssyncset.done $0x0  }
0xfa: {  	[sflag:s24] =	ssyncadd.s32 $0xFFFFE000  }
0xfb: {  	[hbm4b:s5+s22] =	stream.strided.scatter [tilespmem:s17], [sflag:$0x8], $0x2000, s16, s22, $0x38;
	[tilespmem:$0x1FDC0] =	vst v63  }
0xfc: {  	_ =	swait.ge [sflag:s25], $0x2000  }
0xfd: {  	[sflag:s25] =	ssyncset.done $0x0  }
0xfe: {  	s13 =	simm.s32 $0x380;
	[sflag:s25] =	ssyncadd.s32 $0xFFFFE000  }
0xff: {  	[tilespmem:s17], [sflag:$0x2] =	stream.indirect.gather [spmem:s10], $0x80, s13, s15, $0xb8;
	[tilespmem:$0x1FDC0] =	vst v63  }
0x100: {  	_ =	swait.ge [sflag:s26], $0x2000  }
0x101: {  	[sflag:s26] =	ssyncset.done $0x0  }
0x102: {  	s5 =	rddreg [dreg:$0x9];
	[sflag:s26] =	ssyncadd.s32 $0xFFFFE000  }
0x103: {  	[hbm4b:s5+s22] =	stream.strided.scatter [tilespmem:s18], [sflag:$0x9], $0x2000, s16, s22, $0x38;
	[tilespmem:$0x1FDC0] =	vst v63  }
0x104: {  	_ =	swait.ge [sflag:s28], $0x2000  }
0x105: {  	[sflag:s28] =	ssyncset.done $0x0  }
0x106: {  	[sflag:s28] =	ssyncadd.s32 $0xFFFFE000  }
0x107: {  	[tilespmem:s18], [sflag:$0x3] =	stream.indirect.gather [spmem:s10], $0x80, s22, s15, $0xb8;
	[tilespmem:$0x1FDC0] =	vst v63  }
0x108: {  	_ =	swait.ge [sflag:s29], $0x2000  }
0x109: {  	[sflag:s29] =	ssyncset.done $0x0  }
0x10a: {  	s13 =	rddreg [dreg:$0xa];
	[sflag:s29] =	ssyncadd.s32 $0xFFFFE000  }
0x10b: {  	[hbm4b:s13+s22] =	stream.strided.scatter [tilespmem:s19], [sflag:$0xA], $0x2000, s16, s22, $0x38;
	[tilespmem:$0x1FDC0] =	vst v63  }
0x10c: {  	_ =	swait.ge [sflag:s30], $0x2000  }
0x10d: {  	[sflag:s30] =	ssyncset.done $0x0  }
0x10e: {  	s5 =	simm.s32 $0x480;
	[sflag:s30] =	ssyncadd.s32 $0xFFFFE000  }
0x10f: {  	[tilespmem:s19], [sflag:$0x4] =	stream.indirect.gather [spmem:s10], $0x80, s5, s15, $0xb8;
	[tilespmem:$0x1FDC0] =	vst v63  }
0x110: {  	_ =	swait.ge [sflag:s31], $0x2000  }
0x111: {  	[sflag:s31] =	ssyncset.done $0x0  }
0x112: {  	s13 =	rddreg [dreg:$0xb];
	[sflag:s31] =	ssyncadd.s32 $0xFFFFE000  }
0x113: {  	[hbm4b:s13+s22] =	stream.strided.scatter [tilespmem:s20], [sflag:$0xB], $0x2000, s16, s22, $0x38;
	[tilespmem:$0x1FDC0] =	vst v63  }
0x114: {  	_ =	swait.ge [sflag:s0], $0x2000  }
0x115: {  	[sflag:s0] =	ssyncset.done $0x0  }
0x116: {  	s5 =	simm.s32 $0x500;
	[sflag:s0] =	ssyncadd.s32 $0xFFFFE000  }
0x117: {  	[tilespmem:s20], [sflag:$0x5] =	stream.indirect.gather [spmem:s10], $0x80, s5, s15, $0xb8;
	[tilespmem:$0x1FDC0] =	vst v63  }
0x118: {  	_ =	swait.ge [sflag:s2], $0x2000  }
0x119: {  	[sflag:s2] =	ssyncset.done $0x0  }
0x11a: {  	s13 =	rddreg [dreg:$0xc];
	[sflag:s2] =	ssyncadd.s32 $0xFFFFE000  }
0x11b: {  	[hbm4b:s13+s22] =	stream.strided.scatter [tilespmem:s21], [sflag:$0xC], $0x2000, s16, s22, $0x38;
	[tilespmem:$0x1FDC0] =	vst v63  }
0x11c: {  	_ =	swait.ge [sflag:s3], $0x2000  }
0x11d: {  	[sflag:s3] =	ssyncset.done $0x0  }
0x11e: {  	s5 =	simm.s32 $0x580;
	[sflag:s3] =	ssyncadd.s32 $0xFFFFE000  }
0x11f: {  	[tilespmem:s21], [sflag:$0x6] =	stream.indirect.gather [spmem:s10], $0x80, s5, s15, $0xb8;
	[tilespmem:$0x1FDC0] =	vst v63  }
0x120: {  	_ =	swait.ge [sflag:s14], $0x2000  }
0x121: {  	[sflag:s14] =	ssyncset.done $0x0  }
0x122: {  	s13 =	rddreg [dreg:$0xd];
	[sflag:s14] =	ssyncadd.s32 $0xFFFFE000  }
0x123: {  	[hbm4b:s13+s22] =	stream.strided.scatter [tilespmem:s16], [sflag:$0x7], $0x2000, s16, s22, $0x38;
	[tilespmem:$0x1FDC0] =	vst v63  }
0x124: {  	_ =	swait.ge [sflag:s23], $0x2000  }
0x125: {  	[sflag:s23] =	ssyncset.done $0x0  }
0x126: {  	s5 =	simm.s32 $0x600;
	[sflag:s23] =	ssyncadd.s32 $0xFFFFE000  }
0x127: {  	[tilespmem:s16], [sflag:$0x1] =	stream.indirect.gather [spmem:s10], $0x80, s5, s15, $0xb8;
	[tilespmem:$0x1FDC0] =	vst v63  }
0x128: {  	_ =	swait.ge [sflag:s24], $0x2000  }
0x129: {  	[sflag:s24] =	ssyncset.done $0x0  }
0x12a: {  	s13 =	rddreg [dreg:$0xe];
	[sflag:s24] =	ssyncadd.s32 $0xFFFFE000  }
0x12b: {  	[hbm4b:s13+s22] =	stream.strided.scatter [tilespmem:s17], [sflag:$0x8], $0x2000, s16, s22, $0x38;
	[tilespmem:$0x1FDC0] =	vst v63  }
0x12c: {  	_ =	swait.ge [sflag:s25], $0x2000  }
0x12d: {  	[sflag:s25] =	ssyncset.done $0x0  }
0x12e: {  	s5 =	simm.s32 $0x680;
	[sflag:s25] =	ssyncadd.s32 $0xFFFFE000  }
0x12f: {  	[tilespmem:s17], [sflag:$0x2] =	stream.indirect.gather [spmem:s10], $0x80, s5, s15, $0xb8;
	[tilespmem:$0x1FDC0] =	vst v63  }
0x130: {  	_ =	swait.ge [sflag:s26], $0x2000  }
0x131: {  	[sflag:s26] =	ssyncset.done $0x0  }
0x132: {  	s13 =	rddreg [dreg:$0xf];
	[sflag:s26] =	ssyncadd.s32 $0xFFFFE000  }
0x133: {  	[hbm4b:s13+s22] =	stream.strided.scatter [tilespmem:s18], [sflag:$0x9], $0x2000, s16, s22, $0x38;
	[tilespmem:$0x1FDC0] =	vst v63  }
0x134: {  	_ =	swait.ge [sflag:s28], $0x2000  }
0x135: {  	[sflag:s28] =	ssyncset.done $0x0  }
0x136: {  	s5 =	simm.s32 $0x700;
	[sflag:s28] =	ssyncadd.s32 $0xFFFFE000  }
0x137: {  	[tilespmem:s18], [sflag:$0x3] =	stream.indirect.gather [spmem:s10], $0x80, s5, s15, $0xb8;
	[tilespmem:$0x1FDC0] =	vst v63  }
0x138: {  	_ =	swait.ge [sflag:s29], $0x2000  }
0x139: {  	[sflag:s29] =	ssyncset.done $0x0  }
0x13a: {  	s13 =	rddreg [dreg:$0x10];
	[sflag:s29] =	ssyncadd.s32 $0xFFFFE000  }
0x13b: {  	[hbm4b:s13+s22] =	stream.strided.scatter [tilespmem:s19], [sflag:$0xA], $0x2000, s16, s22, $0x38;
	[tilespmem:$0x1FDC0] =	vst v63  }
0x13c: {  	_ =	swait.ge [sflag:s30], $0x2000  }
0x13d: {  	[sflag:s30] =	ssyncset.done $0x0  }
0x13e: {  	s5 =	simm.s32 $0x780;
	[sflag:s30] =	ssyncadd.s32 $0xFFFFE000  }
0x13f: {  	[tilespmem:s19], [sflag:$0x4] =	stream.indirect.gather [spmem:s10], $0x80, s5, s15, $0xb8;
	[tilespmem:$0x1FDC0] =	vst v63  }
0x140: {  	_ =	swait.ge [sflag:s31], $0x2000  }
0x141: {  	[sflag:s31] =	ssyncset.done $0x0  }
0x142: {  	s13 =	rddreg [dreg:$0x11];
	[sflag:s31] =	ssyncadd.s32 $0xFFFFE000  }
0x143: {  	[hbm4b:s13+s22] =	stream.strided.scatter [tilespmem:s20], [sflag:$0xB], $0x2000, s16, s22, $0x38;
	[tilespmem:$0x1FDC0] =	vst v63  }
0x144: {  	_ =	swait.ge [sflag:s0], $0x2000  }
0x145: {  	[sflag:s0] =	ssyncset.done $0x0  }
0x146: {  	s5 =	simm.s32 $0x800;
	[sflag:s0] =	ssyncadd.s32 $0xFFFFE000  }
0x147: {  	[tilespmem:s20], [sflag:$0x5] =	stream.indirect.gather [spmem:s10], $0x80, s5, s15, $0xb8;
	[tilespmem:$0x1FDC0] =	vst v63  }
0x148: {  	_ =	swait.ge [sflag:s2], $0x2000  }
0x149: {  	[sflag:s2] =	ssyncset.done $0x0  }
0x14a: {  	s13 =	rddreg [dreg:$0x12];
	[sflag:s2] =	ssyncadd.s32 $0xFFFFE000  }
0x14b: {  	[hbm4b:s13+s22] =	stream.strided.scatter [tilespmem:s21], [sflag:$0xC], $0x2000, s16, s22, $0x38;
	[tilespmem:$0x1FDC0] =	vst v63  }
0x14c: {  	_ =	swait.ge [sflag:s3], $0x2000  }
0x14d: {  	[sflag:s3] =	ssyncset.done $0x0  }
0x14e: {  	s5 =	simm.s32 $0x880;
	[sflag:s3] =	ssyncadd.s32 $0xFFFFE000  }
0x14f: {  	[tilespmem:s21], [sflag:$0x6] =	stream.indirect.gather [spmem:s10], $0x80, s5, s15, $0xb8;
	[tilespmem:$0x1FDC0] =	vst v63  }
0x150: {  	_ =	swait.ge [sflag:s14], $0x2000  }
0x151: {  	[sflag:s14] =	ssyncset.done $0x0  }
0x152: {  	s13 =	rddreg [dreg:$0x13];
	[sflag:s14] =	ssyncadd.s32 $0xFFFFE000  }
0x153: {  	[hbm4b:s13+s22] =	stream.strided.scatter [tilespmem:s16], [sflag:$0x7], $0x2000, s16, s22, $0x38;
	[tilespmem:$0x1FDC0] =	vst v63  }
0x154: {  	_ =	swait.ge [sflag:s23], $0x2000  }
0x155: {  	[sflag:s23] =	ssyncset.done $0x0  }
0x156: {  	s5 =	simm.s32 $0x900;
	[sflag:s23] =	ssyncadd.s32 $0xFFFFE000  }
0x157: {  	[tilespmem:s16], [sflag:$0x1] =	stream.indirect.gather [spmem:s10], $0x80, s5, s15, $0xb8;
	[tilespmem:$0x1FDC0] =	vst v63  }
0x158: {  	_ =	swait.ge [sflag:s24], $0x2000  }
0x159: {  	[sflag:s24] =	ssyncset.done $0x0  }
0x15a: {  	s13 =	rddreg [dreg:$0x14];
	[sflag:s24] =	ssyncadd.s32 $0xFFFFE000  }
0x15b: {  	[hbm4b:s13+s22] =	stream.strided.scatter [tilespmem:s17], [sflag:$0x8], $0x2000, s16, s22, $0x38;
	[tilespmem:$0x1FDC0] =	vst v63  }
0x15c: {  	_ =	swait.ge [sflag:s25], $0x2000  }
0x15d: {  	[sflag:s25] =	ssyncset.done $0x0  }
0x15e: {  	s5 =	simm.s32 $0x980;
	[sflag:s25] =	ssyncadd.s32 $0xFFFFE000  }
0x15f: {  	[tilespmem:s17], [sflag:$0x2] =	stream.indirect.gather [spmem:s10], $0x80, s5, s15, $0xb8;
	[tilespmem:$0x1FDC0] =	vst v63  }
0x160: {  	_ =	swait.ge [sflag:s26], $0x2000  }
0x161: {  	[sflag:s26] =	ssyncset.done $0x0  }
0x162: {  	s13 =	rddreg [dreg:$0x15];
	[sflag:s26] =	ssyncadd.s32 $0xFFFFE000  }
0x163: {  	[hbm4b:s13+s22] =	stream.strided.scatter [tilespmem:s18], [sflag:$0x9], $0x2000, s16, s22, $0x38;
	[tilespmem:$0x1FDC0] =	vst v63  }
0x164: {  	_ =	swait.ge [sflag:s28], $0x2000  }
0x165: {  	[sflag:s28] =	ssyncset.done $0x0  }
0x166: {  	s5 =	simm.s32 $0xA00;
	[sflag:s28] =	ssyncadd.s32 $0xFFFFE000  }
0x167: {  	[tilespmem:s18], [sflag:$0x3] =	stream.indirect.gather [spmem:s10], $0x80, s5, s15, $0xb8;
	[tilespmem:$0x1FDC0] =	vst v63  }
0x168: {  	_ =	swait.ge [sflag:s29], $0x2000  }
0x169: {  	[sflag:s29] =	ssyncset.done $0x0  }
0x16a: {  	s13 =	rddreg [dreg:$0x16];
	[sflag:s29] =	ssyncadd.s32 $0xFFFFE000  }
0x16b: {  	[hbm4b:s13+s22] =	stream.strided.scatter [tilespmem:s19], [sflag:$0xA], $0x2000, s16, s22, $0x38;
	[tilespmem:$0x1FDC0] =	vst v63  }
0x16c: {  	_ =	swait.ge [sflag:s30], $0x2000  }
0x16d: {  	[sflag:s30] =	ssyncset.done $0x0  }
0x16e: {  	s5 =	simm.s32 $0xA80;
	[sflag:s30] =	ssyncadd.s32 $0xFFFFE000  }
0x16f: {  	[tilespmem:s19], [sflag:$0x4] =	stream.indirect.gather [spmem:s10], $0x80, s5, s15, $0xb8;
	[tilespmem:$0x1FDC0] =	vst v63  }
0x170: {  	_ =	swait.ge [sflag:s31], $0x2000  }
0x171: {  	[sflag:s31] =	ssyncset.done $0x0  }
0x172: {  	s13 =	rddreg [dreg:$0x17];
	[sflag:s31] =	ssyncadd.s32 $0xFFFFE000  }
0x173: {  	[hbm4b:s13+s22] =	stream.strided.scatter [tilespmem:s20], [sflag:$0xB], $0x2000, s16, s22, $0x38;
	[tilespmem:$0x1FDC0] =	vst v63  }
0x174: {  	_ =	swait.ge [sflag:s0], $0x2000  }
0x175: {  	[sflag:s0] =	ssyncset.done $0x0  }
0x176: {  	s5 =	simm.s32 $0xB00;
	[sflag:s0] =	ssyncadd.s32 $0xFFFFE000  }
0x177: {  	[tilespmem:s20], [sflag:$0x5] =	stream.indirect.gather [spmem:s10], $0x80, s5, s15, $0xb8;
	[tilespmem:$0x1FDC0] =	vst v63  }
0x178: {  	_ =	swait.ge [sflag:s2], $0x2000  }
0x179: {  	[sflag:s2] =	ssyncset.done $0x0  }
0x17a: {  	s13 =	rddreg [dreg:$0x18];
	[sflag:s2] =	ssyncadd.s32 $0xFFFFE000  }
0x17b: {  	[hbm4b:s13+s22] =	stream.strided.scatter [tilespmem:s21], [sflag:$0xC], $0x2000, s16, s22, $0x38;
	[tilespmem:$0x1FDC0] =	vst v63  }
0x17c: {  	_ =	swait.ge [sflag:s3], $0x2000  }
0x17d: {  	[sflag:s3] =	ssyncset.done $0x0  }
0x17e: {  	s5 =	simm.s32 $0xB80;
	[sflag:s3] =	ssyncadd.s32 $0xFFFFE000  }
0x17f: {  	[tilespmem:s21], [sflag:$0x6] =	stream.indirect.gather [spmem:s10], $0x80, s5, s15, $0xb8;
	[tilespmem:$0x1FDC0] =	vst v63  }
0x180: {  	_ =	swait.ge [sflag:s14], $0x2000  }
0x181: {  	[sflag:s14] =	ssyncset.done $0x0  }
0x182: {  	s13 =	rddreg [dreg:$0x19];
	[sflag:s14] =	ssyncadd.s32 $0xFFFFE000  }
0x183: {  	[hbm4b:s13+s22] =	stream.strided.scatter [tilespmem:s16], [sflag:$0x7], $0x2000, s16, s22, $0x38;
	[tilespmem:$0x1FDC0] =	vst v63  }
0x184: {  	_ =	swait.ge [sflag:s23], $0x2000  }
0x185: {  	[sflag:s23] =	ssyncset.done $0x0  }
0x186: {  	s5 =	simm.s32 $0xC00;
	[sflag:s23] =	ssyncadd.s32 $0xFFFFE000  }
0x187: {  	[tilespmem:s16], [sflag:$0x1] =	stream.indirect.gather [spmem:s10], $0x80, s5, s15, $0xb8;
	[tilespmem:$0x1FDC0] =	vst v63  }
0x188: {  	_ =	swait.ge [sflag:s24], $0x2000  }
0x189: {  	[sflag:s24] =	ssyncset.done $0x0  }
0x18a: {  	s13 =	rddreg [dreg:$0x1a];
	[sflag:s24] =	ssyncadd.s32 $0xFFFFE000  }
0x18b: {  	[hbm4b:s13+s22] =	stream.strided.scatter [tilespmem:s17], [sflag:$0x8], $0x2000, s16, s22, $0x38;
	[tilespmem:$0x1FDC0] =	vst v63  }
0x18c: {  	_ =	swait.ge [sflag:s25], $0x2000  }
0x18d: {  	[sflag:s25] =	ssyncset.done $0x0  }
0x18e: {  	s5 =	simm.s32 $0xC80;
	[sflag:s25] =	ssyncadd.s32 $0xFFFFE000  }
0x18f: {  	[tilespmem:s17], [sflag:$0x2] =	stream.indirect.gather [spmem:s10], $0x80, s5, s15, $0xb8;
	[tilespmem:$0x1FDC0] =	vst v63  }
0x190: {  	_ =	swait.ge [sflag:s26], $0x2000  }
0x191: {  	[sflag:s26] =	ssyncset.done $0x0  }
0x192: {  	s13 =	rddreg [dreg:$0x1b];
	[sflag:s26] =	ssyncadd.s32 $0xFFFFE000  }
0x193: {  	[hbm4b:s13+s22] =	stream.strided.scatter [tilespmem:s18], [sflag:$0x9], $0x2000, s16, s22, $0x38;
	[tilespmem:$0x1FDC0] =	vst v63  }
0x194: {  	_ =	swait.ge [sflag:s28], $0x2000  }
0x195: {  	[sflag:s28] =	ssyncset.done $0x0  }
0x196: {  	s5 =	simm.s32 $0xD00;
	[sflag:s28] =	ssyncadd.s32 $0xFFFFE000  }
0x197: {  	[tilespmem:s18], [sflag:$0x3] =	stream.indirect.gather [spmem:s10], $0x80, s5, s15, $0xb8;
	[tilespmem:$0x1FDC0] =	vst v63  }
0x198: {  	_ =	swait.ge [sflag:s29], $0x2000  }
0x199: {  	[sflag:s29] =	ssyncset.done $0x0  }
0x19a: {  	s13 =	rddreg [dreg:$0x1c];
	[sflag:s29] =	ssyncadd.s32 $0xFFFFE000  }
0x19b: {  	[hbm4b:s13+s22] =	stream.strided.scatter [tilespmem:s19], [sflag:$0xA], $0x2000, s16, s22, $0x38;
	[tilespmem:$0x1FDC0] =	vst v63  }
0x19c: {  	_ =	swait.ge [sflag:s30], $0x2000  }
0x19d: {  	[sflag:s30] =	ssyncset.done $0x0  }
0x19e: {  	s5 =	simm.s32 $0xD80;
	[sflag:s30] =	ssyncadd.s32 $0xFFFFE000  }
0x19f: {  	[tilespmem:s19], [sflag:$0x4] =	stream.indirect.gather [spmem:s10], $0x80, s5, s15, $0xb8;
	[tilespmem:$0x1FDC0] =	vst v63  }
0x1a0: {  	_ =	swait.ge [sflag:s31], $0x2000  }
0x1a1: {  	[sflag:s31] =	ssyncset.done $0x0  }
0x1a2: {  	s13 =	rddreg [dreg:$0x1d];
	[sflag:s31] =	ssyncadd.s32 $0xFFFFE000  }
0x1a3: {  	[hbm4b:s13+s22] =	stream.strided.scatter [tilespmem:s20], [sflag:$0xB], $0x2000, s16, s22, $0x38;
	[tilespmem:$0x1FDC0] =	vst v63  }
0x1a4: {  	_ =	swait.ge [sflag:s0], $0x2000  }
0x1a5: {  	[sflag:s0] =	ssyncset.done $0x0  }
0x1a6: {  	s5 =	simm.s32 $0xE00;
	[sflag:s0] =	ssyncadd.s32 $0xFFFFE000  }
0x1a7: {  	[tilespmem:s20], [sflag:$0x5] =	stream.indirect.gather [spmem:s10], $0x80, s5, s15, $0xb8;
	[tilespmem:$0x1FDC0] =	vst v63  }
0x1a8: {  	_ =	swait.ge [sflag:s2], $0x2000  }
0x1a9: {  	[sflag:s2] =	ssyncset.done $0x0  }
0x1aa: {  	s13 =	rddreg [dreg:$0x1e];
	[sflag:s2] =	ssyncadd.s32 $0xFFFFE000  }
0x1ab: {  	[hbm4b:s13+s22] =	stream.strided.scatter [tilespmem:s21], [sflag:$0xC], $0x2000, s16, s22, $0x38;
	[tilespmem:$0x1FDC0] =	vst v63  }
0x1ac: {  	_ =	swait.ge [sflag:s3], $0x2000  }
0x1ad: {  	[sflag:s3] =	ssyncset.done $0x0  }
0x1ae: {  	s5 =	simm.s32 $0xE80;
	[sflag:s3] =	ssyncadd.s32 $0xFFFFE000  }
0x1af: {  	[tilespmem:s21], [sflag:$0x6] =	stream.indirect.gather [spmem:s10], $0x80, s5, s15, $0xb8;
	[tilespmem:$0x1FDC0] =	vst v63  }
0x1b0: {  	_ =	swait.ge [sflag:s14], $0x2000  }
0x1b1: {  	[sflag:s14] =	ssyncset.done $0x0  }
0x1b2: {  	s13 =	rddreg [dreg:$0x1f];
	[sflag:s14] =	ssyncadd.s32 $0xFFFFE000  }
0x1b3: {  	[hbm4b:s13+s22] =	stream.strided.scatter [tilespmem:s16], [sflag:$0x7], $0x2000, s16, s22, $0x38;
	[tilespmem:$0x1FDC0] =	vst v63  }
0x1b4: {  	_ =	swait.ge [sflag:s23], $0x2000  }
0x1b5: {  	[sflag:s23] =	ssyncset.done $0x0  }
0x1b6: {  	s5 =	simm.s32 $0xF00;
	[sflag:s23] =	ssyncadd.s32 $0xFFFFE000  }
0x1b7: {  	[tilespmem:s16], [sflag:$0x1] =	stream.indirect.gather [spmem:s10], $0x80, s5, s15, $0xb8;
	[tilespmem:$0x1FDC0] =	vst v63  }
0x1b8: {  	_ =	swait.ge [sflag:s24], $0x2000  }
0x1b9: {  	s13 =	sld [smem:$0x7D7]  }
0x1ba: {  	[sflag:s24] =	ssyncset.done $0x0  }
0x1bb: {  	[sflag:s24] =	ssyncadd.s32 $0xFFFFE000  }
0x1bc: {  	[hbm4b:s13+s22] =	stream.strided.scatter [tilespmem:s17], [sflag:$0x8], $0x2000, s16, s22, $0x38;
	[tilespmem:$0x1FDC0] =	vst v63  }
0x1bd: {  	_ =	swait.ge [sflag:s25], $0x2000  }
0x1be: {  	[sflag:s25] =	ssyncset.done $0x0  }
0x1bf: {  	s5 =	simm.s32 $0xF80;
	[sflag:s25] =	ssyncadd.s32 $0xFFFFE000  }
0x1c0: {  	[tilespmem:s17], [sflag:$0x2] =	stream.indirect.gather [spmem:s10], $0x80, s5, s15, $0xb8;
	[tilespmem:$0x1FDC0] =	vst v63  }
0x1c1: {  	_ =	swait.ge [sflag:s26], $0x2000  }
0x1c2: {  	s13 =	sld [smem:$0x7D8]  }
0x1c3: {  	[sflag:s26] =	ssyncset.done $0x0  }
0x1c4: {  	[sflag:s26] =	ssyncadd.s32 $0xFFFFE000  }
0x1c5: {  	[hbm4b:s13+s22] =	stream.strided.scatter [tilespmem:s18], [sflag:$0x9], $0x2000, s16, s22, $0x38;
	[tilespmem:$0x1FDC0] =	vst v63  }
0x1c6: {  	_ =	swait.ge [sflag:s28], $0x2000  }
0x1c7: {  	[sflag:s28] =	ssyncset.done $0x0  }
0x1c8: {  	s5 =	simm.s32 $0x1000;
	[sflag:s28] =	ssyncadd.s32 $0xFFFFE000  }
0x1c9: {  	[tilespmem:s18], [sflag:$0x3] =	stream.indirect.gather [spmem:s10], $0x80, s5, s15, $0xb8;
	[tilespmem:$0x1FDC0] =	vst v63  }
0x1ca: {  	_ =	swait.ge [sflag:s29], $0x2000  }
0x1cb: {  	s13 =	sld [smem:$0x7D9]  }
0x1cc: {  	[sflag:s29] =	ssyncset.done $0x0  }
0x1cd: {  	[sflag:s29] =	ssyncadd.s32 $0xFFFFE000  }
0x1ce: {  	[hbm4b:s13+s22] =	stream.strided.scatter [tilespmem:s19], [sflag:$0xA], $0x2000, s16, s22, $0x38;
	[tilespmem:$0x1FDC0] =	vst v63  }
0x1cf: {  	_ =	swait.ge [sflag:s30], $0x2000  }
0x1d0: {  	[sflag:s30] =	ssyncset.done $0x0  }
0x1d1: {  	s5 =	simm.s32 $0x1080;
	[sflag:s30] =	ssyncadd.s32 $0xFFFFE000  }
0x1d2: {  	[tilespmem:s19], [sflag:$0x4] =	stream.indirect.gather [spmem:s10], $0x80, s5, s15, $0xb8;
	[tilespmem:$0x1FDC0] =	vst v63  }
0x1d3: {  	_ =	swait.ge [sflag:s31], $0x2000  }
0x1d4: {  	s13 =	sld [smem:$0x7DA]  }
0x1d5: {  	[sflag:s31] =	ssyncset.done $0x0  }
0x1d6: {  	[sflag:s31] =	ssyncadd.s32 $0xFFFFE000  }
0x1d7: {  	[hbm4b:s13+s22] =	stream.strided.scatter [tilespmem:s20], [sflag:$0xB], $0x2000, s16, s22, $0x38;
	[tilespmem:$0x1FDC0] =	vst v63  }
0x1d8: {  	_ =	swait.ge [sflag:s0], $0x2000  }
0x1d9: {  	[sflag:s0] =	ssyncset.done $0x0  }
0x1da: {  	s5 =	simm.s32 $0x1100;
	[sflag:s0] =	ssyncadd.s32 $0xFFFFE000  }
0x1db: {  	[tilespmem:s20], [sflag:$0x5] =	stream.indirect.gather [spmem:s10], $0x80, s5, s15, $0xb8;
	[tilespmem:$0x1FDC0] =	vst v63  }
0x1dc: {  	_ =	swait.ge [sflag:s2], $0x2000  }
0x1dd: {  	s13 =	sld [smem:$0x7DB]  }
0x1de: {  	[sflag:s2] =	ssyncset.done $0x0  }
0x1df: {  	[sflag:s2] =	ssyncadd.s32 $0xFFFFE000  }
0x1e0: {  	[hbm4b:s13+s22] =	stream.strided.scatter [tilespmem:s21], [sflag:$0xC], $0x2000, s16, s22, $0x38;
	[tilespmem:$0x1FDC0] =	vst v63  }
0x1e1: {  	_ =	swait.ge [sflag:s3], $0x2000  }
0x1e2: {  	[sflag:s3] =	ssyncset.done $0x0  }
0x1e3: {  	s5 =	simm.s32 $0x1180;
	[sflag:s3] =	ssyncadd.s32 $0xFFFFE000  }
0x1e4: {  	[tilespmem:s21], [sflag:$0x6] =	stream.indirect.gather [spmem:s10], $0x80, s5, s15, $0xb8;
	[tilespmem:$0x1FDC0] =	vst v63  }
0x1e5: {  	_ =	swait.ge [sflag:s14], $0x2000  }
0x1e6: {  	s13 =	sld [smem:$0x7DC]  }
0x1e7: {  	[sflag:s14] =	ssyncset.done $0x0  }
0x1e8: {  	[sflag:s14] =	ssyncadd.s32 $0xFFFFE000  }
0x1e9: {  	[hbm4b:s13+s22] =	stream.strided.scatter [tilespmem:s16], [sflag:$0x7], $0x2000, s16, s22, $0x38;
	[tilespmem:$0x1FDC0] =	vst v63  }
0x1ea: {  	_ =	swait.ge [sflag:s23], $0x2000  }
0x1eb: {  	[sflag:s23] =	ssyncset.done $0x0  }
0x1ec: {  	s5 =	simm.s32 $0x1200;
	[sflag:s23] =	ssyncadd.s32 $0xFFFFE000  }
0x1ed: {  	[tilespmem:s16], [sflag:$0x1] =	stream.indirect.gather [spmem:s10], $0x80, s5, s15, $0xb8;
	[tilespmem:$0x1FDC0] =	vst v63  }
0x1ee: {  	_ =	swait.ge [sflag:s24], $0x2000  }
0x1ef: {  	s13 =	sld [smem:$0x7DD]  }
0x1f0: {  	[sflag:s24] =	ssyncset.done $0x0  }
0x1f1: {  	[sflag:s24] =	ssyncadd.s32 $0xFFFFE000  }
0x1f2: {  	[hbm4b:s13+s22] =	stream.strided.scatter [tilespmem:s17], [sflag:$0x8], $0x2000, s16, s22, $0x38;
	[tilespmem:$0x1FDC0] =	vst v63  }
0x1f3: {  	_ =	swait.ge [sflag:s25], $0x2000  }
0x1f4: {  	[sflag:s25] =	ssyncset.done $0x0  }
0x1f5: {  	s5 =	simm.s32 $0x1280;
	[sflag:s25] =	ssyncadd.s32 $0xFFFFE000  }
0x1f6: {  	[tilespmem:s17], [sflag:$0x2] =	stream.indirect.gather [spmem:s10], $0x80, s5, s15, $0xb8;
	[tilespmem:$0x1FDC0] =	vst v63  }
0x1f7: {  	_ =	swait.ge [sflag:s26], $0x2000  }
0x1f8: {  	s13 =	sld [smem:$0x7DE]  }
0x1f9: {  	[sflag:s26] =	ssyncset.done $0x0  }
0x1fa: {  	[sflag:s26] =	ssyncadd.s32 $0xFFFFE000  }
0x1fb: {  	[hbm4b:s13+s22] =	stream.strided.scatter [tilespmem:s18], [sflag:$0x9], $0x2000, s16, s22, $0x38;
	[tilespmem:$0x1FDC0] =	vst v63  }
0x1fc: {  	_ =	swait.ge [sflag:s28], $0x2000  }
0x1fd: {  	[sflag:s28] =	ssyncset.done $0x0  }
0x1fe: {  	s5 =	simm.s32 $0x1300;
	[sflag:s28] =	ssyncadd.s32 $0xFFFFE000  }
0x1ff: {  	[tilespmem:s18], [sflag:$0x3] =	stream.indirect.gather [spmem:s10], $0x80, s5, s15, $0xb8;
	[tilespmem:$0x1FDC0] =	vst v63  }
0x200: {  	_ =	swait.ge [sflag:s29], $0x2000  }
0x201: {  	s13 =	sld [smem:$0x7DF]  }
0x202: {  	[sflag:s29] =	ssyncset.done $0x0  }
0x203: {  	[sflag:s29] =	ssyncadd.s32 $0xFFFFE000  }
0x204: {  	[hbm4b:s13+s22] =	stream.strided.scatter [tilespmem:s19], [sflag:$0xA], $0x2000, s16, s22, $0x38;
	[tilespmem:$0x1FDC0] =	vst v63  }
0x205: {  	_ =	swait.ge [sflag:s30], $0x2000  }
0x206: {  	[sflag:s30] =	ssyncset.done $0x0  }
0x207: {  	s5 =	simm.s32 $0x1380;
	[sflag:s30] =	ssyncadd.s32 $0xFFFFE000  }
0x208: {  	[tilespmem:s19], [sflag:$0x4] =	stream.indirect.gather [spmem:s10], $0x80, s5, s15, $0xb8;
	[tilespmem:$0x1FDC0] =	vst v63  }
0x209: {  	_ =	swait.ge [sflag:s31], $0x2000  }
0x20a: {  	s13 =	sld [smem:$0x7E0]  }
0x20b: {  	[sflag:s31] =	ssyncset.done $0x0  }
0x20c: {  	[sflag:s31] =	ssyncadd.s32 $0xFFFFE000  }
0x20d: {  	[hbm4b:s13+s22] =	stream.strided.scatter [tilespmem:s20], [sflag:$0xB], $0x2000, s16, s22, $0x38;
	[tilespmem:$0x1FDC0] =	vst v63  }
0x20e: {  	_ =	swait.ge [sflag:s2], $0x2000  }
0x20f: {  	s5 =	sld [smem:$0x7E1]  }
0x210: {  	[sflag:s2] =	ssyncset.done $0x0  }
0x211: {  	[sflag:s2] =	ssyncadd.s32 $0xFFFFE000  }
0x212: {  	[hbm4b:s5+s22] =	stream.strided.scatter [tilespmem:s21], [sflag:$0xC], $0x2000, s16, s22, $0x38;
	[tilespmem:$0x1FDC0] =	vst v63  }
0x213: {  	_ =	swait.ge [sflag:s14], $0x2000  }
0x214: {  	s13 =	sld [smem:$0x7E2]  }
0x215: {  	[sflag:s14] =	ssyncset.done $0x0  }
0x216: {  	[sflag:s14] =	ssyncadd.s32 $0xFFFFE000  }
0x217: {  	[hbm4b:s13+s22] =	stream.strided.scatter [tilespmem:s16], [sflag:$0x7], $0x2000, s16, s22, $0x38;
	[tilespmem:$0x1FDC0] =	vst v63  }
0x218: {  	_ =	swait.ge [sflag:s24], $0x2000  }
0x219: {  	[sflag:s24] =	ssyncset.done $0x0  }
0x21a: {  	[sflag:s24] =	ssyncadd.s32 $0xFFFFE000  }
0x21b: {  	[hbm4b:s7+s22] =	stream.strided.scatter [tilespmem:s17], [sflag:$0x8], $0x2000, s16, s22, $0x38;
	[tilespmem:$0x1FDC0] =	vst v63  }
0x21c: {  	_ =	swait.ge [sflag:s26], $0x2000  }
0x21d: {  	[sflag:s26] =	ssyncset.done $0x0  }
0x21e: {  	[sflag:s26] =	ssyncadd.s32 $0xFFFFE000  }
0x21f: {  	[hbm4b:s1+s22] =	stream.strided.scatter [tilespmem:s18], [sflag:$0x9], $0x2000, s16, s22, $0x38;
	[tilespmem:$0x1FDC0] =	vst v63  }
0x220: {  	_ =	swait.ge [sflag:s29], $0x2000  }
0x221: {  	[sflag:s29] =	ssyncset.done $0x0  }
0x222: {  	[sflag:s29] =	ssyncadd.s32 $0xFFFFE000  }
0x223: {  	[hbm4b:s8+s22] =	stream.strided.scatter [tilespmem:s19], [sflag:$0xA], $0x2000, s16, s22, $0x38;
	[tilespmem:$0x1FDC0] =	vst v63  }
0x224: {  	_ =	swait.ge [sflag:s0], $0x2000  }
0x225: {  	[sflag:s0] =	ssyncset.done $0x0  }
0x226: {  	[sflag:s0] =	ssyncadd.s32 $0xFFFFE000  }
0x227: {  	_ =	swait.ge [sflag:s3], $0x2000  }
0x228: {  	[sflag:s3] =	ssyncset.done $0x0  }
0x229: {  	[sflag:s3] =	ssyncadd.s32 $0xFFFFE000  }
0x22a: {  	_ =	swait.ge [sflag:s23], $0x2000  }
0x22b: {  	[sflag:s23] =	ssyncset.done $0x0  }
0x22c: {  	[sflag:s23] =	ssyncadd.s32 $0xFFFFE000  }
0x22d: {  	_ =	swait.ge [sflag:s25], $0x2000  }
0x22e: {  	[sflag:s25] =	ssyncset.done $0x0  }
0x22f: {  	s12 =	sadd.s32 $0xFFFFFFFF, s12;
	[sflag:s25] =	ssyncadd.s32 $0xFFFFE000  }
0x230: {  	p4 =	sne.s32 s12, $0x0;
	_ =	swait.ge [sflag:s28], $0x2000  }
.Ltmp1:
0x231: {  	[sflag:s28] =	ssyncset.done $0x0;
	(pc) =	sbr.rel @!p4 .LBB2_5-.Ltmp1, $4  }
0x232: {  	[sflag:s28] =	ssyncadd.s32 $0xFFFFE000  }
0x233: {  	_ =	swait.ge [sflag:s30], $0x2000  }
0x234: {  	[sflag:s30] =	ssyncset.done $0x0  }
0x235: {  	[sflag:s30] =	ssyncadd.s32 $0xFFFFE000  }
.LBB2_1:
0x236: {  	s4 =	sld [smem:$0x7F7];
	_ =	sdelay $0x2  }
0x237: {  	p4 =	seq.s32 s4, $0x1  }
.Ltmp2:
0x238: {  	_ = 	snop;
	(pc) =	sbr.rel @p4 .LBB2_3-.Ltmp2, $2  }
0x239: {  	_ =	sdelay $0x2  }
0x23a: {  	[tilespmem:s9], [sflag:$0x1] =	stream.linear.gather [hbm4b:s11+s9], $0x1400, $0x38;
	[tilespmem:$0x1FDC0] =	vst v63  }
0x23b: {  	s4 =	sld [smem:$0x7EA]  }
0x23c: {  	s5 =	sld [smem:$0x7EB]  }
0x23d: {  	s9 =	sld [smem:$0x7FB]  }
0x23e: {  	p4 =	seq.s32 s4, $0x1  }
0x23f: {  	s4 =	simm.s32 @!p4 $0x1C8D  }
0x240: {  	[spmem:s5], [sflag:s4] =	dma.local @!p4 [hbm:s9], $0x5E80  }
0x241: {  	s4 =	simm.s32 @!p4 $0xD  }
0x242: {  	_ =	swait.ge @!p4 [sflag:s4], $0x5E80  }
0x243: {  	s5 =	sld [smem:$0x7EC];
	_ =	sdelay $0x1  }
0x244: {  	[sflag:s4] =	ssyncset.done @!p4 $0x0;
	s9 =	sld [smem:$0x7FA]  }
0x245: {  	[sflag:s4] =	ssyncadd.s32 @!p4 $0xFFFFA180;
	p4 =	seq.s32 s5, $0x1;
	s5 =	sld [smem:$0x7ED]  }
0x246: {  	_ = 	snop  }
0x247: {  	s4 =	simm.s32 @!p4 $0x1CCD  }
0x248: {  	[spmem:s5], [sflag:s4] =	dma.local @!p4 [hbm:s9], $0x5E10  }
0x249: {  	s4 =	simm.s32 @!p4 $0xD  }
0x24a: {  	_ =	swait.ge @!p4 [sflag:s4], $0x5E10  }
0x24b: {  	s9 =	sld [smem:$0x7EE];
	_ =	sdelay $0x1  }
0x24c: {  	[sflag:s4] =	ssyncset.done @!p4 $0x0  }
0x24d: {  	[sflag:s4] =	ssyncadd.s32 @!p4 $0xFFFFA1F0;
	p4 =	seq.s32 s9, $0x1;
	s9 =	sld [smem:$0x7EF]  }
0x24e: {  	_ = 	snop  }
0x24f: {  	s5 =	rddreg [dreg:$0x2];
	s4 =	simm.s32 @!p4 $0x1D0D  }
0x250: {  	[spmem:s9], [sflag:s4] =	dma.local @!p4 [hbm:s5], $0x20  }
0x251: {  	s4 =	simm.s32 @!p4 $0xD  }
0x252: {  	_ =	swait.ge @!p4 [sflag:s4], $0x20  }
0x253: {  	[sflag:s4] =	ssyncset.done @!p4 $0x0  }
0x254: {  	s13 =	smov.u32 s7;
	[sflag:s4] =	ssyncadd.s32 @!p4 $0xFFFFFFE0  }
0x255: {  	s5 =	simm.s32 @!p3 $0x1C0D;
	s4 =	sshrl.u32 @!p3 s10, $0x3;
	s7 =	rddreg [dreg:$0x1]  }
0x256: {  	[spmem:s4], [sflag:s5] =	dma.local @!p3 [hbm:s7], $0x5E80  }
0x257: {  	s4 =	simm.s32 @!p3 $0xD  }
0x258: {  	_ =	swait.ge @!p3 [sflag:s4], $0x5E80  }
0x259: {  	s7 =	smov.u32 s13;
	s13 =	sld [smem:$0x7F0];
	_ =	sdelay $0x1  }
0x25a: {  	s5 =	sld [smem:$0x7F1]  }
0x25b: {  	p4 =	seq.s32 s13, $0x1;
	s13 =	sld [smem:$0x7FC]  }
0x25c: {  	[sflag:s4] =	ssyncset.done @!p3 $0x0  }
0x25d: {  	[sflag:s4] =	ssyncadd.s32 @!p3 $0xFFFFA180;
	s4 =	simm.s32 @!p4 $0x1C4D  }
0x25e: {  	[spmem:s5], [sflag:s4] =	dma.local @!p4 [hbm:s13], $0x5E80  }
.Ltmp3:
0x25f: {  	_ = 	snop;
	(pc) =	sbr.rel .LBB2_4-.Ltmp3, $4  }
0x260: {  	s4 =	simm.s32 @!p4 $0xD  }
0x261: {  	s9 =	smov.u32 s8;
	s8 =	smov.u32 s1;
	_ =	swait.ge @!p4 [sflag:s4], $0x5E80  }
0x262: {  	s1 =	smov.u32 s8;
	[sflag:s4] =	ssyncset.done @!p4 $0x0  }
0x263: {  	s8 =	smov.u32 s9;
	s9 =	simm.s32 $0x0;
	[sflag:s4] =	ssyncadd.s32 @!p4 $0xFFFFA180  }
.LBB2_5:
0x264: {  	_ =	sfence.sel $0x180000  }
0x265: {  	[bflag:$0x0] =	sbarrier.arrive $0xFFFF  }
0x266: {  	_ =	strace $0x90000047  }
0x267: {  	s0 =	stileid.u32;
	[bflag:$0x2] =	sbarrier.arrive $0xFFFF  }
0x268: {  	p0 =	sne.s32 s0, $0x0;
	s0 =	rddreg [dreg:$0x8]  }
0x269: {  	s0 =	sadd.s32 @!p0 $0x100000, s0  }
0x26a: {  	[sflag:s0] =	ssyncadd.tile.s32 @!p0 $0x1;
	_ =	shalt  }
.Lfunc_end2:
_tile_overlayer_lowered:
.L_overlay_start_2:
0x26b: {  	(tag) =	ssettag $0x2  }
0x26c: {  	s0 =	rddreg [dreg:$0x0];
	s2 =	stileid.u32  }
0x26d: {  	s1 =	rddreg [dreg:$0x1];
	p0 =	sne.s32 s2, $0x0  }
0x26e: {  	s3 =	rddreg [dreg:$0x2];
	[bflag:$0x3] =	sbarrier.arrive $0xFFFF;
	s2 =	simm.s32 @!p0 $0x1C0D  }
0x26f: {  	[timem:s3], [sflag:s2] =	dma.local @!p0 [hbm:s0], s1  }
0x270: {  	s0 =	simm.s32 @!p0 $0xD  }
0x271: {  	_ =	swait.ge @!p0 [sflag:s0], s1  }
0x272: {  	s1 =	ssub.s32 @!p0 $0x0, s1;
	[sflag:s0] =	ssyncset.done @!p0 $0x0  }
0x273: {  	[sflag:s0] =	ssyncadd.s32 @!p0 s1  }
0x274: {  	[bflag:$0x3] =	sbarrier.arrive $0xFFFF  }
0x275: {  	_ =	shalt  }

</sc_bundles>
